<compile_context>
chip_gen: v7x
topology: tpu7x:2x2x1
jax: 0.10.2.dev20260603
libtpu: 0.0.44.dev20260713+nightly
codegen_flags: <defaults>
</compile_context>

<pallas_src>
import functools

import jax
import jax.numpy as jnp
from jax import lax
from jax.experimental import pallas as pl
from jax.experimental.pallas import tpu as pltpu
from jax.experimental.pallas import tpu_sc as plsc

NC = 2
NS = 16
NW = NC * NS
ROW = 128
K = 8
CHUNK = K * ROW

N_NODES = 100000
NACC = 100016
ZR = NACC // NS
NPT = N_NODES // NS

EDGE_ALIGN = ROW * NW * K


def _pad_edges(x, epad, value):
    return jnp.pad(x, (0, epad - x.shape[0]), constant_values=value)


def _sc_gather(z_pad, idx):
    rows = idx.shape[1]
    rw = rows // NW
    nchunks = rw // K
    b_tot = rows * 16

    def body(z_hbm, idx_hbm, out_hbm, idx_v, rows_v, big_v, sem):
        wid = lax.axis_index("s") * NC + lax.axis_index("c")
        r0 = wid * rw
        for a in (0, 1):
            def chunk(i, _, a=a):
                row0 = r0 + i * K
                pltpu.sync_copy(idx_hbm.at[a, pl.ds(row0, K)], idx_v)
                cps = [
                    pltpu.async_copy(
                        z_hbm.at[idx_v.at[b]],
                        rows_v.at[pl.ds(b * ROW, ROW)], sem)
                    for b in range(K)
                ]
                for cp in cps:
                    cp.wait()

                def rel(j, _):
                    for k in range(8):
                        big_v[j, pl.ds(k * 16, 16)] = rows_v[j * 8 + k, :]
                    return 0
                lax.fori_loop(0, K * 16, rel, 0)
                pltpu.sync_copy(big_v, out_hbm.at[a, pl.ds(row0 * 16, K * 16)])
                return 0
            lax.fori_loop(0, nchunks, chunk, 0)

    mesh = plsc.VectorSubcoreMesh(core_axis_name="c", subcore_axis_name="s")
    return pl.kernel(
        body,
        out_type=jax.ShapeDtypeStruct((2, b_tot, 128), jnp.float32),
        mesh=mesh,
        compiler_params=pltpu.CompilerParams(use_tc_tiling_on_sc=False),
        scratch_types=[
            pltpu.VMEM((K, ROW), jnp.int32),
            pltpu.VMEM((CHUNK, 16), jnp.float32),
            pltpu.VMEM((K * 16, 128), jnp.float32),
            pltpu.SemaphoreType.DMA,
        ],
    )(z_pad, idx)


def _sc_scatter(msg128, tgt_rows, zrows, off8):
    KS = 4
    rows = tgt_rows.shape[0]
    rw = rows // NW
    nchunks = rw // KS

    def body(msg_hbm, idx_hbm, z_hbm, out_hbm, idx_v, msg_v, big_v, acc):
        c = lax.axis_index("c")
        s = lax.axis_index("s")
        wid = s * NC + c
        pltpu.sync_copy(z_hbm, acc.at[pl.ds(s * ZR, ZR)])
        plsc.subcore_barrier()

        def chunk(i, _):
            row0 = wid * rw + i * KS
            pltpu.sync_copy(idx_hbm.at[pl.ds(row0, KS)], idx_v)
            pltpu.sync_copy(
                msg_hbm.at[pl.ds(off8 + row0 * 16, KS * 16)], big_v)

            def rel(j, _):
                for k in range(8):
                    msg_v[j * 8 + k, :] = big_v[j, pl.ds(k * 16, 16)]
                return 0
            lax.fori_loop(0, KS * 16, rel, 0)
            for b in range(KS):
                pltpu.sync_copy(
                    msg_v.at[pl.ds(b * ROW, ROW)],
                    acc.at[idx_v.at[b]], add=True)
            return 0
        lax.fori_loop(0, nchunks, chunk, 0)
        plsc.subcore_barrier()
        pltpu.sync_copy(
            acc.at[pl.ds(s * NPT, NPT)],
            out_hbm.at[c, pl.ds(s * NPT, NPT)])

    mesh = plsc.VectorSubcoreMesh(core_axis_name="c", subcore_axis_name="s")
    return pl.kernel(
        body,
        out_type=jax.ShapeDtypeStruct((2, N_NODES, 16), jnp.float32),
        mesh=mesh,
        compiler_params=pltpu.CompilerParams(use_tc_tiling_on_sc=False),
        scratch_types=[
            pltpu.VMEM((KS, ROW), jnp.int32),
            pltpu.VMEM((KS * ROW, 16), jnp.float32),
            pltpu.VMEM((KS * 16, 128), jnp.float32),
            pltpu.VMEM_SHARED((NACC, 16), jnp.float32),
        ],
    )(msg128, tgt_rows, zrows)


def _edge_body(g_ref, w1_ref, b1_ref, w2_ref, b2_ref, out_ref):
    zs = g_ref[0]
    zt = g_ref[1]
    lane = lax.broadcasted_iota(jnp.int32, zs.shape, 1) % 16

    def m(lo, hi):
        return jnp.where((lane >= lo) & (lane < hi),
                         jnp.float32(1), jnp.float32(0))

    def roll(x, s):
        return pltpu.roll(x, s % 128, 1)

    d = zs - zt
    dsq = d * d
    dist0 = dsq + roll(dsq, -1) + roll(dsq, -2)
    p1 = zs * roll(zt, -1)
    m1 = zs * roll(zt, 1)
    m2 = zs * roll(zt, 2)
    p2 = zs * roll(zt, -2)
    ca = p1 - roll(m1, -1)
    cb = m2 - roll(p2, 2)
    cpc = ca * m(4, 5) + cb * m(5, 6) + roll(ca, 3) * m(6, 7)
    s = cpc * cpc
    ssum = s + roll(s, -1) + roll(s, -2)
    acp = jnp.sqrt(roll(ssum, 3) * m(7, 8))
    feats = d * m(0, 3) + roll(dist0, 3) * m(3, 4) + cpc + acp

    w1 = w1_ref[0]
    b1 = b1_ref[0]
    w2 = w2_ref[0]
    b2 = b2_ref[0]
    for p in range(4):
        sl = slice(32 * p, 32 * (p + 1))
        pre = (jnp.dot(zs[:, sl], w1[0:32],
                       preferred_element_type=jnp.float32)
               + jnp.dot(zt[:, sl], w1[32:64],
                         preferred_element_type=jnp.float32)
               + jnp.dot(feats[:, sl], w1[64:96],
                         preferred_element_type=jnp.float32)
               + b1)
        h = jnp.tanh(pre)
        y = jnp.dot(h, w2, preferred_element_type=jnp.float32) + b2
        out_ref[:, sl] = (y[:, 0:32]
                          * (0.5 * jnp.tanh(0.5 * y[:, 32:64]) + 0.5))


def _edge_mlp(gath128, ws, split_blocks, blk8):
    rows = gath128.shape[1]
    nblk = rows // blk8
    wmap = lambda i: (i // split_blocks, 0, 0)
    w1, b1, w2, b2 = ws
    return pl.pallas_call(
        _edge_body,
        grid=(nblk,),
        in_specs=[
            pl.BlockSpec((2, blk8, 128), lambda i: (0, i, 0)),
            pl.BlockSpec((1, 96, 128), wmap),
            pl.BlockSpec((1, 1, 128), wmap),
            pl.BlockSpec((1, 128, 64), wmap),
            pl.BlockSpec((1, 1, 64), wmap),
        ],
        out_specs=pl.BlockSpec((blk8, 128), lambda i: (i, 0)),
        out_shape=jax.ShapeDtypeStruct((rows, 128), jnp.float32),
    )(gath128, w1, b1, w2, b2)


def _node_mlp_body(z_ref, ph_ref, pw_ref, w1_ref, b1_ref, w2_ref, b2_ref,
                   out_ref):
    z = z_ref[...]
    aggh = ph_ref[0] + ph_ref[1]
    aggw = pw_ref[0] + pw_ref[1]
    inp = jnp.concatenate([z, aggh, aggw], axis=1)
    h = jnp.tanh(jnp.dot(inp, w1_ref[...], preferred_element_type=jnp.float32)
                 + b1_ref[...])
    out_ref[...] = (jnp.dot(h, w2_ref[...], preferred_element_type=jnp.float32)
                    + b2_ref[...])


def _node_mlp(z, parts_h, parts_w, w1, b1, w2, b2, blk):
    n = z.shape[0]
    nblk = n // blk
    return pl.pallas_call(
        _node_mlp_body,
        grid=(nblk,),
        in_specs=[
            pl.BlockSpec((blk, 13), lambda i: (i, 0)),
            pl.BlockSpec((2, blk, 16), lambda i: (0, i, 0)),
            pl.BlockSpec((2, blk, 16), lambda i: (0, i, 0)),
            pl.BlockSpec((45, 32), lambda i: (0, 0)),
            pl.BlockSpec((1, 32), lambda i: (0, 0)),
            pl.BlockSpec((32, 13), lambda i: (0, 0)),
            pl.BlockSpec((1, 13), lambda i: (0, 0)),
        ],
        out_specs=pl.BlockSpec((blk, 13), lambda i: (i, 0)),
        out_shape=jax.ShapeDtypeStruct((n, 13), jnp.float32),
    )(z, parts_h, parts_w, w1, b1, w2, b2)


def _bd2(w):
    z = jnp.zeros_like(w)
    return jnp.concatenate([jnp.concatenate([w, z], axis=1),
                            jnp.concatenate([z, w], axis=1)], axis=0)


def _prep_edge_weights(W1, b1, W2, b2, Wv1, bv1, Wv2, bv2):
    W1c = jnp.concatenate([W1, Wv1], axis=1)
    b1c = jnp.concatenate([b1, bv1])[None]
    A = jnp.zeros((16, 64), jnp.float32).at[0:13].set(W1c[0:13])
    Bm = jnp.zeros((16, 64), jnp.float32).at[0:13].set(W1c[13:26])
    Wf = jnp.zeros((16, 64), jnp.float32).at[0:3].set(W1c[26:29])
    Wf = Wf.at[3].set(W1c[29]).at[4:7].set(W1c[30:33]).at[7].set(W1c[33])
    W2m = jnp.zeros((64, 16), jnp.float32).at[0:32].set(W2)
    W2g = jnp.zeros((64, 16), jnp.float32).at[32:64].set(
        jnp.tile(Wv2, (1, 16)))
    b2m = jnp.tile(b2[None], (1, 2))
    b2g = jnp.tile(bv2[None], (1, 32))
    w1 = jnp.concatenate([_bd2(A), _bd2(Bm), _bd2(Wf)], axis=0)
    w2 = jnp.concatenate([_bd2(W2m), _bd2(W2g)], axis=1)
    b2cat = jnp.concatenate([b2m, b2g], axis=1)
    return (w1, jnp.tile(b1c, (1, 2)), w2, b2cat)


@jax.jit
def kernel(z_h, edge_index_h_h, edge_index_world,
           We1, be1, We2, be2, Ww1, bw1, Ww2, bw2,
           Wew1, bew1, Wew2, bew2, Www1, bww1, Www2, bww2,
           Wn1, bn1, Wn2, bn2):
    B, N, F = z_h.shape
    z = z_h[0]
    z_pad = jnp.pad(z, ((0, 0), (0, 16 - F)))

    src_hh = edge_index_h_h[0, 0].astype(jnp.int32)
    tgt_hh = edge_index_h_h[0, 1].astype(jnp.int32)
    src_w = edge_index_world[0, 0].astype(jnp.int32)
    tgt_w = edge_index_world[0, 1].astype(jnp.int32)

    e_hh, e_w = src_hh.shape[0], src_w.shape[0]
    epad_hh = -(-e_hh // EDGE_ALIGN) * EDGE_ALIGN
    epad_w = -(-e_w // EDGE_ALIGN) * EDGE_ALIGN

    idx_hh = jnp.stack([_pad_edges(src_hh, epad_hh, 0),
                        _pad_edges(tgt_hh, epad_hh, 0)]).reshape(2, -1, ROW)
    idx_w = jnp.stack([_pad_edges(src_w, epad_w, 0),
                       _pad_edges(tgt_w, epad_w, 0)]).reshape(2, -1, ROW)

    gath_hh = _sc_gather(z_pad, idx_hh)
    gath_w = _sc_gather(z_pad, idx_w)

    wsets = [_prep_edge_weights(We1, be1, We2, be2, Ww1, bw1, Ww2, bw2),
             _prep_edge_weights(Wew1, bew1, Wew2, bew2,
                                Www1, bww1, Www2, bww2)]
    ws_hh = tuple(w[None] for w in wsets[0])
    ws_w = tuple(w[None] for w in wsets[1])

    blk8 = 1024
    nblk_hh = gath_hh.shape[1] // blk8
    nblk_w = gath_w.shape[1] // blk8
    msg_hh = _edge_mlp(gath_hh, ws_hh, nblk_hh, blk8)
    msg_w = _edge_mlp(gath_w, ws_w, nblk_w, blk8)

    zrows = jnp.zeros((ZR, 16), jnp.float32)
    tgt_scat_hh = _pad_edges(tgt_hh, epad_hh, N_NODES).reshape(-1, ROW)
    tgt_scat_w = _pad_edges(tgt_w, epad_w, N_NODES).reshape(-1, ROW)
    parts_h = _sc_scatter(msg_hh, tgt_scat_hh, zrows, 0)
    parts_w = _sc_scatter(msg_w, tgt_scat_w, zrows, 0)

    delta = _node_mlp(z, parts_h, parts_w, Wn1, bn1[None], Wn2, bn2[None],
                      blk=2000)
    return delta[None]

# --- scband reference (transcript-rebuilt; emitter-appended) ---
"""Pipeline reference for scband-gnn-h-45114336477551 (READ-ONLY COPY).

The authoritative reference and input builder live on the scoring server;
editing this copy changes nothing except your own understanding.
"""

import jax, jax.numpy as jnp
import numpy as np

FEATURE_DIM = 13
MESSAGE_DIM = 16
HIDDEN_DIM = 32
EDGE_DIM = 8


def _mlp_params(key, din, dh, dout):
    k1, k2 = jax.random.split(key)
    W1 = jax.random.normal(k1, (din, dh), dtype=jnp.float32) * 0.1
    b1 = jnp.zeros((dh,), dtype=jnp.float32)
    W2 = jax.random.normal(k2, (dh, dout), dtype=jnp.float32) * 0.1
    b2 = jnp.zeros((dout,), dtype=jnp.float32)
    return W1, b1, W2, b2


def mlp_apply(x, W1, b1, W2, b2):
    return jnp.tanh(x @ W1 + b1) @ W2 + b2


def compute_edge_features(z_b, src, tgt):
    pos_s = z_b[src, 0:3]
    pos_t = z_b[tgt, 0:3]
    vel_s = z_b[src, 3:6]
    vel_t = z_b[tgt, 3:6]
    diff = pos_s - pos_t
    dist = (diff ** 2).sum(-1, keepdims=True)
    cp = jnp.cross(vel_s, vel_t)
    acp = jnp.linalg.norm(cp, axis=-1, keepdims=True)
    return jnp.concatenate([diff, dist, cp, acp], axis=-1)


def setup_inputs(seed: int = 0) -> dict:
    key = jax.random.key(seed)
    ks = jax.random.split(key, 10)
    B, N = 1, 100000
    E_hh, E_w = 1600000, 800000
    z_h = jax.random.normal(ks[0], (B, N, FEATURE_DIM), dtype=jnp.float32)
    edge_index_h_h = jax.random.randint(ks[1], (B, 2, E_hh), 0, N, dtype=jnp.int64)
    edge_index_world = jax.random.randint(ks[2], (B, 2, E_w), 0, N, dtype=jnp.int64)
    din_e = FEATURE_DIM * 2 + EDGE_DIM
    We1, be1, We2, be2 = _mlp_params(ks[3], din_e, HIDDEN_DIM, MESSAGE_DIM)
    Ww1, bw1, Ww2, bw2 = _mlp_params(ks[4], din_e, HIDDEN_DIM, 1)
    Wew1, bew1, Wew2, bew2 = _mlp_params(ks[5], din_e, HIDDEN_DIM, MESSAGE_DIM)
    Www1, bww1, Www2, bww2 = _mlp_params(ks[6], din_e, HIDDEN_DIM, 1)
    Wn1, bn1, Wn2, bn2 = _mlp_params(ks[7], FEATURE_DIM + MESSAGE_DIM * 2, HIDDEN_DIM, FEATURE_DIM)
    return {
        "z_h": z_h, "edge_index_h_h": edge_index_h_h, "edge_index_world": edge_index_world,
        "We1": We1, "be1": be1, "We2": We2, "be2": be2,
        "Ww1": Ww1, "bw1": bw1, "Ww2": Ww2, "bw2": bw2,
        "Wew1": Wew1, "bew1": bew1, "Wew2": Wew2, "bew2": bew2,
        "Www1": Www1, "bww1": bww1, "Www2": Www2, "bww2": bww2,
        "Wn1": Wn1, "bn1": bn1, "Wn2": Wn2, "bn2": bn2,
    }


def reference(z_h, edge_index_h_h, edge_index_world,
              We1, be1, We2, be2,
              Ww1, bw1, Ww2, bw2,
              Wew1, bew1, Wew2, bew2,
              Www1, bww1, Www2, bww2,
              Wn1, bn1, Wn2, bn2):
    B, N, F = z_h.shape
    md = We2.shape[1]
    m_agg_h = jnp.zeros((B, N, md), dtype=z_h.dtype)
    m_agg_w = jnp.zeros((B, N, md), dtype=z_h.dtype)
    for b in range(B):
        z_b = z_h[b]
        src = edge_index_h_h[b, 0]
        tgt = edge_index_h_h[b, 1]
        e_hh = compute_edge_features(z_b, src, tgt)
        inp_e = jnp.concatenate([z_b[src], z_b[tgt], e_hh], axis=-1)
        m_hh = mlp_apply(inp_e, We1, be1, We2, be2)
        w_hh = jax.nn.sigmoid(mlp_apply(inp_e, Ww1, bw1, Ww2, bw2))
        agg_h = jnp.zeros((N, md), dtype=z_h.dtype).at[tgt].add(w_hh * m_hh)
        m_agg_h = m_agg_h.at[b].set(agg_h)
        src_w = edge_index_world[b, 0]
        tgt_w = edge_index_world[b, 1]
        e_hw = compute_edge_features(z_b, src_w, tgt_w)
        inp_w = jnp.concatenate([z_b[src_w], z_b[tgt_w], e_hw], axis=-1)
        m_hw = mlp_apply(inp_w, Wew1, bew1, Wew2, bew2)
        w_hw = jax.nn.sigmoid(mlp_apply(inp_w, Www1, bww1, Www2, bww2))
        agg_w = jnp.zeros((N, md), dtype=z_h.dtype).at[tgt_w].add(w_hw * m_hw)
        m_agg_w = m_agg_w.at[b].set(agg_w)
    input_node = jnp.concatenate([z_h, m_agg_h, m_agg_w], axis=-1)
    delta_z_h = mlp_apply(input_node, Wn1, bn1, Wn2, bn2)
    return delta_z_h

if __name__ == "__main__":
    import jax
    _d = setup_inputs()
    print(jax.jit(kernel)(*tuple(_d.values())))

</pallas_src>

<mosaic_0001>
#map = affine_map<(d0, d1) -> (0, 0)>
#map1 = affine_map<(d0, d1) -> (0, 0, 0)>
module attributes {stable_mosaic.version = 14 : i64} {
  func.func @body(%arg0: i32, %arg1: i32, %arg2: memref<200704x128xf32, #tpu.memory_space<hbm>>, %arg3: memref<12544x128xi32, #tpu.memory_space<hbm>>, %arg4: memref<6251x16xf32, #tpu.memory_space<hbm>>, %arg5: memref<2x100000x16xf32, #tpu.memory_space<hbm>>, %arg6: memref<4x128xi32, #tpu.memory_space<vmem>>, %arg7: memref<512x16xf32, #tpu.memory_space<vmem>>, %arg8: memref<64x128xf32, #tpu.memory_space<vmem>>, %arg9: memref<100016x16xf32, #tpu.memory_space<vmem_shared>>) attributes {dimension_semantics = [#tpu.dimension_semantics<core_parallel>, #tpu.dimension_semantics<subcore_parallel>], iteration_bounds = array<i64: 2, 16>, scalar_prefetch = 0 : i64, scratch_operands = 4 : i64, tpu.core_type = #tpu.core_type<sc_vector_subcore>, window_params = [{transform_indices = #map}, {transform_indices = #map}, {transform_indices = #map}, {transform_indices = #map1}]} {
    %mul3A = arith.constant 2 : i32
    %mul3A_0 = arith.muli %arg1, %mul3A : i32
    %add3A = arith.addi %mul3A_0, %arg0 : i32
    %mul3A_1 = arith.constant 6251 : i32
    %mul3A_2 = arith.muli %arg1, %mul3A_1 : i32
    "tpu.region"() ({
      %run_scoped3A = tpu.sem_alloc : memref<!tpu.dma_semaphore, #tpu.memory_space<semaphore_mem>>
      %dma_start3A = arith.constant 0 : i32
      %dma_start3A_14 = tpu.memref_slice %arg9[%mul3A_2, %dma_start3A] : memref<100016x16xf32, #tpu.memory_space<vmem_shared>> -> memref<6251x16xf32, #tpu.memory_space<vmem_shared>>
      tpu.enqueue_dma source(%arg4 : memref<6251x16xf32, #tpu.memory_space<hbm>>) target(%dma_start3A_14 : memref<6251x16xf32, #tpu.memory_space<vmem_shared>>) target_semaphore(%run_scoped3A : memref<!tpu.dma_semaphore, #tpu.memory_space<semaphore_mem>>)
      %dma_wait3A = arith.constant 0 : i32
      %dma_wait3A_15 = tpu.memref_slice %arg9[%mul3A_2, %dma_wait3A] : memref<100016x16xf32, #tpu.memory_space<vmem_shared>> -> memref<6251x16xf32, #tpu.memory_space<vmem_shared>>
      tpu.wait_dma2 semaphore(%run_scoped3A : memref<!tpu.dma_semaphore, #tpu.memory_space<semaphore_mem>>) src(%arg4 : memref<6251x16xf32, #tpu.memory_space<hbm>>) dst(%dma_wait3A_15 : memref<6251x16xf32, #tpu.memory_space<vmem_shared>>)
      tpu.yield
    }) : () -> ()
    %barrier3A = arith.constant 0 : index
    tpu.barrier barrier_id(%barrier3A)
    %scan3A = arith.constant 0 : i32
    %scan3A_3 = arith.constant 0 : i32
    %scan3A_4 = arith.constant 98 : i32
    %scan3A_5 = arith.addi %scan3A_3, %scan3A_4 : i32
    %scan3A_6 = arith.constant 1 : i32
    %scan3A_7 = scf.for %scan3A_14 = %scan3A_3 to %scan3A_5 step %scan3A_6 iter_args(%scan3A_15 = %scan3A) -> (i32)  : i32 {
      %mul3A_16 = arith.constant 392 : i32
      %mul3A_17 = arith.muli %add3A, %mul3A_16 : i32
      %mul3A_18 = arith.constant 4 : i32
      %mul3A_19 = arith.muli %scan3A_14, %mul3A_18 : i32
      %add3A_20 = arith.addi %mul3A_17, %mul3A_19 : i32
      "tpu.region"() ({
        %run_scoped3A_36 = tpu.sem_alloc : memref<!tpu.dma_semaphore, #tpu.memory_space<semaphore_mem>>
        %dma_start3A = arith.constant 0 : i32
        %dma_start3A_37 = tpu.memref_slice %arg3[%add3A_20, %dma_start3A] : memref<12544x128xi32, #tpu.memory_space<hbm>> -> memref<4x128xi32, #tpu.memory_space<hbm>>
        %dma_start3A_38 = arith.constant 0 : i32
        %dma_start3A_39 = tpu.memref_slice %arg3[%add3A_20, %dma_start3A_38] : memref<12544x128xi32, #tpu.memory_space<hbm>> -> memref<4x128xi32, #tpu.memory_space<hbm>>
        tpu.enqueue_dma source(%dma_start3A_39 : memref<4x128xi32, #tpu.memory_space<hbm>>) target(%arg6 : memref<4x128xi32, #tpu.memory_space<vmem>>) target_semaphore(%run_scoped3A_36 : memref<!tpu.dma_semaphore, #tpu.memory_space<semaphore_mem>>)
        %dma_wait3A = arith.constant 0 : i32
        %dma_wait3A_40 = tpu.memref_slice %arg3[%add3A_20, %dma_wait3A] : memref<12544x128xi32, #tpu.memory_space<hbm>> -> memref<4x128xi32, #tpu.memory_space<hbm>>
        %dma_wait3A_41 = arith.constant 0 : i32
        %dma_wait3A_42 = tpu.memref_slice %arg3[%add3A_20, %dma_wait3A_41] : memref<12544x128xi32, #tpu.memory_space<hbm>> -> memref<4x128xi32, #tpu.memory_space<hbm>>
        tpu.wait_dma2 semaphore(%run_scoped3A_36 : memref<!tpu.dma_semaphore, #tpu.memory_space<semaphore_mem>>) src(%dma_wait3A_42 : memref<4x128xi32, #tpu.memory_space<hbm>>) dst(%arg6 : memref<4x128xi32, #tpu.memory_space<vmem>>)
        tpu.yield
      }) : () -> ()
      %mul3A_21 = arith.constant 16 : i32
      %mul3A_22 = arith.muli %add3A_20, %mul3A_21 : i32
      %add3A_23 = arith.constant 0 : i32
      %add3A_24 = arith.addi %add3A_23, %mul3A_22 : i32
      "tpu.region"() ({
        %run_scoped3A_36 = tpu.sem_alloc : memref<!tpu.dma_semaphore, #tpu.memory_space<semaphore_mem>>
        %dma_start3A = arith.constant 0 : i32
        %dma_start3A_37 = tpu.memref_slice %arg2[%add3A_24, %dma_start3A] : memref<200704x128xf32, #tpu.memory_space<hbm>> -> memref<64x128xf32, #tpu.memory_space<hbm>>
        %dma_start3A_38 = arith.constant 0 : i32
        %dma_start3A_39 = tpu.memref_slice %arg2[%add3A_24, %dma_start3A_38] : memref<200704x128xf32, #tpu.memory_space<hbm>> -> memref<64x128xf32, #tpu.memory_space<hbm>>
        tpu.enqueue_dma source(%dma_start3A_39 : memref<64x128xf32, #tpu.memory_space<hbm>>) target(%arg8 : memref<64x128xf32, #tpu.memory_space<vmem>>) target_semaphore(%run_scoped3A_36 : memref<!tpu.dma_semaphore, #tpu.memory_space<semaphore_mem>>)
        %dma_wait3A = arith.constant 0 : i32
        %dma_wait3A_40 = tpu.memref_slice %arg2[%add3A_24, %dma_wait3A] : memref<200704x128xf32, #tpu.memory_space<hbm>> -> memref<64x128xf32, #tpu.memory_space<hbm>>
        %dma_wait3A_41 = arith.constant 0 : i32
        %dma_wait3A_42 = tpu.memref_slice %arg2[%add3A_24, %dma_wait3A_41] : memref<200704x128xf32, #tpu.memory_space<hbm>> -> memref<64x128xf32, #tpu.memory_space<hbm>>
        tpu.wait_dma2 semaphore(%run_scoped3A_36 : memref<!tpu.dma_semaphore, #tpu.memory_space<semaphore_mem>>) src(%dma_wait3A_42 : memref<64x128xf32, #tpu.memory_space<hbm>>) dst(%arg8 : memref<64x128xf32, #tpu.memory_space<vmem>>)
        tpu.yield
      }) : () -> ()
      %scan3A_25 = arith.constant 0 : i32
      %scan3A_26 = arith.constant 0 : i32
      %scan3A_27 = arith.constant 64 : i32
      %scan3A_28 = arith.addi %scan3A_26, %scan3A_27 : i32
      %scan3A_29 = arith.constant 1 : i32
      %scan3A_30 = scf.for %scan3A_36 = %scan3A_26 to %scan3A_28 step %scan3A_29 iter_args(%scan3A_37 = %scan3A_25) -> (i32)  : i32 {
        %get3A = arith.index_cast %scan3A_36 : i32 to index
        %get3A_38 = arith.constant 0 : index
        %get3A_39 = tpu.vector_load %arg8[%get3A, %get3A_38] {strides = array<i32>} : memref<64x128xf32, #tpu.memory_space<vmem>>, vector<1x16xf32>,
        %get3A_40 = vector.shape_cast %get3A_39 : vector<1x16xf32> to vector<16xf32>
        %mul3A_41 = arith.constant 8 : i32
        %mul3A_42 = arith.muli %scan3A_36, %mul3A_41 : i32
        %add3A_43 = arith.constant 0 : i32
        %add3A_44 = arith.addi %mul3A_42, %add3A_43 : i32
        %swap3A = arith.index_cast %add3A_44 : i32 to index
        %swap3A_45 = arith.constant 0 : index
        %swap3A_46 = tpu.vector_load %arg7[%swap3A, %swap3A_45] {strides = array<i32>} : memref<512x16xf32, #tpu.memory_space<vmem>>, vector<1x16xf32>,
        %swap3A_47 = vector.shape_cast %swap3A_46 : vector<1x16xf32> to vector<16xf32>
        %swap3A_48 = vector.shape_cast %get3A_40 : vector<16xf32> to vector<1x16xf32>
        tpu.vector_store %arg7[%swap3A, %swap3A_45], %swap3A_48 {strides = array<i32>} : memref<512x16xf32, #tpu.memory_space<vmem>>, vector<1x16xf32>,
        %get3A_49 = arith.index_cast %scan3A_36 : i32 to index
        %get3A_50 = arith.constant 16 : index
        %get3A_51 = tpu.vector_load %arg8[%get3A_49, %get3A_50] {strides = array<i32>} : memref<64x128xf32, #tpu.memory_space<vmem>>, vector<1x16xf32>,
        %get3A_52 = vector.shape_cast %get3A_51 : vector<1x16xf32> to vector<16xf32>
        %mul3A_53 = arith.constant 8 : i32
        %mul3A_54 = arith.muli %scan3A_36, %mul3A_53 : i32
        %add3A_55 = arith.constant 1 : i32
        %add3A_56 = arith.addi %mul3A_54, %add3A_55 : i32
        %swap3A_57 = arith.index_cast %add3A_56 : i32 to index
        %swap3A_58 = arith.constant 0 : index
        %swap3A_59 = tpu.vector_load %arg7[%swap3A_57, %swap3A_58] {strides = array<i32>} : memref<512x16xf32, #tpu.memory_space<vmem>>, vector<1x16xf32>,
        %swap3A_60 = vector.shape_cast %swap3A_59 : vector<1x16xf32> to vector<16xf32>
        %swap3A_61 = vector.shape_cast %get3A_52 : vector<16xf32> to vector<1x16xf32>
        tpu.vector_store %arg7[%swap3A_57, %swap3A_58], %swap3A_61 {strides = array<i32>} : memref<512x16xf32, #tpu.memory_space<vmem>>, vector<1x16xf32>,
        %get3A_62 = arith.index_cast %scan3A_36 : i32 to index
        %get3A_63 = arith.constant 32 : index
        %get3A_64 = tpu.vector_load %arg8[%get3A_62, %get3A_63] {strides = array<i32>} : memref<64x128xf32, #tpu.memory_space<vmem>>, vector<1x16xf32>,
        %get3A_65 = vector.shape_cast %get3A_64 : vector<1x16xf32> to vector<16xf32>
        %mul3A_66 = arith.constant 8 : i32
        %mul3A_67 = arith.muli %scan3A_36, %mul3A_66 : i32
        %add3A_68 = arith.constant 2 : i32
        %add3A_69 = arith.addi %mul3A_67, %add3A_68 : i32
        %swap3A_70 = arith.index_cast %add3A_69 : i32 to index
        %swap3A_71 = arith.constant 0 : index
        %swap3A_72 = tpu.vector_load %arg7[%swap3A_70, %swap3A_71] {strides = array<i32>} : memref<512x16xf32, #tpu.memory_space<vmem>>, vector<1x16xf32>,
        %swap3A_73 = vector.shape_cast %swap3A_72 : vector<1x16xf32> to vector<16xf32>
        %swap3A_74 = vector.shape_cast %get3A_65 : vector<16xf32> to vector<1x16xf32>
        tpu.vector_store %arg7[%swap3A_70, %swap3A_71], %swap3A_74 {strides = array<i32>} : memref<512x16xf32, #tpu.memory_space<vmem>>, vector<1x16xf32>,
        %get3A_75 = arith.index_cast %scan3A_36 : i32 to index
        %get3A_76 = arith.constant 48 : index
        %get3A_77 = tpu.vector_load %arg8[%get3A_75, %get3A_76] {strides = array<i32>} : memref<64x128xf32, #tpu.memory_space<vmem>>, vector<1x16xf32>,
        %get3A_78 = vector.shape_cast %get3A_77 : vector<1x16xf32> to vector<16xf32>
        %mul3A_79 = arith.constant 8 : i32
        %mul3A_80 = arith.muli %scan3A_36, %mul3A_79 : i32
        %add3A_81 = arith.constant 3 : i32
        %add3A_82 = arith.addi %mul3A_80, %add3A_81 : i32
        %swap3A_83 = arith.index_cast %add3A_82 : i32 to index
        %swap3A_84 = arith.constant 0 : index
        %swap3A_85 = tpu.vector_load %arg7[%swap3A_83, %swap3A_84] {strides = array<i32>} : memref<512x16xf32, #tpu.memory_space<vmem>>, vector<1x16xf32>,
        %swap3A_86 = vector.shape_cast %swap3A_85 : vector<1x16xf32> to vector<16xf32>
        %swap3A_87 = vector.shape_cast %get3A_78 : vector<16xf32> to vector<1x16xf32>
        tpu.vector_store %arg7[%swap3A_83, %swap3A_84], %swap3A_87 {strides = array<i32>} : memref<512x16xf32, #tpu.memory_space<vmem>>, vector<1x16xf32>,
        %get3A_88 = arith.index_cast %scan3A_36 : i32 to index
        %get3A_89 = arith.constant 64 : index
        %get3A_90 = tpu.vector_load %arg8[%get3A_88, %get3A_89] {strides = array<i32>} : memref<64x128xf32, #tpu.memory_space<vmem>>, vector<1x16xf32>,
        %get3A_91 = vector.shape_cast %get3A_90 : vector<1x16xf32> to vector<16xf32>
        %mul3A_92 = arith.constant 8 : i32
        %mul3A_93 = arith.muli %scan3A_36, %mul3A_92 : i32
        %add3A_94 = arith.constant 4 : i32
        %add3A_95 = arith.addi %mul3A_93, %add3A_94 : i32
        %swap3A_96 = arith.index_cast %add3A_95 : i32 to index
        %swap3A_97 = arith.constant 0 : index
        %swap3A_98 = tpu.vector_load %arg7[%swap3A_96, %swap3A_97] {strides = array<i32>} : memref<512x16xf32, #tpu.memory_space<vmem>>, vector<1x16xf32>,
        %swap3A_99 = vector.shape_cast %swap3A_98 : vector<1x16xf32> to vector<16xf32>
        %swap3A_100 = vector.shape_cast %get3A_91 : vector<16xf32> to vector<1x16xf32>
        tpu.vector_store %arg7[%swap3A_96, %swap3A_97], %swap3A_100 {strides = array<i32>} : memref<512x16xf32, #tpu.memory_space<vmem>>, vector<1x16xf32>,
        %get3A_101 = arith.index_cast %scan3A_36 : i32 to index
        %get3A_102 = arith.constant 80 : index
        %get3A_103 = tpu.vector_load %arg8[%get3A_101, %get3A_102] {strides = array<i32>} : memref<64x128xf32, #tpu.memory_space<vmem>>, vector<1x16xf32>,
        %get3A_104 = vector.shape_cast %get3A_103 : vector<1x16xf32> to vector<16xf32>
        %mul3A_105 = arith.constant 8 : i32
        %mul3A_106 = arith.muli %scan3A_36, %mul3A_105 : i32
        %add3A_107 = arith.constant 5 : i32
        %add3A_108 = arith.addi %mul3A_106, %add3A_107 : i32
        %swap3A_109 = arith.index_cast %add3A_108 : i32 to index
        %swap3A_110 = arith.constant 0 : index
        %swap3A_111 = tpu.vector_load %arg7[%swap3A_109, %swap3A_110] {strides = array<i32>} : memref<512x16xf32, #tpu.memory_space<vmem>>, vector<1x16xf32>,
        %swap3A_112 = vector.shape_cast %swap3A_111 : vector<1x16xf32> to vector<16xf32>
        %swap3A_113 = vector.shape_cast %get3A_104 : vector<16xf32> to vector<1x16xf32>
        tpu.vector_store %arg7[%swap3A_109, %swap3A_110], %swap3A_113 {strides = array<i32>} : memref<512x16xf32, #tpu.memory_space<vmem>>, vector<1x16xf32>,
        %get3A_114 = arith.index_cast %scan3A_36 : i32 to index
        %get3A_115 = arith.constant 96 : index
        %get3A_116 = tpu.vector_load %arg8[%get3A_114, %get3A_115] {strides = array<i32>} : memref<64x128xf32, #tpu.memory_space<vmem>>, vector<1x16xf32>,
        %get3A_117 = vector.shape_cast %get3A_116 : vector<1x16xf32> to vector<16xf32>
        %mul3A_118 = arith.constant 8 : i32
        %mul3A_119 = arith.muli %scan3A_36, %mul3A_118 : i32
        %add3A_120 = arith.constant 6 : i32
        %add3A_121 = arith.addi %mul3A_119, %add3A_120 : i32
        %swap3A_122 = arith.index_cast %add3A_121 : i32 to index
        %swap3A_123 = arith.constant 0 : index
        %swap3A_124 = tpu.vector_load %arg7[%swap3A_122, %swap3A_123] {strides = array<i32>} : memref<512x16xf32, #tpu.memory_space<vmem>>, vector<1x16xf32>,
        %swap3A_125 = vector.shape_cast %swap3A_124 : vector<1x16xf32> to vector<16xf32>
        %swap3A_126 = vector.shape_cast %get3A_117 : vector<16xf32> to vector<1x16xf32>
        tpu.vector_store %arg7[%swap3A_122, %swap3A_123], %swap3A_126 {strides = array<i32>} : memref<512x16xf32, #tpu.memory_space<vmem>>, vector<1x16xf32>,
        %get3A_127 = arith.index_cast %scan3A_36 : i32 to index
        %get3A_128 = arith.constant 112 : index
        %get3A_129 = tpu.vector_load %arg8[%get3A_127, %get3A_128] {strides = array<i32>} : memref<64x128xf32, #tpu.memory_space<vmem>>, vector<1x16xf32>,
        %get3A_130 = vector.shape_cast %get3A_129 : vector<1x16xf32> to vector<16xf32>
        %mul3A_131 = arith.constant 8 : i32
        %mul3A_132 = arith.muli %scan3A_36, %mul3A_131 : i32
        %add3A_133 = arith.constant 7 : i32
        %add3A_134 = arith.addi %mul3A_132, %add3A_133 : i32
        %swap3A_135 = arith.index_cast %add3A_134 : i32 to index
        %swap3A_136 = arith.constant 0 : index
        %swap3A_137 = tpu.vector_load %arg7[%swap3A_135, %swap3A_136] {strides = array<i32>} : memref<512x16xf32, #tpu.memory_space<vmem>>, vector<1x16xf32>,
        %swap3A_138 = vector.shape_cast %swap3A_137 : vector<1x16xf32> to vector<16xf32>
        %swap3A_139 = vector.shape_cast %get3A_130 : vector<16xf32> to vector<1x16xf32>
        tpu.vector_store %arg7[%swap3A_135, %swap3A_136], %swap3A_139 {strides = array<i32>} : memref<512x16xf32, #tpu.memory_space<vmem>>, vector<1x16xf32>,
        %scan3A_140 = arith.constant 0 : i32
        scf.yield %scan3A_140 : i32
      }
      %scan3A_31 = arith.constant 64 : i32
      %run_scoped3A = arith.constant 0 : i32
      "tpu.region"() ({
        %run_scoped3A_36 = tpu.sem_alloc : memref<!tpu.dma_semaphore, #tpu.memory_space<semaphore_mem>>
        %dma_start3A = arith.constant 0 : i32
        %dma_start3A_37 = arith.constant 0 : i32
        %dma_start3A_38 = tpu.memref_slice %arg7[%dma_start3A, %dma_start3A_37] : memref<512x16xf32, #tpu.memory_space<vmem>> -> memref<128x16xf32, #tpu.memory_space<vmem>>
        %dma_start3A_39 = arith.constant 0 : i32
        %dma_start3A_40 = tpu.memref_slice %arg6[%run_scoped3A, %dma_start3A_39] : memref<4x128xi32, #tpu.memory_space<vmem>> -> memref<1x128xi32, #tpu.memory_space<vmem>>
        %dma_start3A_41 = tpu.memref_squeeze %dma_start3A_40 : memref<1x128xi32, #tpu.memory_space<vmem>> -> memref<128xi32, #tpu.memory_space<vmem>>
        %dma_start3A_42 = arith.constant 0 : i32
        %dma_start3A_43 = arith.constant 0 : i32
        %dma_start3A_44 = tpu.memref_slice %arg9[%dma_start3A_42, %dma_start3A_43] : memref<100016x16xf32, #tpu.memory_space<vmem_shared>> -> memref<100016x16xf32, #tpu.memory_space<vmem_shared>>
        tpu.enqueue_indirect_dma source(%dma_start3A_38 : memref<128x16xf32, #tpu.memory_space<vmem>>) target(%dma_start3A_44 : memref<100016x16xf32, #tpu.memory_space<vmem_shared>>) offsets(%dma_start3A_41 : memref<128xi32, #tpu.memory_space<vmem>>) semaphore(%run_scoped3A_36 : memref<!tpu.dma_semaphore, #tpu.memory_space<semaphore_mem>>) {add = true}
        %dma_wait3A = arith.constant 0 : i32
        %dma_wait3A_45 = arith.constant 0 : i32
        %dma_wait3A_46 = tpu.memref_slice %arg7[%dma_wait3A, %dma_wait3A_45] : memref<512x16xf32, #tpu.memory_space<vmem>> -> memref<128x16xf32, #tpu.memory_space<vmem>>
        %dma_wait3A_47 = arith.constant 0 : i32
        %dma_wait3A_48 = tpu.memref_slice %arg6[%run_scoped3A, %dma_wait3A_47] : memref<4x128xi32, #tpu.memory_space<vmem>> -> memref<1x128xi32, #tpu.memory_space<vmem>>
        %dma_wait3A_49 = tpu.memref_squeeze %dma_wait3A_48 : memref<1x128xi32, #tpu.memory_space<vmem>> -> memref<128xi32, #tpu.memory_space<vmem>>
        %dma_wait3A_50 = arith.constant 0 : i32
        %dma_wait3A_51 = arith.constant 0 : i32
        %dma_wait3A_52 = tpu.memref_slice %arg9[%dma_wait3A_50, %dma_wait3A_51] : memref<100016x16xf32, #tpu.memory_space<vmem_shared>> -> memref<100016x16xf32, #tpu.memory_space<vmem_shared>>
        tpu.wait_indirect_dma semaphore(%run_scoped3A_36 : memref<!tpu.dma_semaphore, #tpu.memory_space<semaphore_mem>>) src(%dma_wait3A_46 : memref<128x16xf32, #tpu.memory_space<vmem>>) dst(%dma_wait3A_52 : memref<100016x16xf32, #tpu.memory_space<vmem_shared>>)
        tpu.yield
      }) : () -> ()
      %run_scoped3A_32 = arith.constant 1 : i32
      "tpu.region"() ({
        %run_scoped3A_36 = tpu.sem_alloc : memref<!tpu.dma_semaphore, #tpu.memory_space<semaphore_mem>>
        %dma_start3A = arith.constant 128 : i32
        %dma_start3A_37 = arith.constant 0 : i32
        %dma_start3A_38 = tpu.memref_slice %arg7[%dma_start3A, %dma_start3A_37] : memref<512x16xf32, #tpu.memory_space<vmem>> -> memref<128x16xf32, #tpu.memory_space<vmem>>
        %dma_start3A_39 = arith.constant 0 : i32
        %dma_start3A_40 = tpu.memref_slice %arg6[%run_scoped3A_32, %dma_start3A_39] : memref<4x128xi32, #tpu.memory_space<vmem>> -> memref<1x128xi32, #tpu.memory_space<vmem>>
        %dma_start3A_41 = tpu.memref_squeeze %dma_start3A_40 : memref<1x128xi32, #tpu.memory_space<vmem>> -> memref<128xi32, #tpu.memory_space<vmem>>
        %dma_start3A_42 = arith.constant 0 : i32
        %dma_start3A_43 = arith.constant 0 : i32
        %dma_start3A_44 = tpu.memref_slice %arg9[%dma_start3A_42, %dma_start3A_43] : memref<100016x16xf32, #tpu.memory_space<vmem_shared>> -> memref<100016x16xf32, #tpu.memory_space<vmem_shared>>
        tpu.enqueue_indirect_dma source(%dma_start3A_38 : memref<128x16xf32, #tpu.memory_space<vmem>>) target(%dma_start3A_44 : memref<100016x16xf32, #tpu.memory_space<vmem_shared>>) offsets(%dma_start3A_41 : memref<128xi32, #tpu.memory_space<vmem>>) semaphore(%run_scoped3A_36 : memref<!tpu.dma_semaphore, #tpu.memory_space<semaphore_mem>>) {add = true}
        %dma_wait3A = arith.constant 128 : i32
        %dma_wait3A_45 = arith.constant 0 : i32
        %dma_wait3A_46 = tpu.memref_slice %arg7[%dma_wait3A, %dma_wait3A_45] : memref<512x16xf32, #tpu.memory_space<vmem>> -> memref<128x16xf32, #tpu.memory_space<vmem>>
        %dma_wait3A_47 = arith.constant 0 : i32
        %dma_wait3A_48 = tpu.memref_slice %arg6[%run_scoped3A_32, %dma_wait3A_47] : memref<4x128xi32, #tpu.memory_space<vmem>> -> memref<1x128xi32, #tpu.memory_space<vmem>>
        %dma_wait3A_49 = tpu.memref_squeeze %dma_wait3A_48 : memref<1x128xi32, #tpu.memory_space<vmem>> -> memref<128xi32, #tpu.memory_space<vmem>>
        %dma_wait3A_50 = arith.constant 0 : i32
        %dma_wait3A_51 = arith.constant 0 : i32
        %dma_wait3A_52 = tpu.memref_slice %arg9[%dma_wait3A_50, %dma_wait3A_51] : memref<100016x16xf32, #tpu.memory_space<vmem_shared>> -> memref<100016x16xf32, #tpu.memory_space<vmem_shared>>
        tpu.wait_indirect_dma semaphore(%run_scoped3A_36 : memref<!tpu.dma_semaphore, #tpu.memory_space<semaphore_mem>>) src(%dma_wait3A_46 : memref<128x16xf32, #tpu.memory_space<vmem>>) dst(%dma_wait3A_52 : memref<100016x16xf32, #tpu.memory_space<vmem_shared>>)
        tpu.yield
      }) : () -> ()
      %run_scoped3A_33 = arith.constant 2 : i32
      "tpu.region"() ({
        %run_scoped3A_36 = tpu.sem_alloc : memref<!tpu.dma_semaphore, #tpu.memory_space<semaphore_mem>>
        %dma_start3A = arith.constant 256 : i32
        %dma_start3A_37 = arith.constant 0 : i32
        %dma_start3A_38 = tpu.memref_slice %arg7[%dma_start3A, %dma_start3A_37] : memref<512x16xf32, #tpu.memory_space<vmem>> -> memref<128x16xf32, #tpu.memory_space<vmem>>
        %dma_start3A_39 = arith.constant 0 : i32
        %dma_start3A_40 = tpu.memref_slice %arg6[%run_scoped3A_33, %dma_start3A_39] : memref<4x128xi32, #tpu.memory_space<vmem>> -> memref<1x128xi32, #tpu.memory_space<vmem>>
        %dma_start3A_41 = tpu.memref_squeeze %dma_start3A_40 : memref<1x128xi32, #tpu.memory_space<vmem>> -> memref<128xi32, #tpu.memory_space<vmem>>
        %dma_start3A_42 = arith.constant 0 : i32
        %dma_start3A_43 = arith.constant 0 : i32
        %dma_start3A_44 = tpu.memref_slice %arg9[%dma_start3A_42, %dma_start3A_43] : memref<100016x16xf32, #tpu.memory_space<vmem_shared>> -> memref<100016x16xf32, #tpu.memory_space<vmem_shared>>
        tpu.enqueue_indirect_dma source(%dma_start3A_38 : memref<128x16xf32, #tpu.memory_space<vmem>>) target(%dma_start3A_44 : memref<100016x16xf32, #tpu.memory_space<vmem_shared>>) offsets(%dma_start3A_41 : memref<128xi32, #tpu.memory_space<vmem>>) semaphore(%run_scoped3A_36 : memref<!tpu.dma_semaphore, #tpu.memory_space<semaphore_mem>>) {add = true}
        %dma_wait3A = arith.constant 256 : i32
        %dma_wait3A_45 = arith.constant 0 : i32
        %dma_wait3A_46 = tpu.memref_slice %arg7[%dma_wait3A, %dma_wait3A_45] : memref<512x16xf32, #tpu.memory_space<vmem>> -> memref<128x16xf32, #tpu.memory_space<vmem>>
        %dma_wait3A_47 = arith.constant 0 : i32
        %dma_wait3A_48 = tpu.memref_slice %arg6[%run_scoped3A_33, %dma_wait3A_47] : memref<4x128xi32, #tpu.memory_space<vmem>> -> memref<1x128xi32, #tpu.memory_space<vmem>>
        %dma_wait3A_49 = tpu.memref_squeeze %dma_wait3A_48 : memref<1x128xi32, #tpu.memory_space<vmem>> -> memref<128xi32, #tpu.memory_space<vmem>>
        %dma_wait3A_50 = arith.constant 0 : i32
        %dma_wait3A_51 = arith.constant 0 : i32
        %dma_wait3A_52 = tpu.memref_slice %arg9[%dma_wait3A_50, %dma_wait3A_51] : memref<100016x16xf32, #tpu.memory_space<vmem_shared>> -> memref<100016x16xf32, #tpu.memory_space<vmem_shared>>
        tpu.wait_indirect_dma semaphore(%run_scoped3A_36 : memref<!tpu.dma_semaphore, #tpu.memory_space<semaphore_mem>>) src(%dma_wait3A_46 : memref<128x16xf32, #tpu.memory_space<vmem>>) dst(%dma_wait3A_52 : memref<100016x16xf32, #tpu.memory_space<vmem_shared>>)
        tpu.yield
      }) : () -> ()
      %run_scoped3A_34 = arith.constant 3 : i32
      "tpu.region"() ({
        %run_scoped3A_36 = tpu.sem_alloc : memref<!tpu.dma_semaphore, #tpu.memory_space<semaphore_mem>>
        %dma_start3A = arith.constant 384 : i32
        %dma_start3A_37 = arith.constant 0 : i32
        %dma_start3A_38 = tpu.memref_slice %arg7[%dma_start3A, %dma_start3A_37] : memref<512x16xf32, #tpu.memory_space<vmem>> -> memref<128x16xf32, #tpu.memory_space<vmem>>
        %dma_start3A_39 = arith.constant 0 : i32
        %dma_start3A_40 = tpu.memref_slice %arg6[%run_scoped3A_34, %dma_start3A_39] : memref<4x128xi32, #tpu.memory_space<vmem>> -> memref<1x128xi32, #tpu.memory_space<vmem>>
        %dma_start3A_41 = tpu.memref_squeeze %dma_start3A_40 : memref<1x128xi32, #tpu.memory_space<vmem>> -> memref<128xi32, #tpu.memory_space<vmem>>
        %dma_start3A_42 = arith.constant 0 : i32
        %dma_start3A_43 = arith.constant 0 : i32
        %dma_start3A_44 = tpu.memref_slice %arg9[%dma_start3A_42, %dma_start3A_43] : memref<100016x16xf32, #tpu.memory_space<vmem_shared>> -> memref<100016x16xf32, #tpu.memory_space<vmem_shared>>
        tpu.enqueue_indirect_dma source(%dma_start3A_38 : memref<128x16xf32, #tpu.memory_space<vmem>>) target(%dma_start3A_44 : memref<100016x16xf32, #tpu.memory_space<vmem_shared>>) offsets(%dma_start3A_41 : memref<128xi32, #tpu.memory_space<vmem>>) semaphore(%run_scoped3A_36 : memref<!tpu.dma_semaphore, #tpu.memory_space<semaphore_mem>>) {add = true}
        %dma_wait3A = arith.constant 384 : i32
        %dma_wait3A_45 = arith.constant 0 : i32
        %dma_wait3A_46 = tpu.memref_slice %arg7[%dma_wait3A, %dma_wait3A_45] : memref<512x16xf32, #tpu.memory_space<vmem>> -> memref<128x16xf32, #tpu.memory_space<vmem>>
        %dma_wait3A_47 = arith.constant 0 : i32
        %dma_wait3A_48 = tpu.memref_slice %arg6[%run_scoped3A_34, %dma_wait3A_47] : memref<4x128xi32, #tpu.memory_space<vmem>> -> memref<1x128xi32, #tpu.memory_space<vmem>>
        %dma_wait3A_49 = tpu.memref_squeeze %dma_wait3A_48 : memref<1x128xi32, #tpu.memory_space<vmem>> -> memref<128xi32, #tpu.memory_space<vmem>>
        %dma_wait3A_50 = arith.constant 0 : i32
        %dma_wait3A_51 = arith.constant 0 : i32
        %dma_wait3A_52 = tpu.memref_slice %arg9[%dma_wait3A_50, %dma_wait3A_51] : memref<100016x16xf32, #tpu.memory_space<vmem_shared>> -> memref<100016x16xf32, #tpu.memory_space<vmem_shared>>
        tpu.wait_indirect_dma semaphore(%run_scoped3A_36 : memref<!tpu.dma_semaphore, #tpu.memory_space<semaphore_mem>>) src(%dma_wait3A_46 : memref<128x16xf32, #tpu.memory_space<vmem>>) dst(%dma_wait3A_52 : memref<100016x16xf32, #tpu.memory_space<vmem_shared>>)
        tpu.yield
      }) : () -> ()
      %scan3A_35 = arith.constant 0 : i32
      scf.yield %scan3A_35 : i32
    }
    %scan3A_8 = arith.constant 98 : i32
    %barrier3A_9 = arith.constant 0 : index
    tpu.barrier barrier_id(%barrier3A_9)
    %mul3A_10 = arith.constant 6250 : i32
    %mul3A_11 = arith.muli %arg1, %mul3A_10 : i32
    %mul3A_12 = arith.constant 6250 : i32
    %mul3A_13 = arith.muli %arg1, %mul3A_12 : i32
    "tpu.region"() ({
      %run_scoped3A = tpu.sem_alloc : memref<!tpu.dma_semaphore, #tpu.memory_space<semaphore_mem>>
      %dma_start3A = arith.constant 0 : i32
      %dma_start3A_14 = tpu.memref_slice %arg5[%arg0, %mul3A_13, %dma_start3A] : memref<2x100000x16xf32, #tpu.memory_space<hbm>> -> memref<1x6250x16xf32, #tpu.memory_space<hbm>>
      %dma_start3A_15 = tpu.memref_squeeze %dma_start3A_14 : memref<1x6250x16xf32, #tpu.memory_space<hbm>> -> memref<6250x16xf32, #tpu.memory_space<hbm>>
      %dma_start3A_16 = arith.constant 0 : i32
      %dma_start3A_17 = tpu.memref_slice %arg9[%mul3A_11, %dma_start3A_16] : memref<100016x16xf32, #tpu.memory_space<vmem_shared>> -> memref<6250x16xf32, #tpu.memory_space<vmem_shared>>
      tpu.enqueue_dma source(%dma_start3A_17 : memref<6250x16xf32, #tpu.memory_space<vmem_shared>>) target(%dma_start3A_15 : memref<6250x16xf32, #tpu.memory_space<hbm>>) target_semaphore(%run_scoped3A : memref<!tpu.dma_semaphore, #tpu.memory_space<semaphore_mem>>)
      %dma_wait3A = arith.constant 0 : i32
      %dma_wait3A_18 = tpu.memref_slice %arg5[%arg0, %mul3A_13, %dma_wait3A] : memref<2x100000x16xf32, #tpu.memory_space<hbm>> -> memref<1x6250x16xf32, #tpu.memory_space<hbm>>
      %dma_wait3A_19 = tpu.memref_squeeze %dma_wait3A_18 : memref<1x6250x16xf32, #tpu.memory_space<hbm>> -> memref<6250x16xf32, #tpu.memory_space<hbm>>
      %dma_wait3A_20 = arith.constant 0 : i32
      %dma_wait3A_21 = tpu.memref_slice %arg9[%mul3A_11, %dma_wait3A_20] : memref<100016x16xf32, #tpu.memory_space<vmem_shared>> -> memref<6250x16xf32, #tpu.memory_space<vmem_shared>>
      tpu.wait_dma2 semaphore(%run_scoped3A : memref<!tpu.dma_semaphore, #tpu.memory_space<semaphore_mem>>) src(%dma_wait3A_21 : memref<6250x16xf32, #tpu.memory_space<vmem_shared>>) dst(%dma_wait3A_19 : memref<6250x16xf32, #tpu.memory_space<hbm>>)
      tpu.yield
    }) : () -> ()
    return
  }
}

#map = affine_map<(d0, d1) -> (0, 0)>
#map1 = affine_map<(d0, d1) -> (0, 0, 0)>
module attributes {stable_mosaic.version = 14 : i64} {
  func.func @body(%arg0: i32, %arg1: i32, %arg2: memref<100000x16xf32, #tpu.memory_space<hbm>>, %arg3: memref<2x12544x128xi32, #tpu.memory_space<hbm>>, %arg4: memref<2x200704x128xf32, #tpu.memory_space<hbm>>, %arg5: memref<8x128xi32, #tpu.memory_space<vmem>>, %arg6: memref<1024x16xf32, #tpu.memory_space<vmem>>, %arg7: memref<128x128xf32, #tpu.memory_space<vmem>>, %arg8: memref<!tpu.dma_semaphore, #tpu.memory_space<semaphore_mem>>) attributes {dimension_semantics = [#tpu.dimension_semantics<core_parallel>, #tpu.dimension_semantics<subcore_parallel>], iteration_bounds = array<i64: 2, 16>, scalar_prefetch = 0 : i64, scratch_operands = 4 : i64, tpu.core_type = #tpu.core_type<sc_vector_subcore>, window_params = [{transform_indices = #map}, {transform_indices = #map1}, {transform_indices = #map1}]} {
    %mul3A = arith.constant 2 : i32
    %mul3A_0 = arith.muli %arg1, %mul3A : i32
    %add3A = arith.addi %mul3A_0, %arg0 : i32
    %mul3A_1 = arith.constant 392 : i32
    %mul3A_2 = arith.muli %add3A, %mul3A_1 : i32
    %scan3A = arith.constant 0 : i32
    %scan3A_3 = arith.constant 0 : i32
    %scan3A_4 = arith.constant 49 : i32
    %scan3A_5 = arith.addi %scan3A_3, %scan3A_4 : i32
    %scan3A_6 = arith.constant 1 : i32
    %scan3A_7 = scf.for %scan3A_16 = %scan3A_3 to %scan3A_5 step %scan3A_6 iter_args(%scan3A_17 = %scan3A) -> (i32)  : i32 {
      %mul3A_18 = arith.constant 8 : i32
      %mul3A_19 = arith.muli %scan3A_16, %mul3A_18 : i32
      %add3A_20 = arith.addi %mul3A_2, %mul3A_19 : i32
      %run_scoped3A = arith.constant 0 : i32
      "tpu.region"() ({
        %run_scoped3A_190 = tpu.sem_alloc : memref<!tpu.dma_semaphore, #tpu.memory_space<semaphore_mem>>
        %dma_start3A_191 = arith.constant 0 : i32
        %dma_start3A_192 = tpu.memref_slice %arg3[%run_scoped3A, %add3A_20, %dma_start3A_191] : memref<2x12544x128xi32, #tpu.memory_space<hbm>> -> memref<1x8x128xi32, #tpu.memory_space<hbm>>
        %dma_start3A_193 = tpu.memref_squeeze %dma_start3A_192 : memref<1x8x128xi32, #tpu.memory_space<hbm>> -> memref<8x128xi32, #tpu.memory_space<hbm>>
        %dma_start3A_194 = arith.constant 0 : i32
        %dma_start3A_195 = tpu.memref_slice %arg3[%run_scoped3A, %add3A_20, %dma_start3A_194] : memref<2x12544x128xi32, #tpu.memory_space<hbm>> -> memref<1x8x128xi32, #tpu.memory_space<hbm>>
        %dma_start3A_196 = tpu.memref_squeeze %dma_start3A_195 : memref<1x8x128xi32, #tpu.memory_space<hbm>> -> memref<8x128xi32, #tpu.memory_space<hbm>>
        tpu.enqueue_dma source(%dma_start3A_196 : memref<8x128xi32, #tpu.memory_space<hbm>>) target(%arg5 : memref<8x128xi32, #tpu.memory_space<vmem>>) target_semaphore(%run_scoped3A_190 : memref<!tpu.dma_semaphore, #tpu.memory_space<semaphore_mem>>)
        %dma_wait3A_197 = arith.constant 0 : i32
        %dma_wait3A_198 = tpu.memref_slice %arg3[%run_scoped3A, %add3A_20, %dma_wait3A_197] : memref<2x12544x128xi32, #tpu.memory_space<hbm>> -> memref<1x8x128xi32, #tpu.memory_space<hbm>>
        %dma_wait3A_199 = tpu.memref_squeeze %dma_wait3A_198 : memref<1x8x128xi32, #tpu.memory_space<hbm>> -> memref<8x128xi32, #tpu.memory_space<hbm>>
        %dma_wait3A_200 = arith.constant 0 : i32
        %dma_wait3A_201 = tpu.memref_slice %arg3[%run_scoped3A, %add3A_20, %dma_wait3A_200] : memref<2x12544x128xi32, #tpu.memory_space<hbm>> -> memref<1x8x128xi32, #tpu.memory_space<hbm>>
        %dma_wait3A_202 = tpu.memref_squeeze %dma_wait3A_201 : memref<1x8x128xi32, #tpu.memory_space<hbm>> -> memref<8x128xi32, #tpu.memory_space<hbm>>
        tpu.wait_dma2 semaphore(%run_scoped3A_190 : memref<!tpu.dma_semaphore, #tpu.memory_space<semaphore_mem>>) src(%dma_wait3A_202 : memref<8x128xi32, #tpu.memory_space<hbm>>) dst(%arg5 : memref<8x128xi32, #tpu.memory_space<vmem>>)
        tpu.yield
      }) : () -> ()
      %dma_start3A = arith.constant 0 : i32
      %dma_start3A_21 = arith.constant 0 : i32
      %dma_start3A_22 = arith.constant 0 : i32
      %dma_start3A_23 = tpu.memref_slice %arg6[%dma_start3A_21, %dma_start3A_22] : memref<1024x16xf32, #tpu.memory_space<vmem>> -> memref<128x16xf32, #tpu.memory_space<vmem>>
      %dma_start3A_24 = arith.constant 0 : i32
      %dma_start3A_25 = tpu.memref_slice %arg5[%dma_start3A, %dma_start3A_24] : memref<8x128xi32, #tpu.memory_space<vmem>> -> memref<1x128xi32, #tpu.memory_space<vmem>>
      %dma_start3A_26 = tpu.memref_squeeze %dma_start3A_25 : memref<1x128xi32, #tpu.memory_space<vmem>> -> memref<128xi32, #tpu.memory_space<vmem>>
      %dma_start3A_27 = arith.constant 0 : i32
      %dma_start3A_28 = arith.constant 0 : i32
      %dma_start3A_29 = tpu.memref_slice %arg2[%dma_start3A_27, %dma_start3A_28] : memref<100000x16xf32, #tpu.memory_space<hbm>> -> memref<100000x16xf32, #tpu.memory_space<hbm>>
      tpu.enqueue_indirect_dma source(%dma_start3A_29 : memref<100000x16xf32, #tpu.memory_space<hbm>>) target(%dma_start3A_23 : memref<128x16xf32, #tpu.memory_space<vmem>>) offsets(%dma_start3A_26 : memref<128xi32, #tpu.memory_space<vmem>>) semaphore(%arg8 : memref<!tpu.dma_semaphore, #tpu.memory_space<semaphore_mem>>)
      %dma_start3A_30 = arith.constant 1 : i32
      %dma_start3A_31 = arith.constant 128 : i32
      %dma_start3A_32 = arith.constant 0 : i32
      %dma_start3A_33 = tpu.memref_slice %arg6[%dma_start3A_31, %dma_start3A_32] : memref<1024x16xf32, #tpu.memory_space<vmem>> -> memref<128x16xf32, #tpu.memory_space<vmem>>
      %dma_start3A_34 = arith.constant 0 : i32
      %dma_start3A_35 = tpu.memref_slice %arg5[%dma_start3A_30, %dma_start3A_34] : memref<8x128xi32, #tpu.memory_space<vmem>> -> memref<1x128xi32, #tpu.memory_space<vmem>>
      %dma_start3A_36 = tpu.memref_squeeze %dma_start3A_35 : memref<1x128xi32, #tpu.memory_space<vmem>> -> memref<128xi32, #tpu.memory_space<vmem>>
      %dma_start3A_37 = arith.constant 0 : i32
      %dma_start3A_38 = arith.constant 0 : i32
      %dma_start3A_39 = tpu.memref_slice %arg2[%dma_start3A_37, %dma_start3A_38] : memref<100000x16xf32, #tpu.memory_space<hbm>> -> memref<100000x16xf32, #tpu.memory_space<hbm>>
      tpu.enqueue_indirect_dma source(%dma_start3A_39 : memref<100000x16xf32, #tpu.memory_space<hbm>>) target(%dma_start3A_33 : memref<128x16xf32, #tpu.memory_space<vmem>>) offsets(%dma_start3A_36 : memref<128xi32, #tpu.memory_space<vmem>>) semaphore(%arg8 : memref<!tpu.dma_semaphore, #tpu.memory_space<semaphore_mem>>)
      %dma_start3A_40 = arith.constant 2 : i32
      %dma_start3A_41 = arith.constant 256 : i32
      %dma_start3A_42 = arith.constant 0 : i32
      %dma_start3A_43 = tpu.memref_slice %arg6[%dma_start3A_41, %dma_start3A_42] : memref<1024x16xf32, #tpu.memory_space<vmem>> -> memref<128x16xf32, #tpu.memory_space<vmem>>
      %dma_start3A_44 = arith.constant 0 : i32
      %dma_start3A_45 = tpu.memref_slice %arg5[%dma_start3A_40, %dma_start3A_44] : memref<8x128xi32, #tpu.memory_space<vmem>> -> memref<1x128xi32, #tpu.memory_space<vmem>>
      %dma_start3A_46 = tpu.memref_squeeze %dma_start3A_45 : memref<1x128xi32, #tpu.memory_space<vmem>> -> memref<128xi32, #tpu.memory_space<vmem>>
      %dma_start3A_47 = arith.constant 0 : i32
      %dma_start3A_48 = arith.constant 0 : i32
      %dma_start3A_49 = tpu.memref_slice %arg2[%dma_start3A_47, %dma_start3A_48] : memref<100000x16xf32, #tpu.memory_space<hbm>> -> memref<100000x16xf32, #tpu.memory_space<hbm>>
      tpu.enqueue_indirect_dma source(%dma_start3A_49 : memref<100000x16xf32, #tpu.memory_space<hbm>>) target(%dma_start3A_43 : memref<128x16xf32, #tpu.memory_space<vmem>>) offsets(%dma_start3A_46 : memref<128xi32, #tpu.memory_space<vmem>>) semaphore(%arg8 : memref<!tpu.dma_semaphore, #tpu.memory_space<semaphore_mem>>)
      %dma_start3A_50 = arith.constant 3 : i32
      %dma_start3A_51 = arith.constant 384 : i32
      %dma_start3A_52 = arith.constant 0 : i32
      %dma_start3A_53 = tpu.memref_slice %arg6[%dma_start3A_51, %dma_start3A_52] : memref<1024x16xf32, #tpu.memory_space<vmem>> -> memref<128x16xf32, #tpu.memory_space<vmem>>
      %dma_start3A_54 = arith.constant 0 : i32
      %dma_start3A_55 = tpu.memref_slice %arg5[%dma_start3A_50, %dma_start3A_54] : memref<8x128xi32, #tpu.memory_space<vmem>> -> memref<1x128xi32, #tpu.memory_space<vmem>>
      %dma_start3A_56 = tpu.memref_squeeze %dma_start3A_55 : memref<1x128xi32, #tpu.memory_space<vmem>> -> memref<128xi32, #tpu.memory_space<vmem>>
      %dma_start3A_57 = arith.constant 0 : i32
      %dma_start3A_58 = arith.constant 0 : i32
      %dma_start3A_59 = tpu.memref_slice %arg2[%dma_start3A_57, %dma_start3A_58] : memref<100000x16xf32, #tpu.memory_space<hbm>> -> memref<100000x16xf32, #tpu.memory_space<hbm>>
      tpu.enqueue_indirect_dma source(%dma_start3A_59 : memref<100000x16xf32, #tpu.memory_space<hbm>>) target(%dma_start3A_53 : memref<128x16xf32, #tpu.memory_space<vmem>>) offsets(%dma_start3A_56 : memref<128xi32, #tpu.memory_space<vmem>>) semaphore(%arg8 : memref<!tpu.dma_semaphore, #tpu.memory_space<semaphore_mem>>)
      %dma_start3A_60 = arith.constant 4 : i32
      %dma_start3A_61 = arith.constant 512 : i32
      %dma_start3A_62 = arith.constant 0 : i32
      %dma_start3A_63 = tpu.memref_slice %arg6[%dma_start3A_61, %dma_start3A_62] : memref<1024x16xf32, #tpu.memory_space<vmem>> -> memref<128x16xf32, #tpu.memory_space<vmem>>
      %dma_start3A_64 = arith.constant 0 : i32
      %dma_start3A_65 = tpu.memref_slice %arg5[%dma_start3A_60, %dma_start3A_64] : memref<8x128xi32, #tpu.memory_space<vmem>> -> memref<1x128xi32, #tpu.memory_space<vmem>>
      %dma_start3A_66 = tpu.memref_squeeze %dma_start3A_65 : memref<1x128xi32, #tpu.memory_space<vmem>> -> memref<128xi32, #tpu.memory_space<vmem>>
      %dma_start3A_67 = arith.constant 0 : i32
      %dma_start3A_68 = arith.constant 0 : i32
      %dma_start3A_69 = tpu.memref_slice %arg2[%dma_start3A_67, %dma_start3A_68] : memref<100000x16xf32, #tpu.memory_space<hbm>> -> memref<100000x16xf32, #tpu.memory_space<hbm>>
      tpu.enqueue_indirect_dma source(%dma_start3A_69 : memref<100000x16xf32, #tpu.memory_space<hbm>>) target(%dma_start3A_63 : memref<128x16xf32, #tpu.memory_space<vmem>>) offsets(%dma_start3A_66 : memref<128xi32, #tpu.memory_space<vmem>>) semaphore(%arg8 : memref<!tpu.dma_semaphore, #tpu.memory_space<semaphore_mem>>)
      %dma_start3A_70 = arith.constant 5 : i32
      %dma_start3A_71 = arith.constant 640 : i32
      %dma_start3A_72 = arith.constant 0 : i32
      %dma_start3A_73 = tpu.memref_slice %arg6[%dma_start3A_71, %dma_start3A_72] : memref<1024x16xf32, #tpu.memory_space<vmem>> -> memref<128x16xf32, #tpu.memory_space<vmem>>
      %dma_start3A_74 = arith.constant 0 : i32
      %dma_start3A_75 = tpu.memref_slice %arg5[%dma_start3A_70, %dma_start3A_74] : memref<8x128xi32, #tpu.memory_space<vmem>> -> memref<1x128xi32, #tpu.memory_space<vmem>>
      %dma_start3A_76 = tpu.memref_squeeze %dma_start3A_75 : memref<1x128xi32, #tpu.memory_space<vmem>> -> memref<128xi32, #tpu.memory_space<vmem>>
      %dma_start3A_77 = arith.constant 0 : i32
      %dma_start3A_78 = arith.constant 0 : i32
      %dma_start3A_79 = tpu.memref_slice %arg2[%dma_start3A_77, %dma_start3A_78] : memref<100000x16xf32, #tpu.memory_space<hbm>> -> memref<100000x16xf32, #tpu.memory_space<hbm>>
      tpu.enqueue_indirect_dma source(%dma_start3A_79 : memref<100000x16xf32, #tpu.memory_space<hbm>>) target(%dma_start3A_73 : memref<128x16xf32, #tpu.memory_space<vmem>>) offsets(%dma_start3A_76 : memref<128xi32, #tpu.memory_space<vmem>>) semaphore(%arg8 : memref<!tpu.dma_semaphore, #tpu.memory_space<semaphore_mem>>)
      %dma_start3A_80 = arith.constant 6 : i32
      %dma_start3A_81 = arith.constant 768 : i32
      %dma_start3A_82 = arith.constant 0 : i32
      %dma_start3A_83 = tpu.memref_slice %arg6[%dma_start3A_81, %dma_start3A_82] : memref<1024x16xf32, #tpu.memory_space<vmem>> -> memref<128x16xf32, #tpu.memory_space<vmem>>
      %dma_start3A_84 = arith.constant 0 : i32
      %dma_start3A_85 = tpu.memref_slice %arg5[%dma_start3A_80, %dma_start3A_84] : memref<8x128xi32, #tpu.memory_space<vmem>> -> memref<1x128xi32, #tpu.memory_space<vmem>>
      %dma_start3A_86 = tpu.memref_squeeze %dma_start3A_85 : memref<1x128xi32, #tpu.memory_space<vmem>> -> memref<128xi32, #tpu.memory_space<vmem>>
      %dma_start3A_87 = arith.constant 0 : i32
      %dma_start3A_88 = arith.constant 0 : i32
      %dma_start3A_89 = tpu.memref_slice %arg2[%dma_start3A_87, %dma_start3A_88] : memref<100000x16xf32, #tpu.memory_space<hbm>> -> memref<100000x16xf32, #tpu.memory_space<hbm>>
      tpu.enqueue_indirect_dma source(%dma_start3A_89 : memref<100000x16xf32, #tpu.memory_space<hbm>>) target(%dma_start3A_83 : memref<128x16xf32, #tpu.memory_space<vmem>>) offsets(%dma_start3A_86 : memref<128xi32, #tpu.memory_space<vmem>>) semaphore(%arg8 : memref<!tpu.dma_semaphore, #tpu.memory_space<semaphore_mem>>)
      %dma_start3A_90 = arith.constant 7 : i32
      %dma_start3A_91 = arith.constant 896 : i32
      %dma_start3A_92 = arith.constant 0 : i32
      %dma_start3A_93 = tpu.memref_slice %arg6[%dma_start3A_91, %dma_start3A_92] : memref<1024x16xf32, #tpu.memory_space<vmem>> -> memref<128x16xf32, #tpu.memory_space<vmem>>
      %dma_start3A_94 = arith.constant 0 : i32
      %dma_start3A_95 = tpu.memref_slice %arg5[%dma_start3A_90, %dma_start3A_94] : memref<8x128xi32, #tpu.memory_space<vmem>> -> memref<1x128xi32, #tpu.memory_space<vmem>>
      %dma_start3A_96 = tpu.memref_squeeze %dma_start3A_95 : memref<1x128xi32, #tpu.memory_space<vmem>> -> memref<128xi32, #tpu.memory_space<vmem>>
      %dma_start3A_97 = arith.constant 0 : i32
      %dma_start3A_98 = arith.constant 0 : i32
      %dma_start3A_99 = tpu.memref_slice %arg2[%dma_start3A_97, %dma_start3A_98] : memref<100000x16xf32, #tpu.memory_space<hbm>> -> memref<100000x16xf32, #tpu.memory_space<hbm>>
      tpu.enqueue_indirect_dma source(%dma_start3A_99 : memref<100000x16xf32, #tpu.memory_space<hbm>>) target(%dma_start3A_93 : memref<128x16xf32, #tpu.memory_space<vmem>>) offsets(%dma_start3A_96 : memref<128xi32, #tpu.memory_space<vmem>>) semaphore(%arg8 : memref<!tpu.dma_semaphore, #tpu.memory_space<semaphore_mem>>)
      %dma_wait3A = arith.constant 0 : i32
      %dma_wait3A_100 = arith.constant 0 : i32
      %dma_wait3A_101 = arith.constant 0 : i32
      %dma_wait3A_102 = tpu.memref_slice %arg6[%dma_wait3A_100, %dma_wait3A_101] : memref<1024x16xf32, #tpu.memory_space<vmem>> -> memref<128x16xf32, #tpu.memory_space<vmem>>
      %dma_wait3A_103 = arith.constant 0 : i32
      %dma_wait3A_104 = tpu.memref_slice %arg5[%dma_wait3A, %dma_wait3A_103] : memref<8x128xi32, #tpu.memory_space<vmem>> -> memref<1x128xi32, #tpu.memory_space<vmem>>
      %dma_wait3A_105 = tpu.memref_squeeze %dma_wait3A_104 : memref<1x128xi32, #tpu.memory_space<vmem>> -> memref<128xi32, #tpu.memory_space<vmem>>
      %dma_wait3A_106 = arith.constant 0 : i32
      %dma_wait3A_107 = arith.constant 0 : i32
      %dma_wait3A_108 = tpu.memref_slice %arg2[%dma_wait3A_106, %dma_wait3A_107] : memref<100000x16xf32, #tpu.memory_space<hbm>> -> memref<100000x16xf32, #tpu.memory_space<hbm>>
      tpu.wait_indirect_dma semaphore(%arg8 : memref<!tpu.dma_semaphore, #tpu.memory_space<semaphore_mem>>) src(%dma_wait3A_108 : memref<100000x16xf32, #tpu.memory_space<hbm>>) dst(%dma_wait3A_102 : memref<128x16xf32, #tpu.memory_space<vmem>>)
      %dma_wait3A_109 = arith.constant 1 : i32
      %dma_wait3A_110 = arith.constant 128 : i32
      %dma_wait3A_111 = arith.constant 0 : i32
      %dma_wait3A_112 = tpu.memref_slice %arg6[%dma_wait3A_110, %dma_wait3A_111] : memref<1024x16xf32, #tpu.memory_space<vmem>> -> memref<128x16xf32, #tpu.memory_space<vmem>>
      %dma_wait3A_113 = arith.constant 0 : i32
      %dma_wait3A_114 = tpu.memref_slice %arg5[%dma_wait3A_109, %dma_wait3A_113] : memref<8x128xi32, #tpu.memory_space<vmem>> -> memref<1x128xi32, #tpu.memory_space<vmem>>
      %dma_wait3A_115 = tpu.memref_squeeze %dma_wait3A_114 : memref<1x128xi32, #tpu.memory_space<vmem>> -> memref<128xi32, #tpu.memory_space<vmem>>
      %dma_wait3A_116 = arith.constant 0 : i32
      %dma_wait3A_117 = arith.constant 0 : i32
      %dma_wait3A_118 = tpu.memref_slice %arg2[%dma_wait3A_116, %dma_wait3A_117] : memref<100000x16xf32, #tpu.memory_space<hbm>> -> memref<100000x16xf32, #tpu.memory_space<hbm>>
      tpu.wait_indirect_dma semaphore(%arg8 : memref<!tpu.dma_semaphore, #tpu.memory_space<semaphore_mem>>) src(%dma_wait3A_118 : memref<100000x16xf32, #tpu.memory_space<hbm>>) dst(%dma_wait3A_112 : memref<128x16xf32, #tpu.memory_space<vmem>>)
      %dma_wait3A_119 = arith.constant 2 : i32
      %dma_wait3A_120 = arith.constant 256 : i32
      %dma_wait3A_121 = arith.constant 0 : i32
      %dma_wait3A_122 = tpu.memref_slice %arg6[%dma_wait3A_120, %dma_wait3A_121] : memref<1024x16xf32, #tpu.memory_space<vmem>> -> memref<128x16xf32, #tpu.memory_space<vmem>>
      %dma_wait3A_123 = arith.constant 0 : i32
      %dma_wait3A_124 = tpu.memref_slice %arg5[%dma_wait3A_119, %dma_wait3A_123] : memref<8x128xi32, #tpu.memory_space<vmem>> -> memref<1x128xi32, #tpu.memory_space<vmem>>
      %dma_wait3A_125 = tpu.memref_squeeze %dma_wait3A_124 : memref<1x128xi32, #tpu.memory_space<vmem>> -> memref<128xi32, #tpu.memory_space<vmem>>
      %dma_wait3A_126 = arith.constant 0 : i32
      %dma_wait3A_127 = arith.constant 0 : i32
      %dma_wait3A_128 = tpu.memref_slice %arg2[%dma_wait3A_126, %dma_wait3A_127] : memref<100000x16xf32, #tpu.memory_space<hbm>> -> memref<100000x16xf32, #tpu.memory_space<hbm>>
      tpu.wait_indirect_dma semaphore(%arg8 : memref<!tpu.dma_semaphore, #tpu.memory_space<semaphore_mem>>) src(%dma_wait3A_128 : memref<100000x16xf32, #tpu.memory_space<hbm>>) dst(%dma_wait3A_122 : memref<128x16xf32, #tpu.memory_space<vmem>>)
      %dma_wait3A_129 = arith.constant 3 : i32
      %dma_wait3A_130 = arith.constant 384 : i32
      %dma_wait3A_131 = arith.constant 0 : i32
      %dma_wait3A_132 = tpu.memref_slice %arg6[%dma_wait3A_130, %dma_wait3A_131] : memref<1024x16xf32, #tpu.memory_space<vmem>> -> memref<128x16xf32, #tpu.memory_space<vmem>>
      %dma_wait3A_133 = arith.constant 0 : i32
      %dma_wait3A_134 = tpu.memref_slice %arg5[%dma_wait3A_129, %dma_wait3A_133] : memref<8x128xi32, #tpu.memory_space<vmem>> -> memref<1x128xi32, #tpu.memory_space<vmem>>
      %dma_wait3A_135 = tpu.memref_squeeze %dma_wait3A_134 : memref<1x128xi32, #tpu.memory_space<vmem>> -> memref<128xi32, #tpu.memory_space<vmem>>
      %dma_wait3A_136 = arith.constant 0 : i32
      %dma_wait3A_137 = arith.constant 0 : i32
      %dma_wait3A_138 = tpu.memref_slice %arg2[%dma_wait3A_136, %dma_wait3A_137] : memref<100000x16xf32, #tpu.memory_space<hbm>> -> memref<100000x16xf32, #tpu.memory_space<hbm>>
      tpu.wait_indirect_dma semaphore(%arg8 : memref<!tpu.dma_semaphore, #tpu.memory_space<semaphore_mem>>) src(%dma_wait3A_138 : memref<100000x16xf32, #tpu.memory_space<hbm>>) dst(%dma_wait3A_132 : memref<128x16xf32, #tpu.memory_space<vmem>>)
      %dma_wait3A_139 = arith.constant 4 : i32
      %dma_wait3A_140 = arith.constant 512 : i32
      %dma_wait3A_141 = arith.constant 0 : i32
      %dma_wait3A_142 = tpu.memref_slice %arg6[%dma_wait3A_140, %dma_wait3A_141] : memref<1024x16xf32, #tpu.memory_space<vmem>> -> memref<128x16xf32, #tpu.memory_space<vmem>>
      %dma_wait3A_143 = arith.constant 0 : i32
      %dma_wait3A_144 = tpu.memref_slice %arg5[%dma_wait3A_139, %dma_wait3A_143] : memref<8x128xi32, #tpu.memory_space<vmem>> -> memref<1x128xi32, #tpu.memory_space<vmem>>
      %dma_wait3A_145 = tpu.memref_squeeze %dma_wait3A_144 : memref<1x128xi32, #tpu.memory_space<vmem>> -> memref<128xi32, #tpu.memory_space<vmem>>
      %dma_wait3A_146 = arith.constant 0 : i32
      %dma_wait3A_147 = arith.constant 0 : i32
      %dma_wait3A_148 = tpu.memref_slice %arg2[%dma_wait3A_146, %dma_wait3A_147] : memref<100000x16xf32, #tpu.memory_space<hbm>> -> memref<100000x16xf32, #tpu.memory_space<hbm>>
      tpu.wait_indirect_dma semaphore(%arg8 : memref<!tpu.dma_semaphore, #tpu.memory_space<semaphore_mem>>) src(%dma_wait3A_148 : memref<100000x16xf32, #tpu.memory_space<hbm>>) dst(%dma_wait3A_142 : memref<128x16xf32, #tpu.memory_space<vmem>>)
      %dma_wait3A_149 = arith.constant 5 : i32
      %dma_wait3A_150 = arith.constant 640 : i32
      %dma_wait3A_151 = arith.constant 0 : i32
      %dma_wait3A_152 = tpu.memref_slice %arg6[%dma_wait3A_150, %dma_wait3A_151] : memref<1024x16xf32, #tpu.memory_space<vmem>> -> memref<128x16xf32, #tpu.memory_space<vmem>>
      %dma_wait3A_153 = arith.constant 0 : i32
      %dma_wait3A_154 = tpu.memref_slice %arg5[%dma_wait3A_149, %dma_wait3A_153] : memref<8x128xi32, #tpu.memory_space<vmem>> -> memref<1x128xi32, #tpu.memory_space<vmem>>
      %dma_wait3A_155 = tpu.memref_squeeze %dma_wait3A_154 : memref<1x128xi32, #tpu.memory_space<vmem>> -> memref<128xi32, #tpu.memory_space<vmem>>
      %dma_wait3A_156 = arith.constant 0 : i32
      %dma_wait3A_157 = arith.constant 0 : i32
      %dma_wait3A_158 = tpu.memref_slice %arg2[%dma_wait3A_156, %dma_wait3A_157] : memref<100000x16xf32, #tpu.memory_space<hbm>> -> memref<100000x16xf32, #tpu.memory_space<hbm>>
      tpu.wait_indirect_dma semaphore(%arg8 : memref<!tpu.dma_semaphore, #tpu.memory_space<semaphore_mem>>) src(%dma_wait3A_158 : memref<100000x16xf32, #tpu.memory_space<hbm>>) dst(%dma_wait3A_152 : memref<128x16xf32, #tpu.memory_space<vmem>>)
      %dma_wait3A_159 = arith.constant 6 : i32
      %dma_wait3A_160 = arith.constant 768 : i32
      %dma_wait3A_161 = arith.constant 0 : i32
      %dma_wait3A_162 = tpu.memref_slice %arg6[%dma_wait3A_160, %dma_wait3A_161] : memref<1024x16xf32, #tpu.memory_space<vmem>> -> memref<128x16xf32, #tpu.memory_space<vmem>>
      %dma_wait3A_163 = arith.constant 0 : i32
      %dma_wait3A_164 = tpu.memref_slice %arg5[%dma_wait3A_159, %dma_wait3A_163] : memref<8x128xi32, #tpu.memory_space<vmem>> -> memref<1x128xi32, #tpu.memory_space<vmem>>
      %dma_wait3A_165 = tpu.memref_squeeze %dma_wait3A_164 : memref<1x128xi32, #tpu.memory_space<vmem>> -> memref<128xi32, #tpu.memory_space<vmem>>
      %dma_wait3A_166 = arith.constant 0 : i32
      %dma_wait3A_167 = arith.constant 0 : i32
      %dma_wait3A_168 = tpu.memref_slice %arg2[%dma_wait3A_166, %dma_wait3A_167] : memref<100000x16xf32, #tpu.memory_space<hbm>> -> memref<100000x16xf32, #tpu.memory_space<hbm>>
      tpu.wait_indirect_dma semaphore(%arg8 : memref<!tpu.dma_semaphore, #tpu.memory_space<semaphore_mem>>) src(%dma_wait3A_168 : memref<100000x16xf32, #tpu.memory_space<hbm>>) dst(%dma_wait3A_162 : memref<128x16xf32, #tpu.memory_space<vmem>>)
      %dma_wait3A_169 = arith.constant 7 : i32
      %dma_wait3A_170 = arith.constant 896 : i32
      %dma_wait3A_171 = arith.constant 0 : i32
      %dma_wait3A_172 = tpu.memref_slice %arg6[%dma_wait3A_170, %dma_wait3A_171] : memref<1024x16xf32, #tpu.memory_space<vmem>> -> memref<128x16xf32, #tpu.memory_space<vmem>>
      %dma_wait3A_173 = arith.constant 0 : i32
      %dma_wait3A_174 = tpu.memref_slice %arg5[%dma_wait3A_169, %dma_wait3A_173] : memref<8x128xi32, #tpu.memory_space<vmem>> -> memref<1x128xi32, #tpu.memory_space<vmem>>
      %dma_wait3A_175 = tpu.memref_squeeze %dma_wait3A_174 : memref<1x128xi32, #tpu.memory_space<vmem>> -> memref<128xi32, #tpu.memory_space<vmem>>
      %dma_wait3A_176 = arith.constant 0 : i32
      %dma_wait3A_177 = arith.constant 0 : i32
      %dma_wait3A_178 = tpu.memref_slice %arg2[%dma_wait3A_176, %dma_wait3A_177] : memref<100000x16xf32, #tpu.memory_space<hbm>> -> memref<100000x16xf32, #tpu.memory_space<hbm>>
      tpu.wait_indirect_dma semaphore(%arg8 : memref<!tpu.dma_semaphore, #tpu.memory_space<semaphore_mem>>) src(%dma_wait3A_178 : memref<100000x16xf32, #tpu.memory_space<hbm>>) dst(%dma_wait3A_172 : memref<128x16xf32, #tpu.memory_space<vmem>>)
      %scan3A_179 = arith.constant 0 : i32
      %scan3A_180 = arith.constant 0 : i32
      %scan3A_181 = arith.constant 128 : i32
      %scan3A_182 = arith.addi %scan3A_180, %scan3A_181 : i32
      %scan3A_183 = arith.constant 1 : i32
      %scan3A_184 = scf.for %scan3A_190 = %scan3A_180 to %scan3A_182 step %scan3A_183 iter_args(%scan3A_191 = %scan3A_179) -> (i32)  : i32 {
        %mul3A_192 = arith.constant 8 : i32
        %mul3A_193 = arith.muli %scan3A_190, %mul3A_192 : i32
        %add3A_194 = arith.constant 0 : i32
        %add3A_195 = arith.addi %mul3A_193, %add3A_194 : i32
        %get3A = arith.index_cast %add3A_195 : i32 to index
        %get3A_196 = arith.constant 0 : index
        %get3A_197 = tpu.vector_load %arg6[%get3A, %get3A_196] {strides = array<i32>} : memref<1024x16xf32, #tpu.memory_space<vmem>>, vector<1x16xf32>,
        %get3A_198 = vector.shape_cast %get3A_197 : vector<1x16xf32> to vector<16xf32>
        %swap3A = arith.index_cast %scan3A_190 : i32 to index
        %swap3A_199 = arith.constant 0 : index
        %swap3A_200 = tpu.vector_load %arg7[%swap3A, %swap3A_199] {strides = array<i32>} : memref<128x128xf32, #tpu.memory_space<vmem>>, vector<1x16xf32>,
        %swap3A_201 = vector.shape_cast %swap3A_200 : vector<1x16xf32> to vector<16xf32>
        %swap3A_202 = vector.shape_cast %get3A_198 : vector<16xf32> to vector<1x16xf32>
        tpu.vector_store %arg7[%swap3A, %swap3A_199], %swap3A_202 {strides = array<i32>} : memref<128x128xf32, #tpu.memory_space<vmem>>, vector<1x16xf32>,
        %mul3A_203 = arith.constant 8 : i32
        %mul3A_204 = arith.muli %scan3A_190, %mul3A_203 : i32
        %add3A_205 = arith.constant 1 : i32
        %add3A_206 = arith.addi %mul3A_204, %add3A_205 : i32
        %get3A_207 = arith.index_cast %add3A_206 : i32 to index
        %get3A_208 = arith.constant 0 : index
        %get3A_209 = tpu.vector_load %arg6[%get3A_207, %get3A_208] {strides = array<i32>} : memref<1024x16xf32, #tpu.memory_space<vmem>>, vector<1x16xf32>,
        %get3A_210 = vector.shape_cast %get3A_209 : vector<1x16xf32> to vector<16xf32>
        %swap3A_211 = arith.index_cast %scan3A_190 : i32 to index
        %swap3A_212 = arith.constant 16 : index
        %swap3A_213 = tpu.vector_load %arg7[%swap3A_211, %swap3A_212] {strides = array<i32>} : memref<128x128xf32, #tpu.memory_space<vmem>>, vector<1x16xf32>,
        %swap3A_214 = vector.shape_cast %swap3A_213 : vector<1x16xf32> to vector<16xf32>
        %swap3A_215 = vector.shape_cast %get3A_210 : vector<16xf32> to vector<1x16xf32>
        tpu.vector_store %arg7[%swap3A_211, %swap3A_212], %swap3A_215 {strides = array<i32>} : memref<128x128xf32, #tpu.memory_space<vmem>>, vector<1x16xf32>,
        %mul3A_216 = arith.constant 8 : i32
        %mul3A_217 = arith.muli %scan3A_190, %mul3A_216 : i32
        %add3A_218 = arith.constant 2 : i32
        %add3A_219 = arith.addi %mul3A_217, %add3A_218 : i32
        %get3A_220 = arith.index_cast %add3A_219 : i32 to index
        %get3A_221 = arith.constant 0 : index
        %get3A_222 = tpu.vector_load %arg6[%get3A_220, %get3A_221] {strides = array<i32>} : memref<1024x16xf32, #tpu.memory_space<vmem>>, vector<1x16xf32>,
        %get3A_223 = vector.shape_cast %get3A_222 : vector<1x16xf32> to vector<16xf32>
        %swap3A_224 = arith.index_cast %scan3A_190 : i32 to index
        %swap3A_225 = arith.constant 32 : index
        %swap3A_226 = tpu.vector_load %arg7[%swap3A_224, %swap3A_225] {strides = array<i32>} : memref<128x128xf32, #tpu.memory_space<vmem>>, vector<1x16xf32>,
        %swap3A_227 = vector.shape_cast %swap3A_226 : vector<1x16xf32> to vector<16xf32>
        %swap3A_228 = vector.shape_cast %get3A_223 : vector<16xf32> to vector<1x16xf32>
        tpu.vector_store %arg7[%swap3A_224, %swap3A_225], %swap3A_228 {strides = array<i32>} : memref<128x128xf32, #tpu.memory_space<vmem>>, vector<1x16xf32>,
        %mul3A_229 = arith.constant 8 : i32
        %mul3A_230 = arith.muli %scan3A_190, %mul3A_229 : i32
        %add3A_231 = arith.constant 3 : i32
        %add3A_232 = arith.addi %mul3A_230, %add3A_231 : i32
        %get3A_233 = arith.index_cast %add3A_232 : i32 to index
        %get3A_234 = arith.constant 0 : index
        %get3A_235 = tpu.vector_load %arg6[%get3A_233, %get3A_234] {strides = array<i32>} : memref<1024x16xf32, #tpu.memory_space<vmem>>, vector<1x16xf32>,
        %get3A_236 = vector.shape_cast %get3A_235 : vector<1x16xf32> to vector<16xf32>
        %swap3A_237 = arith.index_cast %scan3A_190 : i32 to index
        %swap3A_238 = arith.constant 48 : index
        %swap3A_239 = tpu.vector_load %arg7[%swap3A_237, %swap3A_238] {strides = array<i32>} : memref<128x128xf32, #tpu.memory_space<vmem>>, vector<1x16xf32>,
        %swap3A_240 = vector.shape_cast %swap3A_239 : vector<1x16xf32> to vector<16xf32>
        %swap3A_241 = vector.shape_cast %get3A_236 : vector<16xf32> to vector<1x16xf32>
        tpu.vector_store %arg7[%swap3A_237, %swap3A_238], %swap3A_241 {strides = array<i32>} : memref<128x128xf32, #tpu.memory_space<vmem>>, vector<1x16xf32>,
        %mul3A_242 = arith.constant 8 : i32
        %mul3A_243 = arith.muli %scan3A_190, %mul3A_242 : i32
        %add3A_244 = arith.constant 4 : i32
        %add3A_245 = arith.addi %mul3A_243, %add3A_244 : i32
        %get3A_246 = arith.index_cast %add3A_245 : i32 to index
        %get3A_247 = arith.constant 0 : index
        %get3A_248 = tpu.vector_load %arg6[%get3A_246, %get3A_247] {strides = array<i32>} : memref<1024x16xf32, #tpu.memory_space<vmem>>, vector<1x16xf32>,
        %get3A_249 = vector.shape_cast %get3A_248 : vector<1x16xf32> to vector<16xf32>
        %swap3A_250 = arith.index_cast %scan3A_190 : i32 to index
        %swap3A_251 = arith.constant 64 : index
        %swap3A_252 = tpu.vector_load %arg7[%swap3A_250, %swap3A_251] {strides = array<i32>} : memref<128x128xf32, #tpu.memory_space<vmem>>, vector<1x16xf32>,
        %swap3A_253 = vector.shape_cast %swap3A_252 : vector<1x16xf32> to vector<16xf32>
        %swap3A_254 = vector.shape_cast %get3A_249 : vector<16xf32> to vector<1x16xf32>
        tpu.vector_store %arg7[%swap3A_250, %swap3A_251], %swap3A_254 {strides = array<i32>} : memref<128x128xf32, #tpu.memory_space<vmem>>, vector<1x16xf32>,
        %mul3A_255 = arith.constant 8 : i32
        %mul3A_256 = arith.muli %scan3A_190, %mul3A_255 : i32
        %add3A_257 = arith.constant 5 : i32
        %add3A_258 = arith.addi %mul3A_256, %add3A_257 : i32
        %get3A_259 = arith.index_cast %add3A_258 : i32 to index
        %get3A_260 = arith.constant 0 : index
        %get3A_261 = tpu.vector_load %arg6[%get3A_259, %get3A_260] {strides = array<i32>} : memref<1024x16xf32, #tpu.memory_space<vmem>>, vector<1x16xf32>,
        %get3A_262 = vector.shape_cast %get3A_261 : vector<1x16xf32> to vector<16xf32>
        %swap3A_263 = arith.index_cast %scan3A_190 : i32 to index
        %swap3A_264 = arith.constant 80 : index
        %swap3A_265 = tpu.vector_load %arg7[%swap3A_263, %swap3A_264] {strides = array<i32>} : memref<128x128xf32, #tpu.memory_space<vmem>>, vector<1x16xf32>,
        %swap3A_266 = vector.shape_cast %swap3A_265 : vector<1x16xf32> to vector<16xf32>
        %swap3A_267 = vector.shape_cast %get3A_262 : vector<16xf32> to vector<1x16xf32>
        tpu.vector_store %arg7[%swap3A_263, %swap3A_264], %swap3A_267 {strides = array<i32>} : memref<128x128xf32, #tpu.memory_space<vmem>>, vector<1x16xf32>,
        %mul3A_268 = arith.constant 8 : i32
        %mul3A_269 = arith.muli %scan3A_190, %mul3A_268 : i32
        %add3A_270 = arith.constant 6 : i32
        %add3A_271 = arith.addi %mul3A_269, %add3A_270 : i32
        %get3A_272 = arith.index_cast %add3A_271 : i32 to index
        %get3A_273 = arith.constant 0 : index
        %get3A_274 = tpu.vector_load %arg6[%get3A_272, %get3A_273] {strides = array<i32>} : memref<1024x16xf32, #tpu.memory_space<vmem>>, vector<1x16xf32>,
        %get3A_275 = vector.shape_cast %get3A_274 : vector<1x16xf32> to vector<16xf32>
        %swap3A_276 = arith.index_cast %scan3A_190 : i32 to index
        %swap3A_277 = arith.constant 96 : index
        %swap3A_278 = tpu.vector_load %arg7[%swap3A_276, %swap3A_277] {strides = array<i32>} : memref<128x128xf32, #tpu.memory_space<vmem>>, vector<1x16xf32>,
        %swap3A_279 = vector.shape_cast %swap3A_278 : vector<1x16xf32> to vector<16xf32>
        %swap3A_280 = vector.shape_cast %get3A_275 : vector<16xf32> to vector<1x16xf32>
        tpu.vector_store %arg7[%swap3A_276, %swap3A_277], %swap3A_280 {strides = array<i32>} : memref<128x128xf32, #tpu.memory_space<vmem>>, vector<1x16xf32>,
        %mul3A_281 = arith.constant 8 : i32
        %mul3A_282 = arith.muli %scan3A_190, %mul3A_281 : i32
        %add3A_283 = arith.constant 7 : i32
        %add3A_284 = arith.addi %mul3A_282, %add3A_283 : i32
        %get3A_285 = arith.index_cast %add3A_284 : i32 to index
        %get3A_286 = arith.constant 0 : index
        %get3A_287 = tpu.vector_load %arg6[%get3A_285, %get3A_286] {strides = array<i32>} : memref<1024x16xf32, #tpu.memory_space<vmem>>, vector<1x16xf32>,
        %get3A_288 = vector.shape_cast %get3A_287 : vector<1x16xf32> to vector<16xf32>
        %swap3A_289 = arith.index_cast %scan3A_190 : i32 to index
        %swap3A_290 = arith.constant 112 : index
        %swap3A_291 = tpu.vector_load %arg7[%swap3A_289, %swap3A_290] {strides = array<i32>} : memref<128x128xf32, #tpu.memory_space<vmem>>, vector<1x16xf32>,
        %swap3A_292 = vector.shape_cast %swap3A_291 : vector<1x16xf32> to vector<16xf32>
        %swap3A_293 = vector.shape_cast %get3A_288 : vector<16xf32> to vector<1x16xf32>
        tpu.vector_store %arg7[%swap3A_289, %swap3A_290], %swap3A_293 {strides = array<i32>} : memref<128x128xf32, #tpu.memory_space<vmem>>, vector<1x16xf32>,
        %scan3A_294 = arith.constant 0 : i32
        scf.yield %scan3A_294 : i32
      }
      %scan3A_185 = arith.constant 128 : i32
      %mul3A_186 = arith.constant 16 : i32
      %mul3A_187 = arith.muli %add3A_20, %mul3A_186 : i32
      %run_scoped3A_188 = arith.constant 0 : i32
      "tpu.region"() ({
        %run_scoped3A_190 = tpu.sem_alloc : memref<!tpu.dma_semaphore, #tpu.memory_space<semaphore_mem>>
        %dma_start3A_191 = arith.constant 0 : i32
        %dma_start3A_192 = tpu.memref_slice %arg4[%run_scoped3A_188, %mul3A_187, %dma_start3A_191] : memref<2x200704x128xf32, #tpu.memory_space<hbm>> -> memref<1x128x128xf32, #tpu.memory_space<hbm>>
        %dma_start3A_193 = tpu.memref_squeeze %dma_start3A_192 : memref<1x128x128xf32, #tpu.memory_space<hbm>> -> memref<128x128xf32, #tpu.memory_space<hbm>>
        %dma_start3A_194 = arith.constant 0 : i32
        %dma_start3A_195 = tpu.memref_slice %arg4[%run_scoped3A_188, %mul3A_187, %dma_start3A_194] : memref<2x200704x128xf32, #tpu.memory_space<hbm>> -> memref<1x128x128xf32, #tpu.memory_space<hbm>>
        %dma_start3A_196 = tpu.memref_squeeze %dma_start3A_195 : memref<1x128x128xf32, #tpu.memory_space<hbm>> -> memref<128x128xf32, #tpu.memory_space<hbm>>
        tpu.enqueue_dma source(%arg7 : memref<128x128xf32, #tpu.memory_space<vmem>>) target(%dma_start3A_196 : memref<128x128xf32, #tpu.memory_space<hbm>>) target_semaphore(%run_scoped3A_190 : memref<!tpu.dma_semaphore, #tpu.memory_space<semaphore_mem>>)
        %dma_wait3A_197 = arith.constant 0 : i32
        %dma_wait3A_198 = tpu.memref_slice %arg4[%run_scoped3A_188, %mul3A_187, %dma_wait3A_197] : memref<2x200704x128xf32, #tpu.memory_space<hbm>> -> memref<1x128x128xf32, #tpu.memory_space<hbm>>
        %dma_wait3A_199 = tpu.memref_squeeze %dma_wait3A_198 : memref<1x128x128xf32, #tpu.memory_space<hbm>> -> memref<128x128xf32, #tpu.memory_space<hbm>>
        %dma_wait3A_200 = arith.constant 0 : i32
        %dma_wait3A_201 = tpu.memref_slice %arg4[%run_scoped3A_188, %mul3A_187, %dma_wait3A_200] : memref<2x200704x128xf32, #tpu.memory_space<hbm>> -> memref<1x128x128xf32, #tpu.memory_space<hbm>>
        %dma_wait3A_202 = tpu.memref_squeeze %dma_wait3A_201 : memref<1x128x128xf32, #tpu.memory_space<hbm>> -> memref<128x128xf32, #tpu.memory_space<hbm>>
        tpu.wait_dma2 semaphore(%run_scoped3A_190 : memref<!tpu.dma_semaphore, #tpu.memory_space<semaphore_mem>>) src(%arg7 : memref<128x128xf32, #tpu.memory_space<vmem>>) dst(%dma_wait3A_202 : memref<128x128xf32, #tpu.memory_space<hbm>>)
        tpu.yield
      }) : () -> ()
      %scan3A_189 = arith.constant 0 : i32
      scf.yield %scan3A_189 : i32
    }
    %scan3A_8 = arith.constant 49 : i32
    %scan3A_9 = arith.constant 0 : i32
    %scan3A_10 = arith.constant 0 : i32
    %scan3A_11 = arith.constant 49 : i32
    %scan3A_12 = arith.addi %scan3A_10, %scan3A_11 : i32
    %scan3A_13 = arith.constant 1 : i32
    %scan3A_14 = scf.for %scan3A_16 = %scan3A_10 to %scan3A_12 step %scan3A_13 iter_args(%scan3A_17 = %scan3A_9) -> (i32)  : i32 {
      %mul3A_18 = arith.constant 8 : i32
      %mul3A_19 = arith.muli %scan3A_16, %mul3A_18 : i32
      %add3A_20 = arith.addi %mul3A_2, %mul3A_19 : i32
      %run_scoped3A = arith.constant 1 : i32
      "tpu.region"() ({
        %run_scoped3A_190 = tpu.sem_alloc : memref<!tpu.dma_semaphore, #tpu.memory_space<semaphore_mem>>
        %dma_start3A_191 = arith.constant 0 : i32
        %dma_start3A_192 = tpu.memref_slice %arg3[%run_scoped3A, %add3A_20, %dma_start3A_191] : memref<2x12544x128xi32, #tpu.memory_space<hbm>> -> memref<1x8x128xi32, #tpu.memory_space<hbm>>
        %dma_start3A_193 = tpu.memref_squeeze %dma_start3A_192 : memref<1x8x128xi32, #tpu.memory_space<hbm>> -> memref<8x128xi32, #tpu.memory_space<hbm>>
        %dma_start3A_194 = arith.constant 0 : i32
        %dma_start3A_195 = tpu.memref_slice %arg3[%run_scoped3A, %add3A_20, %dma_start3A_194] : memref<2x12544x128xi32, #tpu.memory_space<hbm>> -> memref<1x8x128xi32, #tpu.memory_space<hbm>>
        %dma_start3A_196 = tpu.memref_squeeze %dma_start3A_195 : memref<1x8x128xi32, #tpu.memory_space<hbm>> -> memref<8x128xi32, #tpu.memory_space<hbm>>
        tpu.enqueue_dma source(%dma_start3A_196 : memref<8x128xi32, #tpu.memory_space<hbm>>) target(%arg5 : memref<8x128xi32, #tpu.memory_space<vmem>>) target_semaphore(%run_scoped3A_190 : memref<!tpu.dma_semaphore, #tpu.memory_space<semaphore_mem>>)
        %dma_wait3A_197 = arith.constant 0 : i32
        %dma_wait3A_198 = tpu.memref_slice %arg3[%run_scoped3A, %add3A_20, %dma_wait3A_197] : memref<2x12544x128xi32, #tpu.memory_space<hbm>> -> memref<1x8x128xi32, #tpu.memory_space<hbm>>
        %dma_wait3A_199 = tpu.memref_squeeze %dma_wait3A_198 : memref<1x8x128xi32, #tpu.memory_space<hbm>> -> memref<8x128xi32, #tpu.memory_space<hbm>>
        %dma_wait3A_200 = arith.constant 0 : i32
        %dma_wait3A_201 = tpu.memref_slice %arg3[%run_scoped3A, %add3A_20, %dma_wait3A_200] : memref<2x12544x128xi32, #tpu.memory_space<hbm>> -> memref<1x8x128xi32, #tpu.memory_space<hbm>>
        %dma_wait3A_202 = tpu.memref_squeeze %dma_wait3A_201 : memref<1x8x128xi32, #tpu.memory_space<hbm>> -> memref<8x128xi32, #tpu.memory_space<hbm>>
        tpu.wait_dma2 semaphore(%run_scoped3A_190 : memref<!tpu.dma_semaphore, #tpu.memory_space<semaphore_mem>>) src(%dma_wait3A_202 : memref<8x128xi32, #tpu.memory_space<hbm>>) dst(%arg5 : memref<8x128xi32, #tpu.memory_space<vmem>>)
        tpu.yield
      }) : () -> ()
      %dma_start3A = arith.constant 0 : i32
      %dma_start3A_21 = arith.constant 0 : i32
      %dma_start3A_22 = arith.constant 0 : i32
      %dma_start3A_23 = tpu.memref_slice %arg6[%dma_start3A_21, %dma_start3A_22] : memref<1024x16xf32, #tpu.memory_space<vmem>> -> memref<128x16xf32, #tpu.memory_space<vmem>>
      %dma_start3A_24 = arith.constant 0 : i32
      %dma_start3A_25 = tpu.memref_slice %arg5[%dma_start3A, %dma_start3A_24] : memref<8x128xi32, #tpu.memory_space<vmem>> -> memref<1x128xi32, #tpu.memory_space<vmem>>
      %dma_start3A_26 = tpu.memref_squeeze %dma_start3A_25 : memref<1x128xi32, #tpu.memory_space<vmem>> -> memref<128xi32, #tpu.memory_space<vmem>>
      %dma_start3A_27 = arith.constant 0 : i32
      %dma_start3A_28 = arith.constant 0 : i32
      %dma_start3A_29 = tpu.memref_slice %arg2[%dma_start3A_27, %dma_start3A_28] : memref<100000x16xf32, #tpu.memory_space<hbm>> -> memref<100000x16xf32, #tpu.memory_space<hbm>>
      tpu.enqueue_indirect_dma source(%dma_start3A_29 : memref<100000x16xf32, #tpu.memory_space<hbm>>) target(%dma_start3A_23 : memref<128x16xf32, #tpu.memory_space<vmem>>) offsets(%dma_start3A_26 : memref<128xi32, #tpu.memory_space<vmem>>) semaphore(%arg8 : memref<!tpu.dma_semaphore, #tpu.memory_space<semaphore_mem>>)
      %dma_start3A_30 = arith.constant 1 : i32
      %dma_start3A_31 = arith.constant 128 : i32
      %dma_start3A_32 = arith.constant 0 : i32
      %dma_start3A_33 = tpu.memref_slice %arg6[%dma_start3A_31, %dma_start3A_32] : memref<1024x16xf32, #tpu.memory_space<vmem>> -> memref<128x16xf32, #tpu.memory_space<vmem>>
      %dma_start3A_34 = arith.constant 0 : i32
      %dma_start3A_35 = tpu.memref_slice %arg5[%dma_start3A_30, %dma_start3A_34] : memref<8x128xi32, #tpu.memory_space<vmem>> -> memref<1x128xi32, #tpu.memory_space<vmem>>
      %dma_start3A_36 = tpu.memref_squeeze %dma_start3A_35 : memref<1x128xi32, #tpu.memory_space<vmem>> -> memref<128xi32, #tpu.memory_space<vmem>>
      %dma_start3A_37 = arith.constant 0 : i32
      %dma_start3A_38 = arith.constant 0 : i32
      %dma_start3A_39 = tpu.memref_slice %arg2[%dma_start3A_37, %dma_start3A_38] : memref<100000x16xf32, #tpu.memory_space<hbm>> -> memref<100000x16xf32, #tpu.memory_space<hbm>>
      tpu.enqueue_indirect_dma source(%dma_start3A_39 : memref<100000x16xf32, #tpu.memory_space<hbm>>) target(%dma_start3A_33 : memref<128x16xf32, #tpu.memory_space<vmem>>) offsets(%dma_start3A_36 : memref<128xi32, #tpu.memory_space<vmem>>) semaphore(%arg8 : memref<!tpu.dma_semaphore, #tpu.memory_space<semaphore_mem>>)
      %dma_start3A_40 = arith.constant 2 : i32
      %dma_start3A_41 = arith.constant 256 : i32
      %dma_start3A_42 = arith.constant 0 : i32
      %dma_start3A_43 = tpu.memref_slice %arg6[%dma_start3A_41, %dma_start3A_42] : memref<1024x16xf32, #tpu.memory_space<vmem>> -> memref<128x16xf32, #tpu.memory_space<vmem>>
      %dma_start3A_44 = arith.constant 0 : i32
      %dma_start3A_45 = tpu.memref_slice %arg5[%dma_start3A_40, %dma_start3A_44] : memref<8x128xi32, #tpu.memory_space<vmem>> -> memref<1x128xi32, #tpu.memory_space<vmem>>
      %dma_start3A_46 = tpu.memref_squeeze %dma_start3A_45 : memref<1x128xi32, #tpu.memory_space<vmem>> -> memref<128xi32, #tpu.memory_space<vmem>>
      %dma_start3A_47 = arith.constant 0 : i32
      %dma_start3A_48 = arith.constant 0 : i32
      %dma_start3A_49 = tpu.memref_slice %arg2[%dma_start3A_47, %dma_start3A_48] : memref<100000x16xf32, #tpu.memory_space<hbm>> -> memref<100000x16xf32, #tpu.memory_space<hbm>>
      tpu.enqueue_indirect_dma source(%dma_start3A_49 : memref<100000x16xf32, #tpu.memory_space<hbm>>) target(%dma_start3A_43 : memref<128x16xf32, #tpu.memory_space<vmem>>) offsets(%dma_start3A_46 : memref<128xi32, #tpu.memory_space<vmem>>) semaphore(%arg8 : memref<!tpu.dma_semaphore, #tpu.memory_space<semaphore_mem>>)
      %dma_start3A_50 = arith.constant 3 : i32
      %dma_start3A_51 = arith.constant 384 : i32
      %dma_start3A_52 = arith.constant 0 : i32
      %dma_start3A_53 = tpu.memref_slice %arg6[%dma_start3A_51, %dma_start3A_52] : memref<1024x16xf32, #tpu.memory_space<vmem>> -> memref<128x16xf32, #tpu.memory_space<vmem>>
      %dma_start3A_54 = arith.constant 0 : i32
      %dma_start3A_55 = tpu.memref_slice %arg5[%dma_start3A_50, %dma_start3A_54] : memref<8x128xi32, #tpu.memory_space<vmem>> -> memref<1x128xi32, #tpu.memory_space<vmem>>
      %dma_start3A_56 = tpu.memref_squeeze %dma_start3A_55 : memref<1x128xi32, #tpu.memory_space<vmem>> -> memref<128xi32, #tpu.memory_space<vmem>>
      %dma_start3A_57 = arith.constant 0 : i32
      %dma_start3A_58 = arith.constant 0 : i32
      %dma_start3A_59 = tpu.memref_slice %arg2[%dma_start3A_57, %dma_start3A_58] : memref<100000x16xf32, #tpu.memory_space<hbm>> -> memref<100000x16xf32, #tpu.memory_space<hbm>>
      tpu.enqueue_indirect_dma source(%dma_start3A_59 : memref<100000x16xf32, #tpu.memory_space<hbm>>) target(%dma_start3A_53 : memref<128x16xf32, #tpu.memory_space<vmem>>) offsets(%dma_start3A_56 : memref<128xi32, #tpu.memory_space<vmem>>) semaphore(%arg8 : memref<!tpu.dma_semaphore, #tpu.memory_space<semaphore_mem>>)
      %dma_start3A_60 = arith.constant 4 : i32
      %dma_start3A_61 = arith.constant 512 : i32
      %dma_start3A_62 = arith.constant 0 : i32
      %dma_start3A_63 = tpu.memref_slice %arg6[%dma_start3A_61, %dma_start3A_62] : memref<1024x16xf32, #tpu.memory_space<vmem>> -> memref<128x16xf32, #tpu.memory_space<vmem>>
      %dma_start3A_64 = arith.constant 0 : i32
      %dma_start3A_65 = tpu.memref_slice %arg5[%dma_start3A_60, %dma_start3A_64] : memref<8x128xi32, #tpu.memory_space<vmem>> -> memref<1x128xi32, #tpu.memory_space<vmem>>
      %dma_start3A_66 = tpu.memref_squeeze %dma_start3A_65 : memref<1x128xi32, #tpu.memory_space<vmem>> -> memref<128xi32, #tpu.memory_space<vmem>>
      %dma_start3A_67 = arith.constant 0 : i32
      %dma_start3A_68 = arith.constant 0 : i32
      %dma_start3A_69 = tpu.memref_slice %arg2[%dma_start3A_67, %dma_start3A_68] : memref<100000x16xf32, #tpu.memory_space<hbm>> -> memref<100000x16xf32, #tpu.memory_space<hbm>>
      tpu.enqueue_indirect_dma source(%dma_start3A_69 : memref<100000x16xf32, #tpu.memory_space<hbm>>) target(%dma_start3A_63 : memref<128x16xf32, #tpu.memory_space<vmem>>) offsets(%dma_start3A_66 : memref<128xi32, #tpu.memory_space<vmem>>) semaphore(%arg8 : memref<!tpu.dma_semaphore, #tpu.memory_space<semaphore_mem>>)
      %dma_start3A_70 = arith.constant 5 : i32
      %dma_start3A_71 = arith.constant 640 : i32
      %dma_start3A_72 = arith.constant 0 : i32
      %dma_start3A_73 = tpu.memref_slice %arg6[%dma_start3A_71, %dma_start3A_72] : memref<1024x16xf32, #tpu.memory_space<vmem>> -> memref<128x16xf32, #tpu.memory_space<vmem>>
      %dma_start3A_74 = arith.constant 0 : i32
      %dma_start3A_75 = tpu.memref_slice %arg5[%dma_start3A_70, %dma_start3A_74] : memref<8x128xi32, #tpu.memory_space<vmem>> -> memref<1x128xi32, #tpu.memory_space<vmem>>
      %dma_start3A_76 = tpu.memref_squeeze %dma_start3A_75 : memref<1x128xi32, #tpu.memory_space<vmem>> -> memref<128xi32, #tpu.memory_space<vmem>>
      %dma_start3A_77 = arith.constant 0 : i32
      %dma_start3A_78 = arith.constant 0 : i32
      %dma_start3A_79 = tpu.memref_slice %arg2[%dma_start3A_77, %dma_start3A_78] : memref<100000x16xf32, #tpu.memory_space<hbm>> -> memref<100000x16xf32, #tpu.memory_space<hbm>>
      tpu.enqueue_indirect_dma source(%dma_start3A_79 : memref<100000x16xf32, #tpu.memory_space<hbm>>) target(%dma_start3A_73 : memref<128x16xf32, #tpu.memory_space<vmem>>) offsets(%dma_start3A_76 : memref<128xi32, #tpu.memory_space<vmem>>) semaphore(%arg8 : memref<!tpu.dma_semaphore, #tpu.memory_space<semaphore_mem>>)
      %dma_start3A_80 = arith.constant 6 : i32
      %dma_start3A_81 = arith.constant 768 : i32
      %dma_start3A_82 = arith.constant 0 : i32
      %dma_start3A_83 = tpu.memref_slice %arg6[%dma_start3A_81, %dma_start3A_82] : memref<1024x16xf32, #tpu.memory_space<vmem>> -> memref<128x16xf32, #tpu.memory_space<vmem>>
      %dma_start3A_84 = arith.constant 0 : i32
      %dma_start3A_85 = tpu.memref_slice %arg5[%dma_start3A_80, %dma_start3A_84] : memref<8x128xi32, #tpu.memory_space<vmem>> -> memref<1x128xi32, #tpu.memory_space<vmem>>
      %dma_start3A_86 = tpu.memref_squeeze %dma_start3A_85 : memref<1x128xi32, #tpu.memory_space<vmem>> -> memref<128xi32, #tpu.memory_space<vmem>>
      %dma_start3A_87 = arith.constant 0 : i32
      %dma_start3A_88 = arith.constant 0 : i32
      %dma_start3A_89 = tpu.memref_slice %arg2[%dma_start3A_87, %dma_start3A_88] : memref<100000x16xf32, #tpu.memory_space<hbm>> -> memref<100000x16xf32, #tpu.memory_space<hbm>>
      tpu.enqueue_indirect_dma source(%dma_start3A_89 : memref<100000x16xf32, #tpu.memory_space<hbm>>) target(%dma_start3A_83 : memref<128x16xf32, #tpu.memory_space<vmem>>) offsets(%dma_start3A_86 : memref<128xi32, #tpu.memory_space<vmem>>) semaphore(%arg8 : memref<!tpu.dma_semaphore, #tpu.memory_space<semaphore_mem>>)
      %dma_start3A_90 = arith.constant 7 : i32
      %dma_start3A_91 = arith.constant 896 : i32
      %dma_start3A_92 = arith.constant 0 : i32
      %dma_start3A_93 = tpu.memref_slice %arg6[%dma_start3A_91, %dma_start3A_92] : memref<1024x16xf32, #tpu.memory_space<vmem>> -> memref<128x16xf32, #tpu.memory_space<vmem>>
      %dma_start3A_94 = arith.constant 0 : i32
      %dma_start3A_95 = tpu.memref_slice %arg5[%dma_start3A_90, %dma_start3A_94] : memref<8x128xi32, #tpu.memory_space<vmem>> -> memref<1x128xi32, #tpu.memory_space<vmem>>
      %dma_start3A_96 = tpu.memref_squeeze %dma_start3A_95 : memref<1x128xi32, #tpu.memory_space<vmem>> -> memref<128xi32, #tpu.memory_space<vmem>>
      %dma_start3A_97 = arith.constant 0 : i32
      %dma_start3A_98 = arith.constant 0 : i32
      %dma_start3A_99 = tpu.memref_slice %arg2[%dma_start3A_97, %dma_start3A_98] : memref<100000x16xf32, #tpu.memory_space<hbm>> -> memref<100000x16xf32, #tpu.memory_space<hbm>>
      tpu.enqueue_indirect_dma source(%dma_start3A_99 : memref<100000x16xf32, #tpu.memory_space<hbm>>) target(%dma_start3A_93 : memref<128x16xf32, #tpu.memory_space<vmem>>) offsets(%dma_start3A_96 : memref<128xi32, #tpu.memory_space<vmem>>) semaphore(%arg8 : memref<!tpu.dma_semaphore, #tpu.memory_space<semaphore_mem>>)
      %dma_wait3A = arith.constant 0 : i32
      %dma_wait3A_100 = arith.constant 0 : i32
      %dma_wait3A_101 = arith.constant 0 : i32
      %dma_wait3A_102 = tpu.memref_slice %arg6[%dma_wait3A_100, %dma_wait3A_101] : memref<1024x16xf32, #tpu.memory_space<vmem>> -> memref<128x16xf32, #tpu.memory_space<vmem>>
      %dma_wait3A_103 = arith.constant 0 : i32
      %dma_wait3A_104 = tpu.memref_slice %arg5[%dma_wait3A, %dma_wait3A_103] : memref<8x128xi32, #tpu.memory_space<vmem>> -> memref<1x128xi32, #tpu.memory_space<vmem>>
      %dma_wait3A_105 = tpu.memref_squeeze %dma_wait3A_104 : memref<1x128xi32, #tpu.memory_space<vmem>> -> memref<128xi32, #tpu.memory_space<vmem>>
      %dma_wait3A_106 = arith.constant 0 : i32
      %dma_wait3A_107 = arith.constant 0 : i32
      %dma_wait3A_108 = tpu.memref_slice %arg2[%dma_wait3A_106, %dma_wait3A_107] : memref<100000x16xf32, #tpu.memory_space<hbm>> -> memref<100000x16xf32, #tpu.memory_space<hbm>>
      tpu.wait_indirect_dma semaphore(%arg8 : memref<!tpu.dma_semaphore, #tpu.memory_space<semaphore_mem>>) src(%dma_wait3A_108 : memref<100000x16xf32, #tpu.memory_space<hbm>>) dst(%dma_wait3A_102 : memref<128x16xf32, #tpu.memory_space<vmem>>)
      %dma_wait3A_109 = arith.constant 1 : i32
      %dma_wait3A_110 = arith.constant 128 : i32
      %dma_wait3A_111 = arith.constant 0 : i32
      %dma_wait3A_112 = tpu.memref_slice %arg6[%dma_wait3A_110, %dma_wait3A_111] : memref<1024x16xf32, #tpu.memory_space<vmem>> -> memref<128x16xf32, #tpu.memory_space<vmem>>
      %dma_wait3A_113 = arith.constant 0 : i32
      %dma_wait3A_114 = tpu.memref_slice %arg5[%dma_wait3A_109, %dma_wait3A_113] : memref<8x128xi32, #tpu.memory_space<vmem>> -> memref<1x128xi32, #tpu.memory_space<vmem>>
      %dma_wait3A_115 = tpu.memref_squeeze %dma_wait3A_114 : memref<1x128xi32, #tpu.memory_space<vmem>> -> memref<128xi32, #tpu.memory_space<vmem>>
      %dma_wait3A_116 = arith.constant 0 : i32
      %dma_wait3A_117 = arith.constant 0 : i32
      %dma_wait3A_118 = tpu.memref_slice %arg2[%dma_wait3A_116, %dma_wait3A_117] : memref<100000x16xf32, #tpu.memory_space<hbm>> -> memref<100000x16xf32, #tpu.memory_space<hbm>>
      tpu.wait_indirect_dma semaphore(%arg8 : memref<!tpu.dma_semaphore, #tpu.memory_space<semaphore_mem>>) src(%dma_wait3A_118 : memref<100000x16xf32, #tpu.memory_space<hbm>>) dst(%dma_wait3A_112 : memref<128x16xf32, #tpu.memory_space<vmem>>)
      %dma_wait3A_119 = arith.constant 2 : i32
      %dma_wait3A_120 = arith.constant 256 : i32
      %dma_wait3A_121 = arith.constant 0 : i32
      %dma_wait3A_122 = tpu.memref_slice %arg6[%dma_wait3A_120, %dma_wait3A_121] : memref<1024x16xf32, #tpu.memory_space<vmem>> -> memref<128x16xf32, #tpu.memory_space<vmem>>
      %dma_wait3A_123 = arith.constant 0 : i32
      %dma_wait3A_124 = tpu.memref_slice %arg5[%dma_wait3A_119, %dma_wait3A_123] : memref<8x128xi32, #tpu.memory_space<vmem>> -> memref<1x128xi32, #tpu.memory_space<vmem>>
      %dma_wait3A_125 = tpu.memref_squeeze %dma_wait3A_124 : memref<1x128xi32, #tpu.memory_space<vmem>> -> memref<128xi32, #tpu.memory_space<vmem>>
      %dma_wait3A_126 = arith.constant 0 : i32
      %dma_wait3A_127 = arith.constant 0 : i32
      %dma_wait3A_128 = tpu.memref_slice %arg2[%dma_wait3A_126, %dma_wait3A_127] : memref<100000x16xf32, #tpu.memory_space<hbm>> -> memref<100000x16xf32, #tpu.memory_space<hbm>>
      tpu.wait_indirect_dma semaphore(%arg8 : memref<!tpu.dma_semaphore, #tpu.memory_space<semaphore_mem>>) src(%dma_wait3A_128 : memref<100000x16xf32, #tpu.memory_space<hbm>>) dst(%dma_wait3A_122 : memref<128x16xf32, #tpu.memory_space<vmem>>)
      %dma_wait3A_129 = arith.constant 3 : i32
      %dma_wait3A_130 = arith.constant 384 : i32
      %dma_wait3A_131 = arith.constant 0 : i32
      %dma_wait3A_132 = tpu.memref_slice %arg6[%dma_wait3A_130, %dma_wait3A_131] : memref<1024x16xf32, #tpu.memory_space<vmem>> -> memref<128x16xf32, #tpu.memory_space<vmem>>
      %dma_wait3A_133 = arith.constant 0 : i32
      %dma_wait3A_134 = tpu.memref_slice %arg5[%dma_wait3A_129, %dma_wait3A_133] : memref<8x128xi32, #tpu.memory_space<vmem>> -> memref<1x128xi32, #tpu.memory_space<vmem>>
      %dma_wait3A_135 = tpu.memref_squeeze %dma_wait3A_134 : memref<1x128xi32, #tpu.memory_space<vmem>> -> memref<128xi32, #tpu.memory_space<vmem>>
      %dma_wait3A_136 = arith.constant 0 : i32
      %dma_wait3A_137 = arith.constant 0 : i32
      %dma_wait3A_138 = tpu.memref_slice %arg2[%dma_wait3A_136, %dma_wait3A_137] : memref<100000x16xf32, #tpu.memory_space<hbm>> -> memref<100000x16xf32, #tpu.memory_space<hbm>>
      tpu.wait_indirect_dma semaphore(%arg8 : memref<!tpu.dma_semaphore, #tpu.memory_space<semaphore_mem>>) src(%dma_wait3A_138 : memref<100000x16xf32, #tpu.memory_space<hbm>>) dst(%dma_wait3A_132 : memref<128x16xf32, #tpu.memory_space<vmem>>)
      %dma_wait3A_139 = arith.constant 4 : i32
      %dma_wait3A_140 = arith.constant 512 : i32
      %dma_wait3A_141 = arith.constant 0 : i32
      %dma_wait3A_142 = tpu.memref_slice %arg6[%dma_wait3A_140, %dma_wait3A_141] : memref<1024x16xf32, #tpu.memory_space<vmem>> -> memref<128x16xf32, #tpu.memory_space<vmem>>
      %dma_wait3A_143 = arith.constant 0 : i32
      %dma_wait3A_144 = tpu.memref_slice %arg5[%dma_wait3A_139, %dma_wait3A_143] : memref<8x128xi32, #tpu.memory_space<vmem>> -> memref<1x128xi32, #tpu.memory_space<vmem>>
      %dma_wait3A_145 = tpu.memref_squeeze %dma_wait3A_144 : memref<1x128xi32, #tpu.memory_space<vmem>> -> memref<128xi32, #tpu.memory_space<vmem>>
      %dma_wait3A_146 = arith.constant 0 : i32
      %dma_wait3A_147 = arith.constant 0 : i32
      %dma_wait3A_148 = tpu.memref_slice %arg2[%dma_wait3A_146, %dma_wait3A_147] : memref<100000x16xf32, #tpu.memory_space<hbm>> -> memref<100000x16xf32, #tpu.memory_space<hbm>>
      tpu.wait_indirect_dma semaphore(%arg8 : memref<!tpu.dma_semaphore, #tpu.memory_space<semaphore_mem>>) src(%dma_wait3A_148 : memref<100000x16xf32, #tpu.memory_space<hbm>>) dst(%dma_wait3A_142 : memref<128x16xf32, #tpu.memory_space<vmem>>)
      %dma_wait3A_149 = arith.constant 5 : i32
      %dma_wait3A_150 = arith.constant 640 : i32
      %dma_wait3A_151 = arith.constant 0 : i32
      %dma_wait3A_152 = tpu.memref_slice %arg6[%dma_wait3A_150, %dma_wait3A_151] : memref<1024x16xf32, #tpu.memory_space<vmem>> -> memref<128x16xf32, #tpu.memory_space<vmem>>
      %dma_wait3A_153 = arith.constant 0 : i32
      %dma_wait3A_154 = tpu.memref_slice %arg5[%dma_wait3A_149, %dma_wait3A_153] : memref<8x128xi32, #tpu.memory_space<vmem>> -> memref<1x128xi32, #tpu.memory_space<vmem>>
      %dma_wait3A_155 = tpu.memref_squeeze %dma_wait3A_154 : memref<1x128xi32, #tpu.memory_space<vmem>> -> memref<128xi32, #tpu.memory_space<vmem>>
      %dma_wait3A_156 = arith.constant 0 : i32
      %dma_wait3A_157 = arith.constant 0 : i32
      %dma_wait3A_158 = tpu.memref_slice %arg2[%dma_wait3A_156, %dma_wait3A_157] : memref<100000x16xf32, #tpu.memory_space<hbm>> -> memref<100000x16xf32, #tpu.memory_space<hbm>>
      tpu.wait_indirect_dma semaphore(%arg8 : memref<!tpu.dma_semaphore, #tpu.memory_space<semaphore_mem>>) src(%dma_wait3A_158 : memref<100000x16xf32, #tpu.memory_space<hbm>>) dst(%dma_wait3A_152 : memref<128x16xf32, #tpu.memory_space<vmem>>)
      %dma_wait3A_159 = arith.constant 6 : i32
      %dma_wait3A_160 = arith.constant 768 : i32
      %dma_wait3A_161 = arith.constant 0 : i32
      %dma_wait3A_162 = tpu.memref_slice %arg6[%dma_wait3A_160, %dma_wait3A_161] : memref<1024x16xf32, #tpu.memory_space<vmem>> -> memref<128x16xf32, #tpu.memory_space<vmem>>
      %dma_wait3A_163 = arith.constant 0 : i32
      %dma_wait3A_164 = tpu.memref_slice %arg5[%dma_wait3A_159, %dma_wait3A_163] : memref<8x128xi32, #tpu.memory_space<vmem>> -> memref<1x128xi32, #tpu.memory_space<vmem>>
      %dma_wait3A_165 = tpu.memref_squeeze %dma_wait3A_164 : memref<1x128xi32, #tpu.memory_space<vmem>> -> memref<128xi32, #tpu.memory_space<vmem>>
      %dma_wait3A_166 = arith.constant 0 : i32
      %dma_wait3A_167 = arith.constant 0 : i32
      %dma_wait3A_168 = tpu.memref_slice %arg2[%dma_wait3A_166, %dma_wait3A_167] : memref<100000x16xf32, #tpu.memory_space<hbm>> -> memref<100000x16xf32, #tpu.memory_space<hbm>>
      tpu.wait_indirect_dma semaphore(%arg8 : memref<!tpu.dma_semaphore, #tpu.memory_space<semaphore_mem>>) src(%dma_wait3A_168 : memref<100000x16xf32, #tpu.memory_space<hbm>>) dst(%dma_wait3A_162 : memref<128x16xf32, #tpu.memory_space<vmem>>)
      %dma_wait3A_169 = arith.constant 7 : i32
      %dma_wait3A_170 = arith.constant 896 : i32
      %dma_wait3A_171 = arith.constant 0 : i32
      %dma_wait3A_172 = tpu.memref_slice %arg6[%dma_wait3A_170, %dma_wait3A_171] : memref<1024x16xf32, #tpu.memory_space<vmem>> -> memref<128x16xf32, #tpu.memory_space<vmem>>
      %dma_wait3A_173 = arith.constant 0 : i32
      %dma_wait3A_174 = tpu.memref_slice %arg5[%dma_wait3A_169, %dma_wait3A_173] : memref<8x128xi32, #tpu.memory_space<vmem>> -> memref<1x128xi32, #tpu.memory_space<vmem>>
      %dma_wait3A_175 = tpu.memref_squeeze %dma_wait3A_174 : memref<1x128xi32, #tpu.memory_space<vmem>> -> memref<128xi32, #tpu.memory_space<vmem>>
      %dma_wait3A_176 = arith.constant 0 : i32
      %dma_wait3A_177 = arith.constant 0 : i32
      %dma_wait3A_178 = tpu.memref_slice %arg2[%dma_wait3A_176, %dma_wait3A_177] : memref<100000x16xf32, #tpu.memory_space<hbm>> -> memref<100000x16xf32, #tpu.memory_space<hbm>>
      tpu.wait_indirect_dma semaphore(%arg8 : memref<!tpu.dma_semaphore, #tpu.memory_space<semaphore_mem>>) src(%dma_wait3A_178 : memref<100000x16xf32, #tpu.memory_space<hbm>>) dst(%dma_wait3A_172 : memref<128x16xf32, #tpu.memory_space<vmem>>)
      %scan3A_179 = arith.constant 0 : i32
      %scan3A_180 = arith.constant 0 : i32
      %scan3A_181 = arith.constant 128 : i32
      %scan3A_182 = arith.addi %scan3A_180, %scan3A_181 : i32
      %scan3A_183 = arith.constant 1 : i32
      %scan3A_184 = scf.for %scan3A_190 = %scan3A_180 to %scan3A_182 step %scan3A_183 iter_args(%scan3A_191 = %scan3A_179) -> (i32)  : i32 {
        %mul3A_192 = arith.constant 8 : i32
        %mul3A_193 = arith.muli %scan3A_190, %mul3A_192 : i32
        %add3A_194 = arith.constant 0 : i32
        %add3A_195 = arith.addi %mul3A_193, %add3A_194 : i32
        %get3A = arith.index_cast %add3A_195 : i32 to index
        %get3A_196 = arith.constant 0 : index
        %get3A_197 = tpu.vector_load %arg6[%get3A, %get3A_196] {strides = array<i32>} : memref<1024x16xf32, #tpu.memory_space<vmem>>, vector<1x16xf32>,
        %get3A_198 = vector.shape_cast %get3A_197 : vector<1x16xf32> to vector<16xf32>
        %swap3A = arith.index_cast %scan3A_190 : i32 to index
        %swap3A_199 = arith.constant 0 : index
        %swap3A_200 = tpu.vector_load %arg7[%swap3A, %swap3A_199] {strides = array<i32>} : memref<128x128xf32, #tpu.memory_space<vmem>>, vector<1x16xf32>,
        %swap3A_201 = vector.shape_cast %swap3A_200 : vector<1x16xf32> to vector<16xf32>
        %swap3A_202 = vector.shape_cast %get3A_198 : vector<16xf32> to vector<1x16xf32>
        tpu.vector_store %arg7[%swap3A, %swap3A_199], %swap3A_202 {strides = array<i32>} : memref<128x128xf32, #tpu.memory_space<vmem>>, vector<1x16xf32>,
        %mul3A_203 = arith.constant 8 : i32
        %mul3A_204 = arith.muli %scan3A_190, %mul3A_203 : i32
        %add3A_205 = arith.constant 1 : i32
        %add3A_206 = arith.addi %mul3A_204, %add3A_205 : i32
        %get3A_207 = arith.index_cast %add3A_206 : i32 to index
        %get3A_208 = arith.constant 0 : index
        %get3A_209 = tpu.vector_load %arg6[%get3A_207, %get3A_208] {strides = array<i32>} : memref<1024x16xf32, #tpu.memory_space<vmem>>, vector<1x16xf32>,
        %get3A_210 = vector.shape_cast %get3A_209 : vector<1x16xf32> to vector<16xf32>
        %swap3A_211 = arith.index_cast %scan3A_190 : i32 to index
        %swap3A_212 = arith.constant 16 : index
        %swap3A_213 = tpu.vector_load %arg7[%swap3A_211, %swap3A_212] {strides = array<i32>} : memref<128x128xf32, #tpu.memory_space<vmem>>, vector<1x16xf32>,
        %swap3A_214 = vector.shape_cast %swap3A_213 : vector<1x16xf32> to vector<16xf32>
        %swap3A_215 = vector.shape_cast %get3A_210 : vector<16xf32> to vector<1x16xf32>
        tpu.vector_store %arg7[%swap3A_211, %swap3A_212], %swap3A_215 {strides = array<i32>} : memref<128x128xf32, #tpu.memory_space<vmem>>, vector<1x16xf32>,
        %mul3A_216 = arith.constant 8 : i32
        %mul3A_217 = arith.muli %scan3A_190, %mul3A_216 : i32
        %add3A_218 = arith.constant 2 : i32
        %add3A_219 = arith.addi %mul3A_217, %add3A_218 : i32
        %get3A_220 = arith.index_cast %add3A_219 : i32 to index
        %get3A_221 = arith.constant 0 : index
        %get3A_222 = tpu.vector_load %arg6[%get3A_220, %get3A_221] {strides = array<i32>} : memref<1024x16xf32, #tpu.memory_space<vmem>>, vector<1x16xf32>,
        %get3A_223 = vector.shape_cast %get3A_222 : vector<1x16xf32> to vector<16xf32>
        %swap3A_224 = arith.index_cast %scan3A_190 : i32 to index
        %swap3A_225 = arith.constant 32 : index
        %swap3A_226 = tpu.vector_load %arg7[%swap3A_224, %swap3A_225] {strides = array<i32>} : memref<128x128xf32, #tpu.memory_space<vmem>>, vector<1x16xf32>,
        %swap3A_227 = vector.shape_cast %swap3A_226 : vector<1x16xf32> to vector<16xf32>
        %swap3A_228 = vector.shape_cast %get3A_223 : vector<16xf32> to vector<1x16xf32>
        tpu.vector_store %arg7[%swap3A_224, %swap3A_225], %swap3A_228 {strides = array<i32>} : memref<128x128xf32, #tpu.memory_space<vmem>>, vector<1x16xf32>,
        %mul3A_229 = arith.constant 8 : i32
        %mul3A_230 = arith.muli %scan3A_190, %mul3A_229 : i32
        %add3A_231 = arith.constant 3 : i32
        %add3A_232 = arith.addi %mul3A_230, %add3A_231 : i32
        %get3A_233 = arith.index_cast %add3A_232 : i32 to index
        %get3A_234 = arith.constant 0 : index
        %get3A_235 = tpu.vector_load %arg6[%get3A_233, %get3A_234] {strides = array<i32>} : memref<1024x16xf32, #tpu.memory_space<vmem>>, vector<1x16xf32>,
        %get3A_236 = vector.shape_cast %get3A_235 : vector<1x16xf32> to vector<16xf32>
        %swap3A_237 = arith.index_cast %scan3A_190 : i32 to index
        %swap3A_238 = arith.constant 48 : index
        %swap3A_239 = tpu.vector_load %arg7[%swap3A_237, %swap3A_238] {strides = array<i32>} : memref<128x128xf32, #tpu.memory_space<vmem>>, vector<1x16xf32>,
        %swap3A_240 = vector.shape_cast %swap3A_239 : vector<1x16xf32> to vector<16xf32>
        %swap3A_241 = vector.shape_cast %get3A_236 : vector<16xf32> to vector<1x16xf32>
        tpu.vector_store %arg7[%swap3A_237, %swap3A_238], %swap3A_241 {strides = array<i32>} : memref<128x128xf32, #tpu.memory_space<vmem>>, vector<1x16xf32>,
        %mul3A_242 = arith.constant 8 : i32
        %mul3A_243 = arith.muli %scan3A_190, %mul3A_242 : i32
        %add3A_244 = arith.constant 4 : i32
        %add3A_245 = arith.addi %mul3A_243, %add3A_244 : i32
        %get3A_246 = arith.index_cast %add3A_245 : i32 to index
        %get3A_247 = arith.constant 0 : index
        %get3A_248 = tpu.vector_load %arg6[%get3A_246, %get3A_247] {strides = array<i32>} : memref<1024x16xf32, #tpu.memory_space<vmem>>, vector<1x16xf32>,
        %get3A_249 = vector.shape_cast %get3A_248 : vector<1x16xf32> to vector<16xf32>
        %swap3A_250 = arith.index_cast %scan3A_190 : i32 to index
        %swap3A_251 = arith.constant 64 : index
        %swap3A_252 = tpu.vector_load %arg7[%swap3A_250, %swap3A_251] {strides = array<i32>} : memref<128x128xf32, #tpu.memory_space<vmem>>, vector<1x16xf32>,
        %swap3A_253 = vector.shape_cast %swap3A_252 : vector<1x16xf32> to vector<16xf32>
        %swap3A_254 = vector.shape_cast %get3A_249 : vector<16xf32> to vector<1x16xf32>
        tpu.vector_store %arg7[%swap3A_250, %swap3A_251], %swap3A_254 {strides = array<i32>} : memref<128x128xf32, #tpu.memory_space<vmem>>, vector<1x16xf32>,
        %mul3A_255 = arith.constant 8 : i32
        %mul3A_256 = arith.muli %scan3A_190, %mul3A_255 : i32
        %add3A_257 = arith.constant 5 : i32
        %add3A_258 = arith.addi %mul3A_256, %add3A_257 : i32
        %get3A_259 = arith.index_cast %add3A_258 : i32 to index
        %get3A_260 = arith.constant 0 : index
        %get3A_261 = tpu.vector_load %arg6[%get3A_259, %get3A_260] {strides = array<i32>} : memref<1024x16xf32, #tpu.memory_space<vmem>>, vector<1x16xf32>,
        %get3A_262 = vector.shape_cast %get3A_261 : vector<1x16xf32> to vector<16xf32>
        %swap3A_263 = arith.index_cast %scan3A_190 : i32 to index
        %swap3A_264 = arith.constant 80 : index
        %swap3A_265 = tpu.vector_load %arg7[%swap3A_263, %swap3A_264] {strides = array<i32>} : memref<128x128xf32, #tpu.memory_space<vmem>>, vector<1x16xf32>,
        %swap3A_266 = vector.shape_cast %swap3A_265 : vector<1x16xf32> to vector<16xf32>
        %swap3A_267 = vector.shape_cast %get3A_262 : vector<16xf32> to vector<1x16xf32>
        tpu.vector_store %arg7[%swap3A_263, %swap3A_264], %swap3A_267 {strides = array<i32>} : memref<128x128xf32, #tpu.memory_space<vmem>>, vector<1x16xf32>,
        %mul3A_268 = arith.constant 8 : i32
        %mul3A_269 = arith.muli %scan3A_190, %mul3A_268 : i32
        %add3A_270 = arith.constant 6 : i32
        %add3A_271 = arith.addi %mul3A_269, %add3A_270 : i32
        %get3A_272 = arith.index_cast %add3A_271 : i32 to index
        %get3A_273 = arith.constant 0 : index
        %get3A_274 = tpu.vector_load %arg6[%get3A_272, %get3A_273] {strides = array<i32>} : memref<1024x16xf32, #tpu.memory_space<vmem>>, vector<1x16xf32>,
        %get3A_275 = vector.shape_cast %get3A_274 : vector<1x16xf32> to vector<16xf32>
        %swap3A_276 = arith.index_cast %scan3A_190 : i32 to index
        %swap3A_277 = arith.constant 96 : index
        %swap3A_278 = tpu.vector_load %arg7[%swap3A_276, %swap3A_277] {strides = array<i32>} : memref<128x128xf32, #tpu.memory_space<vmem>>, vector<1x16xf32>,
        %swap3A_279 = vector.shape_cast %swap3A_278 : vector<1x16xf32> to vector<16xf32>
        %swap3A_280 = vector.shape_cast %get3A_275 : vector<16xf32> to vector<1x16xf32>
        tpu.vector_store %arg7[%swap3A_276, %swap3A_277], %swap3A_280 {strides = array<i32>} : memref<128x128xf32, #tpu.memory_space<vmem>>, vector<1x16xf32>,
        %mul3A_281 = arith.constant 8 : i32
        %mul3A_282 = arith.muli %scan3A_190, %mul3A_281 : i32
        %add3A_283 = arith.constant 7 : i32
        %add3A_284 = arith.addi %mul3A_282, %add3A_283 : i32
        %get3A_285 = arith.index_cast %add3A_284 : i32 to index
        %get3A_286 = arith.constant 0 : index
        %get3A_287 = tpu.vector_load %arg6[%get3A_285, %get3A_286] {strides = array<i32>} : memref<1024x16xf32, #tpu.memory_space<vmem>>, vector<1x16xf32>,
        %get3A_288 = vector.shape_cast %get3A_287 : vector<1x16xf32> to vector<16xf32>
        %swap3A_289 = arith.index_cast %scan3A_190 : i32 to index
        %swap3A_290 = arith.constant 112 : index
        %swap3A_291 = tpu.vector_load %arg7[%swap3A_289, %swap3A_290] {strides = array<i32>} : memref<128x128xf32, #tpu.memory_space<vmem>>, vector<1x16xf32>,
        %swap3A_292 = vector.shape_cast %swap3A_291 : vector<1x16xf32> to vector<16xf32>
        %swap3A_293 = vector.shape_cast %get3A_288 : vector<16xf32> to vector<1x16xf32>
        tpu.vector_store %arg7[%swap3A_289, %swap3A_290], %swap3A_293 {strides = array<i32>} : memref<128x128xf32, #tpu.memory_space<vmem>>, vector<1x16xf32>,
        %scan3A_294 = arith.constant 0 : i32
        scf.yield %scan3A_294 : i32
      }
      %scan3A_185 = arith.constant 128 : i32
      %mul3A_186 = arith.constant 16 : i32
      %mul3A_187 = arith.muli %add3A_20, %mul3A_186 : i32
      %run_scoped3A_188 = arith.constant 1 : i32
      "tpu.region"() ({
        %run_scoped3A_190 = tpu.sem_alloc : memref<!tpu.dma_semaphore, #tpu.memory_space<semaphore_mem>>
        %dma_start3A_191 = arith.constant 0 : i32
        %dma_start3A_192 = tpu.memref_slice %arg4[%run_scoped3A_188, %mul3A_187, %dma_start3A_191] : memref<2x200704x128xf32, #tpu.memory_space<hbm>> -> memref<1x128x128xf32, #tpu.memory_space<hbm>>
        %dma_start3A_193 = tpu.memref_squeeze %dma_start3A_192 : memref<1x128x128xf32, #tpu.memory_space<hbm>> -> memref<128x128xf32, #tpu.memory_space<hbm>>
        %dma_start3A_194 = arith.constant 0 : i32
        %dma_start3A_195 = tpu.memref_slice %arg4[%run_scoped3A_188, %mul3A_187, %dma_start3A_194] : memref<2x200704x128xf32, #tpu.memory_space<hbm>> -> memref<1x128x128xf32, #tpu.memory_space<hbm>>
        %dma_start3A_196 = tpu.memref_squeeze %dma_start3A_195 : memref<1x128x128xf32, #tpu.memory_space<hbm>> -> memref<128x128xf32, #tpu.memory_space<hbm>>
        tpu.enqueue_dma source(%arg7 : memref<128x128xf32, #tpu.memory_space<vmem>>) target(%dma_start3A_196 : memref<128x128xf32, #tpu.memory_space<hbm>>) target_semaphore(%run_scoped3A_190 : memref<!tpu.dma_semaphore, #tpu.memory_space<semaphore_mem>>)
        %dma_wait3A_197 = arith.constant 0 : i32
        %dma_wait3A_198 = tpu.memref_slice %arg4[%run_scoped3A_188, %mul3A_187, %dma_wait3A_197] : memref<2x200704x128xf32, #tpu.memory_space<hbm>> -> memref<1x128x128xf32, #tpu.memory_space<hbm>>
        %dma_wait3A_199 = tpu.memref_squeeze %dma_wait3A_198 : memref<1x128x128xf32, #tpu.memory_space<hbm>> -> memref<128x128xf32, #tpu.memory_space<hbm>>
        %dma_wait3A_200 = arith.constant 0 : i32
        %dma_wait3A_201 = tpu.memref_slice %arg4[%run_scoped3A_188, %mul3A_187, %dma_wait3A_200] : memref<2x200704x128xf32, #tpu.memory_space<hbm>> -> memref<1x128x128xf32, #tpu.memory_space<hbm>>
        %dma_wait3A_202 = tpu.memref_squeeze %dma_wait3A_201 : memref<1x128x128xf32, #tpu.memory_space<hbm>> -> memref<128x128xf32, #tpu.memory_space<hbm>>
        tpu.wait_dma2 semaphore(%run_scoped3A_190 : memref<!tpu.dma_semaphore, #tpu.memory_space<semaphore_mem>>) src(%arg7 : memref<128x128xf32, #tpu.memory_space<vmem>>) dst(%dma_wait3A_202 : memref<128x128xf32, #tpu.memory_space<hbm>>)
        tpu.yield
      }) : () -> ()
      %scan3A_189 = arith.constant 0 : i32
      scf.yield %scan3A_189 : i32
    }
    %scan3A_15 = arith.constant 49 : i32
    return
  }
}

#map = affine_map<(d0, d1) -> (0, 0)>
#map1 = affine_map<(d0, d1) -> (0, 0, 0)>
module attributes {stable_mosaic.version = 14 : i64} {
  func.func @body(%arg0: i32, %arg1: i32, %arg2: memref<102400x128xf32, #tpu.memory_space<hbm>>, %arg3: memref<6400x128xi32, #tpu.memory_space<hbm>>, %arg4: memref<6251x16xf32, #tpu.memory_space<hbm>>, %arg5: memref<2x100000x16xf32, #tpu.memory_space<hbm>>, %arg6: memref<4x128xi32, #tpu.memory_space<vmem>>, %arg7: memref<512x16xf32, #tpu.memory_space<vmem>>, %arg8: memref<64x128xf32, #tpu.memory_space<vmem>>, %arg9: memref<100016x16xf32, #tpu.memory_space<vmem_shared>>) attributes {dimension_semantics = [#tpu.dimension_semantics<core_parallel>, #tpu.dimension_semantics<subcore_parallel>], iteration_bounds = array<i64: 2, 16>, scalar_prefetch = 0 : i64, scratch_operands = 4 : i64, tpu.core_type = #tpu.core_type<sc_vector_subcore>, window_params = [{transform_indices = #map}, {transform_indices = #map}, {transform_indices = #map}, {transform_indices = #map1}]} {
    %mul3A = arith.constant 2 : i32
    %mul3A_0 = arith.muli %arg1, %mul3A : i32
    %add3A = arith.addi %mul3A_0, %arg0 : i32
    %mul3A_1 = arith.constant 6251 : i32
    %mul3A_2 = arith.muli %arg1, %mul3A_1 : i32
    "tpu.region"() ({
      %run_scoped3A = tpu.sem_alloc : memref<!tpu.dma_semaphore, #tpu.memory_space<semaphore_mem>>
      %dma_start3A = arith.constant 0 : i32
      %dma_start3A_14 = tpu.memref_slice %arg9[%mul3A_2, %dma_start3A] : memref<100016x16xf32, #tpu.memory_space<vmem_shared>> -> memref<6251x16xf32, #tpu.memory_space<vmem_shared>>
      tpu.enqueue_dma source(%arg4 : memref<6251x16xf32, #tpu.memory_space<hbm>>) target(%dma_start3A_14 : memref<6251x16xf32, #tpu.memory_space<vmem_shared>>) target_semaphore(%run_scoped3A : memref<!tpu.dma_semaphore, #tpu.memory_space<semaphore_mem>>)
      %dma_wait3A = arith.constant 0 : i32
      %dma_wait3A_15 = tpu.memref_slice %arg9[%mul3A_2, %dma_wait3A] : memref<100016x16xf32, #tpu.memory_space<vmem_shared>> -> memref<6251x16xf32, #tpu.memory_space<vmem_shared>>
      tpu.wait_dma2 semaphore(%run_scoped3A : memref<!tpu.dma_semaphore, #tpu.memory_space<semaphore_mem>>) src(%arg4 : memref<6251x16xf32, #tpu.memory_space<hbm>>) dst(%dma_wait3A_15 : memref<6251x16xf32, #tpu.memory_space<vmem_shared>>)
      tpu.yield
    }) : () -> ()
    %barrier3A = arith.constant 0 : index
    tpu.barrier barrier_id(%barrier3A)
    %scan3A = arith.constant 0 : i32
    %scan3A_3 = arith.constant 0 : i32
    %scan3A_4 = arith.constant 50 : i32
    %scan3A_5 = arith.addi %scan3A_3, %scan3A_4 : i32
    %scan3A_6 = arith.constant 1 : i32
    %scan3A_7 = scf.for %scan3A_14 = %scan3A_3 to %scan3A_5 step %scan3A_6 iter_args(%scan3A_15 = %scan3A) -> (i32)  : i32 {
      %mul3A_16 = arith.constant 200 : i32
      %mul3A_17 = arith.muli %add3A, %mul3A_16 : i32
      %mul3A_18 = arith.constant 4 : i32
      %mul3A_19 = arith.muli %scan3A_14, %mul3A_18 : i32
      %add3A_20 = arith.addi %mul3A_17, %mul3A_19 : i32
      "tpu.region"() ({
        %run_scoped3A_36 = tpu.sem_alloc : memref<!tpu.dma_semaphore, #tpu.memory_space<semaphore_mem>>
        %dma_start3A = arith.constant 0 : i32
        %dma_start3A_37 = tpu.memref_slice %arg3[%add3A_20, %dma_start3A] : memref<6400x128xi32, #tpu.memory_space<hbm>> -> memref<4x128xi32, #tpu.memory_space<hbm>>
        %dma_start3A_38 = arith.constant 0 : i32
        %dma_start3A_39 = tpu.memref_slice %arg3[%add3A_20, %dma_start3A_38] : memref<6400x128xi32, #tpu.memory_space<hbm>> -> memref<4x128xi32, #tpu.memory_space<hbm>>
        tpu.enqueue_dma source(%dma_start3A_39 : memref<4x128xi32, #tpu.memory_space<hbm>>) target(%arg6 : memref<4x128xi32, #tpu.memory_space<vmem>>) target_semaphore(%run_scoped3A_36 : memref<!tpu.dma_semaphore, #tpu.memory_space<semaphore_mem>>)
        %dma_wait3A = arith.constant 0 : i32
        %dma_wait3A_40 = tpu.memref_slice %arg3[%add3A_20, %dma_wait3A] : memref<6400x128xi32, #tpu.memory_space<hbm>> -> memref<4x128xi32, #tpu.memory_space<hbm>>
        %dma_wait3A_41 = arith.constant 0 : i32
        %dma_wait3A_42 = tpu.memref_slice %arg3[%add3A_20, %dma_wait3A_41] : memref<6400x128xi32, #tpu.memory_space<hbm>> -> memref<4x128xi32, #tpu.memory_space<hbm>>
        tpu.wait_dma2 semaphore(%run_scoped3A_36 : memref<!tpu.dma_semaphore, #tpu.memory_space<semaphore_mem>>) src(%dma_wait3A_42 : memref<4x128xi32, #tpu.memory_space<hbm>>) dst(%arg6 : memref<4x128xi32, #tpu.memory_space<vmem>>)
        tpu.yield
      }) : () -> ()
      %mul3A_21 = arith.constant 16 : i32
      %mul3A_22 = arith.muli %add3A_20, %mul3A_21 : i32
      %add3A_23 = arith.constant 0 : i32
      %add3A_24 = arith.addi %add3A_23, %mul3A_22 : i32
      "tpu.region"() ({
        %run_scoped3A_36 = tpu.sem_alloc : memref<!tpu.dma_semaphore, #tpu.memory_space<semaphore_mem>>
        %dma_start3A = arith.constant 0 : i32
        %dma_start3A_37 = tpu.memref_slice %arg2[%add3A_24, %dma_start3A] : memref<102400x128xf32, #tpu.memory_space<hbm>> -> memref<64x128xf32, #tpu.memory_space<hbm>>
        %dma_start3A_38 = arith.constant 0 : i32
        %dma_start3A_39 = tpu.memref_slice %arg2[%add3A_24, %dma_start3A_38] : memref<102400x128xf32, #tpu.memory_space<hbm>> -> memref<64x128xf32, #tpu.memory_space<hbm>>
        tpu.enqueue_dma source(%dma_start3A_39 : memref<64x128xf32, #tpu.memory_space<hbm>>) target(%arg8 : memref<64x128xf32, #tpu.memory_space<vmem>>) target_semaphore(%run_scoped3A_36 : memref<!tpu.dma_semaphore, #tpu.memory_space<semaphore_mem>>)
        %dma_wait3A = arith.constant 0 : i32
        %dma_wait3A_40 = tpu.memref_slice %arg2[%add3A_24, %dma_wait3A] : memref<102400x128xf32, #tpu.memory_space<hbm>> -> memref<64x128xf32, #tpu.memory_space<hbm>>
        %dma_wait3A_41 = arith.constant 0 : i32
        %dma_wait3A_42 = tpu.memref_slice %arg2[%add3A_24, %dma_wait3A_41] : memref<102400x128xf32, #tpu.memory_space<hbm>> -> memref<64x128xf32, #tpu.memory_space<hbm>>
        tpu.wait_dma2 semaphore(%run_scoped3A_36 : memref<!tpu.dma_semaphore, #tpu.memory_space<semaphore_mem>>) src(%dma_wait3A_42 : memref<64x128xf32, #tpu.memory_space<hbm>>) dst(%arg8 : memref<64x128xf32, #tpu.memory_space<vmem>>)
        tpu.yield
      }) : () -> ()
      %scan3A_25 = arith.constant 0 : i32
      %scan3A_26 = arith.constant 0 : i32
      %scan3A_27 = arith.constant 64 : i32
      %scan3A_28 = arith.addi %scan3A_26, %scan3A_27 : i32
      %scan3A_29 = arith.constant 1 : i32
      %scan3A_30 = scf.for %scan3A_36 = %scan3A_26 to %scan3A_28 step %scan3A_29 iter_args(%scan3A_37 = %scan3A_25) -> (i32)  : i32 {
        %get3A = arith.index_cast %scan3A_36 : i32 to index
        %get3A_38 = arith.constant 0 : index
        %get3A_39 = tpu.vector_load %arg8[%get3A, %get3A_38] {strides = array<i32>} : memref<64x128xf32, #tpu.memory_space<vmem>>, vector<1x16xf32>,
        %get3A_40 = vector.shape_cast %get3A_39 : vector<1x16xf32> to vector<16xf32>
        %mul3A_41 = arith.constant 8 : i32
        %mul3A_42 = arith.muli %scan3A_36, %mul3A_41 : i32
        %add3A_43 = arith.constant 0 : i32
        %add3A_44 = arith.addi %mul3A_42, %add3A_43 : i32
        %swap3A = arith.index_cast %add3A_44 : i32 to index
        %swap3A_45 = arith.constant 0 : index
        %swap3A_46 = tpu.vector_load %arg7[%swap3A, %swap3A_45] {strides = array<i32>} : memref<512x16xf32, #tpu.memory_space<vmem>>, vector<1x16xf32>,
        %swap3A_47 = vector.shape_cast %swap3A_46 : vector<1x16xf32> to vector<16xf32>
        %swap3A_48 = vector.shape_cast %get3A_40 : vector<16xf32> to vector<1x16xf32>
        tpu.vector_store %arg7[%swap3A, %swap3A_45], %swap3A_48 {strides = array<i32>} : memref<512x16xf32, #tpu.memory_space<vmem>>, vector<1x16xf32>,
        %get3A_49 = arith.index_cast %scan3A_36 : i32 to index
        %get3A_50 = arith.constant 16 : index
        %get3A_51 = tpu.vector_load %arg8[%get3A_49, %get3A_50] {strides = array<i32>} : memref<64x128xf32, #tpu.memory_space<vmem>>, vector<1x16xf32>,
        %get3A_52 = vector.shape_cast %get3A_51 : vector<1x16xf32> to vector<16xf32>
        %mul3A_53 = arith.constant 8 : i32
        %mul3A_54 = arith.muli %scan3A_36, %mul3A_53 : i32
        %add3A_55 = arith.constant 1 : i32
        %add3A_56 = arith.addi %mul3A_54, %add3A_55 : i32
        %swap3A_57 = arith.index_cast %add3A_56 : i32 to index
        %swap3A_58 = arith.constant 0 : index
        %swap3A_59 = tpu.vector_load %arg7[%swap3A_57, %swap3A_58] {strides = array<i32>} : memref<512x16xf32, #tpu.memory_space<vmem>>, vector<1x16xf32>,
        %swap3A_60 = vector.shape_cast %swap3A_59 : vector<1x16xf32> to vector<16xf32>
        %swap3A_61 = vector.shape_cast %get3A_52 : vector<16xf32> to vector<1x16xf32>
        tpu.vector_store %arg7[%swap3A_57, %swap3A_58], %swap3A_61 {strides = array<i32>} : memref<512x16xf32, #tpu.memory_space<vmem>>, vector<1x16xf32>,
        %get3A_62 = arith.index_cast %scan3A_36 : i32 to index
        %get3A_63 = arith.constant 32 : index
        %get3A_64 = tpu.vector_load %arg8[%get3A_62, %get3A_63] {strides = array<i32>} : memref<64x128xf32, #tpu.memory_space<vmem>>, vector<1x16xf32>,
        %get3A_65 = vector.shape_cast %get3A_64 : vector<1x16xf32> to vector<16xf32>
        %mul3A_66 = arith.constant 8 : i32
        %mul3A_67 = arith.muli %scan3A_36, %mul3A_66 : i32
        %add3A_68 = arith.constant 2 : i32
        %add3A_69 = arith.addi %mul3A_67, %add3A_68 : i32
        %swap3A_70 = arith.index_cast %add3A_69 : i32 to index
        %swap3A_71 = arith.constant 0 : index
        %swap3A_72 = tpu.vector_load %arg7[%swap3A_70, %swap3A_71] {strides = array<i32>} : memref<512x16xf32, #tpu.memory_space<vmem>>, vector<1x16xf32>,
        %swap3A_73 = vector.shape_cast %swap3A_72 : vector<1x16xf32> to vector<16xf32>
        %swap3A_74 = vector.shape_cast %get3A_65 : vector<16xf32> to vector<1x16xf32>
        tpu.vector_store %arg7[%swap3A_70, %swap3A_71], %swap3A_74 {strides = array<i32>} : memref<512x16xf32, #tpu.memory_space<vmem>>, vector<1x16xf32>,
        %get3A_75 = arith.index_cast %scan3A_36 : i32 to index
        %get3A_76 = arith.constant 48 : index
        %get3A_77 = tpu.vector_load %arg8[%get3A_75, %get3A_76] {strides = array<i32>} : memref<64x128xf32, #tpu.memory_space<vmem>>, vector<1x16xf32>,
        %get3A_78 = vector.shape_cast %get3A_77 : vector<1x16xf32> to vector<16xf32>
        %mul3A_79 = arith.constant 8 : i32
        %mul3A_80 = arith.muli %scan3A_36, %mul3A_79 : i32
        %add3A_81 = arith.constant 3 : i32
        %add3A_82 = arith.addi %mul3A_80, %add3A_81 : i32
        %swap3A_83 = arith.index_cast %add3A_82 : i32 to index
        %swap3A_84 = arith.constant 0 : index
        %swap3A_85 = tpu.vector_load %arg7[%swap3A_83, %swap3A_84] {strides = array<i32>} : memref<512x16xf32, #tpu.memory_space<vmem>>, vector<1x16xf32>,
        %swap3A_86 = vector.shape_cast %swap3A_85 : vector<1x16xf32> to vector<16xf32>
        %swap3A_87 = vector.shape_cast %get3A_78 : vector<16xf32> to vector<1x16xf32>
        tpu.vector_store %arg7[%swap3A_83, %swap3A_84], %swap3A_87 {strides = array<i32>} : memref<512x16xf32, #tpu.memory_space<vmem>>, vector<1x16xf32>,
        %get3A_88 = arith.index_cast %scan3A_36 : i32 to index
        %get3A_89 = arith.constant 64 : index
        %get3A_90 = tpu.vector_load %arg8[%get3A_88, %get3A_89] {strides = array<i32>} : memref<64x128xf32, #tpu.memory_space<vmem>>, vector<1x16xf32>,
        %get3A_91 = vector.shape_cast %get3A_90 : vector<1x16xf32> to vector<16xf32>
        %mul3A_92 = arith.constant 8 : i32
        %mul3A_93 = arith.muli %scan3A_36, %mul3A_92 : i32
        %add3A_94 = arith.constant 4 : i32
        %add3A_95 = arith.addi %mul3A_93, %add3A_94 : i32
        %swap3A_96 = arith.index_cast %add3A_95 : i32 to index
        %swap3A_97 = arith.constant 0 : index
        %swap3A_98 = tpu.vector_load %arg7[%swap3A_96, %swap3A_97] {strides = array<i32>} : memref<512x16xf32, #tpu.memory_space<vmem>>, vector<1x16xf32>,
        %swap3A_99 = vector.shape_cast %swap3A_98 : vector<1x16xf32> to vector<16xf32>
        %swap3A_100 = vector.shape_cast %get3A_91 : vector<16xf32> to vector<1x16xf32>
        tpu.vector_store %arg7[%swap3A_96, %swap3A_97], %swap3A_100 {strides = array<i32>} : memref<512x16xf32, #tpu.memory_space<vmem>>, vector<1x16xf32>,
        %get3A_101 = arith.index_cast %scan3A_36 : i32 to index
        %get3A_102 = arith.constant 80 : index
        %get3A_103 = tpu.vector_load %arg8[%get3A_101, %get3A_102] {strides = array<i32>} : memref<64x128xf32, #tpu.memory_space<vmem>>, vector<1x16xf32>,
        %get3A_104 = vector.shape_cast %get3A_103 : vector<1x16xf32> to vector<16xf32>
        %mul3A_105 = arith.constant 8 : i32
        %mul3A_106 = arith.muli %scan3A_36, %mul3A_105 : i32
        %add3A_107 = arith.constant 5 : i32
        %add3A_108 = arith.addi %mul3A_106, %add3A_107 : i32
        %swap3A_109 = arith.index_cast %add3A_108 : i32 to index
        %swap3A_110 = arith.constant 0 : index
        %swap3A_111 = tpu.vector_load %arg7[%swap3A_109, %swap3A_110] {strides = array<i32>} : memref<512x16xf32, #tpu.memory_space<vmem>>, vector<1x16xf32>,
        %swap3A_112 = vector.shape_cast %swap3A_111 : vector<1x16xf32> to vector<16xf32>
        %swap3A_113 = vector.shape_cast %get3A_104 : vector<16xf32> to vector<1x16xf32>
        tpu.vector_store %arg7[%swap3A_109, %swap3A_110], %swap3A_113 {strides = array<i32>} : memref<512x16xf32, #tpu.memory_space<vmem>>, vector<1x16xf32>,
        %get3A_114 = arith.index_cast %scan3A_36 : i32 to index
        %get3A_115 = arith.constant 96 : index
        %get3A_116 = tpu.vector_load %arg8[%get3A_114, %get3A_115] {strides = array<i32>} : memref<64x128xf32, #tpu.memory_space<vmem>>, vector<1x16xf32>,
        %get3A_117 = vector.shape_cast %get3A_116 : vector<1x16xf32> to vector<16xf32>
        %mul3A_118 = arith.constant 8 : i32
        %mul3A_119 = arith.muli %scan3A_36, %mul3A_118 : i32
        %add3A_120 = arith.constant 6 : i32
        %add3A_121 = arith.addi %mul3A_119, %add3A_120 : i32
        %swap3A_122 = arith.index_cast %add3A_121 : i32 to index
        %swap3A_123 = arith.constant 0 : index
        %swap3A_124 = tpu.vector_load %arg7[%swap3A_122, %swap3A_123] {strides = array<i32>} : memref<512x16xf32, #tpu.memory_space<vmem>>, vector<1x16xf32>,
        %swap3A_125 = vector.shape_cast %swap3A_124 : vector<1x16xf32> to vector<16xf32>
        %swap3A_126 = vector.shape_cast %get3A_117 : vector<16xf32> to vector<1x16xf32>
        tpu.vector_store %arg7[%swap3A_122, %swap3A_123], %swap3A_126 {strides = array<i32>} : memref<512x16xf32, #tpu.memory_space<vmem>>, vector<1x16xf32>,
        %get3A_127 = arith.index_cast %scan3A_36 : i32 to index
        %get3A_128 = arith.constant 112 : index
        %get3A_129 = tpu.vector_load %arg8[%get3A_127, %get3A_128] {strides = array<i32>} : memref<64x128xf32, #tpu.memory_space<vmem>>, vector<1x16xf32>,
        %get3A_130 = vector.shape_cast %get3A_129 : vector<1x16xf32> to vector<16xf32>
        %mul3A_131 = arith.constant 8 : i32
        %mul3A_132 = arith.muli %scan3A_36, %mul3A_131 : i32
        %add3A_133 = arith.constant 7 : i32
        %add3A_134 = arith.addi %mul3A_132, %add3A_133 : i32
        %swap3A_135 = arith.index_cast %add3A_134 : i32 to index
        %swap3A_136 = arith.constant 0 : index
        %swap3A_137 = tpu.vector_load %arg7[%swap3A_135, %swap3A_136] {strides = array<i32>} : memref<512x16xf32, #tpu.memory_space<vmem>>, vector<1x16xf32>,
        %swap3A_138 = vector.shape_cast %swap3A_137 : vector<1x16xf32> to vector<16xf32>
        %swap3A_139 = vector.shape_cast %get3A_130 : vector<16xf32> to vector<1x16xf32>
        tpu.vector_store %arg7[%swap3A_135, %swap3A_136], %swap3A_139 {strides = array<i32>} : memref<512x16xf32, #tpu.memory_space<vmem>>, vector<1x16xf32>,
        %scan3A_140 = arith.constant 0 : i32
        scf.yield %scan3A_140 : i32
      }
      %scan3A_31 = arith.constant 64 : i32
      %run_scoped3A = arith.constant 0 : i32
      "tpu.region"() ({
        %run_scoped3A_36 = tpu.sem_alloc : memref<!tpu.dma_semaphore, #tpu.memory_space<semaphore_mem>>
        %dma_start3A = arith.constant 0 : i32
        %dma_start3A_37 = arith.constant 0 : i32
        %dma_start3A_38 = tpu.memref_slice %arg7[%dma_start3A, %dma_start3A_37] : memref<512x16xf32, #tpu.memory_space<vmem>> -> memref<128x16xf32, #tpu.memory_space<vmem>>
        %dma_start3A_39 = arith.constant 0 : i32
        %dma_start3A_40 = tpu.memref_slice %arg6[%run_scoped3A, %dma_start3A_39] : memref<4x128xi32, #tpu.memory_space<vmem>> -> memref<1x128xi32, #tpu.memory_space<vmem>>
        %dma_start3A_41 = tpu.memref_squeeze %dma_start3A_40 : memref<1x128xi32, #tpu.memory_space<vmem>> -> memref<128xi32, #tpu.memory_space<vmem>>
        %dma_start3A_42 = arith.constant 0 : i32
        %dma_start3A_43 = arith.constant 0 : i32
        %dma_start3A_44 = tpu.memref_slice %arg9[%dma_start3A_42, %dma_start3A_43] : memref<100016x16xf32, #tpu.memory_space<vmem_shared>> -> memref<100016x16xf32, #tpu.memory_space<vmem_shared>>
        tpu.enqueue_indirect_dma source(%dma_start3A_38 : memref<128x16xf32, #tpu.memory_space<vmem>>) target(%dma_start3A_44 : memref<100016x16xf32, #tpu.memory_space<vmem_shared>>) offsets(%dma_start3A_41 : memref<128xi32, #tpu.memory_space<vmem>>) semaphore(%run_scoped3A_36 : memref<!tpu.dma_semaphore, #tpu.memory_space<semaphore_mem>>) {add = true}
        %dma_wait3A = arith.constant 0 : i32
        %dma_wait3A_45 = arith.constant 0 : i32
        %dma_wait3A_46 = tpu.memref_slice %arg7[%dma_wait3A, %dma_wait3A_45] : memref<512x16xf32, #tpu.memory_space<vmem>> -> memref<128x16xf32, #tpu.memory_space<vmem>>
        %dma_wait3A_47 = arith.constant 0 : i32
        %dma_wait3A_48 = tpu.memref_slice %arg6[%run_scoped3A, %dma_wait3A_47] : memref<4x128xi32, #tpu.memory_space<vmem>> -> memref<1x128xi32, #tpu.memory_space<vmem>>
        %dma_wait3A_49 = tpu.memref_squeeze %dma_wait3A_48 : memref<1x128xi32, #tpu.memory_space<vmem>> -> memref<128xi32, #tpu.memory_space<vmem>>
        %dma_wait3A_50 = arith.constant 0 : i32
        %dma_wait3A_51 = arith.constant 0 : i32
        %dma_wait3A_52 = tpu.memref_slice %arg9[%dma_wait3A_50, %dma_wait3A_51] : memref<100016x16xf32, #tpu.memory_space<vmem_shared>> -> memref<100016x16xf32, #tpu.memory_space<vmem_shared>>
        tpu.wait_indirect_dma semaphore(%run_scoped3A_36 : memref<!tpu.dma_semaphore, #tpu.memory_space<semaphore_mem>>) src(%dma_wait3A_46 : memref<128x16xf32, #tpu.memory_space<vmem>>) dst(%dma_wait3A_52 : memref<100016x16xf32, #tpu.memory_space<vmem_shared>>)
        tpu.yield
      }) : () -> ()
      %run_scoped3A_32 = arith.constant 1 : i32
      "tpu.region"() ({
        %run_scoped3A_36 = tpu.sem_alloc : memref<!tpu.dma_semaphore, #tpu.memory_space<semaphore_mem>>
        %dma_start3A = arith.constant 128 : i32
        %dma_start3A_37 = arith.constant 0 : i32
        %dma_start3A_38 = tpu.memref_slice %arg7[%dma_start3A, %dma_start3A_37] : memref<512x16xf32, #tpu.memory_space<vmem>> -> memref<128x16xf32, #tpu.memory_space<vmem>>
        %dma_start3A_39 = arith.constant 0 : i32
        %dma_start3A_40 = tpu.memref_slice %arg6[%run_scoped3A_32, %dma_start3A_39] : memref<4x128xi32, #tpu.memory_space<vmem>> -> memref<1x128xi32, #tpu.memory_space<vmem>>
        %dma_start3A_41 = tpu.memref_squeeze %dma_start3A_40 : memref<1x128xi32, #tpu.memory_space<vmem>> -> memref<128xi32, #tpu.memory_space<vmem>>
        %dma_start3A_42 = arith.constant 0 : i32
        %dma_start3A_43 = arith.constant 0 : i32
        %dma_start3A_44 = tpu.memref_slice %arg9[%dma_start3A_42, %dma_start3A_43] : memref<100016x16xf32, #tpu.memory_space<vmem_shared>> -> memref<100016x16xf32, #tpu.memory_space<vmem_shared>>
        tpu.enqueue_indirect_dma source(%dma_start3A_38 : memref<128x16xf32, #tpu.memory_space<vmem>>) target(%dma_start3A_44 : memref<100016x16xf32, #tpu.memory_space<vmem_shared>>) offsets(%dma_start3A_41 : memref<128xi32, #tpu.memory_space<vmem>>) semaphore(%run_scoped3A_36 : memref<!tpu.dma_semaphore, #tpu.memory_space<semaphore_mem>>) {add = true}
        %dma_wait3A = arith.constant 128 : i32
        %dma_wait3A_45 = arith.constant 0 : i32
        %dma_wait3A_46 = tpu.memref_slice %arg7[%dma_wait3A, %dma_wait3A_45] : memref<512x16xf32, #tpu.memory_space<vmem>> -> memref<128x16xf32, #tpu.memory_space<vmem>>
        %dma_wait3A_47 = arith.constant 0 : i32
        %dma_wait3A_48 = tpu.memref_slice %arg6[%run_scoped3A_32, %dma_wait3A_47] : memref<4x128xi32, #tpu.memory_space<vmem>> -> memref<1x128xi32, #tpu.memory_space<vmem>>
        %dma_wait3A_49 = tpu.memref_squeeze %dma_wait3A_48 : memref<1x128xi32, #tpu.memory_space<vmem>> -> memref<128xi32, #tpu.memory_space<vmem>>
        %dma_wait3A_50 = arith.constant 0 : i32
        %dma_wait3A_51 = arith.constant 0 : i32
        %dma_wait3A_52 = tpu.memref_slice %arg9[%dma_wait3A_50, %dma_wait3A_51] : memref<100016x16xf32, #tpu.memory_space<vmem_shared>> -> memref<100016x16xf32, #tpu.memory_space<vmem_shared>>
        tpu.wait_indirect_dma semaphore(%run_scoped3A_36 : memref<!tpu.dma_semaphore, #tpu.memory_space<semaphore_mem>>) src(%dma_wait3A_46 : memref<128x16xf32, #tpu.memory_space<vmem>>) dst(%dma_wait3A_52 : memref<100016x16xf32, #tpu.memory_space<vmem_shared>>)
        tpu.yield
      }) : () -> ()
      %run_scoped3A_33 = arith.constant 2 : i32
      "tpu.region"() ({
        %run_scoped3A_36 = tpu.sem_alloc : memref<!tpu.dma_semaphore, #tpu.memory_space<semaphore_mem>>
        %dma_start3A = arith.constant 256 : i32
        %dma_start3A_37 = arith.constant 0 : i32
        %dma_start3A_38 = tpu.memref_slice %arg7[%dma_start3A, %dma_start3A_37] : memref<512x16xf32, #tpu.memory_space<vmem>> -> memref<128x16xf32, #tpu.memory_space<vmem>>
        %dma_start3A_39 = arith.constant 0 : i32
        %dma_start3A_40 = tpu.memref_slice %arg6[%run_scoped3A_33, %dma_start3A_39] : memref<4x128xi32, #tpu.memory_space<vmem>> -> memref<1x128xi32, #tpu.memory_space<vmem>>
        %dma_start3A_41 = tpu.memref_squeeze %dma_start3A_40 : memref<1x128xi32, #tpu.memory_space<vmem>> -> memref<128xi32, #tpu.memory_space<vmem>>
        %dma_start3A_42 = arith.constant 0 : i32
        %dma_start3A_43 = arith.constant 0 : i32
        %dma_start3A_44 = tpu.memref_slice %arg9[%dma_start3A_42, %dma_start3A_43] : memref<100016x16xf32, #tpu.memory_space<vmem_shared>> -> memref<100016x16xf32, #tpu.memory_space<vmem_shared>>
        tpu.enqueue_indirect_dma source(%dma_start3A_38 : memref<128x16xf32, #tpu.memory_space<vmem>>) target(%dma_start3A_44 : memref<100016x16xf32, #tpu.memory_space<vmem_shared>>) offsets(%dma_start3A_41 : memref<128xi32, #tpu.memory_space<vmem>>) semaphore(%run_scoped3A_36 : memref<!tpu.dma_semaphore, #tpu.memory_space<semaphore_mem>>) {add = true}
        %dma_wait3A = arith.constant 256 : i32
        %dma_wait3A_45 = arith.constant 0 : i32
        %dma_wait3A_46 = tpu.memref_slice %arg7[%dma_wait3A, %dma_wait3A_45] : memref<512x16xf32, #tpu.memory_space<vmem>> -> memref<128x16xf32, #tpu.memory_space<vmem>>
        %dma_wait3A_47 = arith.constant 0 : i32
        %dma_wait3A_48 = tpu.memref_slice %arg6[%run_scoped3A_33, %dma_wait3A_47] : memref<4x128xi32, #tpu.memory_space<vmem>> -> memref<1x128xi32, #tpu.memory_space<vmem>>
        %dma_wait3A_49 = tpu.memref_squeeze %dma_wait3A_48 : memref<1x128xi32, #tpu.memory_space<vmem>> -> memref<128xi32, #tpu.memory_space<vmem>>
        %dma_wait3A_50 = arith.constant 0 : i32
        %dma_wait3A_51 = arith.constant 0 : i32
        %dma_wait3A_52 = tpu.memref_slice %arg9[%dma_wait3A_50, %dma_wait3A_51] : memref<100016x16xf32, #tpu.memory_space<vmem_shared>> -> memref<100016x16xf32, #tpu.memory_space<vmem_shared>>
        tpu.wait_indirect_dma semaphore(%run_scoped3A_36 : memref<!tpu.dma_semaphore, #tpu.memory_space<semaphore_mem>>) src(%dma_wait3A_46 : memref<128x16xf32, #tpu.memory_space<vmem>>) dst(%dma_wait3A_52 : memref<100016x16xf32, #tpu.memory_space<vmem_shared>>)
        tpu.yield
      }) : () -> ()
      %run_scoped3A_34 = arith.constant 3 : i32
      "tpu.region"() ({
        %run_scoped3A_36 = tpu.sem_alloc : memref<!tpu.dma_semaphore, #tpu.memory_space<semaphore_mem>>
        %dma_start3A = arith.constant 384 : i32
        %dma_start3A_37 = arith.constant 0 : i32
        %dma_start3A_38 = tpu.memref_slice %arg7[%dma_start3A, %dma_start3A_37] : memref<512x16xf32, #tpu.memory_space<vmem>> -> memref<128x16xf32, #tpu.memory_space<vmem>>
        %dma_start3A_39 = arith.constant 0 : i32
        %dma_start3A_40 = tpu.memref_slice %arg6[%run_scoped3A_34, %dma_start3A_39] : memref<4x128xi32, #tpu.memory_space<vmem>> -> memref<1x128xi32, #tpu.memory_space<vmem>>
        %dma_start3A_41 = tpu.memref_squeeze %dma_start3A_40 : memref<1x128xi32, #tpu.memory_space<vmem>> -> memref<128xi32, #tpu.memory_space<vmem>>
        %dma_start3A_42 = arith.constant 0 : i32
        %dma_start3A_43 = arith.constant 0 : i32
        %dma_start3A_44 = tpu.memref_slice %arg9[%dma_start3A_42, %dma_start3A_43] : memref<100016x16xf32, #tpu.memory_space<vmem_shared>> -> memref<100016x16xf32, #tpu.memory_space<vmem_shared>>
        tpu.enqueue_indirect_dma source(%dma_start3A_38 : memref<128x16xf32, #tpu.memory_space<vmem>>) target(%dma_start3A_44 : memref<100016x16xf32, #tpu.memory_space<vmem_shared>>) offsets(%dma_start3A_41 : memref<128xi32, #tpu.memory_space<vmem>>) semaphore(%run_scoped3A_36 : memref<!tpu.dma_semaphore, #tpu.memory_space<semaphore_mem>>) {add = true}
        %dma_wait3A = arith.constant 384 : i32
        %dma_wait3A_45 = arith.constant 0 : i32
        %dma_wait3A_46 = tpu.memref_slice %arg7[%dma_wait3A, %dma_wait3A_45] : memref<512x16xf32, #tpu.memory_space<vmem>> -> memref<128x16xf32, #tpu.memory_space<vmem>>
        %dma_wait3A_47 = arith.constant 0 : i32
        %dma_wait3A_48 = tpu.memref_slice %arg6[%run_scoped3A_34, %dma_wait3A_47] : memref<4x128xi32, #tpu.memory_space<vmem>> -> memref<1x128xi32, #tpu.memory_space<vmem>>
        %dma_wait3A_49 = tpu.memref_squeeze %dma_wait3A_48 : memref<1x128xi32, #tpu.memory_space<vmem>> -> memref<128xi32, #tpu.memory_space<vmem>>
        %dma_wait3A_50 = arith.constant 0 : i32
        %dma_wait3A_51 = arith.constant 0 : i32
        %dma_wait3A_52 = tpu.memref_slice %arg9[%dma_wait3A_50, %dma_wait3A_51] : memref<100016x16xf32, #tpu.memory_space<vmem_shared>> -> memref<100016x16xf32, #tpu.memory_space<vmem_shared>>
        tpu.wait_indirect_dma semaphore(%run_scoped3A_36 : memref<!tpu.dma_semaphore, #tpu.memory_space<semaphore_mem>>) src(%dma_wait3A_46 : memref<128x16xf32, #tpu.memory_space<vmem>>) dst(%dma_wait3A_52 : memref<100016x16xf32, #tpu.memory_space<vmem_shared>>)
        tpu.yield
      }) : () -> ()
      %scan3A_35 = arith.constant 0 : i32
      scf.yield %scan3A_35 : i32
    }
    %scan3A_8 = arith.constant 50 : i32
    %barrier3A_9 = arith.constant 0 : index
    tpu.barrier barrier_id(%barrier3A_9)
    %mul3A_10 = arith.constant 6250 : i32
    %mul3A_11 = arith.muli %arg1, %mul3A_10 : i32
    %mul3A_12 = arith.constant 6250 : i32
    %mul3A_13 = arith.muli %arg1, %mul3A_12 : i32
    "tpu.region"() ({
      %run_scoped3A = tpu.sem_alloc : memref<!tpu.dma_semaphore, #tpu.memory_space<semaphore_mem>>
      %dma_start3A = arith.constant 0 : i32
      %dma_start3A_14 = tpu.memref_slice %arg5[%arg0, %mul3A_13, %dma_start3A] : memref<2x100000x16xf32, #tpu.memory_space<hbm>> -> memref<1x6250x16xf32, #tpu.memory_space<hbm>>
      %dma_start3A_15 = tpu.memref_squeeze %dma_start3A_14 : memref<1x6250x16xf32, #tpu.memory_space<hbm>> -> memref<6250x16xf32, #tpu.memory_space<hbm>>
      %dma_start3A_16 = arith.constant 0 : i32
      %dma_start3A_17 = tpu.memref_slice %arg9[%mul3A_11, %dma_start3A_16] : memref<100016x16xf32, #tpu.memory_space<vmem_shared>> -> memref<6250x16xf32, #tpu.memory_space<vmem_shared>>
      tpu.enqueue_dma source(%dma_start3A_17 : memref<6250x16xf32, #tpu.memory_space<vmem_shared>>) target(%dma_start3A_15 : memref<6250x16xf32, #tpu.memory_space<hbm>>) target_semaphore(%run_scoped3A : memref<!tpu.dma_semaphore, #tpu.memory_space<semaphore_mem>>)
      %dma_wait3A = arith.constant 0 : i32
      %dma_wait3A_18 = tpu.memref_slice %arg5[%arg0, %mul3A_13, %dma_wait3A] : memref<2x100000x16xf32, #tpu.memory_space<hbm>> -> memref<1x6250x16xf32, #tpu.memory_space<hbm>>
      %dma_wait3A_19 = tpu.memref_squeeze %dma_wait3A_18 : memref<1x6250x16xf32, #tpu.memory_space<hbm>> -> memref<6250x16xf32, #tpu.memory_space<hbm>>
      %dma_wait3A_20 = arith.constant 0 : i32
      %dma_wait3A_21 = tpu.memref_slice %arg9[%mul3A_11, %dma_wait3A_20] : memref<100016x16xf32, #tpu.memory_space<vmem_shared>> -> memref<6250x16xf32, #tpu.memory_space<vmem_shared>>
      tpu.wait_dma2 semaphore(%run_scoped3A : memref<!tpu.dma_semaphore, #tpu.memory_space<semaphore_mem>>) src(%dma_wait3A_21 : memref<6250x16xf32, #tpu.memory_space<vmem_shared>>) dst(%dma_wait3A_19 : memref<6250x16xf32, #tpu.memory_space<hbm>>)
      tpu.yield
    }) : () -> ()
    return
  }
}

#map = affine_map<(d0, d1) -> (0, 0)>
#map1 = affine_map<(d0, d1) -> (0, 0, 0)>
module attributes {stable_mosaic.version = 14 : i64} {
  func.func @body(%arg0: i32, %arg1: i32, %arg2: memref<100000x16xf32, #tpu.memory_space<hbm>>, %arg3: memref<2x6400x128xi32, #tpu.memory_space<hbm>>, %arg4: memref<2x102400x128xf32, #tpu.memory_space<hbm>>, %arg5: memref<8x128xi32, #tpu.memory_space<vmem>>, %arg6: memref<1024x16xf32, #tpu.memory_space<vmem>>, %arg7: memref<128x128xf32, #tpu.memory_space<vmem>>, %arg8: memref<!tpu.dma_semaphore, #tpu.memory_space<semaphore_mem>>) attributes {dimension_semantics = [#tpu.dimension_semantics<core_parallel>, #tpu.dimension_semantics<subcore_parallel>], iteration_bounds = array<i64: 2, 16>, scalar_prefetch = 0 : i64, scratch_operands = 4 : i64, tpu.core_type = #tpu.core_type<sc_vector_subcore>, window_params = [{transform_indices = #map}, {transform_indices = #map1}, {transform_indices = #map1}]} {
    %mul3A = arith.constant 2 : i32
    %mul3A_0 = arith.muli %arg1, %mul3A : i32
    %add3A = arith.addi %mul3A_0, %arg0 : i32
    %mul3A_1 = arith.constant 200 : i32
    %mul3A_2 = arith.muli %add3A, %mul3A_1 : i32
    %scan3A = arith.constant 0 : i32
    %scan3A_3 = arith.constant 0 : i32
    %scan3A_4 = arith.constant 25 : i32
    %scan3A_5 = arith.addi %scan3A_3, %scan3A_4 : i32
    %scan3A_6 = arith.constant 1 : i32
    %scan3A_7 = scf.for %scan3A_16 = %scan3A_3 to %scan3A_5 step %scan3A_6 iter_args(%scan3A_17 = %scan3A) -> (i32)  : i32 {
      %mul3A_18 = arith.constant 8 : i32
      %mul3A_19 = arith.muli %scan3A_16, %mul3A_18 : i32
      %add3A_20 = arith.addi %mul3A_2, %mul3A_19 : i32
      %run_scoped3A = arith.constant 0 : i32
      "tpu.region"() ({
        %run_scoped3A_190 = tpu.sem_alloc : memref<!tpu.dma_semaphore, #tpu.memory_space<semaphore_mem>>
        %dma_start3A_191 = arith.constant 0 : i32
        %dma_start3A_192 = tpu.memref_slice %arg3[%run_scoped3A, %add3A_20, %dma_start3A_191] : memref<2x6400x128xi32, #tpu.memory_space<hbm>> -> memref<1x8x128xi32, #tpu.memory_space<hbm>>
        %dma_start3A_193 = tpu.memref_squeeze %dma_start3A_192 : memref<1x8x128xi32, #tpu.memory_space<hbm>> -> memref<8x128xi32, #tpu.memory_space<hbm>>
        %dma_start3A_194 = arith.constant 0 : i32
        %dma_start3A_195 = tpu.memref_slice %arg3[%run_scoped3A, %add3A_20, %dma_start3A_194] : memref<2x6400x128xi32, #tpu.memory_space<hbm>> -> memref<1x8x128xi32, #tpu.memory_space<hbm>>
        %dma_start3A_196 = tpu.memref_squeeze %dma_start3A_195 : memref<1x8x128xi32, #tpu.memory_space<hbm>> -> memref<8x128xi32, #tpu.memory_space<hbm>>
        tpu.enqueue_dma source(%dma_start3A_196 : memref<8x128xi32, #tpu.memory_space<hbm>>) target(%arg5 : memref<8x128xi32, #tpu.memory_space<vmem>>) target_semaphore(%run_scoped3A_190 : memref<!tpu.dma_semaphore, #tpu.memory_space<semaphore_mem>>)
        %dma_wait3A_197 = arith.constant 0 : i32
        %dma_wait3A_198 = tpu.memref_slice %arg3[%run_scoped3A, %add3A_20, %dma_wait3A_197] : memref<2x6400x128xi32, #tpu.memory_space<hbm>> -> memref<1x8x128xi32, #tpu.memory_space<hbm>>
        %dma_wait3A_199 = tpu.memref_squeeze %dma_wait3A_198 : memref<1x8x128xi32, #tpu.memory_space<hbm>> -> memref<8x128xi32, #tpu.memory_space<hbm>>
        %dma_wait3A_200 = arith.constant 0 : i32
        %dma_wait3A_201 = tpu.memref_slice %arg3[%run_scoped3A, %add3A_20, %dma_wait3A_200] : memref<2x6400x128xi32, #tpu.memory_space<hbm>> -> memref<1x8x128xi32, #tpu.memory_space<hbm>>
        %dma_wait3A_202 = tpu.memref_squeeze %dma_wait3A_201 : memref<1x8x128xi32, #tpu.memory_space<hbm>> -> memref<8x128xi32, #tpu.memory_space<hbm>>
        tpu.wait_dma2 semaphore(%run_scoped3A_190 : memref<!tpu.dma_semaphore, #tpu.memory_space<semaphore_mem>>) src(%dma_wait3A_202 : memref<8x128xi32, #tpu.memory_space<hbm>>) dst(%arg5 : memref<8x128xi32, #tpu.memory_space<vmem>>)
        tpu.yield
      }) : () -> ()
      %dma_start3A = arith.constant 0 : i32
      %dma_start3A_21 = arith.constant 0 : i32
      %dma_start3A_22 = arith.constant 0 : i32
      %dma_start3A_23 = tpu.memref_slice %arg6[%dma_start3A_21, %dma_start3A_22] : memref<1024x16xf32, #tpu.memory_space<vmem>> -> memref<128x16xf32, #tpu.memory_space<vmem>>
      %dma_start3A_24 = arith.constant 0 : i32
      %dma_start3A_25 = tpu.memref_slice %arg5[%dma_start3A, %dma_start3A_24] : memref<8x128xi32, #tpu.memory_space<vmem>> -> memref<1x128xi32, #tpu.memory_space<vmem>>
      %dma_start3A_26 = tpu.memref_squeeze %dma_start3A_25 : memref<1x128xi32, #tpu.memory_space<vmem>> -> memref<128xi32, #tpu.memory_space<vmem>>
      %dma_start3A_27 = arith.constant 0 : i32
      %dma_start3A_28 = arith.constant 0 : i32
      %dma_start3A_29 = tpu.memref_slice %arg2[%dma_start3A_27, %dma_start3A_28] : memref<100000x16xf32, #tpu.memory_space<hbm>> -> memref<100000x16xf32, #tpu.memory_space<hbm>>
      tpu.enqueue_indirect_dma source(%dma_start3A_29 : memref<100000x16xf32, #tpu.memory_space<hbm>>) target(%dma_start3A_23 : memref<128x16xf32, #tpu.memory_space<vmem>>) offsets(%dma_start3A_26 : memref<128xi32, #tpu.memory_space<vmem>>) semaphore(%arg8 : memref<!tpu.dma_semaphore, #tpu.memory_space<semaphore_mem>>)
      %dma_start3A_30 = arith.constant 1 : i32
      %dma_start3A_31 = arith.constant 128 : i32
      %dma_start3A_32 = arith.constant 0 : i32
      %dma_start3A_33 = tpu.memref_slice %arg6[%dma_start3A_31, %dma_start3A_32] : memref<1024x16xf32, #tpu.memory_space<vmem>> -> memref<128x16xf32, #tpu.memory_space<vmem>>
      %dma_start3A_34 = arith.constant 0 : i32
      %dma_start3A_35 = tpu.memref_slice %arg5[%dma_start3A_30, %dma_start3A_34] : memref<8x128xi32, #tpu.memory_space<vmem>> -> memref<1x128xi32, #tpu.memory_space<vmem>>
      %dma_start3A_36 = tpu.memref_squeeze %dma_start3A_35 : memref<1x128xi32, #tpu.memory_space<vmem>> -> memref<128xi32, #tpu.memory_space<vmem>>
      %dma_start3A_37 = arith.constant 0 : i32
      %dma_start3A_38 = arith.constant 0 : i32
      %dma_start3A_39 = tpu.memref_slice %arg2[%dma_start3A_37, %dma_start3A_38] : memref<100000x16xf32, #tpu.memory_space<hbm>> -> memref<100000x16xf32, #tpu.memory_space<hbm>>
      tpu.enqueue_indirect_dma source(%dma_start3A_39 : memref<100000x16xf32, #tpu.memory_space<hbm>>) target(%dma_start3A_33 : memref<128x16xf32, #tpu.memory_space<vmem>>) offsets(%dma_start3A_36 : memref<128xi32, #tpu.memory_space<vmem>>) semaphore(%arg8 : memref<!tpu.dma_semaphore, #tpu.memory_space<semaphore_mem>>)
      %dma_start3A_40 = arith.constant 2 : i32
      %dma_start3A_41 = arith.constant 256 : i32
      %dma_start3A_42 = arith.constant 0 : i32
      %dma_start3A_43 = tpu.memref_slice %arg6[%dma_start3A_41, %dma_start3A_42] : memref<1024x16xf32, #tpu.memory_space<vmem>> -> memref<128x16xf32, #tpu.memory_space<vmem>>
      %dma_start3A_44 = arith.constant 0 : i32
      %dma_start3A_45 = tpu.memref_slice %arg5[%dma_start3A_40, %dma_start3A_44] : memref<8x128xi32, #tpu.memory_space<vmem>> -> memref<1x128xi32, #tpu.memory_space<vmem>>
      %dma_start3A_46 = tpu.memref_squeeze %dma_start3A_45 : memref<1x128xi32, #tpu.memory_space<vmem>> -> memref<128xi32, #tpu.memory_space<vmem>>
      %dma_start3A_47 = arith.constant 0 : i32
      %dma_start3A_48 = arith.constant 0 : i32
      %dma_start3A_49 = tpu.memref_slice %arg2[%dma_start3A_47, %dma_start3A_48] : memref<100000x16xf32, #tpu.memory_space<hbm>> -> memref<100000x16xf32, #tpu.memory_space<hbm>>
      tpu.enqueue_indirect_dma source(%dma_start3A_49 : memref<100000x16xf32, #tpu.memory_space<hbm>>) target(%dma_start3A_43 : memref<128x16xf32, #tpu.memory_space<vmem>>) offsets(%dma_start3A_46 : memref<128xi32, #tpu.memory_space<vmem>>) semaphore(%arg8 : memref<!tpu.dma_semaphore, #tpu.memory_space<semaphore_mem>>)
      %dma_start3A_50 = arith.constant 3 : i32
      %dma_start3A_51 = arith.constant 384 : i32
      %dma_start3A_52 = arith.constant 0 : i32
      %dma_start3A_53 = tpu.memref_slice %arg6[%dma_start3A_51, %dma_start3A_52] : memref<1024x16xf32, #tpu.memory_space<vmem>> -> memref<128x16xf32, #tpu.memory_space<vmem>>
      %dma_start3A_54 = arith.constant 0 : i32
      %dma_start3A_55 = tpu.memref_slice %arg5[%dma_start3A_50, %dma_start3A_54] : memref<8x128xi32, #tpu.memory_space<vmem>> -> memref<1x128xi32, #tpu.memory_space<vmem>>
      %dma_start3A_56 = tpu.memref_squeeze %dma_start3A_55 : memref<1x128xi32, #tpu.memory_space<vmem>> -> memref<128xi32, #tpu.memory_space<vmem>>
      %dma_start3A_57 = arith.constant 0 : i32
      %dma_start3A_58 = arith.constant 0 : i32
      %dma_start3A_59 = tpu.memref_slice %arg2[%dma_start3A_57, %dma_start3A_58] : memref<100000x16xf32, #tpu.memory_space<hbm>> -> memref<100000x16xf32, #tpu.memory_space<hbm>>
      tpu.enqueue_indirect_dma source(%dma_start3A_59 : memref<100000x16xf32, #tpu.memory_space<hbm>>) target(%dma_start3A_53 : memref<128x16xf32, #tpu.memory_space<vmem>>) offsets(%dma_start3A_56 : memref<128xi32, #tpu.memory_space<vmem>>) semaphore(%arg8 : memref<!tpu.dma_semaphore, #tpu.memory_space<semaphore_mem>>)
      %dma_start3A_60 = arith.constant 4 : i32
      %dma_start3A_61 = arith.constant 512 : i32
      %dma_start3A_62 = arith.constant 0 : i32
      %dma_start3A_63 = tpu.memref_slice %arg6[%dma_start3A_61, %dma_start3A_62] : memref<1024x16xf32, #tpu.memory_space<vmem>> -> memref<128x16xf32, #tpu.memory_space<vmem>>
      %dma_start3A_64 = arith.constant 0 : i32
      %dma_start3A_65 = tpu.memref_slice %arg5[%dma_start3A_60, %dma_start3A_64] : memref<8x128xi32, #tpu.memory_space<vmem>> -> memref<1x128xi32, #tpu.memory_space<vmem>>
      %dma_start3A_66 = tpu.memref_squeeze %dma_start3A_65 : memref<1x128xi32, #tpu.memory_space<vmem>> -> memref<128xi32, #tpu.memory_space<vmem>>
      %dma_start3A_67 = arith.constant 0 : i32
      %dma_start3A_68 = arith.constant 0 : i32
      %dma_start3A_69 = tpu.memref_slice %arg2[%dma_start3A_67, %dma_start3A_68] : memref<100000x16xf32, #tpu.memory_space<hbm>> -> memref<100000x16xf32, #tpu.memory_space<hbm>>
      tpu.enqueue_indirect_dma source(%dma_start3A_69 : memref<100000x16xf32, #tpu.memory_space<hbm>>) target(%dma_start3A_63 : memref<128x16xf32, #tpu.memory_space<vmem>>) offsets(%dma_start3A_66 : memref<128xi32, #tpu.memory_space<vmem>>) semaphore(%arg8 : memref<!tpu.dma_semaphore, #tpu.memory_space<semaphore_mem>>)
      %dma_start3A_70 = arith.constant 5 : i32
      %dma_start3A_71 = arith.constant 640 : i32
      %dma_start3A_72 = arith.constant 0 : i32
      %dma_start3A_73 = tpu.memref_slice %arg6[%dma_start3A_71, %dma_start3A_72] : memref<1024x16xf32, #tpu.memory_space<vmem>> -> memref<128x16xf32, #tpu.memory_space<vmem>>
      %dma_start3A_74 = arith.constant 0 : i32
      %dma_start3A_75 = tpu.memref_slice %arg5[%dma_start3A_70, %dma_start3A_74] : memref<8x128xi32, #tpu.memory_space<vmem>> -> memref<1x128xi32, #tpu.memory_space<vmem>>
      %dma_start3A_76 = tpu.memref_squeeze %dma_start3A_75 : memref<1x128xi32, #tpu.memory_space<vmem>> -> memref<128xi32, #tpu.memory_space<vmem>>
      %dma_start3A_77 = arith.constant 0 : i32
      %dma_start3A_78 = arith.constant 0 : i32
      %dma_start3A_79 = tpu.memref_slice %arg2[%dma_start3A_77, %dma_start3A_78] : memref<100000x16xf32, #tpu.memory_space<hbm>> -> memref<100000x16xf32, #tpu.memory_space<hbm>>
      tpu.enqueue_indirect_dma source(%dma_start3A_79 : memref<100000x16xf32, #tpu.memory_space<hbm>>) target(%dma_start3A_73 : memref<128x16xf32, #tpu.memory_space<vmem>>) offsets(%dma_start3A_76 : memref<128xi32, #tpu.memory_space<vmem>>) semaphore(%arg8 : memref<!tpu.dma_semaphore, #tpu.memory_space<semaphore_mem>>)
      %dma_start3A_80 = arith.constant 6 : i32
      %dma_start3A_81 = arith.constant 768 : i32
      %dma_start3A_82 = arith.constant 0 : i32
      %dma_start3A_83 = tpu.memref_slice %arg6[%dma_start3A_81, %dma_start3A_82] : memref<1024x16xf32, #tpu.memory_space<vmem>> -> memref<128x16xf32, #tpu.memory_space<vmem>>
      %dma_start3A_84 = arith.constant 0 : i32
      %dma_start3A_85 = tpu.memref_slice %arg5[%dma_start3A_80, %dma_start3A_84] : memref<8x128xi32, #tpu.memory_space<vmem>> -> memref<1x128xi32, #tpu.memory_space<vmem>>
      %dma_start3A_86 = tpu.memref_squeeze %dma_start3A_85 : memref<1x128xi32, #tpu.memory_space<vmem>> -> memref<128xi32, #tpu.memory_space<vmem>>
      %dma_start3A_87 = arith.constant 0 : i32
      %dma_start3A_88 = arith.constant 0 : i32
      %dma_start3A_89 = tpu.memref_slice %arg2[%dma_start3A_87, %dma_start3A_88] : memref<100000x16xf32, #tpu.memory_space<hbm>> -> memref<100000x16xf32, #tpu.memory_space<hbm>>
      tpu.enqueue_indirect_dma source(%dma_start3A_89 : memref<100000x16xf32, #tpu.memory_space<hbm>>) target(%dma_start3A_83 : memref<128x16xf32, #tpu.memory_space<vmem>>) offsets(%dma_start3A_86 : memref<128xi32, #tpu.memory_space<vmem>>) semaphore(%arg8 : memref<!tpu.dma_semaphore, #tpu.memory_space<semaphore_mem>>)
      %dma_start3A_90 = arith.constant 7 : i32
      %dma_start3A_91 = arith.constant 896 : i32
      %dma_start3A_92 = arith.constant 0 : i32
      %dma_start3A_93 = tpu.memref_slice %arg6[%dma_start3A_91, %dma_start3A_92] : memref<1024x16xf32, #tpu.memory_space<vmem>> -> memref<128x16xf32, #tpu.memory_space<vmem>>
      %dma_start3A_94 = arith.constant 0 : i32
      %dma_start3A_95 = tpu.memref_slice %arg5[%dma_start3A_90, %dma_start3A_94] : memref<8x128xi32, #tpu.memory_space<vmem>> -> memref<1x128xi32, #tpu.memory_space<vmem>>
      %dma_start3A_96 = tpu.memref_squeeze %dma_start3A_95 : memref<1x128xi32, #tpu.memory_space<vmem>> -> memref<128xi32, #tpu.memory_space<vmem>>
      %dma_start3A_97 = arith.constant 0 : i32
      %dma_start3A_98 = arith.constant 0 : i32
      %dma_start3A_99 = tpu.memref_slice %arg2[%dma_start3A_97, %dma_start3A_98] : memref<100000x16xf32, #tpu.memory_space<hbm>> -> memref<100000x16xf32, #tpu.memory_space<hbm>>
      tpu.enqueue_indirect_dma source(%dma_start3A_99 : memref<100000x16xf32, #tpu.memory_space<hbm>>) target(%dma_start3A_93 : memref<128x16xf32, #tpu.memory_space<vmem>>) offsets(%dma_start3A_96 : memref<128xi32, #tpu.memory_space<vmem>>) semaphore(%arg8 : memref<!tpu.dma_semaphore, #tpu.memory_space<semaphore_mem>>)
      %dma_wait3A = arith.constant 0 : i32
      %dma_wait3A_100 = arith.constant 0 : i32
      %dma_wait3A_101 = arith.constant 0 : i32
      %dma_wait3A_102 = tpu.memref_slice %arg6[%dma_wait3A_100, %dma_wait3A_101] : memref<1024x16xf32, #tpu.memory_space<vmem>> -> memref<128x16xf32, #tpu.memory_space<vmem>>
      %dma_wait3A_103 = arith.constant 0 : i32
      %dma_wait3A_104 = tpu.memref_slice %arg5[%dma_wait3A, %dma_wait3A_103] : memref<8x128xi32, #tpu.memory_space<vmem>> -> memref<1x128xi32, #tpu.memory_space<vmem>>
      %dma_wait3A_105 = tpu.memref_squeeze %dma_wait3A_104 : memref<1x128xi32, #tpu.memory_space<vmem>> -> memref<128xi32, #tpu.memory_space<vmem>>
      %dma_wait3A_106 = arith.constant 0 : i32
      %dma_wait3A_107 = arith.constant 0 : i32
      %dma_wait3A_108 = tpu.memref_slice %arg2[%dma_wait3A_106, %dma_wait3A_107] : memref<100000x16xf32, #tpu.memory_space<hbm>> -> memref<100000x16xf32, #tpu.memory_space<hbm>>
      tpu.wait_indirect_dma semaphore(%arg8 : memref<!tpu.dma_semaphore, #tpu.memory_space<semaphore_mem>>) src(%dma_wait3A_108 : memref<100000x16xf32, #tpu.memory_space<hbm>>) dst(%dma_wait3A_102 : memref<128x16xf32, #tpu.memory_space<vmem>>)
      %dma_wait3A_109 = arith.constant 1 : i32
      %dma_wait3A_110 = arith.constant 128 : i32
      %dma_wait3A_111 = arith.constant 0 : i32
      %dma_wait3A_112 = tpu.memref_slice %arg6[%dma_wait3A_110, %dma_wait3A_111] : memref<1024x16xf32, #tpu.memory_space<vmem>> -> memref<128x16xf32, #tpu.memory_space<vmem>>
      %dma_wait3A_113 = arith.constant 0 : i32
      %dma_wait3A_114 = tpu.memref_slice %arg5[%dma_wait3A_109, %dma_wait3A_113] : memref<8x128xi32, #tpu.memory_space<vmem>> -> memref<1x128xi32, #tpu.memory_space<vmem>>
      %dma_wait3A_115 = tpu.memref_squeeze %dma_wait3A_114 : memref<1x128xi32, #tpu.memory_space<vmem>> -> memref<128xi32, #tpu.memory_space<vmem>>
      %dma_wait3A_116 = arith.constant 0 : i32
      %dma_wait3A_117 = arith.constant 0 : i32
      %dma_wait3A_118 = tpu.memref_slice %arg2[%dma_wait3A_116, %dma_wait3A_117] : memref<100000x16xf32, #tpu.memory_space<hbm>> -> memref<100000x16xf32, #tpu.memory_space<hbm>>
      tpu.wait_indirect_dma semaphore(%arg8 : memref<!tpu.dma_semaphore, #tpu.memory_space<semaphore_mem>>) src(%dma_wait3A_118 : memref<100000x16xf32, #tpu.memory_space<hbm>>) dst(%dma_wait3A_112 : memref<128x16xf32, #tpu.memory_space<vmem>>)
      %dma_wait3A_119 = arith.constant 2 : i32
      %dma_wait3A_120 = arith.constant 256 : i32
      %dma_wait3A_121 = arith.constant 0 : i32
      %dma_wait3A_122 = tpu.memref_slice %arg6[%dma_wait3A_120, %dma_wait3A_121] : memref<1024x16xf32, #tpu.memory_space<vmem>> -> memref<128x16xf32, #tpu.memory_space<vmem>>
      %dma_wait3A_123 = arith.constant 0 : i32
      %dma_wait3A_124 = tpu.memref_slice %arg5[%dma_wait3A_119, %dma_wait3A_123] : memref<8x128xi32, #tpu.memory_space<vmem>> -> memref<1x128xi32, #tpu.memory_space<vmem>>
      %dma_wait3A_125 = tpu.memref_squeeze %dma_wait3A_124 : memref<1x128xi32, #tpu.memory_space<vmem>> -> memref<128xi32, #tpu.memory_space<vmem>>
      %dma_wait3A_126 = arith.constant 0 : i32
      %dma_wait3A_127 = arith.constant 0 : i32
      %dma_wait3A_128 = tpu.memref_slice %arg2[%dma_wait3A_126, %dma_wait3A_127] : memref<100000x16xf32, #tpu.memory_space<hbm>> -> memref<100000x16xf32, #tpu.memory_space<hbm>>
      tpu.wait_indirect_dma semaphore(%arg8 : memref<!tpu.dma_semaphore, #tpu.memory_space<semaphore_mem>>) src(%dma_wait3A_128 : memref<100000x16xf32, #tpu.memory_space<hbm>>) dst(%dma_wait3A_122 : memref<128x16xf32, #tpu.memory_space<vmem>>)
      %dma_wait3A_129 = arith.constant 3 : i32
      %dma_wait3A_130 = arith.constant 384 : i32
      %dma_wait3A_131 = arith.constant 0 : i32
      %dma_wait3A_132 = tpu.memref_slice %arg6[%dma_wait3A_130, %dma_wait3A_131] : memref<1024x16xf32, #tpu.memory_space<vmem>> -> memref<128x16xf32, #tpu.memory_space<vmem>>
      %dma_wait3A_133 = arith.constant 0 : i32
      %dma_wait3A_134 = tpu.memref_slice %arg5[%dma_wait3A_129, %dma_wait3A_133] : memref<8x128xi32, #tpu.memory_space<vmem>> -> memref<1x128xi32, #tpu.memory_space<vmem>>
      %dma_wait3A_135 = tpu.memref_squeeze %dma_wait3A_134 : memref<1x128xi32, #tpu.memory_space<vmem>> -> memref<128xi32, #tpu.memory_space<vmem>>
      %dma_wait3A_136 = arith.constant 0 : i32
      %dma_wait3A_137 = arith.constant 0 : i32
      %dma_wait3A_138 = tpu.memref_slice %arg2[%dma_wait3A_136, %dma_wait3A_137] : memref<100000x16xf32, #tpu.memory_space<hbm>> -> memref<100000x16xf32, #tpu.memory_space<hbm>>
      tpu.wait_indirect_dma semaphore(%arg8 : memref<!tpu.dma_semaphore, #tpu.memory_space<semaphore_mem>>) src(%dma_wait3A_138 : memref<100000x16xf32, #tpu.memory_space<hbm>>) dst(%dma_wait3A_132 : memref<128x16xf32, #tpu.memory_space<vmem>>)
      %dma_wait3A_139 = arith.constant 4 : i32
      %dma_wait3A_140 = arith.constant 512 : i32
      %dma_wait3A_141 = arith.constant 0 : i32
      %dma_wait3A_142 = tpu.memref_slice %arg6[%dma_wait3A_140, %dma_wait3A_141] : memref<1024x16xf32, #tpu.memory_space<vmem>> -> memref<128x16xf32, #tpu.memory_space<vmem>>
      %dma_wait3A_143 = arith.constant 0 : i32
      %dma_wait3A_144 = tpu.memref_slice %arg5[%dma_wait3A_139, %dma_wait3A_143] : memref<8x128xi32, #tpu.memory_space<vmem>> -> memref<1x128xi32, #tpu.memory_space<vmem>>
      %dma_wait3A_145 = tpu.memref_squeeze %dma_wait3A_144 : memref<1x128xi32, #tpu.memory_space<vmem>> -> memref<128xi32, #tpu.memory_space<vmem>>
      %dma_wait3A_146 = arith.constant 0 : i32
      %dma_wait3A_147 = arith.constant 0 : i32
      %dma_wait3A_148 = tpu.memref_slice %arg2[%dma_wait3A_146, %dma_wait3A_147] : memref<100000x16xf32, #tpu.memory_space<hbm>> -> memref<100000x16xf32, #tpu.memory_space<hbm>>
      tpu.wait_indirect_dma semaphore(%arg8 : memref<!tpu.dma_semaphore, #tpu.memory_space<semaphore_mem>>) src(%dma_wait3A_148 : memref<100000x16xf32, #tpu.memory_space<hbm>>) dst(%dma_wait3A_142 : memref<128x16xf32, #tpu.memory_space<vmem>>)
      %dma_wait3A_149 = arith.constant 5 : i32
      %dma_wait3A_150 = arith.constant 640 : i32
      %dma_wait3A_151 = arith.constant 0 : i32
      %dma_wait3A_152 = tpu.memref_slice %arg6[%dma_wait3A_150, %dma_wait3A_151] : memref<1024x16xf32, #tpu.memory_space<vmem>> -> memref<128x16xf32, #tpu.memory_space<vmem>>
      %dma_wait3A_153 = arith.constant 0 : i32
      %dma_wait3A_154 = tpu.memref_slice %arg5[%dma_wait3A_149, %dma_wait3A_153] : memref<8x128xi32, #tpu.memory_space<vmem>> -> memref<1x128xi32, #tpu.memory_space<vmem>>
      %dma_wait3A_155 = tpu.memref_squeeze %dma_wait3A_154 : memref<1x128xi32, #tpu.memory_space<vmem>> -> memref<128xi32, #tpu.memory_space<vmem>>
      %dma_wait3A_156 = arith.constant 0 : i32
      %dma_wait3A_157 = arith.constant 0 : i32
      %dma_wait3A_158 = tpu.memref_slice %arg2[%dma_wait3A_156, %dma_wait3A_157] : memref<100000x16xf32, #tpu.memory_space<hbm>> -> memref<100000x16xf32, #tpu.memory_space<hbm>>
      tpu.wait_indirect_dma semaphore(%arg8 : memref<!tpu.dma_semaphore, #tpu.memory_space<semaphore_mem>>) src(%dma_wait3A_158 : memref<100000x16xf32, #tpu.memory_space<hbm>>) dst(%dma_wait3A_152 : memref<128x16xf32, #tpu.memory_space<vmem>>)
      %dma_wait3A_159 = arith.constant 6 : i32
      %dma_wait3A_160 = arith.constant 768 : i32
      %dma_wait3A_161 = arith.constant 0 : i32
      %dma_wait3A_162 = tpu.memref_slice %arg6[%dma_wait3A_160, %dma_wait3A_161] : memref<1024x16xf32, #tpu.memory_space<vmem>> -> memref<128x16xf32, #tpu.memory_space<vmem>>
      %dma_wait3A_163 = arith.constant 0 : i32
      %dma_wait3A_164 = tpu.memref_slice %arg5[%dma_wait3A_159, %dma_wait3A_163] : memref<8x128xi32, #tpu.memory_space<vmem>> -> memref<1x128xi32, #tpu.memory_space<vmem>>
      %dma_wait3A_165 = tpu.memref_squeeze %dma_wait3A_164 : memref<1x128xi32, #tpu.memory_space<vmem>> -> memref<128xi32, #tpu.memory_space<vmem>>
      %dma_wait3A_166 = arith.constant 0 : i32
      %dma_wait3A_167 = arith.constant 0 : i32
      %dma_wait3A_168 = tpu.memref_slice %arg2[%dma_wait3A_166, %dma_wait3A_167] : memref<100000x16xf32, #tpu.memory_space<hbm>> -> memref<100000x16xf32, #tpu.memory_space<hbm>>
      tpu.wait_indirect_dma semaphore(%arg8 : memref<!tpu.dma_semaphore, #tpu.memory_space<semaphore_mem>>) src(%dma_wait3A_168 : memref<100000x16xf32, #tpu.memory_space<hbm>>) dst(%dma_wait3A_162 : memref<128x16xf32, #tpu.memory_space<vmem>>)
      %dma_wait3A_169 = arith.constant 7 : i32
      %dma_wait3A_170 = arith.constant 896 : i32
      %dma_wait3A_171 = arith.constant 0 : i32
      %dma_wait3A_172 = tpu.memref_slice %arg6[%dma_wait3A_170, %dma_wait3A_171] : memref<1024x16xf32, #tpu.memory_space<vmem>> -> memref<128x16xf32, #tpu.memory_space<vmem>>
      %dma_wait3A_173 = arith.constant 0 : i32
      %dma_wait3A_174 = tpu.memref_slice %arg5[%dma_wait3A_169, %dma_wait3A_173] : memref<8x128xi32, #tpu.memory_space<vmem>> -> memref<1x128xi32, #tpu.memory_space<vmem>>
      %dma_wait3A_175 = tpu.memref_squeeze %dma_wait3A_174 : memref<1x128xi32, #tpu.memory_space<vmem>> -> memref<128xi32, #tpu.memory_space<vmem>>
      %dma_wait3A_176 = arith.constant 0 : i32
      %dma_wait3A_177 = arith.constant 0 : i32
      %dma_wait3A_178 = tpu.memref_slice %arg2[%dma_wait3A_176, %dma_wait3A_177] : memref<100000x16xf32, #tpu.memory_space<hbm>> -> memref<100000x16xf32, #tpu.memory_space<hbm>>
      tpu.wait_indirect_dma semaphore(%arg8 : memref<!tpu.dma_semaphore, #tpu.memory_space<semaphore_mem>>) src(%dma_wait3A_178 : memref<100000x16xf32, #tpu.memory_space<hbm>>) dst(%dma_wait3A_172 : memref<128x16xf32, #tpu.memory_space<vmem>>)
      %scan3A_179 = arith.constant 0 : i32
      %scan3A_180 = arith.constant 0 : i32
      %scan3A_181 = arith.constant 128 : i32
      %scan3A_182 = arith.addi %scan3A_180, %scan3A_181 : i32
      %scan3A_183 = arith.constant 1 : i32
      %scan3A_184 = scf.for %scan3A_190 = %scan3A_180 to %scan3A_182 step %scan3A_183 iter_args(%scan3A_191 = %scan3A_179) -> (i32)  : i32 {
        %mul3A_192 = arith.constant 8 : i32
        %mul3A_193 = arith.muli %scan3A_190, %mul3A_192 : i32
        %add3A_194 = arith.constant 0 : i32
        %add3A_195 = arith.addi %mul3A_193, %add3A_194 : i32
        %get3A = arith.index_cast %add3A_195 : i32 to index
        %get3A_196 = arith.constant 0 : index
        %get3A_197 = tpu.vector_load %arg6[%get3A, %get3A_196] {strides = array<i32>} : memref<1024x16xf32, #tpu.memory_space<vmem>>, vector<1x16xf32>,
        %get3A_198 = vector.shape_cast %get3A_197 : vector<1x16xf32> to vector<16xf32>
        %swap3A = arith.index_cast %scan3A_190 : i32 to index
        %swap3A_199 = arith.constant 0 : index
        %swap3A_200 = tpu.vector_load %arg7[%swap3A, %swap3A_199] {strides = array<i32>} : memref<128x128xf32, #tpu.memory_space<vmem>>, vector<1x16xf32>,
        %swap3A_201 = vector.shape_cast %swap3A_200 : vector<1x16xf32> to vector<16xf32>
        %swap3A_202 = vector.shape_cast %get3A_198 : vector<16xf32> to vector<1x16xf32>
        tpu.vector_store %arg7[%swap3A, %swap3A_199], %swap3A_202 {strides = array<i32>} : memref<128x128xf32, #tpu.memory_space<vmem>>, vector<1x16xf32>,
        %mul3A_203 = arith.constant 8 : i32
        %mul3A_204 = arith.muli %scan3A_190, %mul3A_203 : i32
        %add3A_205 = arith.constant 1 : i32
        %add3A_206 = arith.addi %mul3A_204, %add3A_205 : i32
        %get3A_207 = arith.index_cast %add3A_206 : i32 to index
        %get3A_208 = arith.constant 0 : index
        %get3A_209 = tpu.vector_load %arg6[%get3A_207, %get3A_208] {strides = array<i32>} : memref<1024x16xf32, #tpu.memory_space<vmem>>, vector<1x16xf32>,
        %get3A_210 = vector.shape_cast %get3A_209 : vector<1x16xf32> to vector<16xf32>
        %swap3A_211 = arith.index_cast %scan3A_190 : i32 to index
        %swap3A_212 = arith.constant 16 : index
        %swap3A_213 = tpu.vector_load %arg7[%swap3A_211, %swap3A_212] {strides = array<i32>} : memref<128x128xf32, #tpu.memory_space<vmem>>, vector<1x16xf32>,
        %swap3A_214 = vector.shape_cast %swap3A_213 : vector<1x16xf32> to vector<16xf32>
        %swap3A_215 = vector.shape_cast %get3A_210 : vector<16xf32> to vector<1x16xf32>
        tpu.vector_store %arg7[%swap3A_211, %swap3A_212], %swap3A_215 {strides = array<i32>} : memref<128x128xf32, #tpu.memory_space<vmem>>, vector<1x16xf32>,
        %mul3A_216 = arith.constant 8 : i32
        %mul3A_217 = arith.muli %scan3A_190, %mul3A_216 : i32
        %add3A_218 = arith.constant 2 : i32
        %add3A_219 = arith.addi %mul3A_217, %add3A_218 : i32
        %get3A_220 = arith.index_cast %add3A_219 : i32 to index
        %get3A_221 = arith.constant 0 : index
        %get3A_222 = tpu.vector_load %arg6[%get3A_220, %get3A_221] {strides = array<i32>} : memref<1024x16xf32, #tpu.memory_space<vmem>>, vector<1x16xf32>,
        %get3A_223 = vector.shape_cast %get3A_222 : vector<1x16xf32> to vector<16xf32>
        %swap3A_224 = arith.index_cast %scan3A_190 : i32 to index
        %swap3A_225 = arith.constant 32 : index
        %swap3A_226 = tpu.vector_load %arg7[%swap3A_224, %swap3A_225] {strides = array<i32>} : memref<128x128xf32, #tpu.memory_space<vmem>>, vector<1x16xf32>,
        %swap3A_227 = vector.shape_cast %swap3A_226 : vector<1x16xf32> to vector<16xf32>
        %swap3A_228 = vector.shape_cast %get3A_223 : vector<16xf32> to vector<1x16xf32>
        tpu.vector_store %arg7[%swap3A_224, %swap3A_225], %swap3A_228 {strides = array<i32>} : memref<128x128xf32, #tpu.memory_space<vmem>>, vector<1x16xf32>,
        %mul3A_229 = arith.constant 8 : i32
        %mul3A_230 = arith.muli %scan3A_190, %mul3A_229 : i32
        %add3A_231 = arith.constant 3 : i32
        %add3A_232 = arith.addi %mul3A_230, %add3A_231 : i32
        %get3A_233 = arith.index_cast %add3A_232 : i32 to index
        %get3A_234 = arith.constant 0 : index
        %get3A_235 = tpu.vector_load %arg6[%get3A_233, %get3A_234] {strides = array<i32>} : memref<1024x16xf32, #tpu.memory_space<vmem>>, vector<1x16xf32>,
        %get3A_236 = vector.shape_cast %get3A_235 : vector<1x16xf32> to vector<16xf32>
        %swap3A_237 = arith.index_cast %scan3A_190 : i32 to index
        %swap3A_238 = arith.constant 48 : index
        %swap3A_239 = tpu.vector_load %arg7[%swap3A_237, %swap3A_238] {strides = array<i32>} : memref<128x128xf32, #tpu.memory_space<vmem>>, vector<1x16xf32>,
        %swap3A_240 = vector.shape_cast %swap3A_239 : vector<1x16xf32> to vector<16xf32>
        %swap3A_241 = vector.shape_cast %get3A_236 : vector<16xf32> to vector<1x16xf32>
        tpu.vector_store %arg7[%swap3A_237, %swap3A_238], %swap3A_241 {strides = array<i32>} : memref<128x128xf32, #tpu.memory_space<vmem>>, vector<1x16xf32>,
        %mul3A_242 = arith.constant 8 : i32
        %mul3A_243 = arith.muli %scan3A_190, %mul3A_242 : i32
        %add3A_244 = arith.constant 4 : i32
        %add3A_245 = arith.addi %mul3A_243, %add3A_244 : i32
        %get3A_246 = arith.index_cast %add3A_245 : i32 to index
        %get3A_247 = arith.constant 0 : index
        %get3A_248 = tpu.vector_load %arg6[%get3A_246, %get3A_247] {strides = array<i32>} : memref<1024x16xf32, #tpu.memory_space<vmem>>, vector<1x16xf32>,
        %get3A_249 = vector.shape_cast %get3A_248 : vector<1x16xf32> to vector<16xf32>
        %swap3A_250 = arith.index_cast %scan3A_190 : i32 to index
        %swap3A_251 = arith.constant 64 : index
        %swap3A_252 = tpu.vector_load %arg7[%swap3A_250, %swap3A_251] {strides = array<i32>} : memref<128x128xf32, #tpu.memory_space<vmem>>, vector<1x16xf32>,
        %swap3A_253 = vector.shape_cast %swap3A_252 : vector<1x16xf32> to vector<16xf32>
        %swap3A_254 = vector.shape_cast %get3A_249 : vector<16xf32> to vector<1x16xf32>
        tpu.vector_store %arg7[%swap3A_250, %swap3A_251], %swap3A_254 {strides = array<i32>} : memref<128x128xf32, #tpu.memory_space<vmem>>, vector<1x16xf32>,
        %mul3A_255 = arith.constant 8 : i32
        %mul3A_256 = arith.muli %scan3A_190, %mul3A_255 : i32
        %add3A_257 = arith.constant 5 : i32
        %add3A_258 = arith.addi %mul3A_256, %add3A_257 : i32
        %get3A_259 = arith.index_cast %add3A_258 : i32 to index
        %get3A_260 = arith.constant 0 : index
        %get3A_261 = tpu.vector_load %arg6[%get3A_259, %get3A_260] {strides = array<i32>} : memref<1024x16xf32, #tpu.memory_space<vmem>>, vector<1x16xf32>,
        %get3A_262 = vector.shape_cast %get3A_261 : vector<1x16xf32> to vector<16xf32>
        %swap3A_263 = arith.index_cast %scan3A_190 : i32 to index
        %swap3A_264 = arith.constant 80 : index
        %swap3A_265 = tpu.vector_load %arg7[%swap3A_263, %swap3A_264] {strides = array<i32>} : memref<128x128xf32, #tpu.memory_space<vmem>>, vector<1x16xf32>,
        %swap3A_266 = vector.shape_cast %swap3A_265 : vector<1x16xf32> to vector<16xf32>
        %swap3A_267 = vector.shape_cast %get3A_262 : vector<16xf32> to vector<1x16xf32>
        tpu.vector_store %arg7[%swap3A_263, %swap3A_264], %swap3A_267 {strides = array<i32>} : memref<128x128xf32, #tpu.memory_space<vmem>>, vector<1x16xf32>,
        %mul3A_268 = arith.constant 8 : i32
        %mul3A_269 = arith.muli %scan3A_190, %mul3A_268 : i32
        %add3A_270 = arith.constant 6 : i32
        %add3A_271 = arith.addi %mul3A_269, %add3A_270 : i32
        %get3A_272 = arith.index_cast %add3A_271 : i32 to index
        %get3A_273 = arith.constant 0 : index
        %get3A_274 = tpu.vector_load %arg6[%get3A_272, %get3A_273] {strides = array<i32>} : memref<1024x16xf32, #tpu.memory_space<vmem>>, vector<1x16xf32>,
        %get3A_275 = vector.shape_cast %get3A_274 : vector<1x16xf32> to vector<16xf32>
        %swap3A_276 = arith.index_cast %scan3A_190 : i32 to index
        %swap3A_277 = arith.constant 96 : index
        %swap3A_278 = tpu.vector_load %arg7[%swap3A_276, %swap3A_277] {strides = array<i32>} : memref<128x128xf32, #tpu.memory_space<vmem>>, vector<1x16xf32>,
        %swap3A_279 = vector.shape_cast %swap3A_278 : vector<1x16xf32> to vector<16xf32>
        %swap3A_280 = vector.shape_cast %get3A_275 : vector<16xf32> to vector<1x16xf32>
        tpu.vector_store %arg7[%swap3A_276, %swap3A_277], %swap3A_280 {strides = array<i32>} : memref<128x128xf32, #tpu.memory_space<vmem>>, vector<1x16xf32>,
        %mul3A_281 = arith.constant 8 : i32
        %mul3A_282 = arith.muli %scan3A_190, %mul3A_281 : i32
        %add3A_283 = arith.constant 7 : i32
        %add3A_284 = arith.addi %mul3A_282, %add3A_283 : i32
        %get3A_285 = arith.index_cast %add3A_284 : i32 to index
        %get3A_286 = arith.constant 0 : index
        %get3A_287 = tpu.vector_load %arg6[%get3A_285, %get3A_286] {strides = array<i32>} : memref<1024x16xf32, #tpu.memory_space<vmem>>, vector<1x16xf32>,
        %get3A_288 = vector.shape_cast %get3A_287 : vector<1x16xf32> to vector<16xf32>
        %swap3A_289 = arith.index_cast %scan3A_190 : i32 to index
        %swap3A_290 = arith.constant 112 : index
        %swap3A_291 = tpu.vector_load %arg7[%swap3A_289, %swap3A_290] {strides = array<i32>} : memref<128x128xf32, #tpu.memory_space<vmem>>, vector<1x16xf32>,
        %swap3A_292 = vector.shape_cast %swap3A_291 : vector<1x16xf32> to vector<16xf32>
        %swap3A_293 = vector.shape_cast %get3A_288 : vector<16xf32> to vector<1x16xf32>
        tpu.vector_store %arg7[%swap3A_289, %swap3A_290], %swap3A_293 {strides = array<i32>} : memref<128x128xf32, #tpu.memory_space<vmem>>, vector<1x16xf32>,
        %scan3A_294 = arith.constant 0 : i32
        scf.yield %scan3A_294 : i32
      }
      %scan3A_185 = arith.constant 128 : i32
      %mul3A_186 = arith.constant 16 : i32
      %mul3A_187 = arith.muli %add3A_20, %mul3A_186 : i32
      %run_scoped3A_188 = arith.constant 0 : i32
      "tpu.region"() ({
        %run_scoped3A_190 = tpu.sem_alloc : memref<!tpu.dma_semaphore, #tpu.memory_space<semaphore_mem>>
        %dma_start3A_191 = arith.constant 0 : i32
        %dma_start3A_192 = tpu.memref_slice %arg4[%run_scoped3A_188, %mul3A_187, %dma_start3A_191] : memref<2x102400x128xf32, #tpu.memory_space<hbm>> -> memref<1x128x128xf32, #tpu.memory_space<hbm>>
        %dma_start3A_193 = tpu.memref_squeeze %dma_start3A_192 : memref<1x128x128xf32, #tpu.memory_space<hbm>> -> memref<128x128xf32, #tpu.memory_space<hbm>>
        %dma_start3A_194 = arith.constant 0 : i32
        %dma_start3A_195 = tpu.memref_slice %arg4[%run_scoped3A_188, %mul3A_187, %dma_start3A_194] : memref<2x102400x128xf32, #tpu.memory_space<hbm>> -> memref<1x128x128xf32, #tpu.memory_space<hbm>>
        %dma_start3A_196 = tpu.memref_squeeze %dma_start3A_195 : memref<1x128x128xf32, #tpu.memory_space<hbm>> -> memref<128x128xf32, #tpu.memory_space<hbm>>
        tpu.enqueue_dma source(%arg7 : memref<128x128xf32, #tpu.memory_space<vmem>>) target(%dma_start3A_196 : memref<128x128xf32, #tpu.memory_space<hbm>>) target_semaphore(%run_scoped3A_190 : memref<!tpu.dma_semaphore, #tpu.memory_space<semaphore_mem>>)
        %dma_wait3A_197 = arith.constant 0 : i32
        %dma_wait3A_198 = tpu.memref_slice %arg4[%run_scoped3A_188, %mul3A_187, %dma_wait3A_197] : memref<2x102400x128xf32, #tpu.memory_space<hbm>> -> memref<1x128x128xf32, #tpu.memory_space<hbm>>
        %dma_wait3A_199 = tpu.memref_squeeze %dma_wait3A_198 : memref<1x128x128xf32, #tpu.memory_space<hbm>> -> memref<128x128xf32, #tpu.memory_space<hbm>>
        %dma_wait3A_200 = arith.constant 0 : i32
        %dma_wait3A_201 = tpu.memref_slice %arg4[%run_scoped3A_188, %mul3A_187, %dma_wait3A_200] : memref<2x102400x128xf32, #tpu.memory_space<hbm>> -> memref<1x128x128xf32, #tpu.memory_space<hbm>>
        %dma_wait3A_202 = tpu.memref_squeeze %dma_wait3A_201 : memref<1x128x128xf32, #tpu.memory_space<hbm>> -> memref<128x128xf32, #tpu.memory_space<hbm>>
        tpu.wait_dma2 semaphore(%run_scoped3A_190 : memref<!tpu.dma_semaphore, #tpu.memory_space<semaphore_mem>>) src(%arg7 : memref<128x128xf32, #tpu.memory_space<vmem>>) dst(%dma_wait3A_202 : memref<128x128xf32, #tpu.memory_space<hbm>>)
        tpu.yield
      }) : () -> ()
      %scan3A_189 = arith.constant 0 : i32
      scf.yield %scan3A_189 : i32
    }
    %scan3A_8 = arith.constant 25 : i32
    %scan3A_9 = arith.constant 0 : i32
    %scan3A_10 = arith.constant 0 : i32
    %scan3A_11 = arith.constant 25 : i32
    %scan3A_12 = arith.addi %scan3A_10, %scan3A_11 : i32
    %scan3A_13 = arith.constant 1 : i32
    %scan3A_14 = scf.for %scan3A_16 = %scan3A_10 to %scan3A_12 step %scan3A_13 iter_args(%scan3A_17 = %scan3A_9) -> (i32)  : i32 {
      %mul3A_18 = arith.constant 8 : i32
      %mul3A_19 = arith.muli %scan3A_16, %mul3A_18 : i32
      %add3A_20 = arith.addi %mul3A_2, %mul3A_19 : i32
      %run_scoped3A = arith.constant 1 : i32
      "tpu.region"() ({
        %run_scoped3A_190 = tpu.sem_alloc : memref<!tpu.dma_semaphore, #tpu.memory_space<semaphore_mem>>
        %dma_start3A_191 = arith.constant 0 : i32
        %dma_start3A_192 = tpu.memref_slice %arg3[%run_scoped3A, %add3A_20, %dma_start3A_191] : memref<2x6400x128xi32, #tpu.memory_space<hbm>> -> memref<1x8x128xi32, #tpu.memory_space<hbm>>
        %dma_start3A_193 = tpu.memref_squeeze %dma_start3A_192 : memref<1x8x128xi32, #tpu.memory_space<hbm>> -> memref<8x128xi32, #tpu.memory_space<hbm>>
        %dma_start3A_194 = arith.constant 0 : i32
        %dma_start3A_195 = tpu.memref_slice %arg3[%run_scoped3A, %add3A_20, %dma_start3A_194] : memref<2x6400x128xi32, #tpu.memory_space<hbm>> -> memref<1x8x128xi32, #tpu.memory_space<hbm>>
        %dma_start3A_196 = tpu.memref_squeeze %dma_start3A_195 : memref<1x8x128xi32, #tpu.memory_space<hbm>> -> memref<8x128xi32, #tpu.memory_space<hbm>>
        tpu.enqueue_dma source(%dma_start3A_196 : memref<8x128xi32, #tpu.memory_space<hbm>>) target(%arg5 : memref<8x128xi32, #tpu.memory_space<vmem>>) target_semaphore(%run_scoped3A_190 : memref<!tpu.dma_semaphore, #tpu.memory_space<semaphore_mem>>)
        %dma_wait3A_197 = arith.constant 0 : i32
        %dma_wait3A_198 = tpu.memref_slice %arg3[%run_scoped3A, %add3A_20, %dma_wait3A_197] : memref<2x6400x128xi32, #tpu.memory_space<hbm>> -> memref<1x8x128xi32, #tpu.memory_space<hbm>>
        %dma_wait3A_199 = tpu.memref_squeeze %dma_wait3A_198 : memref<1x8x128xi32, #tpu.memory_space<hbm>> -> memref<8x128xi32, #tpu.memory_space<hbm>>
        %dma_wait3A_200 = arith.constant 0 : i32
        %dma_wait3A_201 = tpu.memref_slice %arg3[%run_scoped3A, %add3A_20, %dma_wait3A_200] : memref<2x6400x128xi32, #tpu.memory_space<hbm>> -> memref<1x8x128xi32, #tpu.memory_space<hbm>>
        %dma_wait3A_202 = tpu.memref_squeeze %dma_wait3A_201 : memref<1x8x128xi32, #tpu.memory_space<hbm>> -> memref<8x128xi32, #tpu.memory_space<hbm>>
        tpu.wait_dma2 semaphore(%run_scoped3A_190 : memref<!tpu.dma_semaphore, #tpu.memory_space<semaphore_mem>>) src(%dma_wait3A_202 : memref<8x128xi32, #tpu.memory_space<hbm>>) dst(%arg5 : memref<8x128xi32, #tpu.memory_space<vmem>>)
        tpu.yield
      }) : () -> ()
      %dma_start3A = arith.constant 0 : i32
      %dma_start3A_21 = arith.constant 0 : i32
      %dma_start3A_22 = arith.constant 0 : i32
      %dma_start3A_23 = tpu.memref_slice %arg6[%dma_start3A_21, %dma_start3A_22] : memref<1024x16xf32, #tpu.memory_space<vmem>> -> memref<128x16xf32, #tpu.memory_space<vmem>>
      %dma_start3A_24 = arith.constant 0 : i32
      %dma_start3A_25 = tpu.memref_slice %arg5[%dma_start3A, %dma_start3A_24] : memref<8x128xi32, #tpu.memory_space<vmem>> -> memref<1x128xi32, #tpu.memory_space<vmem>>
      %dma_start3A_26 = tpu.memref_squeeze %dma_start3A_25 : memref<1x128xi32, #tpu.memory_space<vmem>> -> memref<128xi32, #tpu.memory_space<vmem>>
      %dma_start3A_27 = arith.constant 0 : i32
      %dma_start3A_28 = arith.constant 0 : i32
      %dma_start3A_29 = tpu.memref_slice %arg2[%dma_start3A_27, %dma_start3A_28] : memref<100000x16xf32, #tpu.memory_space<hbm>> -> memref<100000x16xf32, #tpu.memory_space<hbm>>
      tpu.enqueue_indirect_dma source(%dma_start3A_29 : memref<100000x16xf32, #tpu.memory_space<hbm>>) target(%dma_start3A_23 : memref<128x16xf32, #tpu.memory_space<vmem>>) offsets(%dma_start3A_26 : memref<128xi32, #tpu.memory_space<vmem>>) semaphore(%arg8 : memref<!tpu.dma_semaphore, #tpu.memory_space<semaphore_mem>>)
      %dma_start3A_30 = arith.constant 1 : i32
      %dma_start3A_31 = arith.constant 128 : i32
      %dma_start3A_32 = arith.constant 0 : i32
      %dma_start3A_33 = tpu.memref_slice %arg6[%dma_start3A_31, %dma_start3A_32] : memref<1024x16xf32, #tpu.memory_space<vmem>> -> memref<128x16xf32, #tpu.memory_space<vmem>>
      %dma_start3A_34 = arith.constant 0 : i32
      %dma_start3A_35 = tpu.memref_slice %arg5[%dma_start3A_30, %dma_start3A_34] : memref<8x128xi32, #tpu.memory_space<vmem>> -> memref<1x128xi32, #tpu.memory_space<vmem>>
      %dma_start3A_36 = tpu.memref_squeeze %dma_start3A_35 : memref<1x128xi32, #tpu.memory_space<vmem>> -> memref<128xi32, #tpu.memory_space<vmem>>
      %dma_start3A_37 = arith.constant 0 : i32
      %dma_start3A_38 = arith.constant 0 : i32
      %dma_start3A_39 = tpu.memref_slice %arg2[%dma_start3A_37, %dma_start3A_38] : memref<100000x16xf32, #tpu.memory_space<hbm>> -> memref<100000x16xf32, #tpu.memory_space<hbm>>
      tpu.enqueue_indirect_dma source(%dma_start3A_39 : memref<100000x16xf32, #tpu.memory_space<hbm>>) target(%dma_start3A_33 : memref<128x16xf32, #tpu.memory_space<vmem>>) offsets(%dma_start3A_36 : memref<128xi32, #tpu.memory_space<vmem>>) semaphore(%arg8 : memref<!tpu.dma_semaphore, #tpu.memory_space<semaphore_mem>>)
      %dma_start3A_40 = arith.constant 2 : i32
      %dma_start3A_41 = arith.constant 256 : i32
      %dma_start3A_42 = arith.constant 0 : i32
      %dma_start3A_43 = tpu.memref_slice %arg6[%dma_start3A_41, %dma_start3A_42] : memref<1024x16xf32, #tpu.memory_space<vmem>> -> memref<128x16xf32, #tpu.memory_space<vmem>>
      %dma_start3A_44 = arith.constant 0 : i32
      %dma_start3A_45 = tpu.memref_slice %arg5[%dma_start3A_40, %dma_start3A_44] : memref<8x128xi32, #tpu.memory_space<vmem>> -> memref<1x128xi32, #tpu.memory_space<vmem>>
      %dma_start3A_46 = tpu.memref_squeeze %dma_start3A_45 : memref<1x128xi32, #tpu.memory_space<vmem>> -> memref<128xi32, #tpu.memory_space<vmem>>
      %dma_start3A_47 = arith.constant 0 : i32
      %dma_start3A_48 = arith.constant 0 : i32
      %dma_start3A_49 = tpu.memref_slice %arg2[%dma_start3A_47, %dma_start3A_48] : memref<100000x16xf32, #tpu.memory_space<hbm>> -> memref<100000x16xf32, #tpu.memory_space<hbm>>
      tpu.enqueue_indirect_dma source(%dma_start3A_49 : memref<100000x16xf32, #tpu.memory_space<hbm>>) target(%dma_start3A_43 : memref<128x16xf32, #tpu.memory_space<vmem>>) offsets(%dma_start3A_46 : memref<128xi32, #tpu.memory_space<vmem>>) semaphore(%arg8 : memref<!tpu.dma_semaphore, #tpu.memory_space<semaphore_mem>>)
      %dma_start3A_50 = arith.constant 3 : i32
      %dma_start3A_51 = arith.constant 384 : i32
      %dma_start3A_52 = arith.constant 0 : i32
      %dma_start3A_53 = tpu.memref_slice %arg6[%dma_start3A_51, %dma_start3A_52] : memref<1024x16xf32, #tpu.memory_space<vmem>> -> memref<128x16xf32, #tpu.memory_space<vmem>>
      %dma_start3A_54 = arith.constant 0 : i32
      %dma_start3A_55 = tpu.memref_slice %arg5[%dma_start3A_50, %dma_start3A_54] : memref<8x128xi32, #tpu.memory_space<vmem>> -> memref<1x128xi32, #tpu.memory_space<vmem>>
      %dma_start3A_56 = tpu.memref_squeeze %dma_start3A_55 : memref<1x128xi32, #tpu.memory_space<vmem>> -> memref<128xi32, #tpu.memory_space<vmem>>
      %dma_start3A_57 = arith.constant 0 : i32
      %dma_start3A_58 = arith.constant 0 : i32
      %dma_start3A_59 = tpu.memref_slice %arg2[%dma_start3A_57, %dma_start3A_58] : memref<100000x16xf32, #tpu.memory_space<hbm>> -> memref<100000x16xf32, #tpu.memory_space<hbm>>
      tpu.enqueue_indirect_dma source(%dma_start3A_59 : memref<100000x16xf32, #tpu.memory_space<hbm>>) target(%dma_start3A_53 : memref<128x16xf32, #tpu.memory_space<vmem>>) offsets(%dma_start3A_56 : memref<128xi32, #tpu.memory_space<vmem>>) semaphore(%arg8 : memref<!tpu.dma_semaphore, #tpu.memory_space<semaphore_mem>>)
      %dma_start3A_60 = arith.constant 4 : i32
      %dma_start3A_61 = arith.constant 512 : i32
      %dma_start3A_62 = arith.constant 0 : i32
      %dma_start3A_63 = tpu.memref_slice %arg6[%dma_start3A_61, %dma_start3A_62] : memref<1024x16xf32, #tpu.memory_space<vmem>> -> memref<128x16xf32, #tpu.memory_space<vmem>>
      %dma_start3A_64 = arith.constant 0 : i32
      %dma_start3A_65 = tpu.memref_slice %arg5[%dma_start3A_60, %dma_start3A_64] : memref<8x128xi32, #tpu.memory_space<vmem>> -> memref<1x128xi32, #tpu.memory_space<vmem>>
      %dma_start3A_66 = tpu.memref_squeeze %dma_start3A_65 : memref<1x128xi32, #tpu.memory_space<vmem>> -> memref<128xi32, #tpu.memory_space<vmem>>
      %dma_start3A_67 = arith.constant 0 : i32
      %dma_start3A_68 = arith.constant 0 : i32
      %dma_start3A_69 = tpu.memref_slice %arg2[%dma_start3A_67, %dma_start3A_68] : memref<100000x16xf32, #tpu.memory_space<hbm>> -> memref<100000x16xf32, #tpu.memory_space<hbm>>
      tpu.enqueue_indirect_dma source(%dma_start3A_69 : memref<100000x16xf32, #tpu.memory_space<hbm>>) target(%dma_start3A_63 : memref<128x16xf32, #tpu.memory_space<vmem>>) offsets(%dma_start3A_66 : memref<128xi32, #tpu.memory_space<vmem>>) semaphore(%arg8 : memref<!tpu.dma_semaphore, #tpu.memory_space<semaphore_mem>>)
      %dma_start3A_70 = arith.constant 5 : i32
      %dma_start3A_71 = arith.constant 640 : i32
      %dma_start3A_72 = arith.constant 0 : i32
      %dma_start3A_73 = tpu.memref_slice %arg6[%dma_start3A_71, %dma_start3A_72] : memref<1024x16xf32, #tpu.memory_space<vmem>> -> memref<128x16xf32, #tpu.memory_space<vmem>>
      %dma_start3A_74 = arith.constant 0 : i32
      %dma_start3A_75 = tpu.memref_slice %arg5[%dma_start3A_70, %dma_start3A_74] : memref<8x128xi32, #tpu.memory_space<vmem>> -> memref<1x128xi32, #tpu.memory_space<vmem>>
      %dma_start3A_76 = tpu.memref_squeeze %dma_start3A_75 : memref<1x128xi32, #tpu.memory_space<vmem>> -> memref<128xi32, #tpu.memory_space<vmem>>
      %dma_start3A_77 = arith.constant 0 : i32
      %dma_start3A_78 = arith.constant 0 : i32
      %dma_start3A_79 = tpu.memref_slice %arg2[%dma_start3A_77, %dma_start3A_78] : memref<100000x16xf32, #tpu.memory_space<hbm>> -> memref<100000x16xf32, #tpu.memory_space<hbm>>
      tpu.enqueue_indirect_dma source(%dma_start3A_79 : memref<100000x16xf32, #tpu.memory_space<hbm>>) target(%dma_start3A_73 : memref<128x16xf32, #tpu.memory_space<vmem>>) offsets(%dma_start3A_76 : memref<128xi32, #tpu.memory_space<vmem>>) semaphore(%arg8 : memref<!tpu.dma_semaphore, #tpu.memory_space<semaphore_mem>>)
      %dma_start3A_80 = arith.constant 6 : i32
      %dma_start3A_81 = arith.constant 768 : i32
      %dma_start3A_82 = arith.constant 0 : i32
      %dma_start3A_83 = tpu.memref_slice %arg6[%dma_start3A_81, %dma_start3A_82] : memref<1024x16xf32, #tpu.memory_space<vmem>> -> memref<128x16xf32, #tpu.memory_space<vmem>>
      %dma_start3A_84 = arith.constant 0 : i32
      %dma_start3A_85 = tpu.memref_slice %arg5[%dma_start3A_80, %dma_start3A_84] : memref<8x128xi32, #tpu.memory_space<vmem>> -> memref<1x128xi32, #tpu.memory_space<vmem>>
      %dma_start3A_86 = tpu.memref_squeeze %dma_start3A_85 : memref<1x128xi32, #tpu.memory_space<vmem>> -> memref<128xi32, #tpu.memory_space<vmem>>
      %dma_start3A_87 = arith.constant 0 : i32
      %dma_start3A_88 = arith.constant 0 : i32
      %dma_start3A_89 = tpu.memref_slice %arg2[%dma_start3A_87, %dma_start3A_88] : memref<100000x16xf32, #tpu.memory_space<hbm>> -> memref<100000x16xf32, #tpu.memory_space<hbm>>
      tpu.enqueue_indirect_dma source(%dma_start3A_89 : memref<100000x16xf32, #tpu.memory_space<hbm>>) target(%dma_start3A_83 : memref<128x16xf32, #tpu.memory_space<vmem>>) offsets(%dma_start3A_86 : memref<128xi32, #tpu.memory_space<vmem>>) semaphore(%arg8 : memref<!tpu.dma_semaphore, #tpu.memory_space<semaphore_mem>>)
      %dma_start3A_90 = arith.constant 7 : i32
      %dma_start3A_91 = arith.constant 896 : i32
      %dma_start3A_92 = arith.constant 0 : i32
      %dma_start3A_93 = tpu.memref_slice %arg6[%dma_start3A_91, %dma_start3A_92] : memref<1024x16xf32, #tpu.memory_space<vmem>> -> memref<128x16xf32, #tpu.memory_space<vmem>>
      %dma_start3A_94 = arith.constant 0 : i32
      %dma_start3A_95 = tpu.memref_slice %arg5[%dma_start3A_90, %dma_start3A_94] : memref<8x128xi32, #tpu.memory_space<vmem>> -> memref<1x128xi32, #tpu.memory_space<vmem>>
      %dma_start3A_96 = tpu.memref_squeeze %dma_start3A_95 : memref<1x128xi32, #tpu.memory_space<vmem>> -> memref<128xi32, #tpu.memory_space<vmem>>
      %dma_start3A_97 = arith.constant 0 : i32
      %dma_start3A_98 = arith.constant 0 : i32
      %dma_start3A_99 = tpu.memref_slice %arg2[%dma_start3A_97, %dma_start3A_98] : memref<100000x16xf32, #tpu.memory_space<hbm>> -> memref<100000x16xf32, #tpu.memory_space<hbm>>
      tpu.enqueue_indirect_dma source(%dma_start3A_99 : memref<100000x16xf32, #tpu.memory_space<hbm>>) target(%dma_start3A_93 : memref<128x16xf32, #tpu.memory_space<vmem>>) offsets(%dma_start3A_96 : memref<128xi32, #tpu.memory_space<vmem>>) semaphore(%arg8 : memref<!tpu.dma_semaphore, #tpu.memory_space<semaphore_mem>>)
      %dma_wait3A = arith.constant 0 : i32
      %dma_wait3A_100 = arith.constant 0 : i32
      %dma_wait3A_101 = arith.constant 0 : i32
      %dma_wait3A_102 = tpu.memref_slice %arg6[%dma_wait3A_100, %dma_wait3A_101] : memref<1024x16xf32, #tpu.memory_space<vmem>> -> memref<128x16xf32, #tpu.memory_space<vmem>>
      %dma_wait3A_103 = arith.constant 0 : i32
      %dma_wait3A_104 = tpu.memref_slice %arg5[%dma_wait3A, %dma_wait3A_103] : memref<8x128xi32, #tpu.memory_space<vmem>> -> memref<1x128xi32, #tpu.memory_space<vmem>>
      %dma_wait3A_105 = tpu.memref_squeeze %dma_wait3A_104 : memref<1x128xi32, #tpu.memory_space<vmem>> -> memref<128xi32, #tpu.memory_space<vmem>>
      %dma_wait3A_106 = arith.constant 0 : i32
      %dma_wait3A_107 = arith.constant 0 : i32
      %dma_wait3A_108 = tpu.memref_slice %arg2[%dma_wait3A_106, %dma_wait3A_107] : memref<100000x16xf32, #tpu.memory_space<hbm>> -> memref<100000x16xf32, #tpu.memory_space<hbm>>
      tpu.wait_indirect_dma semaphore(%arg8 : memref<!tpu.dma_semaphore, #tpu.memory_space<semaphore_mem>>) src(%dma_wait3A_108 : memref<100000x16xf32, #tpu.memory_space<hbm>>) dst(%dma_wait3A_102 : memref<128x16xf32, #tpu.memory_space<vmem>>)
      %dma_wait3A_109 = arith.constant 1 : i32
      %dma_wait3A_110 = arith.constant 128 : i32
      %dma_wait3A_111 = arith.constant 0 : i32
      %dma_wait3A_112 = tpu.memref_slice %arg6[%dma_wait3A_110, %dma_wait3A_111] : memref<1024x16xf32, #tpu.memory_space<vmem>> -> memref<128x16xf32, #tpu.memory_space<vmem>>
      %dma_wait3A_113 = arith.constant 0 : i32
      %dma_wait3A_114 = tpu.memref_slice %arg5[%dma_wait3A_109, %dma_wait3A_113] : memref<8x128xi32, #tpu.memory_space<vmem>> -> memref<1x128xi32, #tpu.memory_space<vmem>>
      %dma_wait3A_115 = tpu.memref_squeeze %dma_wait3A_114 : memref<1x128xi32, #tpu.memory_space<vmem>> -> memref<128xi32, #tpu.memory_space<vmem>>
      %dma_wait3A_116 = arith.constant 0 : i32
      %dma_wait3A_117 = arith.constant 0 : i32
      %dma_wait3A_118 = tpu.memref_slice %arg2[%dma_wait3A_116, %dma_wait3A_117] : memref<100000x16xf32, #tpu.memory_space<hbm>> -> memref<100000x16xf32, #tpu.memory_space<hbm>>
      tpu.wait_indirect_dma semaphore(%arg8 : memref<!tpu.dma_semaphore, #tpu.memory_space<semaphore_mem>>) src(%dma_wait3A_118 : memref<100000x16xf32, #tpu.memory_space<hbm>>) dst(%dma_wait3A_112 : memref<128x16xf32, #tpu.memory_space<vmem>>)
      %dma_wait3A_119 = arith.constant 2 : i32
      %dma_wait3A_120 = arith.constant 256 : i32
      %dma_wait3A_121 = arith.constant 0 : i32
      %dma_wait3A_122 = tpu.memref_slice %arg6[%dma_wait3A_120, %dma_wait3A_121] : memref<1024x16xf32, #tpu.memory_space<vmem>> -> memref<128x16xf32, #tpu.memory_space<vmem>>
      %dma_wait3A_123 = arith.constant 0 : i32
      %dma_wait3A_124 = tpu.memref_slice %arg5[%dma_wait3A_119, %dma_wait3A_123] : memref<8x128xi32, #tpu.memory_space<vmem>> -> memref<1x128xi32, #tpu.memory_space<vmem>>
      %dma_wait3A_125 = tpu.memref_squeeze %dma_wait3A_124 : memref<1x128xi32, #tpu.memory_space<vmem>> -> memref<128xi32, #tpu.memory_space<vmem>>
      %dma_wait3A_126 = arith.constant 0 : i32
      %dma_wait3A_127 = arith.constant 0 : i32
      %dma_wait3A_128 = tpu.memref_slice %arg2[%dma_wait3A_126, %dma_wait3A_127] : memref<100000x16xf32, #tpu.memory_space<hbm>> -> memref<100000x16xf32, #tpu.memory_space<hbm>>
      tpu.wait_indirect_dma semaphore(%arg8 : memref<!tpu.dma_semaphore, #tpu.memory_space<semaphore_mem>>) src(%dma_wait3A_128 : memref<100000x16xf32, #tpu.memory_space<hbm>>) dst(%dma_wait3A_122 : memref<128x16xf32, #tpu.memory_space<vmem>>)
      %dma_wait3A_129 = arith.constant 3 : i32
      %dma_wait3A_130 = arith.constant 384 : i32
      %dma_wait3A_131 = arith.constant 0 : i32
      %dma_wait3A_132 = tpu.memref_slice %arg6[%dma_wait3A_130, %dma_wait3A_131] : memref<1024x16xf32, #tpu.memory_space<vmem>> -> memref<128x16xf32, #tpu.memory_space<vmem>>
      %dma_wait3A_133 = arith.constant 0 : i32
      %dma_wait3A_134 = tpu.memref_slice %arg5[%dma_wait3A_129, %dma_wait3A_133] : memref<8x128xi32, #tpu.memory_space<vmem>> -> memref<1x128xi32, #tpu.memory_space<vmem>>
      %dma_wait3A_135 = tpu.memref_squeeze %dma_wait3A_134 : memref<1x128xi32, #tpu.memory_space<vmem>> -> memref<128xi32, #tpu.memory_space<vmem>>
      %dma_wait3A_136 = arith.constant 0 : i32
      %dma_wait3A_137 = arith.constant 0 : i32
      %dma_wait3A_138 = tpu.memref_slice %arg2[%dma_wait3A_136, %dma_wait3A_137] : memref<100000x16xf32, #tpu.memory_space<hbm>> -> memref<100000x16xf32, #tpu.memory_space<hbm>>
      tpu.wait_indirect_dma semaphore(%arg8 : memref<!tpu.dma_semaphore, #tpu.memory_space<semaphore_mem>>) src(%dma_wait3A_138 : memref<100000x16xf32, #tpu.memory_space<hbm>>) dst(%dma_wait3A_132 : memref<128x16xf32, #tpu.memory_space<vmem>>)
      %dma_wait3A_139 = arith.constant 4 : i32
      %dma_wait3A_140 = arith.constant 512 : i32
      %dma_wait3A_141 = arith.constant 0 : i32
      %dma_wait3A_142 = tpu.memref_slice %arg6[%dma_wait3A_140, %dma_wait3A_141] : memref<1024x16xf32, #tpu.memory_space<vmem>> -> memref<128x16xf32, #tpu.memory_space<vmem>>
      %dma_wait3A_143 = arith.constant 0 : i32
      %dma_wait3A_144 = tpu.memref_slice %arg5[%dma_wait3A_139, %dma_wait3A_143] : memref<8x128xi32, #tpu.memory_space<vmem>> -> memref<1x128xi32, #tpu.memory_space<vmem>>
      %dma_wait3A_145 = tpu.memref_squeeze %dma_wait3A_144 : memref<1x128xi32, #tpu.memory_space<vmem>> -> memref<128xi32, #tpu.memory_space<vmem>>
      %dma_wait3A_146 = arith.constant 0 : i32
      %dma_wait3A_147 = arith.constant 0 : i32
      %dma_wait3A_148 = tpu.memref_slice %arg2[%dma_wait3A_146, %dma_wait3A_147] : memref<100000x16xf32, #tpu.memory_space<hbm>> -> memref<100000x16xf32, #tpu.memory_space<hbm>>
      tpu.wait_indirect_dma semaphore(%arg8 : memref<!tpu.dma_semaphore, #tpu.memory_space<semaphore_mem>>) src(%dma_wait3A_148 : memref<100000x16xf32, #tpu.memory_space<hbm>>) dst(%dma_wait3A_142 : memref<128x16xf32, #tpu.memory_space<vmem>>)
      %dma_wait3A_149 = arith.constant 5 : i32
      %dma_wait3A_150 = arith.constant 640 : i32
      %dma_wait3A_151 = arith.constant 0 : i32
      %dma_wait3A_152 = tpu.memref_slice %arg6[%dma_wait3A_150, %dma_wait3A_151] : memref<1024x16xf32, #tpu.memory_space<vmem>> -> memref<128x16xf32, #tpu.memory_space<vmem>>
      %dma_wait3A_153 = arith.constant 0 : i32
      %dma_wait3A_154 = tpu.memref_slice %arg5[%dma_wait3A_149, %dma_wait3A_153] : memref<8x128xi32, #tpu.memory_space<vmem>> -> memref<1x128xi32, #tpu.memory_space<vmem>>
      %dma_wait3A_155 = tpu.memref_squeeze %dma_wait3A_154 : memref<1x128xi32, #tpu.memory_space<vmem>> -> memref<128xi32, #tpu.memory_space<vmem>>
      %dma_wait3A_156 = arith.constant 0 : i32
      %dma_wait3A_157 = arith.constant 0 : i32
      %dma_wait3A_158 = tpu.memref_slice %arg2[%dma_wait3A_156, %dma_wait3A_157] : memref<100000x16xf32, #tpu.memory_space<hbm>> -> memref<100000x16xf32, #tpu.memory_space<hbm>>
      tpu.wait_indirect_dma semaphore(%arg8 : memref<!tpu.dma_semaphore, #tpu.memory_space<semaphore_mem>>) src(%dma_wait3A_158 : memref<100000x16xf32, #tpu.memory_space<hbm>>) dst(%dma_wait3A_152 : memref<128x16xf32, #tpu.memory_space<vmem>>)
      %dma_wait3A_159 = arith.constant 6 : i32
      %dma_wait3A_160 = arith.constant 768 : i32
      %dma_wait3A_161 = arith.constant 0 : i32
      %dma_wait3A_162 = tpu.memref_slice %arg6[%dma_wait3A_160, %dma_wait3A_161] : memref<1024x16xf32, #tpu.memory_space<vmem>> -> memref<128x16xf32, #tpu.memory_space<vmem>>
      %dma_wait3A_163 = arith.constant 0 : i32
      %dma_wait3A_164 = tpu.memref_slice %arg5[%dma_wait3A_159, %dma_wait3A_163] : memref<8x128xi32, #tpu.memory_space<vmem>> -> memref<1x128xi32, #tpu.memory_space<vmem>>
      %dma_wait3A_165 = tpu.memref_squeeze %dma_wait3A_164 : memref<1x128xi32, #tpu.memory_space<vmem>> -> memref<128xi32, #tpu.memory_space<vmem>>
      %dma_wait3A_166 = arith.constant 0 : i32
      %dma_wait3A_167 = arith.constant 0 : i32
      %dma_wait3A_168 = tpu.memref_slice %arg2[%dma_wait3A_166, %dma_wait3A_167] : memref<100000x16xf32, #tpu.memory_space<hbm>> -> memref<100000x16xf32, #tpu.memory_space<hbm>>
      tpu.wait_indirect_dma semaphore(%arg8 : memref<!tpu.dma_semaphore, #tpu.memory_space<semaphore_mem>>) src(%dma_wait3A_168 : memref<100000x16xf32, #tpu.memory_space<hbm>>) dst(%dma_wait3A_162 : memref<128x16xf32, #tpu.memory_space<vmem>>)
      %dma_wait3A_169 = arith.constant 7 : i32
      %dma_wait3A_170 = arith.constant 896 : i32
      %dma_wait3A_171 = arith.constant 0 : i32
      %dma_wait3A_172 = tpu.memref_slice %arg6[%dma_wait3A_170, %dma_wait3A_171] : memref<1024x16xf32, #tpu.memory_space<vmem>> -> memref<128x16xf32, #tpu.memory_space<vmem>>
      %dma_wait3A_173 = arith.constant 0 : i32
      %dma_wait3A_174 = tpu.memref_slice %arg5[%dma_wait3A_169, %dma_wait3A_173] : memref<8x128xi32, #tpu.memory_space<vmem>> -> memref<1x128xi32, #tpu.memory_space<vmem>>
      %dma_wait3A_175 = tpu.memref_squeeze %dma_wait3A_174 : memref<1x128xi32, #tpu.memory_space<vmem>> -> memref<128xi32, #tpu.memory_space<vmem>>
      %dma_wait3A_176 = arith.constant 0 : i32
      %dma_wait3A_177 = arith.constant 0 : i32
      %dma_wait3A_178 = tpu.memref_slice %arg2[%dma_wait3A_176, %dma_wait3A_177] : memref<100000x16xf32, #tpu.memory_space<hbm>> -> memref<100000x16xf32, #tpu.memory_space<hbm>>
      tpu.wait_indirect_dma semaphore(%arg8 : memref<!tpu.dma_semaphore, #tpu.memory_space<semaphore_mem>>) src(%dma_wait3A_178 : memref<100000x16xf32, #tpu.memory_space<hbm>>) dst(%dma_wait3A_172 : memref<128x16xf32, #tpu.memory_space<vmem>>)
      %scan3A_179 = arith.constant 0 : i32
      %scan3A_180 = arith.constant 0 : i32
      %scan3A_181 = arith.constant 128 : i32
      %scan3A_182 = arith.addi %scan3A_180, %scan3A_181 : i32
      %scan3A_183 = arith.constant 1 : i32
      %scan3A_184 = scf.for %scan3A_190 = %scan3A_180 to %scan3A_182 step %scan3A_183 iter_args(%scan3A_191 = %scan3A_179) -> (i32)  : i32 {
        %mul3A_192 = arith.constant 8 : i32
        %mul3A_193 = arith.muli %scan3A_190, %mul3A_192 : i32
        %add3A_194 = arith.constant 0 : i32
        %add3A_195 = arith.addi %mul3A_193, %add3A_194 : i32
        %get3A = arith.index_cast %add3A_195 : i32 to index
        %get3A_196 = arith.constant 0 : index
        %get3A_197 = tpu.vector_load %arg6[%get3A, %get3A_196] {strides = array<i32>} : memref<1024x16xf32, #tpu.memory_space<vmem>>, vector<1x16xf32>,
        %get3A_198 = vector.shape_cast %get3A_197 : vector<1x16xf32> to vector<16xf32>
        %swap3A = arith.index_cast %scan3A_190 : i32 to index
        %swap3A_199 = arith.constant 0 : index
        %swap3A_200 = tpu.vector_load %arg7[%swap3A, %swap3A_199] {strides = array<i32>} : memref<128x128xf32, #tpu.memory_space<vmem>>, vector<1x16xf32>,
        %swap3A_201 = vector.shape_cast %swap3A_200 : vector<1x16xf32> to vector<16xf32>
        %swap3A_202 = vector.shape_cast %get3A_198 : vector<16xf32> to vector<1x16xf32>
        tpu.vector_store %arg7[%swap3A, %swap3A_199], %swap3A_202 {strides = array<i32>} : memref<128x128xf32, #tpu.memory_space<vmem>>, vector<1x16xf32>,
        %mul3A_203 = arith.constant 8 : i32
        %mul3A_204 = arith.muli %scan3A_190, %mul3A_203 : i32
        %add3A_205 = arith.constant 1 : i32
        %add3A_206 = arith.addi %mul3A_204, %add3A_205 : i32
        %get3A_207 = arith.index_cast %add3A_206 : i32 to index
        %get3A_208 = arith.constant 0 : index
        %get3A_209 = tpu.vector_load %arg6[%get3A_207, %get3A_208] {strides = array<i32>} : memref<1024x16xf32, #tpu.memory_space<vmem>>, vector<1x16xf32>,
        %get3A_210 = vector.shape_cast %get3A_209 : vector<1x16xf32> to vector<16xf32>
        %swap3A_211 = arith.index_cast %scan3A_190 : i32 to index
        %swap3A_212 = arith.constant 16 : index
        %swap3A_213 = tpu.vector_load %arg7[%swap3A_211, %swap3A_212] {strides = array<i32>} : memref<128x128xf32, #tpu.memory_space<vmem>>, vector<1x16xf32>,
        %swap3A_214 = vector.shape_cast %swap3A_213 : vector<1x16xf32> to vector<16xf32>
        %swap3A_215 = vector.shape_cast %get3A_210 : vector<16xf32> to vector<1x16xf32>
        tpu.vector_store %arg7[%swap3A_211, %swap3A_212], %swap3A_215 {strides = array<i32>} : memref<128x128xf32, #tpu.memory_space<vmem>>, vector<1x16xf32>,
        %mul3A_216 = arith.constant 8 : i32
        %mul3A_217 = arith.muli %scan3A_190, %mul3A_216 : i32
        %add3A_218 = arith.constant 2 : i32
        %add3A_219 = arith.addi %mul3A_217, %add3A_218 : i32
        %get3A_220 = arith.index_cast %add3A_219 : i32 to index
        %get3A_221 = arith.constant 0 : index
        %get3A_222 = tpu.vector_load %arg6[%get3A_220, %get3A_221] {strides = array<i32>} : memref<1024x16xf32, #tpu.memory_space<vmem>>, vector<1x16xf32>,
        %get3A_223 = vector.shape_cast %get3A_222 : vector<1x16xf32> to vector<16xf32>
        %swap3A_224 = arith.index_cast %scan3A_190 : i32 to index
        %swap3A_225 = arith.constant 32 : index
        %swap3A_226 = tpu.vector_load %arg7[%swap3A_224, %swap3A_225] {strides = array<i32>} : memref<128x128xf32, #tpu.memory_space<vmem>>, vector<1x16xf32>,
        %swap3A_227 = vector.shape_cast %swap3A_226 : vector<1x16xf32> to vector<16xf32>
        %swap3A_228 = vector.shape_cast %get3A_223 : vector<16xf32> to vector<1x16xf32>
        tpu.vector_store %arg7[%swap3A_224, %swap3A_225], %swap3A_228 {strides = array<i32>} : memref<128x128xf32, #tpu.memory_space<vmem>>, vector<1x16xf32>,
        %mul3A_229 = arith.constant 8 : i32
        %mul3A_230 = arith.muli %scan3A_190, %mul3A_229 : i32
        %add3A_231 = arith.constant 3 : i32
        %add3A_232 = arith.addi %mul3A_230, %add3A_231 : i32
        %get3A_233 = arith.index_cast %add3A_232 : i32 to index
        %get3A_234 = arith.constant 0 : index
        %get3A_235 = tpu.vector_load %arg6[%get3A_233, %get3A_234] {strides = array<i32>} : memref<1024x16xf32, #tpu.memory_space<vmem>>, vector<1x16xf32>,
        %get3A_236 = vector.shape_cast %get3A_235 : vector<1x16xf32> to vector<16xf32>
        %swap3A_237 = arith.index_cast %scan3A_190 : i32 to index
        %swap3A_238 = arith.constant 48 : index
        %swap3A_239 = tpu.vector_load %arg7[%swap3A_237, %swap3A_238] {strides = array<i32>} : memref<128x128xf32, #tpu.memory_space<vmem>>, vector<1x16xf32>,
        %swap3A_240 = vector.shape_cast %swap3A_239 : vector<1x16xf32> to vector<16xf32>
        %swap3A_241 = vector.shape_cast %get3A_236 : vector<16xf32> to vector<1x16xf32>
        tpu.vector_store %arg7[%swap3A_237, %swap3A_238], %swap3A_241 {strides = array<i32>} : memref<128x128xf32, #tpu.memory_space<vmem>>, vector<1x16xf32>,
        %mul3A_242 = arith.constant 8 : i32
        %mul3A_243 = arith.muli %scan3A_190, %mul3A_242 : i32
        %add3A_244 = arith.constant 4 : i32
        %add3A_245 = arith.addi %mul3A_243, %add3A_244 : i32
        %get3A_246 = arith.index_cast %add3A_245 : i32 to index
        %get3A_247 = arith.constant 0 : index
        %get3A_248 = tpu.vector_load %arg6[%get3A_246, %get3A_247] {strides = array<i32>} : memref<1024x16xf32, #tpu.memory_space<vmem>>, vector<1x16xf32>,
        %get3A_249 = vector.shape_cast %get3A_248 : vector<1x16xf32> to vector<16xf32>
        %swap3A_250 = arith.index_cast %scan3A_190 : i32 to index
        %swap3A_251 = arith.constant 64 : index
        %swap3A_252 = tpu.vector_load %arg7[%swap3A_250, %swap3A_251] {strides = array<i32>} : memref<128x128xf32, #tpu.memory_space<vmem>>, vector<1x16xf32>,
        %swap3A_253 = vector.shape_cast %swap3A_252 : vector<1x16xf32> to vector<16xf32>
        %swap3A_254 = vector.shape_cast %get3A_249 : vector<16xf32> to vector<1x16xf32>
        tpu.vector_store %arg7[%swap3A_250, %swap3A_251], %swap3A_254 {strides = array<i32>} : memref<128x128xf32, #tpu.memory_space<vmem>>, vector<1x16xf32>,
        %mul3A_255 = arith.constant 8 : i32
        %mul3A_256 = arith.muli %scan3A_190, %mul3A_255 : i32
        %add3A_257 = arith.constant 5 : i32
        %add3A_258 = arith.addi %mul3A_256, %add3A_257 : i32
        %get3A_259 = arith.index_cast %add3A_258 : i32 to index
        %get3A_260 = arith.constant 0 : index
        %get3A_261 = tpu.vector_load %arg6[%get3A_259, %get3A_260] {strides = array<i32>} : memref<1024x16xf32, #tpu.memory_space<vmem>>, vector<1x16xf32>,
        %get3A_262 = vector.shape_cast %get3A_261 : vector<1x16xf32> to vector<16xf32>
        %swap3A_263 = arith.index_cast %scan3A_190 : i32 to index
        %swap3A_264 = arith.constant 80 : index
        %swap3A_265 = tpu.vector_load %arg7[%swap3A_263, %swap3A_264] {strides = array<i32>} : memref<128x128xf32, #tpu.memory_space<vmem>>, vector<1x16xf32>,
        %swap3A_266 = vector.shape_cast %swap3A_265 : vector<1x16xf32> to vector<16xf32>
        %swap3A_267 = vector.shape_cast %get3A_262 : vector<16xf32> to vector<1x16xf32>
        tpu.vector_store %arg7[%swap3A_263, %swap3A_264], %swap3A_267 {strides = array<i32>} : memref<128x128xf32, #tpu.memory_space<vmem>>, vector<1x16xf32>,
        %mul3A_268 = arith.constant 8 : i32
        %mul3A_269 = arith.muli %scan3A_190, %mul3A_268 : i32
        %add3A_270 = arith.constant 6 : i32
        %add3A_271 = arith.addi %mul3A_269, %add3A_270 : i32
        %get3A_272 = arith.index_cast %add3A_271 : i32 to index
        %get3A_273 = arith.constant 0 : index
        %get3A_274 = tpu.vector_load %arg6[%get3A_272, %get3A_273] {strides = array<i32>} : memref<1024x16xf32, #tpu.memory_space<vmem>>, vector<1x16xf32>,
        %get3A_275 = vector.shape_cast %get3A_274 : vector<1x16xf32> to vector<16xf32>
        %swap3A_276 = arith.index_cast %scan3A_190 : i32 to index
        %swap3A_277 = arith.constant 96 : index
        %swap3A_278 = tpu.vector_load %arg7[%swap3A_276, %swap3A_277] {strides = array<i32>} : memref<128x128xf32, #tpu.memory_space<vmem>>, vector<1x16xf32>,
        %swap3A_279 = vector.shape_cast %swap3A_278 : vector<1x16xf32> to vector<16xf32>
        %swap3A_280 = vector.shape_cast %get3A_275 : vector<16xf32> to vector<1x16xf32>
        tpu.vector_store %arg7[%swap3A_276, %swap3A_277], %swap3A_280 {strides = array<i32>} : memref<128x128xf32, #tpu.memory_space<vmem>>, vector<1x16xf32>,
        %mul3A_281 = arith.constant 8 : i32
        %mul3A_282 = arith.muli %scan3A_190, %mul3A_281 : i32
        %add3A_283 = arith.constant 7 : i32
        %add3A_284 = arith.addi %mul3A_282, %add3A_283 : i32
        %get3A_285 = arith.index_cast %add3A_284 : i32 to index
        %get3A_286 = arith.constant 0 : index
        %get3A_287 = tpu.vector_load %arg6[%get3A_285, %get3A_286] {strides = array<i32>} : memref<1024x16xf32, #tpu.memory_space<vmem>>, vector<1x16xf32>,
        %get3A_288 = vector.shape_cast %get3A_287 : vector<1x16xf32> to vector<16xf32>
        %swap3A_289 = arith.index_cast %scan3A_190 : i32 to index
        %swap3A_290 = arith.constant 112 : index
        %swap3A_291 = tpu.vector_load %arg7[%swap3A_289, %swap3A_290] {strides = array<i32>} : memref<128x128xf32, #tpu.memory_space<vmem>>, vector<1x16xf32>,
        %swap3A_292 = vector.shape_cast %swap3A_291 : vector<1x16xf32> to vector<16xf32>
        %swap3A_293 = vector.shape_cast %get3A_288 : vector<16xf32> to vector<1x16xf32>
        tpu.vector_store %arg7[%swap3A_289, %swap3A_290], %swap3A_293 {strides = array<i32>} : memref<128x128xf32, #tpu.memory_space<vmem>>, vector<1x16xf32>,
        %scan3A_294 = arith.constant 0 : i32
        scf.yield %scan3A_294 : i32
      }
      %scan3A_185 = arith.constant 128 : i32
      %mul3A_186 = arith.constant 16 : i32
      %mul3A_187 = arith.muli %add3A_20, %mul3A_186 : i32
      %run_scoped3A_188 = arith.constant 1 : i32
      "tpu.region"() ({
        %run_scoped3A_190 = tpu.sem_alloc : memref<!tpu.dma_semaphore, #tpu.memory_space<semaphore_mem>>
        %dma_start3A_191 = arith.constant 0 : i32
        %dma_start3A_192 = tpu.memref_slice %arg4[%run_scoped3A_188, %mul3A_187, %dma_start3A_191] : memref<2x102400x128xf32, #tpu.memory_space<hbm>> -> memref<1x128x128xf32, #tpu.memory_space<hbm>>
        %dma_start3A_193 = tpu.memref_squeeze %dma_start3A_192 : memref<1x128x128xf32, #tpu.memory_space<hbm>> -> memref<128x128xf32, #tpu.memory_space<hbm>>
        %dma_start3A_194 = arith.constant 0 : i32
        %dma_start3A_195 = tpu.memref_slice %arg4[%run_scoped3A_188, %mul3A_187, %dma_start3A_194] : memref<2x102400x128xf32, #tpu.memory_space<hbm>> -> memref<1x128x128xf32, #tpu.memory_space<hbm>>
        %dma_start3A_196 = tpu.memref_squeeze %dma_start3A_195 : memref<1x128x128xf32, #tpu.memory_space<hbm>> -> memref<128x128xf32, #tpu.memory_space<hbm>>
        tpu.enqueue_dma source(%arg7 : memref<128x128xf32, #tpu.memory_space<vmem>>) target(%dma_start3A_196 : memref<128x128xf32, #tpu.memory_space<hbm>>) target_semaphore(%run_scoped3A_190 : memref<!tpu.dma_semaphore, #tpu.memory_space<semaphore_mem>>)
        %dma_wait3A_197 = arith.constant 0 : i32
        %dma_wait3A_198 = tpu.memref_slice %arg4[%run_scoped3A_188, %mul3A_187, %dma_wait3A_197] : memref<2x102400x128xf32, #tpu.memory_space<hbm>> -> memref<1x128x128xf32, #tpu.memory_space<hbm>>
        %dma_wait3A_199 = tpu.memref_squeeze %dma_wait3A_198 : memref<1x128x128xf32, #tpu.memory_space<hbm>> -> memref<128x128xf32, #tpu.memory_space<hbm>>
        %dma_wait3A_200 = arith.constant 0 : i32
        %dma_wait3A_201 = tpu.memref_slice %arg4[%run_scoped3A_188, %mul3A_187, %dma_wait3A_200] : memref<2x102400x128xf32, #tpu.memory_space<hbm>> -> memref<1x128x128xf32, #tpu.memory_space<hbm>>
        %dma_wait3A_202 = tpu.memref_squeeze %dma_wait3A_201 : memref<1x128x128xf32, #tpu.memory_space<hbm>> -> memref<128x128xf32, #tpu.memory_space<hbm>>
        tpu.wait_dma2 semaphore(%run_scoped3A_190 : memref<!tpu.dma_semaphore, #tpu.memory_space<semaphore_mem>>) src(%arg7 : memref<128x128xf32, #tpu.memory_space<vmem>>) dst(%dma_wait3A_202 : memref<128x128xf32, #tpu.memory_space<hbm>>)
        tpu.yield
      }) : () -> ()
      %scan3A_189 = arith.constant 0 : i32
      scf.yield %scan3A_189 : i32
    }
    %scan3A_15 = arith.constant 25 : i32
    return
  }
}

module attributes {stable_mosaic.version = 14 : i64} {
  func.func @_edge_body(%arg0: i32, %arg1: memref<2x1024x128xf32, #tpu.memory_space<vmem>>, %arg2: memref<1x96x128xf32, #tpu.memory_space<vmem>>, %arg3: memref<1x1x128xf32, #tpu.memory_space<vmem>>, %arg4: memref<1x128x64xf32, #tpu.memory_space<vmem>>, %arg5: memref<1x1x64xf32, #tpu.memory_space<vmem>>, %arg6: memref<1024x128xf32, #tpu.memory_space<vmem>>) attributes {dimension_semantics = [#tpu.dimension_semantics<arbitrary>], iteration_bounds = array<i64: 196>, scalar_prefetch = 0 : i64, scratch_operands = 0 : i64, tpu.core_type = #tpu.core_type<tc>, window_params = [{transform_indices = @transform_0, window_bounds = array<i64: 2, 1024, 128>}, {transform_indices = @transform_1, window_bounds = array<i64: 1, 96, 128>}, {transform_indices = @transform_2, window_bounds = array<i64: 1, 1, 128>}, {transform_indices = @transform_3, window_bounds = array<i64: 1, 128, 64>}, {transform_indices = @transform_4, window_bounds = array<i64: 1, 1, 64>}, {transform_indices = @transform_5, window_bounds = array<i64: 1024, 128>}]} {
    %get3A = arith.constant 0 : index
    %get3A_0 = arith.constant 0 : index
    %get3A_1 = arith.constant 0 : index
    %get3A_2 = vector.load %arg1[%get3A, %get3A_0, %get3A_1] : memref<2x1024x128xf32, #tpu.memory_space<vmem>>, vector<1x1024x128xf32>
    %get3A_3 = vector.shape_cast %get3A_2 : vector<1x1024x128xf32> to vector<1024x128xf32>
    %get3A_4 = arith.constant 1 : index
    %get3A_5 = arith.constant 0 : index
    %get3A_6 = arith.constant 0 : index
    %get3A_7 = vector.load %arg1[%get3A_4, %get3A_5, %get3A_6] : memref<2x1024x128xf32, #tpu.memory_space<vmem>>, vector<1x1024x128xf32>
    %get3A_8 = vector.shape_cast %get3A_7 : vector<1x1024x128xf32> to vector<1024x128xf32>
    %iota3A = tpu.iota {dimensions = array<i32: 1>} : vector<1024x128xi32>
    %jit3A = arith.constant 16 : i32
    %eq3A = arith.constant 0 : i32
    %eq3A_9 = arith.cmpi eq, %jit3A, %eq3A : i32
    %jit3A_10 = arith.constant 1 : i32
    %select_n3A = arith.select %eq3A_9, %jit3A_10, %jit3A : i32
    %rem3A = vector.broadcast %select_n3A : i32 to vector<1024x128xi32>
    %rem3A_11 = arith.remsi %iota3A, %rem3A : vector<1024x128xi32>
    %ne3A = arith.constant 0 : i32
    %ne3A_12 = vector.broadcast %ne3A : i32 to vector<1024x128xi32>
    %ne3A_13 = arith.cmpi ne, %rem3A_11, %ne3A_12 : vector<1024x128xi32>
    %lt3A = arith.constant 0 : i32
    %lt3A_14 = vector.broadcast %lt3A : i32 to vector<1024x128xi32>
    %lt3A_15 = arith.cmpi slt, %rem3A_11, %lt3A_14 : vector<1024x128xi32>
    %lt3A_16 = arith.constant 0 : i32
    %lt3A_17 = arith.cmpi slt, %select_n3A, %lt3A_16 : i32
    %ne3A_18 = vector.broadcast %lt3A_17 : i1 to vector<1024x128xi1>
    %ne3A_19 = vector.broadcast %ne3A_18 : vector<1024x128xi1> to vector<1024x128xi1>
    %ne3A_20 = arith.xori %lt3A_15, %ne3A_19 : vector<1024x128xi1>
    %and3A = arith.andi %ne3A_20, %ne3A_13 : vector<1024x128xi1>
    %add3A = vector.broadcast %select_n3A : i32 to vector<1024x128xi32>
    %add3A_21 = arith.addi %rem3A_11, %add3A : vector<1024x128xi32>
    %select_n3A_22 = arith.select %and3A, %add3A_21, %rem3A_11 : vector<1024x128xi1>, vector<1024x128xi32>
    %sub3A = arith.subf %get3A_3, %get3A_8 : vector<1024x128xf32>
    %mul3A = arith.mulf %sub3A, %sub3A : vector<1024x128xf32>
    %roll3A = arith.constant 127 : i32
    %roll3A_23 = tpu.dynamic_rotate %mul3A by %roll3A dim 1 : vector<1024x128xf32>, i32 -> vector<1024x128xf32>
    %add3A_24 = arith.addf %mul3A, %roll3A_23 : vector<1024x128xf32>
    %roll3A_25 = arith.constant 126 : i32
    %roll3A_26 = tpu.dynamic_rotate %mul3A by %roll3A_25 dim 1 : vector<1024x128xf32>, i32 -> vector<1024x128xf32>
    %add3A_27 = arith.addf %add3A_24, %roll3A_26 : vector<1024x128xf32>
    %roll3A_28 = arith.constant 127 : i32
    %roll3A_29 = tpu.dynamic_rotate %get3A_8 by %roll3A_28 dim 1 : vector<1024x128xf32>, i32 -> vector<1024x128xf32>
    %mul3A_30 = arith.mulf %get3A_3, %roll3A_29 : vector<1024x128xf32>
    %roll3A_31 = arith.constant 1 : i32
    %roll3A_32 = tpu.dynamic_rotate %get3A_8 by %roll3A_31 dim 1 : vector<1024x128xf32>, i32 -> vector<1024x128xf32>
    %mul3A_33 = arith.mulf %get3A_3, %roll3A_32 : vector<1024x128xf32>
    %roll3A_34 = arith.constant 2 : i32
    %roll3A_35 = tpu.dynamic_rotate %get3A_8 by %roll3A_34 dim 1 : vector<1024x128xf32>, i32 -> vector<1024x128xf32>
    %mul3A_36 = arith.mulf %get3A_3, %roll3A_35 : vector<1024x128xf32>
    %roll3A_37 = arith.constant 126 : i32
    %roll3A_38 = tpu.dynamic_rotate %get3A_8 by %roll3A_37 dim 1 : vector<1024x128xf32>, i32 -> vector<1024x128xf32>
    %mul3A_39 = arith.mulf %get3A_3, %roll3A_38 : vector<1024x128xf32>
    %roll3A_40 = arith.constant 127 : i32
    %roll3A_41 = tpu.dynamic_rotate %mul3A_33 by %roll3A_40 dim 1 : vector<1024x128xf32>, i32 -> vector<1024x128xf32>
    %sub3A_42 = arith.subf %mul3A_30, %roll3A_41 : vector<1024x128xf32>
    %roll3A_43 = arith.constant 2 : i32
    %roll3A_44 = tpu.dynamic_rotate %mul3A_39 by %roll3A_43 dim 1 : vector<1024x128xf32>, i32 -> vector<1024x128xf32>
    %sub3A_45 = arith.subf %mul3A_36, %roll3A_44 : vector<1024x128xf32>
    %ge3A = arith.constant 4 : i32
    %ge3A_46 = vector.broadcast %ge3A : i32 to vector<1024x128xi32>
    %ge3A_47 = arith.cmpi sge, %select_n3A_22, %ge3A_46 : vector<1024x128xi32>
    %lt3A_48 = arith.constant 5 : i32
    %lt3A_49 = vector.broadcast %lt3A_48 : i32 to vector<1024x128xi32>
    %lt3A_50 = arith.cmpi slt, %select_n3A_22, %lt3A_49 : vector<1024x128xi32>
    %and3A_51 = arith.andi %ge3A_47, %lt3A_50 : vector<1024x128xi1>
    %jit3A_52 = arith.constant 1.000000e+00 : f32
    %jit3A_53 = arith.constant 0.000000e+00 : f32
    %broadcast_in_dim3A = vector.broadcast %jit3A_52 : f32 to vector<1024x128xf32>
    %broadcast_in_dim3A_54 = vector.broadcast %jit3A_53 : f32 to vector<1024x128xf32>
    %select_n3A_55 = arith.select %and3A_51, %broadcast_in_dim3A, %broadcast_in_dim3A_54 : vector<1024x128xi1>, vector<1024x128xf32>
    %mul3A_56 = arith.mulf %sub3A_42, %select_n3A_55 : vector<1024x128xf32>
    %ge3A_57 = arith.constant 5 : i32
    %ge3A_58 = vector.broadcast %ge3A_57 : i32 to vector<1024x128xi32>
    %ge3A_59 = arith.cmpi sge, %select_n3A_22, %ge3A_58 : vector<1024x128xi32>
    %lt3A_60 = arith.constant 6 : i32
    %lt3A_61 = vector.broadcast %lt3A_60 : i32 to vector<1024x128xi32>
    %lt3A_62 = arith.cmpi slt, %select_n3A_22, %lt3A_61 : vector<1024x128xi32>
    %and3A_63 = arith.andi %ge3A_59, %lt3A_62 : vector<1024x128xi1>
    %jit3A_64 = arith.constant 1.000000e+00 : f32
    %jit3A_65 = arith.constant 0.000000e+00 : f32
    %broadcast_in_dim3A_66 = vector.broadcast %jit3A_64 : f32 to vector<1024x128xf32>
    %broadcast_in_dim3A_67 = vector.broadcast %jit3A_65 : f32 to vector<1024x128xf32>
    %select_n3A_68 = arith.select %and3A_63, %broadcast_in_dim3A_66, %broadcast_in_dim3A_67 : vector<1024x128xi1>, vector<1024x128xf32>
    %mul3A_69 = arith.mulf %sub3A_45, %select_n3A_68 : vector<1024x128xf32>
    %add3A_70 = arith.addf %mul3A_56, %mul3A_69 : vector<1024x128xf32>
    %roll3A_71 = arith.constant 3 : i32
    %roll3A_72 = tpu.dynamic_rotate %sub3A_42 by %roll3A_71 dim 1 : vector<1024x128xf32>, i32 -> vector<1024x128xf32>
    %ge3A_73 = arith.constant 6 : i32
    %ge3A_74 = vector.broadcast %ge3A_73 : i32 to vector<1024x128xi32>
    %ge3A_75 = arith.cmpi sge, %select_n3A_22, %ge3A_74 : vector<1024x128xi32>
    %lt3A_76 = arith.constant 7 : i32
    %lt3A_77 = vector.broadcast %lt3A_76 : i32 to vector<1024x128xi32>
    %lt3A_78 = arith.cmpi slt, %select_n3A_22, %lt3A_77 : vector<1024x128xi32>
    %and3A_79 = arith.andi %ge3A_75, %lt3A_78 : vector<1024x128xi1>
    %jit3A_80 = arith.constant 1.000000e+00 : f32
    %jit3A_81 = arith.constant 0.000000e+00 : f32
    %broadcast_in_dim3A_82 = vector.broadcast %jit3A_80 : f32 to vector<1024x128xf32>
    %broadcast_in_dim3A_83 = vector.broadcast %jit3A_81 : f32 to vector<1024x128xf32>
    %select_n3A_84 = arith.select %and3A_79, %broadcast_in_dim3A_82, %broadcast_in_dim3A_83 : vector<1024x128xi1>, vector<1024x128xf32>
    %mul3A_85 = arith.mulf %roll3A_72, %select_n3A_84 : vector<1024x128xf32>
    %add3A_86 = arith.addf %add3A_70, %mul3A_85 : vector<1024x128xf32>
    %mul3A_87 = arith.mulf %add3A_86, %add3A_86 : vector<1024x128xf32>
    %roll3A_88 = arith.constant 127 : i32
    %roll3A_89 = tpu.dynamic_rotate %mul3A_87 by %roll3A_88 dim 1 : vector<1024x128xf32>, i32 -> vector<1024x128xf32>
    %add3A_90 = arith.addf %mul3A_87, %roll3A_89 : vector<1024x128xf32>
    %roll3A_91 = arith.constant 126 : i32
    %roll3A_92 = tpu.dynamic_rotate %mul3A_87 by %roll3A_91 dim 1 : vector<1024x128xf32>, i32 -> vector<1024x128xf32>
    %add3A_93 = arith.addf %add3A_90, %roll3A_92 : vector<1024x128xf32>
    %roll3A_94 = arith.constant 3 : i32
    %roll3A_95 = tpu.dynamic_rotate %add3A_93 by %roll3A_94 dim 1 : vector<1024x128xf32>, i32 -> vector<1024x128xf32>
    %ge3A_96 = arith.constant 7 : i32
    %ge3A_97 = vector.broadcast %ge3A_96 : i32 to vector<1024x128xi32>
    %ge3A_98 = arith.cmpi sge, %select_n3A_22, %ge3A_97 : vector<1024x128xi32>
    %lt3A_99 = arith.constant 8 : i32
    %lt3A_100 = vector.broadcast %lt3A_99 : i32 to vector<1024x128xi32>
    %lt3A_101 = arith.cmpi slt, %select_n3A_22, %lt3A_100 : vector<1024x128xi32>
    %and3A_102 = arith.andi %ge3A_98, %lt3A_101 : vector<1024x128xi1>
    %jit3A_103 = arith.constant 1.000000e+00 : f32
    %jit3A_104 = arith.constant 0.000000e+00 : f32
    %broadcast_in_dim3A_105 = vector.broadcast %jit3A_103 : f32 to vector<1024x128xf32>
    %broadcast_in_dim3A_106 = vector.broadcast %jit3A_104 : f32 to vector<1024x128xf32>
    %select_n3A_107 = arith.select %and3A_102, %broadcast_in_dim3A_105, %broadcast_in_dim3A_106 : vector<1024x128xi1>, vector<1024x128xf32>
    %mul3A_108 = arith.mulf %roll3A_95, %select_n3A_107 : vector<1024x128xf32>
    %sqrt3A = math.sqrt %mul3A_108 : vector<1024x128xf32>
    %ge3A_109 = arith.constant 0 : i32
    %ge3A_110 = vector.broadcast %ge3A_109 : i32 to vector<1024x128xi32>
    %ge3A_111 = arith.cmpi sge, %select_n3A_22, %ge3A_110 : vector<1024x128xi32>
    %lt3A_112 = arith.constant 3 : i32
    %lt3A_113 = vector.broadcast %lt3A_112 : i32 to vector<1024x128xi32>
    %lt3A_114 = arith.cmpi slt, %select_n3A_22, %lt3A_113 : vector<1024x128xi32>
    %and3A_115 = arith.andi %ge3A_111, %lt3A_114 : vector<1024x128xi1>
    %jit3A_116 = arith.constant 1.000000e+00 : f32
    %jit3A_117 = arith.constant 0.000000e+00 : f32
    %broadcast_in_dim3A_118 = vector.broadcast %jit3A_116 : f32 to vector<1024x128xf32>
    %broadcast_in_dim3A_119 = vector.broadcast %jit3A_117 : f32 to vector<1024x128xf32>
    %select_n3A_120 = arith.select %and3A_115, %broadcast_in_dim3A_118, %broadcast_in_dim3A_119 : vector<1024x128xi1>, vector<1024x128xf32>
    %mul3A_121 = arith.mulf %sub3A, %select_n3A_120 : vector<1024x128xf32>
    %roll3A_122 = arith.constant 3 : i32
    %roll3A_123 = tpu.dynamic_rotate %add3A_27 by %roll3A_122 dim 1 : vector<1024x128xf32>, i32 -> vector<1024x128xf32>
    %ge3A_124 = arith.constant 3 : i32
    %ge3A_125 = vector.broadcast %ge3A_124 : i32 to vector<1024x128xi32>
    %ge3A_126 = arith.cmpi sge, %select_n3A_22, %ge3A_125 : vector<1024x128xi32>
    %lt3A_127 = arith.constant 4 : i32
    %lt3A_128 = vector.broadcast %lt3A_127 : i32 to vector<1024x128xi32>
    %lt3A_129 = arith.cmpi slt, %select_n3A_22, %lt3A_128 : vector<1024x128xi32>
    %and3A_130 = arith.andi %ge3A_126, %lt3A_129 : vector<1024x128xi1>
    %jit3A_131 = arith.constant 1.000000e+00 : f32
    %jit3A_132 = arith.constant 0.000000e+00 : f32
    %broadcast_in_dim3A_133 = vector.broadcast %jit3A_131 : f32 to vector<1024x128xf32>
    %broadcast_in_dim3A_134 = vector.broadcast %jit3A_132 : f32 to vector<1024x128xf32>
    %select_n3A_135 = arith.select %and3A_130, %broadcast_in_dim3A_133, %broadcast_in_dim3A_134 : vector<1024x128xi1>, vector<1024x128xf32>
    %mul3A_136 = arith.mulf %roll3A_123, %select_n3A_135 : vector<1024x128xf32>
    %add3A_137 = arith.addf %mul3A_121, %mul3A_136 : vector<1024x128xf32>
    %add3A_138 = arith.addf %add3A_137, %add3A_86 : vector<1024x128xf32>
    %add3A_139 = arith.addf %add3A_138, %sqrt3A : vector<1024x128xf32>
    %get3A_140 = arith.constant 0 : index
    %get3A_141 = arith.constant 0 : index
    %get3A_142 = arith.constant 0 : index
    %get3A_143 = vector.load %arg2[%get3A_140, %get3A_141, %get3A_142] : memref<1x96x128xf32, #tpu.memory_space<vmem>>, vector<1x96x128xf32>
    %get3A_144 = vector.shape_cast %get3A_143 : vector<1x96x128xf32> to vector<96x128xf32>
    %get3A_145 = arith.constant 0 : index
    %get3A_146 = arith.constant 0 : index
    %get3A_147 = arith.constant 0 : index
    %get3A_148 = vector.load %arg3[%get3A_145, %get3A_146, %get3A_147] : memref<1x1x128xf32, #tpu.memory_space<vmem>>, vector<1x1x128xf32>
    %get3A_149 = vector.shape_cast %get3A_148 : vector<1x1x128xf32> to vector<1x128xf32>
    %get3A_150 = arith.constant 0 : index
    %get3A_151 = arith.constant 0 : index
    %get3A_152 = arith.constant 0 : index
    %get3A_153 = vector.load %arg4[%get3A_150, %get3A_151, %get3A_152] : memref<1x128x64xf32, #tpu.memory_space<vmem>>, vector<1x128x64xf32>
    %get3A_154 = vector.shape_cast %get3A_153 : vector<1x128x64xf32> to vector<128x64xf32>
    %get3A_155 = arith.constant 0 : index
    %get3A_156 = arith.constant 0 : index
    %get3A_157 = arith.constant 0 : index
    %get3A_158 = vector.load %arg5[%get3A_155, %get3A_156, %get3A_157] : memref<1x1x64xf32, #tpu.memory_space<vmem>>, vector<1x1x64xf32>
    %get3A_159 = vector.shape_cast %get3A_158 : vector<1x1x64xf32> to vector<1x64xf32>
    %slice3A = vector.extract_strided_slice %get3A_3 {offsets = [0, 0], sizes = [1024, 32], strides = [1, 1]} : vector<1024x128xf32> to vector<1024x32xf32>
    %slice3A_160 = vector.extract_strided_slice %get3A_144 {offsets = [0, 0], sizes = [32, 128], strides = [1, 1]} : vector<96x128xf32> to vector<32x128xf32>
    %dot_general3A = arith.constant dense<0.000000e+00> : vector<1024x128xf32>
    %dot_general3A_161 = tpu.matmul %slice3A, %slice3A_160, %dot_general3A {dimension_numbers = #tpu.dot_dimension_numbers<[1], [0], [0], [1], [0, 0, 1, 1], [], []>, transpose_lhs_hint = false} : vector<1024x32xf32>, vector<32x128xf32>, vector<1024x128xf32> -> vector<1024x128xf32>
    %slice3A_162 = vector.extract_strided_slice %get3A_8 {offsets = [0, 0], sizes = [1024, 32], strides = [1, 1]} : vector<1024x128xf32> to vector<1024x32xf32>
    %slice3A_163 = vector.extract_strided_slice %get3A_144 {offsets = [32, 0], sizes = [32, 128], strides = [1, 1]} : vector<96x128xf32> to vector<32x128xf32>
    %dot_general3A_164 = arith.constant dense<0.000000e+00> : vector<1024x128xf32>
    %dot_general3A_165 = tpu.matmul %slice3A_162, %slice3A_163, %dot_general3A_164 {dimension_numbers = #tpu.dot_dimension_numbers<[1], [0], [0], [1], [0, 0, 1, 1], [], []>, transpose_lhs_hint = false} : vector<1024x32xf32>, vector<32x128xf32>, vector<1024x128xf32> -> vector<1024x128xf32>
    %add3A_166 = arith.addf %dot_general3A_161, %dot_general3A_165 : vector<1024x128xf32>
    %slice3A_167 = vector.extract_strided_slice %add3A_139 {offsets = [0, 0], sizes = [1024, 32], strides = [1, 1]} : vector<1024x128xf32> to vector<1024x32xf32>
    %slice3A_168 = vector.extract_strided_slice %get3A_144 {offsets = [64, 0], sizes = [32, 128], strides = [1, 1]} : vector<96x128xf32> to vector<32x128xf32>
    %dot_general3A_169 = arith.constant dense<0.000000e+00> : vector<1024x128xf32>
    %dot_general3A_170 = tpu.matmul %slice3A_167, %slice3A_168, %dot_general3A_169 {dimension_numbers = #tpu.dot_dimension_numbers<[1], [0], [0], [1], [0, 0, 1, 1], [], []>, transpose_lhs_hint = false} : vector<1024x32xf32>, vector<32x128xf32>, vector<1024x128xf32> -> vector<1024x128xf32>
    %add3A_171 = arith.addf %add3A_166, %dot_general3A_170 : vector<1024x128xf32>
    %add3A_172 = vector.broadcast %get3A_149 : vector<1x128xf32> to vector<1024x128xf32>
    %add3A_173 = arith.addf %add3A_171, %add3A_172 : vector<1024x128xf32>
    %tanh3A = math.tanh %add3A_173 : vector<1024x128xf32>
    %dot_general3A_174 = arith.constant dense<0.000000e+00> : vector<1024x64xf32>
    %dot_general3A_175 = tpu.matmul %tanh3A, %get3A_154, %dot_general3A_174 {dimension_numbers = #tpu.dot_dimension_numbers<[1], [0], [0], [1], [0, 0, 1, 1], [], []>, transpose_lhs_hint = false} : vector<1024x128xf32>, vector<128x64xf32>, vector<1024x64xf32> -> vector<1024x64xf32>
    %add3A_176 = vector.broadcast %get3A_159 : vector<1x64xf32> to vector<1024x64xf32>
    %add3A_177 = arith.addf %dot_general3A_175, %add3A_176 : vector<1024x64xf32>
    %slice3A_178 = vector.extract_strided_slice %add3A_177 {offsets = [0, 0], sizes = [1024, 32], strides = [1, 1]} : vector<1024x64xf32> to vector<1024x32xf32>
    %slice3A_179 = vector.extract_strided_slice %add3A_177 {offsets = [0, 32], sizes = [1024, 32], strides = [1, 1]} : vector<1024x64xf32> to vector<1024x32xf32>
    %mul3A_180 = arith.constant 5.000000e-01 : f32
    %mul3A_181 = vector.broadcast %mul3A_180 : f32 to vector<1024x32xf32>
    %mul3A_182 = arith.mulf %mul3A_181, %slice3A_179 : vector<1024x32xf32>
    %tanh3A_183 = math.tanh %mul3A_182 : vector<1024x32xf32>
    %mul3A_184 = arith.constant 5.000000e-01 : f32
    %mul3A_185 = vector.broadcast %mul3A_184 : f32 to vector<1024x32xf32>
    %mul3A_186 = arith.mulf %mul3A_185, %tanh3A_183 : vector<1024x32xf32>
    %add3A_187 = arith.constant 5.000000e-01 : f32
    %add3A_188 = vector.broadcast %add3A_187 : f32 to vector<1024x32xf32>
    %add3A_189 = arith.addf %mul3A_186, %add3A_188 : vector<1024x32xf32>
    %mul3A_190 = arith.mulf %slice3A_178, %add3A_189 : vector<1024x32xf32>
    %swap3A = arith.constant 0 : index
    %swap3A_191 = arith.constant 0 : index
    %swap3A_192 = vector.load %arg6[%swap3A, %swap3A_191] : memref<1024x128xf32, #tpu.memory_space<vmem>>, vector<1024x32xf32>
    tpu.vector_store %arg6[%swap3A, %swap3A_191], %mul3A_190 {strides = array<i32>} : memref<1024x128xf32, #tpu.memory_space<vmem>>, vector<1024x32xf32>,
    %slice3A_193 = vector.extract_strided_slice %get3A_3 {offsets = [0, 32], sizes = [1024, 32], strides = [1, 1]} : vector<1024x128xf32> to vector<1024x32xf32>
    %slice3A_194 = vector.extract_strided_slice %get3A_144 {offsets = [0, 0], sizes = [32, 128], strides = [1, 1]} : vector<96x128xf32> to vector<32x128xf32>
    %dot_general3A_195 = arith.constant dense<0.000000e+00> : vector<1024x128xf32>
    %dot_general3A_196 = tpu.matmul %slice3A_193, %slice3A_194, %dot_general3A_195 {dimension_numbers = #tpu.dot_dimension_numbers<[1], [0], [0], [1], [0, 0, 1, 1], [], []>, transpose_lhs_hint = false} : vector<1024x32xf32>, vector<32x128xf32>, vector<1024x128xf32> -> vector<1024x128xf32>
    %slice3A_197 = vector.extract_strided_slice %get3A_8 {offsets = [0, 32], sizes = [1024, 32], strides = [1, 1]} : vector<1024x128xf32> to vector<1024x32xf32>
    %slice3A_198 = vector.extract_strided_slice %get3A_144 {offsets = [32, 0], sizes = [32, 128], strides = [1, 1]} : vector<96x128xf32> to vector<32x128xf32>
    %dot_general3A_199 = arith.constant dense<0.000000e+00> : vector<1024x128xf32>
    %dot_general3A_200 = tpu.matmul %slice3A_197, %slice3A_198, %dot_general3A_199 {dimension_numbers = #tpu.dot_dimension_numbers<[1], [0], [0], [1], [0, 0, 1, 1], [], []>, transpose_lhs_hint = false} : vector<1024x32xf32>, vector<32x128xf32>, vector<1024x128xf32> -> vector<1024x128xf32>
    %add3A_201 = arith.addf %dot_general3A_196, %dot_general3A_200 : vector<1024x128xf32>
    %slice3A_202 = vector.extract_strided_slice %add3A_139 {offsets = [0, 32], sizes = [1024, 32], strides = [1, 1]} : vector<1024x128xf32> to vector<1024x32xf32>
    %slice3A_203 = vector.extract_strided_slice %get3A_144 {offsets = [64, 0], sizes = [32, 128], strides = [1, 1]} : vector<96x128xf32> to vector<32x128xf32>
    %dot_general3A_204 = arith.constant dense<0.000000e+00> : vector<1024x128xf32>
    %dot_general3A_205 = tpu.matmul %slice3A_202, %slice3A_203, %dot_general3A_204 {dimension_numbers = #tpu.dot_dimension_numbers<[1], [0], [0], [1], [0, 0, 1, 1], [], []>, transpose_lhs_hint = false} : vector<1024x32xf32>, vector<32x128xf32>, vector<1024x128xf32> -> vector<1024x128xf32>
    %add3A_206 = arith.addf %add3A_201, %dot_general3A_205 : vector<1024x128xf32>
    %add3A_207 = vector.broadcast %get3A_149 : vector<1x128xf32> to vector<1024x128xf32>
    %add3A_208 = arith.addf %add3A_206, %add3A_207 : vector<1024x128xf32>
    %tanh3A_209 = math.tanh %add3A_208 : vector<1024x128xf32>
    %dot_general3A_210 = arith.constant dense<0.000000e+00> : vector<1024x64xf32>
    %dot_general3A_211 = tpu.matmul %tanh3A_209, %get3A_154, %dot_general3A_210 {dimension_numbers = #tpu.dot_dimension_numbers<[1], [0], [0], [1], [0, 0, 1, 1], [], []>, transpose_lhs_hint = false} : vector<1024x128xf32>, vector<128x64xf32>, vector<1024x64xf32> -> vector<1024x64xf32>
    %add3A_212 = vector.broadcast %get3A_159 : vector<1x64xf32> to vector<1024x64xf32>
    %add3A_213 = arith.addf %dot_general3A_211, %add3A_212 : vector<1024x64xf32>
    %slice3A_214 = vector.extract_strided_slice %add3A_213 {offsets = [0, 0], sizes = [1024, 32], strides = [1, 1]} : vector<1024x64xf32> to vector<1024x32xf32>
    %slice3A_215 = vector.extract_strided_slice %add3A_213 {offsets = [0, 32], sizes = [1024, 32], strides = [1, 1]} : vector<1024x64xf32> to vector<1024x32xf32>
    %mul3A_216 = arith.constant 5.000000e-01 : f32
    %mul3A_217 = vector.broadcast %mul3A_216 : f32 to vector<1024x32xf32>
    %mul3A_218 = arith.mulf %mul3A_217, %slice3A_215 : vector<1024x32xf32>
    %tanh3A_219 = math.tanh %mul3A_218 : vector<1024x32xf32>
    %mul3A_220 = arith.constant 5.000000e-01 : f32
    %mul3A_221 = vector.broadcast %mul3A_220 : f32 to vector<1024x32xf32>
    %mul3A_222 = arith.mulf %mul3A_221, %tanh3A_219 : vector<1024x32xf32>
    %add3A_223 = arith.constant 5.000000e-01 : f32
    %add3A_224 = vector.broadcast %add3A_223 : f32 to vector<1024x32xf32>
    %add3A_225 = arith.addf %mul3A_222, %add3A_224 : vector<1024x32xf32>
    %mul3A_226 = arith.mulf %slice3A_214, %add3A_225 : vector<1024x32xf32>
    %swap3A_227 = arith.constant 0 : index
    %swap3A_228 = arith.constant 32 : index
    %swap3A_229 = vector.load %arg6[%swap3A_227, %swap3A_228] : memref<1024x128xf32, #tpu.memory_space<vmem>>, vector<1024x32xf32>
    tpu.vector_store %arg6[%swap3A_227, %swap3A_228], %mul3A_226 {strides = array<i32>} : memref<1024x128xf32, #tpu.memory_space<vmem>>, vector<1024x32xf32>,
    %slice3A_230 = vector.extract_strided_slice %get3A_3 {offsets = [0, 64], sizes = [1024, 32], strides = [1, 1]} : vector<1024x128xf32> to vector<1024x32xf32>
    %slice3A_231 = vector.extract_strided_slice %get3A_144 {offsets = [0, 0], sizes = [32, 128], strides = [1, 1]} : vector<96x128xf32> to vector<32x128xf32>
    %dot_general3A_232 = arith.constant dense<0.000000e+00> : vector<1024x128xf32>
    %dot_general3A_233 = tpu.matmul %slice3A_230, %slice3A_231, %dot_general3A_232 {dimension_numbers = #tpu.dot_dimension_numbers<[1], [0], [0], [1], [0, 0, 1, 1], [], []>, transpose_lhs_hint = false} : vector<1024x32xf32>, vector<32x128xf32>, vector<1024x128xf32> -> vector<1024x128xf32>
    %slice3A_234 = vector.extract_strided_slice %get3A_8 {offsets = [0, 64], sizes = [1024, 32], strides = [1, 1]} : vector<1024x128xf32> to vector<1024x32xf32>
    %slice3A_235 = vector.extract_strided_slice %get3A_144 {offsets = [32, 0], sizes = [32, 128], strides = [1, 1]} : vector<96x128xf32> to vector<32x128xf32>
    %dot_general3A_236 = arith.constant dense<0.000000e+00> : vector<1024x128xf32>
    %dot_general3A_237 = tpu.matmul %slice3A_234, %slice3A_235, %dot_general3A_236 {dimension_numbers = #tpu.dot_dimension_numbers<[1], [0], [0], [1], [0, 0, 1, 1], [], []>, transpose_lhs_hint = false} : vector<1024x32xf32>, vector<32x128xf32>, vector<1024x128xf32> -> vector<1024x128xf32>
    %add3A_238 = arith.addf %dot_general3A_233, %dot_general3A_237 : vector<1024x128xf32>
    %slice3A_239 = vector.extract_strided_slice %add3A_139 {offsets = [0, 64], sizes = [1024, 32], strides = [1, 1]} : vector<1024x128xf32> to vector<1024x32xf32>
    %slice3A_240 = vector.extract_strided_slice %get3A_144 {offsets = [64, 0], sizes = [32, 128], strides = [1, 1]} : vector<96x128xf32> to vector<32x128xf32>
    %dot_general3A_241 = arith.constant dense<0.000000e+00> : vector<1024x128xf32>
    %dot_general3A_242 = tpu.matmul %slice3A_239, %slice3A_240, %dot_general3A_241 {dimension_numbers = #tpu.dot_dimension_numbers<[1], [0], [0], [1], [0, 0, 1, 1], [], []>, transpose_lhs_hint = false} : vector<1024x32xf32>, vector<32x128xf32>, vector<1024x128xf32> -> vector<1024x128xf32>
    %add3A_243 = arith.addf %add3A_238, %dot_general3A_242 : vector<1024x128xf32>
    %add3A_244 = vector.broadcast %get3A_149 : vector<1x128xf32> to vector<1024x128xf32>
    %add3A_245 = arith.addf %add3A_243, %add3A_244 : vector<1024x128xf32>
    %tanh3A_246 = math.tanh %add3A_245 : vector<1024x128xf32>
    %dot_general3A_247 = arith.constant dense<0.000000e+00> : vector<1024x64xf32>
    %dot_general3A_248 = tpu.matmul %tanh3A_246, %get3A_154, %dot_general3A_247 {dimension_numbers = #tpu.dot_dimension_numbers<[1], [0], [0], [1], [0, 0, 1, 1], [], []>, transpose_lhs_hint = false} : vector<1024x128xf32>, vector<128x64xf32>, vector<1024x64xf32> -> vector<1024x64xf32>
    %add3A_249 = vector.broadcast %get3A_159 : vector<1x64xf32> to vector<1024x64xf32>
    %add3A_250 = arith.addf %dot_general3A_248, %add3A_249 : vector<1024x64xf32>
    %slice3A_251 = vector.extract_strided_slice %add3A_250 {offsets = [0, 0], sizes = [1024, 32], strides = [1, 1]} : vector<1024x64xf32> to vector<1024x32xf32>
    %slice3A_252 = vector.extract_strided_slice %add3A_250 {offsets = [0, 32], sizes = [1024, 32], strides = [1, 1]} : vector<1024x64xf32> to vector<1024x32xf32>
    %mul3A_253 = arith.constant 5.000000e-01 : f32
    %mul3A_254 = vector.broadcast %mul3A_253 : f32 to vector<1024x32xf32>
    %mul3A_255 = arith.mulf %mul3A_254, %slice3A_252 : vector<1024x32xf32>
    %tanh3A_256 = math.tanh %mul3A_255 : vector<1024x32xf32>
    %mul3A_257 = arith.constant 5.000000e-01 : f32
    %mul3A_258 = vector.broadcast %mul3A_257 : f32 to vector<1024x32xf32>
    %mul3A_259 = arith.mulf %mul3A_258, %tanh3A_256 : vector<1024x32xf32>
    %add3A_260 = arith.constant 5.000000e-01 : f32
    %add3A_261 = vector.broadcast %add3A_260 : f32 to vector<1024x32xf32>
    %add3A_262 = arith.addf %mul3A_259, %add3A_261 : vector<1024x32xf32>
    %mul3A_263 = arith.mulf %slice3A_251, %add3A_262 : vector<1024x32xf32>
    %swap3A_264 = arith.constant 0 : index
    %swap3A_265 = arith.constant 64 : index
    %swap3A_266 = vector.load %arg6[%swap3A_264, %swap3A_265] : memref<1024x128xf32, #tpu.memory_space<vmem>>, vector<1024x32xf32>
    tpu.vector_store %arg6[%swap3A_264, %swap3A_265], %mul3A_263 {strides = array<i32>} : memref<1024x128xf32, #tpu.memory_space<vmem>>, vector<1024x32xf32>,
    %slice3A_267 = vector.extract_strided_slice %get3A_3 {offsets = [0, 96], sizes = [1024, 32], strides = [1, 1]} : vector<1024x128xf32> to vector<1024x32xf32>
    %slice3A_268 = vector.extract_strided_slice %get3A_144 {offsets = [0, 0], sizes = [32, 128], strides = [1, 1]} : vector<96x128xf32> to vector<32x128xf32>
    %dot_general3A_269 = arith.constant dense<0.000000e+00> : vector<1024x128xf32>
    %dot_general3A_270 = tpu.matmul %slice3A_267, %slice3A_268, %dot_general3A_269 {dimension_numbers = #tpu.dot_dimension_numbers<[1], [0], [0], [1], [0, 0, 1, 1], [], []>, transpose_lhs_hint = false} : vector<1024x32xf32>, vector<32x128xf32>, vector<1024x128xf32> -> vector<1024x128xf32>
    %slice3A_271 = vector.extract_strided_slice %get3A_8 {offsets = [0, 96], sizes = [1024, 32], strides = [1, 1]} : vector<1024x128xf32> to vector<1024x32xf32>
    %slice3A_272 = vector.extract_strided_slice %get3A_144 {offsets = [32, 0], sizes = [32, 128], strides = [1, 1]} : vector<96x128xf32> to vector<32x128xf32>
    %dot_general3A_273 = arith.constant dense<0.000000e+00> : vector<1024x128xf32>
    %dot_general3A_274 = tpu.matmul %slice3A_271, %slice3A_272, %dot_general3A_273 {dimension_numbers = #tpu.dot_dimension_numbers<[1], [0], [0], [1], [0, 0, 1, 1], [], []>, transpose_lhs_hint = false} : vector<1024x32xf32>, vector<32x128xf32>, vector<1024x128xf32> -> vector<1024x128xf32>
    %add3A_275 = arith.addf %dot_general3A_270, %dot_general3A_274 : vector<1024x128xf32>
    %slice3A_276 = vector.extract_strided_slice %add3A_139 {offsets = [0, 96], sizes = [1024, 32], strides = [1, 1]} : vector<1024x128xf32> to vector<1024x32xf32>
    %slice3A_277 = vector.extract_strided_slice %get3A_144 {offsets = [64, 0], sizes = [32, 128], strides = [1, 1]} : vector<96x128xf32> to vector<32x128xf32>
    %dot_general3A_278 = arith.constant dense<0.000000e+00> : vector<1024x128xf32>
    %dot_general3A_279 = tpu.matmul %slice3A_276, %slice3A_277, %dot_general3A_278 {dimension_numbers = #tpu.dot_dimension_numbers<[1], [0], [0], [1], [0, 0, 1, 1], [], []>, transpose_lhs_hint = false} : vector<1024x32xf32>, vector<32x128xf32>, vector<1024x128xf32> -> vector<1024x128xf32>
    %add3A_280 = arith.addf %add3A_275, %dot_general3A_279 : vector<1024x128xf32>
    %add3A_281 = vector.broadcast %get3A_149 : vector<1x128xf32> to vector<1024x128xf32>
    %add3A_282 = arith.addf %add3A_280, %add3A_281 : vector<1024x128xf32>
    %tanh3A_283 = math.tanh %add3A_282 : vector<1024x128xf32>
    %dot_general3A_284 = arith.constant dense<0.000000e+00> : vector<1024x64xf32>
    %dot_general3A_285 = tpu.matmul %tanh3A_283, %get3A_154, %dot_general3A_284 {dimension_numbers = #tpu.dot_dimension_numbers<[1], [0], [0], [1], [0, 0, 1, 1], [], []>, transpose_lhs_hint = false} : vector<1024x128xf32>, vector<128x64xf32>, vector<1024x64xf32> -> vector<1024x64xf32>
    %add3A_286 = vector.broadcast %get3A_159 : vector<1x64xf32> to vector<1024x64xf32>
    %add3A_287 = arith.addf %dot_general3A_285, %add3A_286 : vector<1024x64xf32>
    %slice3A_288 = vector.extract_strided_slice %add3A_287 {offsets = [0, 0], sizes = [1024, 32], strides = [1, 1]} : vector<1024x64xf32> to vector<1024x32xf32>
    %slice3A_289 = vector.extract_strided_slice %add3A_287 {offsets = [0, 32], sizes = [1024, 32], strides = [1, 1]} : vector<1024x64xf32> to vector<1024x32xf32>
    %mul3A_290 = arith.constant 5.000000e-01 : f32
    %mul3A_291 = vector.broadcast %mul3A_290 : f32 to vector<1024x32xf32>
    %mul3A_292 = arith.mulf %mul3A_291, %slice3A_289 : vector<1024x32xf32>
    %tanh3A_293 = math.tanh %mul3A_292 : vector<1024x32xf32>
    %mul3A_294 = arith.constant 5.000000e-01 : f32
    %mul3A_295 = vector.broadcast %mul3A_294 : f32 to vector<1024x32xf32>
    %mul3A_296 = arith.mulf %mul3A_295, %tanh3A_293 : vector<1024x32xf32>
    %add3A_297 = arith.constant 5.000000e-01 : f32
    %add3A_298 = vector.broadcast %add3A_297 : f32 to vector<1024x32xf32>
    %add3A_299 = arith.addf %mul3A_296, %add3A_298 : vector<1024x32xf32>
    %mul3A_300 = arith.mulf %slice3A_288, %add3A_299 : vector<1024x32xf32>
    %swap3A_301 = arith.constant 0 : index
    %swap3A_302 = arith.constant 96 : index
    %swap3A_303 = vector.load %arg6[%swap3A_301, %swap3A_302] : memref<1024x128xf32, #tpu.memory_space<vmem>>, vector<1024x32xf32>
    tpu.vector_store %arg6[%swap3A_301, %swap3A_302], %mul3A_300 {strides = array<i32>} : memref<1024x128xf32, #tpu.memory_space<vmem>>, vector<1024x32xf32>,
    return
  }
  func.func @transform_0(%arg0: i32) -> (i32, i32, i32) {
    %c0_i32 = arith.constant 0 : i32
    %c0_i32_0 = arith.constant 0 : i32
    %c0_i32_1 = arith.constant 0 : i32
    return %c0_i32, %arg0, %c0_i32_0 : i32, i32, i32
  }
  func.func @transform_1(%arg0: i32) -> (i32, i32, i32) {
    %jit3A = arith.constant 196 : i32
    %div3A = arith.divsi %arg0, %jit3A : i32
    %sign3A = arith.constant 0 : i32
    %sign3A_0 = arith.cmpi sgt, %arg0, %sign3A : i32
    %sign3A_1 = arith.extui %sign3A_0 : i1 to i32
    %sign3A_2 = arith.constant 0 : i32
    %sign3A_3 = arith.cmpi slt, %arg0, %sign3A_2 : i32
    %sign3A_4 = arith.extui %sign3A_3 : i1 to i32
    %sign3A_5 = arith.subi %sign3A_1, %sign3A_4 : i32
    %sign3A_6 = arith.constant 0 : i32
    %sign3A_7 = arith.cmpi sgt, %jit3A, %sign3A_6 : i32
    %sign3A_8 = arith.extui %sign3A_7 : i1 to i32
    %sign3A_9 = arith.constant 0 : i32
    %sign3A_10 = arith.cmpi slt, %jit3A, %sign3A_9 : i32
    %sign3A_11 = arith.extui %sign3A_10 : i1 to i32
    %sign3A_12 = arith.subi %sign3A_8, %sign3A_11 : i32
    %ne3A = arith.cmpi ne, %sign3A_5, %sign3A_12 : i32
    %rem3A = arith.remsi %arg0, %jit3A : i32
    %ne3A_13 = arith.constant 0 : i32
    %ne3A_14 = arith.cmpi ne, %rem3A, %ne3A_13 : i32
    %and3A = arith.andi %ne3A, %ne3A_14 : i1
    %sub3A = arith.constant 1 : i32
    %sub3A_15 = arith.subi %div3A, %sub3A : i32
    %select_n3A = arith.select %and3A, %sub3A_15, %div3A : i32
    %c0_i32 = arith.constant 0 : i32
    %c0_i32_16 = arith.constant 0 : i32
    %c0_i32_17 = arith.constant 0 : i32
    return %select_n3A, %c0_i32, %c0_i32_16 : i32, i32, i32
  }
  func.func @transform_2(%arg0: i32) -> (i32, i32, i32) {
    %jit3A = arith.constant 196 : i32
    %div3A = arith.divsi %arg0, %jit3A : i32
    %sign3A = arith.constant 0 : i32
    %sign3A_0 = arith.cmpi sgt, %arg0, %sign3A : i32
    %sign3A_1 = arith.extui %sign3A_0 : i1 to i32
    %sign3A_2 = arith.constant 0 : i32
    %sign3A_3 = arith.cmpi slt, %arg0, %sign3A_2 : i32
    %sign3A_4 = arith.extui %sign3A_3 : i1 to i32
    %sign3A_5 = arith.subi %sign3A_1, %sign3A_4 : i32
    %sign3A_6 = arith.constant 0 : i32
    %sign3A_7 = arith.cmpi sgt, %jit3A, %sign3A_6 : i32
    %sign3A_8 = arith.extui %sign3A_7 : i1 to i32
    %sign3A_9 = arith.constant 0 : i32
    %sign3A_10 = arith.cmpi slt, %jit3A, %sign3A_9 : i32
    %sign3A_11 = arith.extui %sign3A_10 : i1 to i32
    %sign3A_12 = arith.subi %sign3A_8, %sign3A_11 : i32
    %ne3A = arith.cmpi ne, %sign3A_5, %sign3A_12 : i32
    %rem3A = arith.remsi %arg0, %jit3A : i32
    %ne3A_13 = arith.constant 0 : i32
    %ne3A_14 = arith.cmpi ne, %rem3A, %ne3A_13 : i32
    %and3A = arith.andi %ne3A, %ne3A_14 : i1
    %sub3A = arith.constant 1 : i32
    %sub3A_15 = arith.subi %div3A, %sub3A : i32
    %select_n3A = arith.select %and3A, %sub3A_15, %div3A : i32
    %c0_i32 = arith.constant 0 : i32
    %c0_i32_16 = arith.constant 0 : i32
    %c0_i32_17 = arith.constant 0 : i32
    return %select_n3A, %c0_i32, %c0_i32_16 : i32, i32, i32
  }
  func.func @transform_3(%arg0: i32) -> (i32, i32, i32) {
    %jit3A = arith.constant 196 : i32
    %div3A = arith.divsi %arg0, %jit3A : i32
    %sign3A = arith.constant 0 : i32
    %sign3A_0 = arith.cmpi sgt, %arg0, %sign3A : i32
    %sign3A_1 = arith.extui %sign3A_0 : i1 to i32
    %sign3A_2 = arith.constant 0 : i32
    %sign3A_3 = arith.cmpi slt, %arg0, %sign3A_2 : i32
    %sign3A_4 = arith.extui %sign3A_3 : i1 to i32
    %sign3A_5 = arith.subi %sign3A_1, %sign3A_4 : i32
    %sign3A_6 = arith.constant 0 : i32
    %sign3A_7 = arith.cmpi sgt, %jit3A, %sign3A_6 : i32
    %sign3A_8 = arith.extui %sign3A_7 : i1 to i32
    %sign3A_9 = arith.constant 0 : i32
    %sign3A_10 = arith.cmpi slt, %jit3A, %sign3A_9 : i32
    %sign3A_11 = arith.extui %sign3A_10 : i1 to i32
    %sign3A_12 = arith.subi %sign3A_8, %sign3A_11 : i32
    %ne3A = arith.cmpi ne, %sign3A_5, %sign3A_12 : i32
    %rem3A = arith.remsi %arg0, %jit3A : i32
    %ne3A_13 = arith.constant 0 : i32
    %ne3A_14 = arith.cmpi ne, %rem3A, %ne3A_13 : i32
    %and3A = arith.andi %ne3A, %ne3A_14 : i1
    %sub3A = arith.constant 1 : i32
    %sub3A_15 = arith.subi %div3A, %sub3A : i32
    %select_n3A = arith.select %and3A, %sub3A_15, %div3A : i32
    %c0_i32 = arith.constant 0 : i32
    %c0_i32_16 = arith.constant 0 : i32
    %c0_i32_17 = arith.constant 0 : i32
    return %select_n3A, %c0_i32, %c0_i32_16 : i32, i32, i32
  }
  func.func @transform_4(%arg0: i32) -> (i32, i32, i32) {
    %jit3A = arith.constant 196 : i32
    %div3A = arith.divsi %arg0, %jit3A : i32
    %sign3A = arith.constant 0 : i32
    %sign3A_0 = arith.cmpi sgt, %arg0, %sign3A : i32
    %sign3A_1 = arith.extui %sign3A_0 : i1 to i32
    %sign3A_2 = arith.constant 0 : i32
    %sign3A_3 = arith.cmpi slt, %arg0, %sign3A_2 : i32
    %sign3A_4 = arith.extui %sign3A_3 : i1 to i32
    %sign3A_5 = arith.subi %sign3A_1, %sign3A_4 : i32
    %sign3A_6 = arith.constant 0 : i32
    %sign3A_7 = arith.cmpi sgt, %jit3A, %sign3A_6 : i32
    %sign3A_8 = arith.extui %sign3A_7 : i1 to i32
    %sign3A_9 = arith.constant 0 : i32
    %sign3A_10 = arith.cmpi slt, %jit3A, %sign3A_9 : i32
    %sign3A_11 = arith.extui %sign3A_10 : i1 to i32
    %sign3A_12 = arith.subi %sign3A_8, %sign3A_11 : i32
    %ne3A = arith.cmpi ne, %sign3A_5, %sign3A_12 : i32
    %rem3A = arith.remsi %arg0, %jit3A : i32
    %ne3A_13 = arith.constant 0 : i32
    %ne3A_14 = arith.cmpi ne, %rem3A, %ne3A_13 : i32
    %and3A = arith.andi %ne3A, %ne3A_14 : i1
    %sub3A = arith.constant 1 : i32
    %sub3A_15 = arith.subi %div3A, %sub3A : i32
    %select_n3A = arith.select %and3A, %sub3A_15, %div3A : i32
    %c0_i32 = arith.constant 0 : i32
    %c0_i32_16 = arith.constant 0 : i32
    %c0_i32_17 = arith.constant 0 : i32
    return %select_n3A, %c0_i32, %c0_i32_16 : i32, i32, i32
  }
  func.func @transform_5(%arg0: i32) -> (i32, i32) {
    %c0_i32 = arith.constant 0 : i32
    %c0_i32_0 = arith.constant 0 : i32
    return %arg0, %c0_i32 : i32, i32
  }
}

module attributes {stable_mosaic.version = 14 : i64} {
  func.func @_edge_body(%arg0: i32, %arg1: memref<2x1024x128xf32, #tpu.memory_space<vmem>>, %arg2: memref<1x96x128xf32, #tpu.memory_space<vmem>>, %arg3: memref<1x1x128xf32, #tpu.memory_space<vmem>>, %arg4: memref<1x128x64xf32, #tpu.memory_space<vmem>>, %arg5: memref<1x1x64xf32, #tpu.memory_space<vmem>>, %arg6: memref<1024x128xf32, #tpu.memory_space<vmem>>) attributes {dimension_semantics = [#tpu.dimension_semantics<arbitrary>], iteration_bounds = array<i64: 100>, scalar_prefetch = 0 : i64, scratch_operands = 0 : i64, tpu.core_type = #tpu.core_type<tc>, window_params = [{transform_indices = @transform_0, window_bounds = array<i64: 2, 1024, 128>}, {transform_indices = @transform_1, window_bounds = array<i64: 1, 96, 128>}, {transform_indices = @transform_2, window_bounds = array<i64: 1, 1, 128>}, {transform_indices = @transform_3, window_bounds = array<i64: 1, 128, 64>}, {transform_indices = @transform_4, window_bounds = array<i64: 1, 1, 64>}, {transform_indices = @transform_5, window_bounds = array<i64: 1024, 128>}]} {
    %get3A = arith.constant 0 : index
    %get3A_0 = arith.constant 0 : index
    %get3A_1 = arith.constant 0 : index
    %get3A_2 = vector.load %arg1[%get3A, %get3A_0, %get3A_1] : memref<2x1024x128xf32, #tpu.memory_space<vmem>>, vector<1x1024x128xf32>
    %get3A_3 = vector.shape_cast %get3A_2 : vector<1x1024x128xf32> to vector<1024x128xf32>
    %get3A_4 = arith.constant 1 : index
    %get3A_5 = arith.constant 0 : index
    %get3A_6 = arith.constant 0 : index
    %get3A_7 = vector.load %arg1[%get3A_4, %get3A_5, %get3A_6] : memref<2x1024x128xf32, #tpu.memory_space<vmem>>, vector<1x1024x128xf32>
    %get3A_8 = vector.shape_cast %get3A_7 : vector<1x1024x128xf32> to vector<1024x128xf32>
    %iota3A = tpu.iota {dimensions = array<i32: 1>} : vector<1024x128xi32>
    %jit3A = arith.constant 16 : i32
    %eq3A = arith.constant 0 : i32
    %eq3A_9 = arith.cmpi eq, %jit3A, %eq3A : i32
    %jit3A_10 = arith.constant 1 : i32
    %select_n3A = arith.select %eq3A_9, %jit3A_10, %jit3A : i32
    %rem3A = vector.broadcast %select_n3A : i32 to vector<1024x128xi32>
    %rem3A_11 = arith.remsi %iota3A, %rem3A : vector<1024x128xi32>
    %ne3A = arith.constant 0 : i32
    %ne3A_12 = vector.broadcast %ne3A : i32 to vector<1024x128xi32>
    %ne3A_13 = arith.cmpi ne, %rem3A_11, %ne3A_12 : vector<1024x128xi32>
    %lt3A = arith.constant 0 : i32
    %lt3A_14 = vector.broadcast %lt3A : i32 to vector<1024x128xi32>
    %lt3A_15 = arith.cmpi slt, %rem3A_11, %lt3A_14 : vector<1024x128xi32>
    %lt3A_16 = arith.constant 0 : i32
    %lt3A_17 = arith.cmpi slt, %select_n3A, %lt3A_16 : i32
    %ne3A_18 = vector.broadcast %lt3A_17 : i1 to vector<1024x128xi1>
    %ne3A_19 = vector.broadcast %ne3A_18 : vector<1024x128xi1> to vector<1024x128xi1>
    %ne3A_20 = arith.xori %lt3A_15, %ne3A_19 : vector<1024x128xi1>
    %and3A = arith.andi %ne3A_20, %ne3A_13 : vector<1024x128xi1>
    %add3A = vector.broadcast %select_n3A : i32 to vector<1024x128xi32>
    %add3A_21 = arith.addi %rem3A_11, %add3A : vector<1024x128xi32>
    %select_n3A_22 = arith.select %and3A, %add3A_21, %rem3A_11 : vector<1024x128xi1>, vector<1024x128xi32>
    %sub3A = arith.subf %get3A_3, %get3A_8 : vector<1024x128xf32>
    %mul3A = arith.mulf %sub3A, %sub3A : vector<1024x128xf32>
    %roll3A = arith.constant 127 : i32
    %roll3A_23 = tpu.dynamic_rotate %mul3A by %roll3A dim 1 : vector<1024x128xf32>, i32 -> vector<1024x128xf32>
    %add3A_24 = arith.addf %mul3A, %roll3A_23 : vector<1024x128xf32>
    %roll3A_25 = arith.constant 126 : i32
    %roll3A_26 = tpu.dynamic_rotate %mul3A by %roll3A_25 dim 1 : vector<1024x128xf32>, i32 -> vector<1024x128xf32>
    %add3A_27 = arith.addf %add3A_24, %roll3A_26 : vector<1024x128xf32>
    %roll3A_28 = arith.constant 127 : i32
    %roll3A_29 = tpu.dynamic_rotate %get3A_8 by %roll3A_28 dim 1 : vector<1024x128xf32>, i32 -> vector<1024x128xf32>
    %mul3A_30 = arith.mulf %get3A_3, %roll3A_29 : vector<1024x128xf32>
    %roll3A_31 = arith.constant 1 : i32
    %roll3A_32 = tpu.dynamic_rotate %get3A_8 by %roll3A_31 dim 1 : vector<1024x128xf32>, i32 -> vector<1024x128xf32>
    %mul3A_33 = arith.mulf %get3A_3, %roll3A_32 : vector<1024x128xf32>
    %roll3A_34 = arith.constant 2 : i32
    %roll3A_35 = tpu.dynamic_rotate %get3A_8 by %roll3A_34 dim 1 : vector<1024x128xf32>, i32 -> vector<1024x128xf32>
    %mul3A_36 = arith.mulf %get3A_3, %roll3A_35 : vector<1024x128xf32>
    %roll3A_37 = arith.constant 126 : i32
    %roll3A_38 = tpu.dynamic_rotate %get3A_8 by %roll3A_37 dim 1 : vector<1024x128xf32>, i32 -> vector<1024x128xf32>
    %mul3A_39 = arith.mulf %get3A_3, %roll3A_38 : vector<1024x128xf32>
    %roll3A_40 = arith.constant 127 : i32
    %roll3A_41 = tpu.dynamic_rotate %mul3A_33 by %roll3A_40 dim 1 : vector<1024x128xf32>, i32 -> vector<1024x128xf32>
    %sub3A_42 = arith.subf %mul3A_30, %roll3A_41 : vector<1024x128xf32>
    %roll3A_43 = arith.constant 2 : i32
    %roll3A_44 = tpu.dynamic_rotate %mul3A_39 by %roll3A_43 dim 1 : vector<1024x128xf32>, i32 -> vector<1024x128xf32>
    %sub3A_45 = arith.subf %mul3A_36, %roll3A_44 : vector<1024x128xf32>
    %ge3A = arith.constant 4 : i32
    %ge3A_46 = vector.broadcast %ge3A : i32 to vector<1024x128xi32>
    %ge3A_47 = arith.cmpi sge, %select_n3A_22, %ge3A_46 : vector<1024x128xi32>
    %lt3A_48 = arith.constant 5 : i32
    %lt3A_49 = vector.broadcast %lt3A_48 : i32 to vector<1024x128xi32>
    %lt3A_50 = arith.cmpi slt, %select_n3A_22, %lt3A_49 : vector<1024x128xi32>
    %and3A_51 = arith.andi %ge3A_47, %lt3A_50 : vector<1024x128xi1>
    %jit3A_52 = arith.constant 1.000000e+00 : f32
    %jit3A_53 = arith.constant 0.000000e+00 : f32
    %broadcast_in_dim3A = vector.broadcast %jit3A_52 : f32 to vector<1024x128xf32>
    %broadcast_in_dim3A_54 = vector.broadcast %jit3A_53 : f32 to vector<1024x128xf32>
    %select_n3A_55 = arith.select %and3A_51, %broadcast_in_dim3A, %broadcast_in_dim3A_54 : vector<1024x128xi1>, vector<1024x128xf32>
    %mul3A_56 = arith.mulf %sub3A_42, %select_n3A_55 : vector<1024x128xf32>
    %ge3A_57 = arith.constant 5 : i32
    %ge3A_58 = vector.broadcast %ge3A_57 : i32 to vector<1024x128xi32>
    %ge3A_59 = arith.cmpi sge, %select_n3A_22, %ge3A_58 : vector<1024x128xi32>
    %lt3A_60 = arith.constant 6 : i32
    %lt3A_61 = vector.broadcast %lt3A_60 : i32 to vector<1024x128xi32>
    %lt3A_62 = arith.cmpi slt, %select_n3A_22, %lt3A_61 : vector<1024x128xi32>
    %and3A_63 = arith.andi %ge3A_59, %lt3A_62 : vector<1024x128xi1>
    %jit3A_64 = arith.constant 1.000000e+00 : f32
    %jit3A_65 = arith.constant 0.000000e+00 : f32
    %broadcast_in_dim3A_66 = vector.broadcast %jit3A_64 : f32 to vector<1024x128xf32>
    %broadcast_in_dim3A_67 = vector.broadcast %jit3A_65 : f32 to vector<1024x128xf32>
    %select_n3A_68 = arith.select %and3A_63, %broadcast_in_dim3A_66, %broadcast_in_dim3A_67 : vector<1024x128xi1>, vector<1024x128xf32>
    %mul3A_69 = arith.mulf %sub3A_45, %select_n3A_68 : vector<1024x128xf32>
    %add3A_70 = arith.addf %mul3A_56, %mul3A_69 : vector<1024x128xf32>
    %roll3A_71 = arith.constant 3 : i32
    %roll3A_72 = tpu.dynamic_rotate %sub3A_42 by %roll3A_71 dim 1 : vector<1024x128xf32>, i32 -> vector<1024x128xf32>
    %ge3A_73 = arith.constant 6 : i32
    %ge3A_74 = vector.broadcast %ge3A_73 : i32 to vector<1024x128xi32>
    %ge3A_75 = arith.cmpi sge, %select_n3A_22, %ge3A_74 : vector<1024x128xi32>
    %lt3A_76 = arith.constant 7 : i32
    %lt3A_77 = vector.broadcast %lt3A_76 : i32 to vector<1024x128xi32>
    %lt3A_78 = arith.cmpi slt, %select_n3A_22, %lt3A_77 : vector<1024x128xi32>
    %and3A_79 = arith.andi %ge3A_75, %lt3A_78 : vector<1024x128xi1>
    %jit3A_80 = arith.constant 1.000000e+00 : f32
    %jit3A_81 = arith.constant 0.000000e+00 : f32
    %broadcast_in_dim3A_82 = vector.broadcast %jit3A_80 : f32 to vector<1024x128xf32>
    %broadcast_in_dim3A_83 = vector.broadcast %jit3A_81 : f32 to vector<1024x128xf32>
    %select_n3A_84 = arith.select %and3A_79, %broadcast_in_dim3A_82, %broadcast_in_dim3A_83 : vector<1024x128xi1>, vector<1024x128xf32>
    %mul3A_85 = arith.mulf %roll3A_72, %select_n3A_84 : vector<1024x128xf32>
    %add3A_86 = arith.addf %add3A_70, %mul3A_85 : vector<1024x128xf32>
    %mul3A_87 = arith.mulf %add3A_86, %add3A_86 : vector<1024x128xf32>
    %roll3A_88 = arith.constant 127 : i32
    %roll3A_89 = tpu.dynamic_rotate %mul3A_87 by %roll3A_88 dim 1 : vector<1024x128xf32>, i32 -> vector<1024x128xf32>
    %add3A_90 = arith.addf %mul3A_87, %roll3A_89 : vector<1024x128xf32>
    %roll3A_91 = arith.constant 126 : i32
    %roll3A_92 = tpu.dynamic_rotate %mul3A_87 by %roll3A_91 dim 1 : vector<1024x128xf32>, i32 -> vector<1024x128xf32>
    %add3A_93 = arith.addf %add3A_90, %roll3A_92 : vector<1024x128xf32>
    %roll3A_94 = arith.constant 3 : i32
    %roll3A_95 = tpu.dynamic_rotate %add3A_93 by %roll3A_94 dim 1 : vector<1024x128xf32>, i32 -> vector<1024x128xf32>
    %ge3A_96 = arith.constant 7 : i32
    %ge3A_97 = vector.broadcast %ge3A_96 : i32 to vector<1024x128xi32>
    %ge3A_98 = arith.cmpi sge, %select_n3A_22, %ge3A_97 : vector<1024x128xi32>
    %lt3A_99 = arith.constant 8 : i32
    %lt3A_100 = vector.broadcast %lt3A_99 : i32 to vector<1024x128xi32>
    %lt3A_101 = arith.cmpi slt, %select_n3A_22, %lt3A_100 : vector<1024x128xi32>
    %and3A_102 = arith.andi %ge3A_98, %lt3A_101 : vector<1024x128xi1>
    %jit3A_103 = arith.constant 1.000000e+00 : f32
    %jit3A_104 = arith.constant 0.000000e+00 : f32
    %broadcast_in_dim3A_105 = vector.broadcast %jit3A_103 : f32 to vector<1024x128xf32>
    %broadcast_in_dim3A_106 = vector.broadcast %jit3A_104 : f32 to vector<1024x128xf32>
    %select_n3A_107 = arith.select %and3A_102, %broadcast_in_dim3A_105, %broadcast_in_dim3A_106 : vector<1024x128xi1>, vector<1024x128xf32>
    %mul3A_108 = arith.mulf %roll3A_95, %select_n3A_107 : vector<1024x128xf32>
    %sqrt3A = math.sqrt %mul3A_108 : vector<1024x128xf32>
    %ge3A_109 = arith.constant 0 : i32
    %ge3A_110 = vector.broadcast %ge3A_109 : i32 to vector<1024x128xi32>
    %ge3A_111 = arith.cmpi sge, %select_n3A_22, %ge3A_110 : vector<1024x128xi32>
    %lt3A_112 = arith.constant 3 : i32
    %lt3A_113 = vector.broadcast %lt3A_112 : i32 to vector<1024x128xi32>
    %lt3A_114 = arith.cmpi slt, %select_n3A_22, %lt3A_113 : vector<1024x128xi32>
    %and3A_115 = arith.andi %ge3A_111, %lt3A_114 : vector<1024x128xi1>
    %jit3A_116 = arith.constant 1.000000e+00 : f32
    %jit3A_117 = arith.constant 0.000000e+00 : f32
    %broadcast_in_dim3A_118 = vector.broadcast %jit3A_116 : f32 to vector<1024x128xf32>
    %broadcast_in_dim3A_119 = vector.broadcast %jit3A_117 : f32 to vector<1024x128xf32>
    %select_n3A_120 = arith.select %and3A_115, %broadcast_in_dim3A_118, %broadcast_in_dim3A_119 : vector<1024x128xi1>, vector<1024x128xf32>
    %mul3A_121 = arith.mulf %sub3A, %select_n3A_120 : vector<1024x128xf32>
    %roll3A_122 = arith.constant 3 : i32
    %roll3A_123 = tpu.dynamic_rotate %add3A_27 by %roll3A_122 dim 1 : vector<1024x128xf32>, i32 -> vector<1024x128xf32>
    %ge3A_124 = arith.constant 3 : i32
    %ge3A_125 = vector.broadcast %ge3A_124 : i32 to vector<1024x128xi32>
    %ge3A_126 = arith.cmpi sge, %select_n3A_22, %ge3A_125 : vector<1024x128xi32>
    %lt3A_127 = arith.constant 4 : i32
    %lt3A_128 = vector.broadcast %lt3A_127 : i32 to vector<1024x128xi32>
    %lt3A_129 = arith.cmpi slt, %select_n3A_22, %lt3A_128 : vector<1024x128xi32>
    %and3A_130 = arith.andi %ge3A_126, %lt3A_129 : vector<1024x128xi1>
    %jit3A_131 = arith.constant 1.000000e+00 : f32
    %jit3A_132 = arith.constant 0.000000e+00 : f32
    %broadcast_in_dim3A_133 = vector.broadcast %jit3A_131 : f32 to vector<1024x128xf32>
    %broadcast_in_dim3A_134 = vector.broadcast %jit3A_132 : f32 to vector<1024x128xf32>
    %select_n3A_135 = arith.select %and3A_130, %broadcast_in_dim3A_133, %broadcast_in_dim3A_134 : vector<1024x128xi1>, vector<1024x128xf32>
    %mul3A_136 = arith.mulf %roll3A_123, %select_n3A_135 : vector<1024x128xf32>
    %add3A_137 = arith.addf %mul3A_121, %mul3A_136 : vector<1024x128xf32>
    %add3A_138 = arith.addf %add3A_137, %add3A_86 : vector<1024x128xf32>
    %add3A_139 = arith.addf %add3A_138, %sqrt3A : vector<1024x128xf32>
    %get3A_140 = arith.constant 0 : index
    %get3A_141 = arith.constant 0 : index
    %get3A_142 = arith.constant 0 : index
    %get3A_143 = vector.load %arg2[%get3A_140, %get3A_141, %get3A_142] : memref<1x96x128xf32, #tpu.memory_space<vmem>>, vector<1x96x128xf32>
    %get3A_144 = vector.shape_cast %get3A_143 : vector<1x96x128xf32> to vector<96x128xf32>
    %get3A_145 = arith.constant 0 : index
    %get3A_146 = arith.constant 0 : index
    %get3A_147 = arith.constant 0 : index
    %get3A_148 = vector.load %arg3[%get3A_145, %get3A_146, %get3A_147] : memref<1x1x128xf32, #tpu.memory_space<vmem>>, vector<1x1x128xf32>
    %get3A_149 = vector.shape_cast %get3A_148 : vector<1x1x128xf32> to vector<1x128xf32>
    %get3A_150 = arith.constant 0 : index
    %get3A_151 = arith.constant 0 : index
    %get3A_152 = arith.constant 0 : index
    %get3A_153 = vector.load %arg4[%get3A_150, %get3A_151, %get3A_152] : memref<1x128x64xf32, #tpu.memory_space<vmem>>, vector<1x128x64xf32>
    %get3A_154 = vector.shape_cast %get3A_153 : vector<1x128x64xf32> to vector<128x64xf32>
    %get3A_155 = arith.constant 0 : index
    %get3A_156 = arith.constant 0 : index
    %get3A_157 = arith.constant 0 : index
    %get3A_158 = vector.load %arg5[%get3A_155, %get3A_156, %get3A_157] : memref<1x1x64xf32, #tpu.memory_space<vmem>>, vector<1x1x64xf32>
    %get3A_159 = vector.shape_cast %get3A_158 : vector<1x1x64xf32> to vector<1x64xf32>
    %slice3A = vector.extract_strided_slice %get3A_3 {offsets = [0, 0], sizes = [1024, 32], strides = [1, 1]} : vector<1024x128xf32> to vector<1024x32xf32>
    %slice3A_160 = vector.extract_strided_slice %get3A_144 {offsets = [0, 0], sizes = [32, 128], strides = [1, 1]} : vector<96x128xf32> to vector<32x128xf32>
    %dot_general3A = arith.constant dense<0.000000e+00> : vector<1024x128xf32>
    %dot_general3A_161 = tpu.matmul %slice3A, %slice3A_160, %dot_general3A {dimension_numbers = #tpu.dot_dimension_numbers<[1], [0], [0], [1], [0, 0, 1, 1], [], []>, transpose_lhs_hint = false} : vector<1024x32xf32>, vector<32x128xf32>, vector<1024x128xf32> -> vector<1024x128xf32>
    %slice3A_162 = vector.extract_strided_slice %get3A_8 {offsets = [0, 0], sizes = [1024, 32], strides = [1, 1]} : vector<1024x128xf32> to vector<1024x32xf32>
    %slice3A_163 = vector.extract_strided_slice %get3A_144 {offsets = [32, 0], sizes = [32, 128], strides = [1, 1]} : vector<96x128xf32> to vector<32x128xf32>
    %dot_general3A_164 = arith.constant dense<0.000000e+00> : vector<1024x128xf32>
    %dot_general3A_165 = tpu.matmul %slice3A_162, %slice3A_163, %dot_general3A_164 {dimension_numbers = #tpu.dot_dimension_numbers<[1], [0], [0], [1], [0, 0, 1, 1], [], []>, transpose_lhs_hint = false} : vector<1024x32xf32>, vector<32x128xf32>, vector<1024x128xf32> -> vector<1024x128xf32>
    %add3A_166 = arith.addf %dot_general3A_161, %dot_general3A_165 : vector<1024x128xf32>
    %slice3A_167 = vector.extract_strided_slice %add3A_139 {offsets = [0, 0], sizes = [1024, 32], strides = [1, 1]} : vector<1024x128xf32> to vector<1024x32xf32>
    %slice3A_168 = vector.extract_strided_slice %get3A_144 {offsets = [64, 0], sizes = [32, 128], strides = [1, 1]} : vector<96x128xf32> to vector<32x128xf32>
    %dot_general3A_169 = arith.constant dense<0.000000e+00> : vector<1024x128xf32>
    %dot_general3A_170 = tpu.matmul %slice3A_167, %slice3A_168, %dot_general3A_169 {dimension_numbers = #tpu.dot_dimension_numbers<[1], [0], [0], [1], [0, 0, 1, 1], [], []>, transpose_lhs_hint = false} : vector<1024x32xf32>, vector<32x128xf32>, vector<1024x128xf32> -> vector<1024x128xf32>
    %add3A_171 = arith.addf %add3A_166, %dot_general3A_170 : vector<1024x128xf32>
    %add3A_172 = vector.broadcast %get3A_149 : vector<1x128xf32> to vector<1024x128xf32>
    %add3A_173 = arith.addf %add3A_171, %add3A_172 : vector<1024x128xf32>
    %tanh3A = math.tanh %add3A_173 : vector<1024x128xf32>
    %dot_general3A_174 = arith.constant dense<0.000000e+00> : vector<1024x64xf32>
    %dot_general3A_175 = tpu.matmul %tanh3A, %get3A_154, %dot_general3A_174 {dimension_numbers = #tpu.dot_dimension_numbers<[1], [0], [0], [1], [0, 0, 1, 1], [], []>, transpose_lhs_hint = false} : vector<1024x128xf32>, vector<128x64xf32>, vector<1024x64xf32> -> vector<1024x64xf32>
    %add3A_176 = vector.broadcast %get3A_159 : vector<1x64xf32> to vector<1024x64xf32>
    %add3A_177 = arith.addf %dot_general3A_175, %add3A_176 : vector<1024x64xf32>
    %slice3A_178 = vector.extract_strided_slice %add3A_177 {offsets = [0, 0], sizes = [1024, 32], strides = [1, 1]} : vector<1024x64xf32> to vector<1024x32xf32>
    %slice3A_179 = vector.extract_strided_slice %add3A_177 {offsets = [0, 32], sizes = [1024, 32], strides = [1, 1]} : vector<1024x64xf32> to vector<1024x32xf32>
    %mul3A_180 = arith.constant 5.000000e-01 : f32
    %mul3A_181 = vector.broadcast %mul3A_180 : f32 to vector<1024x32xf32>
    %mul3A_182 = arith.mulf %mul3A_181, %slice3A_179 : vector<1024x32xf32>
    %tanh3A_183 = math.tanh %mul3A_182 : vector<1024x32xf32>
    %mul3A_184 = arith.constant 5.000000e-01 : f32
    %mul3A_185 = vector.broadcast %mul3A_184 : f32 to vector<1024x32xf32>
    %mul3A_186 = arith.mulf %mul3A_185, %tanh3A_183 : vector<1024x32xf32>
    %add3A_187 = arith.constant 5.000000e-01 : f32
    %add3A_188 = vector.broadcast %add3A_187 : f32 to vector<1024x32xf32>
    %add3A_189 = arith.addf %mul3A_186, %add3A_188 : vector<1024x32xf32>
    %mul3A_190 = arith.mulf %slice3A_178, %add3A_189 : vector<1024x32xf32>
    %swap3A = arith.constant 0 : index
    %swap3A_191 = arith.constant 0 : index
    %swap3A_192 = vector.load %arg6[%swap3A, %swap3A_191] : memref<1024x128xf32, #tpu.memory_space<vmem>>, vector<1024x32xf32>
    tpu.vector_store %arg6[%swap3A, %swap3A_191], %mul3A_190 {strides = array<i32>} : memref<1024x128xf32, #tpu.memory_space<vmem>>, vector<1024x32xf32>,
    %slice3A_193 = vector.extract_strided_slice %get3A_3 {offsets = [0, 32], sizes = [1024, 32], strides = [1, 1]} : vector<1024x128xf32> to vector<1024x32xf32>
    %slice3A_194 = vector.extract_strided_slice %get3A_144 {offsets = [0, 0], sizes = [32, 128], strides = [1, 1]} : vector<96x128xf32> to vector<32x128xf32>
    %dot_general3A_195 = arith.constant dense<0.000000e+00> : vector<1024x128xf32>
    %dot_general3A_196 = tpu.matmul %slice3A_193, %slice3A_194, %dot_general3A_195 {dimension_numbers = #tpu.dot_dimension_numbers<[1], [0], [0], [1], [0, 0, 1, 1], [], []>, transpose_lhs_hint = false} : vector<1024x32xf32>, vector<32x128xf32>, vector<1024x128xf32> -> vector<1024x128xf32>
    %slice3A_197 = vector.extract_strided_slice %get3A_8 {offsets = [0, 32], sizes = [1024, 32], strides = [1, 1]} : vector<1024x128xf32> to vector<1024x32xf32>
    %slice3A_198 = vector.extract_strided_slice %get3A_144 {offsets = [32, 0], sizes = [32, 128], strides = [1, 1]} : vector<96x128xf32> to vector<32x128xf32>
    %dot_general3A_199 = arith.constant dense<0.000000e+00> : vector<1024x128xf32>
    %dot_general3A_200 = tpu.matmul %slice3A_197, %slice3A_198, %dot_general3A_199 {dimension_numbers = #tpu.dot_dimension_numbers<[1], [0], [0], [1], [0, 0, 1, 1], [], []>, transpose_lhs_hint = false} : vector<1024x32xf32>, vector<32x128xf32>, vector<1024x128xf32> -> vector<1024x128xf32>
    %add3A_201 = arith.addf %dot_general3A_196, %dot_general3A_200 : vector<1024x128xf32>
    %slice3A_202 = vector.extract_strided_slice %add3A_139 {offsets = [0, 32], sizes = [1024, 32], strides = [1, 1]} : vector<1024x128xf32> to vector<1024x32xf32>
    %slice3A_203 = vector.extract_strided_slice %get3A_144 {offsets = [64, 0], sizes = [32, 128], strides = [1, 1]} : vector<96x128xf32> to vector<32x128xf32>
    %dot_general3A_204 = arith.constant dense<0.000000e+00> : vector<1024x128xf32>
    %dot_general3A_205 = tpu.matmul %slice3A_202, %slice3A_203, %dot_general3A_204 {dimension_numbers = #tpu.dot_dimension_numbers<[1], [0], [0], [1], [0, 0, 1, 1], [], []>, transpose_lhs_hint = false} : vector<1024x32xf32>, vector<32x128xf32>, vector<1024x128xf32> -> vector<1024x128xf32>
    %add3A_206 = arith.addf %add3A_201, %dot_general3A_205 : vector<1024x128xf32>
    %add3A_207 = vector.broadcast %get3A_149 : vector<1x128xf32> to vector<1024x128xf32>
    %add3A_208 = arith.addf %add3A_206, %add3A_207 : vector<1024x128xf32>
    %tanh3A_209 = math.tanh %add3A_208 : vector<1024x128xf32>
    %dot_general3A_210 = arith.constant dense<0.000000e+00> : vector<1024x64xf32>
    %dot_general3A_211 = tpu.matmul %tanh3A_209, %get3A_154, %dot_general3A_210 {dimension_numbers = #tpu.dot_dimension_numbers<[1], [0], [0], [1], [0, 0, 1, 1], [], []>, transpose_lhs_hint = false} : vector<1024x128xf32>, vector<128x64xf32>, vector<1024x64xf32> -> vector<1024x64xf32>
    %add3A_212 = vector.broadcast %get3A_159 : vector<1x64xf32> to vector<1024x64xf32>
    %add3A_213 = arith.addf %dot_general3A_211, %add3A_212 : vector<1024x64xf32>
    %slice3A_214 = vector.extract_strided_slice %add3A_213 {offsets = [0, 0], sizes = [1024, 32], strides = [1, 1]} : vector<1024x64xf32> to vector<1024x32xf32>
    %slice3A_215 = vector.extract_strided_slice %add3A_213 {offsets = [0, 32], sizes = [1024, 32], strides = [1, 1]} : vector<1024x64xf32> to vector<1024x32xf32>
    %mul3A_216 = arith.constant 5.000000e-01 : f32
    %mul3A_217 = vector.broadcast %mul3A_216 : f32 to vector<1024x32xf32>
    %mul3A_218 = arith.mulf %mul3A_217, %slice3A_215 : vector<1024x32xf32>
    %tanh3A_219 = math.tanh %mul3A_218 : vector<1024x32xf32>
    %mul3A_220 = arith.constant 5.000000e-01 : f32
    %mul3A_221 = vector.broadcast %mul3A_220 : f32 to vector<1024x32xf32>
    %mul3A_222 = arith.mulf %mul3A_221, %tanh3A_219 : vector<1024x32xf32>
    %add3A_223 = arith.constant 5.000000e-01 : f32
    %add3A_224 = vector.broadcast %add3A_223 : f32 to vector<1024x32xf32>
    %add3A_225 = arith.addf %mul3A_222, %add3A_224 : vector<1024x32xf32>
    %mul3A_226 = arith.mulf %slice3A_214, %add3A_225 : vector<1024x32xf32>
    %swap3A_227 = arith.constant 0 : index
    %swap3A_228 = arith.constant 32 : index
    %swap3A_229 = vector.load %arg6[%swap3A_227, %swap3A_228] : memref<1024x128xf32, #tpu.memory_space<vmem>>, vector<1024x32xf32>
    tpu.vector_store %arg6[%swap3A_227, %swap3A_228], %mul3A_226 {strides = array<i32>} : memref<1024x128xf32, #tpu.memory_space<vmem>>, vector<1024x32xf32>,
    %slice3A_230 = vector.extract_strided_slice %get3A_3 {offsets = [0, 64], sizes = [1024, 32], strides = [1, 1]} : vector<1024x128xf32> to vector<1024x32xf32>
    %slice3A_231 = vector.extract_strided_slice %get3A_144 {offsets = [0, 0], sizes = [32, 128], strides = [1, 1]} : vector<96x128xf32> to vector<32x128xf32>
    %dot_general3A_232 = arith.constant dense<0.000000e+00> : vector<1024x128xf32>
    %dot_general3A_233 = tpu.matmul %slice3A_230, %slice3A_231, %dot_general3A_232 {dimension_numbers = #tpu.dot_dimension_numbers<[1], [0], [0], [1], [0, 0, 1, 1], [], []>, transpose_lhs_hint = false} : vector<1024x32xf32>, vector<32x128xf32>, vector<1024x128xf32> -> vector<1024x128xf32>
    %slice3A_234 = vector.extract_strided_slice %get3A_8 {offsets = [0, 64], sizes = [1024, 32], strides = [1, 1]} : vector<1024x128xf32> to vector<1024x32xf32>
    %slice3A_235 = vector.extract_strided_slice %get3A_144 {offsets = [32, 0], sizes = [32, 128], strides = [1, 1]} : vector<96x128xf32> to vector<32x128xf32>
    %dot_general3A_236 = arith.constant dense<0.000000e+00> : vector<1024x128xf32>
    %dot_general3A_237 = tpu.matmul %slice3A_234, %slice3A_235, %dot_general3A_236 {dimension_numbers = #tpu.dot_dimension_numbers<[1], [0], [0], [1], [0, 0, 1, 1], [], []>, transpose_lhs_hint = false} : vector<1024x32xf32>, vector<32x128xf32>, vector<1024x128xf32> -> vector<1024x128xf32>
    %add3A_238 = arith.addf %dot_general3A_233, %dot_general3A_237 : vector<1024x128xf32>
    %slice3A_239 = vector.extract_strided_slice %add3A_139 {offsets = [0, 64], sizes = [1024, 32], strides = [1, 1]} : vector<1024x128xf32> to vector<1024x32xf32>
    %slice3A_240 = vector.extract_strided_slice %get3A_144 {offsets = [64, 0], sizes = [32, 128], strides = [1, 1]} : vector<96x128xf32> to vector<32x128xf32>
    %dot_general3A_241 = arith.constant dense<0.000000e+00> : vector<1024x128xf32>
    %dot_general3A_242 = tpu.matmul %slice3A_239, %slice3A_240, %dot_general3A_241 {dimension_numbers = #tpu.dot_dimension_numbers<[1], [0], [0], [1], [0, 0, 1, 1], [], []>, transpose_lhs_hint = false} : vector<1024x32xf32>, vector<32x128xf32>, vector<1024x128xf32> -> vector<1024x128xf32>
    %add3A_243 = arith.addf %add3A_238, %dot_general3A_242 : vector<1024x128xf32>
    %add3A_244 = vector.broadcast %get3A_149 : vector<1x128xf32> to vector<1024x128xf32>
    %add3A_245 = arith.addf %add3A_243, %add3A_244 : vector<1024x128xf32>
    %tanh3A_246 = math.tanh %add3A_245 : vector<1024x128xf32>
    %dot_general3A_247 = arith.constant dense<0.000000e+00> : vector<1024x64xf32>
    %dot_general3A_248 = tpu.matmul %tanh3A_246, %get3A_154, %dot_general3A_247 {dimension_numbers = #tpu.dot_dimension_numbers<[1], [0], [0], [1], [0, 0, 1, 1], [], []>, transpose_lhs_hint = false} : vector<1024x128xf32>, vector<128x64xf32>, vector<1024x64xf32> -> vector<1024x64xf32>
    %add3A_249 = vector.broadcast %get3A_159 : vector<1x64xf32> to vector<1024x64xf32>
    %add3A_250 = arith.addf %dot_general3A_248, %add3A_249 : vector<1024x64xf32>
    %slice3A_251 = vector.extract_strided_slice %add3A_250 {offsets = [0, 0], sizes = [1024, 32], strides = [1, 1]} : vector<1024x64xf32> to vector<1024x32xf32>
    %slice3A_252 = vector.extract_strided_slice %add3A_250 {offsets = [0, 32], sizes = [1024, 32], strides = [1, 1]} : vector<1024x64xf32> to vector<1024x32xf32>
    %mul3A_253 = arith.constant 5.000000e-01 : f32
    %mul3A_254 = vector.broadcast %mul3A_253 : f32 to vector<1024x32xf32>
    %mul3A_255 = arith.mulf %mul3A_254, %slice3A_252 : vector<1024x32xf32>
    %tanh3A_256 = math.tanh %mul3A_255 : vector<1024x32xf32>
    %mul3A_257 = arith.constant 5.000000e-01 : f32
    %mul3A_258 = vector.broadcast %mul3A_257 : f32 to vector<1024x32xf32>
    %mul3A_259 = arith.mulf %mul3A_258, %tanh3A_256 : vector<1024x32xf32>
    %add3A_260 = arith.constant 5.000000e-01 : f32
    %add3A_261 = vector.broadcast %add3A_260 : f32 to vector<1024x32xf32>
    %add3A_262 = arith.addf %mul3A_259, %add3A_261 : vector<1024x32xf32>
    %mul3A_263 = arith.mulf %slice3A_251, %add3A_262 : vector<1024x32xf32>
    %swap3A_264 = arith.constant 0 : index
    %swap3A_265 = arith.constant 64 : index
    %swap3A_266 = vector.load %arg6[%swap3A_264, %swap3A_265] : memref<1024x128xf32, #tpu.memory_space<vmem>>, vector<1024x32xf32>
    tpu.vector_store %arg6[%swap3A_264, %swap3A_265], %mul3A_263 {strides = array<i32>} : memref<1024x128xf32, #tpu.memory_space<vmem>>, vector<1024x32xf32>,
    %slice3A_267 = vector.extract_strided_slice %get3A_3 {offsets = [0, 96], sizes = [1024, 32], strides = [1, 1]} : vector<1024x128xf32> to vector<1024x32xf32>
    %slice3A_268 = vector.extract_strided_slice %get3A_144 {offsets = [0, 0], sizes = [32, 128], strides = [1, 1]} : vector<96x128xf32> to vector<32x128xf32>
    %dot_general3A_269 = arith.constant dense<0.000000e+00> : vector<1024x128xf32>
    %dot_general3A_270 = tpu.matmul %slice3A_267, %slice3A_268, %dot_general3A_269 {dimension_numbers = #tpu.dot_dimension_numbers<[1], [0], [0], [1], [0, 0, 1, 1], [], []>, transpose_lhs_hint = false} : vector<1024x32xf32>, vector<32x128xf32>, vector<1024x128xf32> -> vector<1024x128xf32>
    %slice3A_271 = vector.extract_strided_slice %get3A_8 {offsets = [0, 96], sizes = [1024, 32], strides = [1, 1]} : vector<1024x128xf32> to vector<1024x32xf32>
    %slice3A_272 = vector.extract_strided_slice %get3A_144 {offsets = [32, 0], sizes = [32, 128], strides = [1, 1]} : vector<96x128xf32> to vector<32x128xf32>
    %dot_general3A_273 = arith.constant dense<0.000000e+00> : vector<1024x128xf32>
    %dot_general3A_274 = tpu.matmul %slice3A_271, %slice3A_272, %dot_general3A_273 {dimension_numbers = #tpu.dot_dimension_numbers<[1], [0], [0], [1], [0, 0, 1, 1], [], []>, transpose_lhs_hint = false} : vector<1024x32xf32>, vector<32x128xf32>, vector<1024x128xf32> -> vector<1024x128xf32>
    %add3A_275 = arith.addf %dot_general3A_270, %dot_general3A_274 : vector<1024x128xf32>
    %slice3A_276 = vector.extract_strided_slice %add3A_139 {offsets = [0, 96], sizes = [1024, 32], strides = [1, 1]} : vector<1024x128xf32> to vector<1024x32xf32>
    %slice3A_277 = vector.extract_strided_slice %get3A_144 {offsets = [64, 0], sizes = [32, 128], strides = [1, 1]} : vector<96x128xf32> to vector<32x128xf32>
    %dot_general3A_278 = arith.constant dense<0.000000e+00> : vector<1024x128xf32>
    %dot_general3A_279 = tpu.matmul %slice3A_276, %slice3A_277, %dot_general3A_278 {dimension_numbers = #tpu.dot_dimension_numbers<[1], [0], [0], [1], [0, 0, 1, 1], [], []>, transpose_lhs_hint = false} : vector<1024x32xf32>, vector<32x128xf32>, vector<1024x128xf32> -> vector<1024x128xf32>
    %add3A_280 = arith.addf %add3A_275, %dot_general3A_279 : vector<1024x128xf32>
    %add3A_281 = vector.broadcast %get3A_149 : vector<1x128xf32> to vector<1024x128xf32>
    %add3A_282 = arith.addf %add3A_280, %add3A_281 : vector<1024x128xf32>
    %tanh3A_283 = math.tanh %add3A_282 : vector<1024x128xf32>
    %dot_general3A_284 = arith.constant dense<0.000000e+00> : vector<1024x64xf32>
    %dot_general3A_285 = tpu.matmul %tanh3A_283, %get3A_154, %dot_general3A_284 {dimension_numbers = #tpu.dot_dimension_numbers<[1], [0], [0], [1], [0, 0, 1, 1], [], []>, transpose_lhs_hint = false} : vector<1024x128xf32>, vector<128x64xf32>, vector<1024x64xf32> -> vector<1024x64xf32>
    %add3A_286 = vector.broadcast %get3A_159 : vector<1x64xf32> to vector<1024x64xf32>
    %add3A_287 = arith.addf %dot_general3A_285, %add3A_286 : vector<1024x64xf32>
    %slice3A_288 = vector.extract_strided_slice %add3A_287 {offsets = [0, 0], sizes = [1024, 32], strides = [1, 1]} : vector<1024x64xf32> to vector<1024x32xf32>
    %slice3A_289 = vector.extract_strided_slice %add3A_287 {offsets = [0, 32], sizes = [1024, 32], strides = [1, 1]} : vector<1024x64xf32> to vector<1024x32xf32>
    %mul3A_290 = arith.constant 5.000000e-01 : f32
    %mul3A_291 = vector.broadcast %mul3A_290 : f32 to vector<1024x32xf32>
    %mul3A_292 = arith.mulf %mul3A_291, %slice3A_289 : vector<1024x32xf32>
    %tanh3A_293 = math.tanh %mul3A_292 : vector<1024x32xf32>
    %mul3A_294 = arith.constant 5.000000e-01 : f32
    %mul3A_295 = vector.broadcast %mul3A_294 : f32 to vector<1024x32xf32>
    %mul3A_296 = arith.mulf %mul3A_295, %tanh3A_293 : vector<1024x32xf32>
    %add3A_297 = arith.constant 5.000000e-01 : f32
    %add3A_298 = vector.broadcast %add3A_297 : f32 to vector<1024x32xf32>
    %add3A_299 = arith.addf %mul3A_296, %add3A_298 : vector<1024x32xf32>
    %mul3A_300 = arith.mulf %slice3A_288, %add3A_299 : vector<1024x32xf32>
    %swap3A_301 = arith.constant 0 : index
    %swap3A_302 = arith.constant 96 : index
    %swap3A_303 = vector.load %arg6[%swap3A_301, %swap3A_302] : memref<1024x128xf32, #tpu.memory_space<vmem>>, vector<1024x32xf32>
    tpu.vector_store %arg6[%swap3A_301, %swap3A_302], %mul3A_300 {strides = array<i32>} : memref<1024x128xf32, #tpu.memory_space<vmem>>, vector<1024x32xf32>,
    return
  }
  func.func @transform_0(%arg0: i32) -> (i32, i32, i32) {
    %c0_i32 = arith.constant 0 : i32
    %c0_i32_0 = arith.constant 0 : i32
    %c0_i32_1 = arith.constant 0 : i32
    return %c0_i32, %arg0, %c0_i32_0 : i32, i32, i32
  }
  func.func @transform_1(%arg0: i32) -> (i32, i32, i32) {
    %jit3A = arith.constant 100 : i32
    %div3A = arith.divsi %arg0, %jit3A : i32
    %sign3A = arith.constant 0 : i32
    %sign3A_0 = arith.cmpi sgt, %arg0, %sign3A : i32
    %sign3A_1 = arith.extui %sign3A_0 : i1 to i32
    %sign3A_2 = arith.constant 0 : i32
    %sign3A_3 = arith.cmpi slt, %arg0, %sign3A_2 : i32
    %sign3A_4 = arith.extui %sign3A_3 : i1 to i32
    %sign3A_5 = arith.subi %sign3A_1, %sign3A_4 : i32
    %sign3A_6 = arith.constant 0 : i32
    %sign3A_7 = arith.cmpi sgt, %jit3A, %sign3A_6 : i32
    %sign3A_8 = arith.extui %sign3A_7 : i1 to i32
    %sign3A_9 = arith.constant 0 : i32
    %sign3A_10 = arith.cmpi slt, %jit3A, %sign3A_9 : i32
    %sign3A_11 = arith.extui %sign3A_10 : i1 to i32
    %sign3A_12 = arith.subi %sign3A_8, %sign3A_11 : i32
    %ne3A = arith.cmpi ne, %sign3A_5, %sign3A_12 : i32
    %rem3A = arith.remsi %arg0, %jit3A : i32
    %ne3A_13 = arith.constant 0 : i32
    %ne3A_14 = arith.cmpi ne, %rem3A, %ne3A_13 : i32
    %and3A = arith.andi %ne3A, %ne3A_14 : i1
    %sub3A = arith.constant 1 : i32
    %sub3A_15 = arith.subi %div3A, %sub3A : i32
    %select_n3A = arith.select %and3A, %sub3A_15, %div3A : i32
    %c0_i32 = arith.constant 0 : i32
    %c0_i32_16 = arith.constant 0 : i32
    %c0_i32_17 = arith.constant 0 : i32
    return %select_n3A, %c0_i32, %c0_i32_16 : i32, i32, i32
  }
  func.func @transform_2(%arg0: i32) -> (i32, i32, i32) {
    %jit3A = arith.constant 100 : i32
    %div3A = arith.divsi %arg0, %jit3A : i32
    %sign3A = arith.constant 0 : i32
    %sign3A_0 = arith.cmpi sgt, %arg0, %sign3A : i32
    %sign3A_1 = arith.extui %sign3A_0 : i1 to i32
    %sign3A_2 = arith.constant 0 : i32
    %sign3A_3 = arith.cmpi slt, %arg0, %sign3A_2 : i32
    %sign3A_4 = arith.extui %sign3A_3 : i1 to i32
    %sign3A_5 = arith.subi %sign3A_1, %sign3A_4 : i32
    %sign3A_6 = arith.constant 0 : i32
    %sign3A_7 = arith.cmpi sgt, %jit3A, %sign3A_6 : i32
    %sign3A_8 = arith.extui %sign3A_7 : i1 to i32
    %sign3A_9 = arith.constant 0 : i32
    %sign3A_10 = arith.cmpi slt, %jit3A, %sign3A_9 : i32
    %sign3A_11 = arith.extui %sign3A_10 : i1 to i32
    %sign3A_12 = arith.subi %sign3A_8, %sign3A_11 : i32
    %ne3A = arith.cmpi ne, %sign3A_5, %sign3A_12 : i32
    %rem3A = arith.remsi %arg0, %jit3A : i32
    %ne3A_13 = arith.constant 0 : i32
    %ne3A_14 = arith.cmpi ne, %rem3A, %ne3A_13 : i32
    %and3A = arith.andi %ne3A, %ne3A_14 : i1
    %sub3A = arith.constant 1 : i32
    %sub3A_15 = arith.subi %div3A, %sub3A : i32
    %select_n3A = arith.select %and3A, %sub3A_15, %div3A : i32
    %c0_i32 = arith.constant 0 : i32
    %c0_i32_16 = arith.constant 0 : i32
    %c0_i32_17 = arith.constant 0 : i32
    return %select_n3A, %c0_i32, %c0_i32_16 : i32, i32, i32
  }
  func.func @transform_3(%arg0: i32) -> (i32, i32, i32) {
    %jit3A = arith.constant 100 : i32
    %div3A = arith.divsi %arg0, %jit3A : i32
    %sign3A = arith.constant 0 : i32
    %sign3A_0 = arith.cmpi sgt, %arg0, %sign3A : i32
    %sign3A_1 = arith.extui %sign3A_0 : i1 to i32
    %sign3A_2 = arith.constant 0 : i32
    %sign3A_3 = arith.cmpi slt, %arg0, %sign3A_2 : i32
    %sign3A_4 = arith.extui %sign3A_3 : i1 to i32
    %sign3A_5 = arith.subi %sign3A_1, %sign3A_4 : i32
    %sign3A_6 = arith.constant 0 : i32
    %sign3A_7 = arith.cmpi sgt, %jit3A, %sign3A_6 : i32
    %sign3A_8 = arith.extui %sign3A_7 : i1 to i32
    %sign3A_9 = arith.constant 0 : i32
    %sign3A_10 = arith.cmpi slt, %jit3A, %sign3A_9 : i32
    %sign3A_11 = arith.extui %sign3A_10 : i1 to i32
    %sign3A_12 = arith.subi %sign3A_8, %sign3A_11 : i32
    %ne3A = arith.cmpi ne, %sign3A_5, %sign3A_12 : i32
    %rem3A = arith.remsi %arg0, %jit3A : i32
    %ne3A_13 = arith.constant 0 : i32
    %ne3A_14 = arith.cmpi ne, %rem3A, %ne3A_13 : i32
    %and3A = arith.andi %ne3A, %ne3A_14 : i1
    %sub3A = arith.constant 1 : i32
    %sub3A_15 = arith.subi %div3A, %sub3A : i32
    %select_n3A = arith.select %and3A, %sub3A_15, %div3A : i32
    %c0_i32 = arith.constant 0 : i32
    %c0_i32_16 = arith.constant 0 : i32
    %c0_i32_17 = arith.constant 0 : i32
    return %select_n3A, %c0_i32, %c0_i32_16 : i32, i32, i32
  }
  func.func @transform_4(%arg0: i32) -> (i32, i32, i32) {
    %jit3A = arith.constant 100 : i32
    %div3A = arith.divsi %arg0, %jit3A : i32
    %sign3A = arith.constant 0 : i32
    %sign3A_0 = arith.cmpi sgt, %arg0, %sign3A : i32
    %sign3A_1 = arith.extui %sign3A_0 : i1 to i32
    %sign3A_2 = arith.constant 0 : i32
    %sign3A_3 = arith.cmpi slt, %arg0, %sign3A_2 : i32
    %sign3A_4 = arith.extui %sign3A_3 : i1 to i32
    %sign3A_5 = arith.subi %sign3A_1, %sign3A_4 : i32
    %sign3A_6 = arith.constant 0 : i32
    %sign3A_7 = arith.cmpi sgt, %jit3A, %sign3A_6 : i32
    %sign3A_8 = arith.extui %sign3A_7 : i1 to i32
    %sign3A_9 = arith.constant 0 : i32
    %sign3A_10 = arith.cmpi slt, %jit3A, %sign3A_9 : i32
    %sign3A_11 = arith.extui %sign3A_10 : i1 to i32
    %sign3A_12 = arith.subi %sign3A_8, %sign3A_11 : i32
    %ne3A = arith.cmpi ne, %sign3A_5, %sign3A_12 : i32
    %rem3A = arith.remsi %arg0, %jit3A : i32
    %ne3A_13 = arith.constant 0 : i32
    %ne3A_14 = arith.cmpi ne, %rem3A, %ne3A_13 : i32
    %and3A = arith.andi %ne3A, %ne3A_14 : i1
    %sub3A = arith.constant 1 : i32
    %sub3A_15 = arith.subi %div3A, %sub3A : i32
    %select_n3A = arith.select %and3A, %sub3A_15, %div3A : i32
    %c0_i32 = arith.constant 0 : i32
    %c0_i32_16 = arith.constant 0 : i32
    %c0_i32_17 = arith.constant 0 : i32
    return %select_n3A, %c0_i32, %c0_i32_16 : i32, i32, i32
  }
  func.func @transform_5(%arg0: i32) -> (i32, i32) {
    %c0_i32 = arith.constant 0 : i32
    %c0_i32_0 = arith.constant 0 : i32
    return %arg0, %c0_i32 : i32, i32
  }
}

module attributes {stable_mosaic.version = 14 : i64} {
  func.func @_node_mlp_body(%arg0: i32, %arg1: memref<2000x13xf32, #tpu.memory_space<vmem>>, %arg2: memref<2x2000x16xf32, #tpu.memory_space<vmem>>, %arg3: memref<2x2000x16xf32, #tpu.memory_space<vmem>>, %arg4: memref<45x32xf32, #tpu.memory_space<vmem>>, %arg5: memref<1x32xf32, #tpu.memory_space<vmem>>, %arg6: memref<32x13xf32, #tpu.memory_space<vmem>>, %arg7: memref<1x13xf32, #tpu.memory_space<vmem>>, %arg8: memref<2000x13xf32, #tpu.memory_space<vmem>>) attributes {dimension_semantics = [#tpu.dimension_semantics<arbitrary>], iteration_bounds = array<i64: 50>, scalar_prefetch = 0 : i64, scratch_operands = 0 : i64, tpu.core_type = #tpu.core_type<tc>, window_params = [{transform_indices = @transform_0, window_bounds = array<i64: 2000, 13>}, {transform_indices = @transform_1, window_bounds = array<i64: 2, 2000, 16>}, {transform_indices = @transform_2, window_bounds = array<i64: 2, 2000, 16>}, {pipeline_mode = #tpu.pipeline_mode<synchronous>, transform_indices = @transform_3, window_bounds = array<i64: 45, 32>}, {pipeline_mode = #tpu.pipeline_mode<synchronous>, transform_indices = @transform_4, window_bounds = array<i64: 1, 32>}, {pipeline_mode = #tpu.pipeline_mode<synchronous>, transform_indices = @transform_5, window_bounds = array<i64: 32, 13>}, {pipeline_mode = #tpu.pipeline_mode<synchronous>, transform_indices = @transform_6, window_bounds = array<i64: 1, 13>}, {transform_indices = @transform_7, window_bounds = array<i64: 2000, 13>}]} {
    %get3A = arith.constant 0 : index
    %get3A_0 = arith.constant 0 : index
    %get3A_1 = vector.load %arg1[%get3A, %get3A_0] : memref<2000x13xf32, #tpu.memory_space<vmem>>, vector<2000x13xf32>
    %get3A_2 = arith.constant 0 : index
    %get3A_3 = arith.constant 0 : index
    %get3A_4 = arith.constant 0 : index
    %get3A_5 = vector.load %arg2[%get3A_2, %get3A_3, %get3A_4] : memref<2x2000x16xf32, #tpu.memory_space<vmem>>, vector<1x2000x16xf32>
    %get3A_6 = vector.shape_cast %get3A_5 : vector<1x2000x16xf32> to vector<2000x16xf32>
    %get3A_7 = arith.constant 1 : index
    %get3A_8 = arith.constant 0 : index
    %get3A_9 = arith.constant 0 : index
    %get3A_10 = vector.load %arg2[%get3A_7, %get3A_8, %get3A_9] : memref<2x2000x16xf32, #tpu.memory_space<vmem>>, vector<1x2000x16xf32>
    %get3A_11 = vector.shape_cast %get3A_10 : vector<1x2000x16xf32> to vector<2000x16xf32>
    %add3A = arith.addf %get3A_6, %get3A_11 : vector<2000x16xf32>
    %get3A_12 = arith.constant 0 : index
    %get3A_13 = arith.constant 0 : index
    %get3A_14 = arith.constant 0 : index
    %get3A_15 = vector.load %arg3[%get3A_12, %get3A_13, %get3A_14] : memref<2x2000x16xf32, #tpu.memory_space<vmem>>, vector<1x2000x16xf32>
    %get3A_16 = vector.shape_cast %get3A_15 : vector<1x2000x16xf32> to vector<2000x16xf32>
    %get3A_17 = arith.constant 1 : index
    %get3A_18 = arith.constant 0 : index
    %get3A_19 = arith.constant 0 : index
    %get3A_20 = vector.load %arg3[%get3A_17, %get3A_18, %get3A_19] : memref<2x2000x16xf32, #tpu.memory_space<vmem>>, vector<1x2000x16xf32>
    %get3A_21 = vector.shape_cast %get3A_20 : vector<1x2000x16xf32> to vector<2000x16xf32>
    %add3A_22 = arith.addf %get3A_16, %get3A_21 : vector<2000x16xf32>
    %concatenate3A = tpu.concatenate %get3A_1, %add3A, %add3A_22 in 1 : vector<2000x13xf32>, vector<2000x16xf32>, vector<2000x16xf32> -> vector<2000x45xf32>
    %get3A_23 = arith.constant 0 : index
    %get3A_24 = arith.constant 0 : index
    %get3A_25 = vector.load %arg4[%get3A_23, %get3A_24] : memref<45x32xf32, #tpu.memory_space<vmem>>, vector<45x32xf32>
    %dot_general3A = arith.constant dense<0.000000e+00> : vector<2000x32xf32>
    %dot_general3A_26 = tpu.matmul %concatenate3A, %get3A_25, %dot_general3A {dimension_numbers = #tpu.dot_dimension_numbers<[1], [0], [0], [1], [0, 0, 1, 1], [], []>, transpose_lhs_hint = false} : vector<2000x45xf32>, vector<45x32xf32>, vector<2000x32xf32> -> vector<2000x32xf32>
    %get3A_27 = arith.constant 0 : index
    %get3A_28 = arith.constant 0 : index
    %get3A_29 = vector.load %arg5[%get3A_27, %get3A_28] : memref<1x32xf32, #tpu.memory_space<vmem>>, vector<1x32xf32>
    %add3A_30 = vector.broadcast %get3A_29 : vector<1x32xf32> to vector<2000x32xf32>
    %add3A_31 = arith.addf %dot_general3A_26, %add3A_30 : vector<2000x32xf32>
    %tanh3A = math.tanh %add3A_31 : vector<2000x32xf32>
    %get3A_32 = arith.constant 0 : index
    %get3A_33 = arith.constant 0 : index
    %get3A_34 = vector.load %arg6[%get3A_32, %get3A_33] : memref<32x13xf32, #tpu.memory_space<vmem>>, vector<32x13xf32>
    %dot_general3A_35 = arith.constant dense<0.000000e+00> : vector<2000x13xf32>
    %dot_general3A_36 = tpu.matmul %tanh3A, %get3A_34, %dot_general3A_35 {dimension_numbers = #tpu.dot_dimension_numbers<[1], [0], [0], [1], [0, 0, 1, 1], [], []>, transpose_lhs_hint = false} : vector<2000x32xf32>, vector<32x13xf32>, vector<2000x13xf32> -> vector<2000x13xf32>
    %get3A_37 = arith.constant 0 : index
    %get3A_38 = arith.constant 0 : index
    %get3A_39 = vector.load %arg7[%get3A_37, %get3A_38] : memref<1x13xf32, #tpu.memory_space<vmem>>, vector<1x13xf32>
    %add3A_40 = vector.broadcast %get3A_39 : vector<1x13xf32> to vector<2000x13xf32>
    %add3A_41 = arith.addf %dot_general3A_36, %add3A_40 : vector<2000x13xf32>
    %swap3A = arith.constant 0 : index
    %swap3A_42 = arith.constant 0 : index
    %swap3A_43 = vector.load %arg8[%swap3A, %swap3A_42] : memref<2000x13xf32, #tpu.memory_space<vmem>>, vector<2000x13xf32>
    tpu.vector_store %arg8[%swap3A, %swap3A_42], %add3A_41 {strides = array<i32>} : memref<2000x13xf32, #tpu.memory_space<vmem>>, vector<2000x13xf32>,
    return
  }
  func.func @transform_0(%arg0: i32) -> (i32, i32) {
    %c0_i32 = arith.constant 0 : i32
    %c0_i32_0 = arith.constant 0 : i32
    return %arg0, %c0_i32 : i32, i32
  }
  func.func @transform_1(%arg0: i32) -> (i32, i32, i32) {
    %c0_i32 = arith.constant 0 : i32
    %c0_i32_0 = arith.constant 0 : i32
    %c0_i32_1 = arith.constant 0 : i32
    return %c0_i32, %arg0, %c0_i32_0 : i32, i32, i32
  }
  func.func @transform_2(%arg0: i32) -> (i32, i32, i32) {
    %c0_i32 = arith.constant 0 : i32
    %c0_i32_0 = arith.constant 0 : i32
    %c0_i32_1 = arith.constant 0 : i32
    return %c0_i32, %arg0, %c0_i32_0 : i32, i32, i32
  }
  func.func @transform_3(%arg0: i32) -> (i32, i32) {
    %c0_i32 = arith.constant 0 : i32
    %c0_i32_0 = arith.constant 0 : i32
    %c0_i32_1 = arith.constant 0 : i32
    return %c0_i32, %c0_i32_0 : i32, i32
  }
  func.func @transform_4(%arg0: i32) -> (i32, i32) {
    %c0_i32 = arith.constant 0 : i32
    %c0_i32_0 = arith.constant 0 : i32
    %c0_i32_1 = arith.constant 0 : i32
    return %c0_i32, %c0_i32_0 : i32, i32
  }
  func.func @transform_5(%arg0: i32) -> (i32, i32) {
    %c0_i32 = arith.constant 0 : i32
    %c0_i32_0 = arith.constant 0 : i32
    %c0_i32_1 = arith.constant 0 : i32
    return %c0_i32, %c0_i32_0 : i32, i32
  }
  func.func @transform_6(%arg0: i32) -> (i32, i32) {
    %c0_i32 = arith.constant 0 : i32
    %c0_i32_0 = arith.constant 0 : i32
    %c0_i32_1 = arith.constant 0 : i32
    return %c0_i32, %c0_i32_0 : i32, i32
  }
  func.func @transform_7(%arg0: i32) -> (i32, i32) {
    %c0_i32 = arith.constant 0 : i32
    %c0_i32_0 = arith.constant 0 : i32
    return %arg0, %c0_i32 : i32, i32
  }
}

</mosaic_0001>

<sc_bundles>
// kernel: kernel.12.cloned.1.call-start
scs
__scs_entry_jumppad:
0x0: {  	(pc) =	sbr.rel $0x88, $3  }
0x1: {  	(tag) =	ssettag $0x0;
	lr =	simm.s32 $0x1  }
0x2: {  	[smem:$0x3F8A] =	sst lr;
	_ =	strace $0xD0000000  }
0x3: {  	_ = 	snop  }
0x4: {  	_ = 	snop  }
0x5: {  	_ = 	snop  }
0x6: {  	_ = 	snop  }
0x7: {  	_ = 	snop  }
__scs_overlays_trampoline_lowered:
0x8: {  	[smem:$0x3F99] =	sst s0  }
0x9: {  	[smem:$0x3F9A] =	sst s1  }
0xa: {  	[smem:$0x3F9B] =	sst s2  }
0xb: {  	[smem:$0x3F9C] =	sst s3  }
0xc: {  	[smem:$0x3F9D] =	sst s4  }
0xd: {  	[smem:$0x3F9E] =	sst s5  }
0xe: {  	[smem:$0x3F9F] =	sst s6  }
0xf: {  	[smem:$0x3FA0] =	sst s7  }
0x10: {  	[smem:$0x3FA1] =	sst s8  }
0x11: {  	[smem:$0x3FA2] =	sst s9;
	s0 =	simm.s32 @!p0 $0x0  }
0x12: {  	s1 =	sld [smem:$0x3F88];
	s0 =	simm.s32 @p0 $0x1  }
0x13: {  	[smem:$0x3FA3] =	sst s0;
	s0 =	simm.s32 @!p1 $0x0  }
0x14: {  	s2 =	sld [smem:$0x3F87];
	s0 =	simm.s32 @p1 $0x1  }
0x15: {  	[smem:$0x3FA4] =	sst s0;
	s0 =	simm.s32 @!p2 $0x0  }
0x16: {  	s3 =	sld [smem:$0x3FDB];
	s0 =	simm.s32 @p2 $0x1  }
0x17: {  	s4 =	simm.s32 $0x1BF5;
	[smem:$0x3FA6] =	sst s0  }
0x18: {  	s0 =	sld [smem:$0x3F89];
	_ =	swait.ge [sflag:s4], $0x0  }
0x19: {  	s7 =	sld [smem:$0x3F8A]  }
0x1a: {  	s8 =	sadd.s32 $0xFFFFE003, lr  }
0x1b: {  	s9 =	sadd.s32 $0xFFFFFEF7, lr;
	s5 =	simm.s32 $0xFFFFFFFF;
	p2 =	slt.u32 s8, $0xFFFFF086  }
0x1c: {  	p1 =	slt.u32 s9, $0xF7A;
	s5 =	simm.s32 @!p2 $0x0  }
0x1d: {  	s5 =	simm.s32 @p1 $0x1;
	p0 =	seq.s32 s7, s2  }
0x1e: {  	s7 =	smul.u32 @!p0 $0xF7A, s2;
	p2 =	seq.s32 @!p0 s5, $0x0  }
0x1f: {  	s9 =	smul.u32 $0xF7A, s1;
	s8 =	simm.s32 @!p0 $0x1BF5;
	p2 =	por !p2, p0  }
0x20: {  	[sflag:s8] =	ssyncset.s32 @!p0 $0xFFFFF086;
	s6 =	sadd.s32 @!p0 s3, s7;
	s7 =	simm.s32 @!p0 $0x108  }
0x21: {  	s3 =	sadd.s32 s3, s9;
	s6 =	sadd.s32 @!p0 $0x88, s6;
	s7 =	simm.s32 @p2 $0x1082  }
0x22: {  	[simem:s7], [sflag:s8] =	dma.local @!p0 [hbm:s6], $0xF7A  }
0x23: {  	s9 =	sor.u32 $0xD0000000, s2;
	s6 =	simm.s32 $0x108;
	_ =	swait.ge @!p0 [sflag:s8], $0x0  }
0x24: {  	s3 =	sadd.s32 $0x88, s3;
	s6 =	simm.s32 @!p1 $0x1082;
	[sflag:s4] =	ssyncset.s32 $0xFFFFF086  }
0x25: {  	[simem:s6], [sflag:s4] =	dma.local [hbm:s3], $0xF7A  }
0x26: {  	[smem:$0x3F8A] =	sst s1;
	(tag) =	ssettag s2;
	_ =	strace s9  }
0x27: {  	s1 =	sld [smem:$0x3F9A]  }
0x28: {  	s2 =	sld [smem:$0x3F9B]  }
0x29: {  	s4 =	sld [smem:$0x3F9D]  }
0x2a: {  	p0 =	seq.s32 s5, $0x0;
	s5 =	sld [smem:$0x3F9E]  }
0x2b: {  	s6 =	sld [smem:$0x3F9F]  }
0x2c: {  	s7 =	sld [smem:$0x3FA0]  }
0x2d: {  	s3 =	simm.s32 $0x108;
	s8 =	sld [smem:$0x3FA1]  }
0x2e: {  	s3 =	simm.s32 @!p0 $0x1082;
	s9 =	sld [smem:$0x3FA2]  }
0x2f: {  	lr =	sadd.s32 s0, s3;
	s0 =	sld [smem:$0x3F99]  }
0x30: {  	s3 =	sld [smem:$0x3F9C]  }
0x31: {  	[smem:$0x3FA5] =	sst s10  }
0x32: {  	s10 =	sld [smem:$0x3FA3];
	_ =	sdelay $0x3  }
0x33: {  	p0 =	seq.s32 s10, $0x1;
	s10 =	sld [smem:$0x3FA5];
	_ =	sdelay $0x3  }
0x34: {  	[smem:$0x3FA5] =	sst s10  }
0x35: {  	s10 =	sld [smem:$0x3FA4];
	_ =	sdelay $0x3  }
0x36: {  	p1 =	seq.s32 s10, $0x1;
	s10 =	sld [smem:$0x3FA5];
	_ =	sdelay $0x3  }
0x37: {  	[smem:$0x3FA5] =	sst s10  }
0x38: {  	s10 =	sld [smem:$0x3FA6]  }
0x39: {  	_ = 	snop;
	(pc) =	sbr.ind lr, $3  }
0x3a: {  	_ = 	snop  }
0x3b: {  	_ = 	snop  }
0x3c: {  	p2 =	seq.s32 s10, $0x1;
	s10 =	sld [smem:$0x3FA5]  }
0x3d: {  	_ =	shalt  }
0x3e: {  	_ =	shalt  }
0x3f: {  	_ =	shalt  }
0x40: {  	_ =	shalt  }
0x41: {  	_ =	shalt  }
0x42: {  	_ =	shalt  }
0x43: {  	_ =	shalt  }
0x44: {  	_ =	shalt  }
0x45: {  	_ =	shalt  }
0x46: {  	_ =	shalt  }
0x47: {  	_ =	shalt  }
0x48: {  	_ =	shalt  }
0x49: {  	_ =	shalt  }
0x4a: {  	_ =	shalt  }
0x4b: {  	_ =	shalt  }
0x4c: {  	_ =	shalt  }
0x4d: {  	_ =	shalt  }
0x4e: {  	_ =	shalt  }
0x4f: {  	_ =	shalt  }
0x50: {  	_ =	shalt  }
0x51: {  	_ =	shalt  }
0x52: {  	_ =	shalt  }
0x53: {  	_ =	shalt  }
0x54: {  	_ =	shalt  }
0x55: {  	_ =	shalt  }
0x56: {  	_ =	shalt  }
0x57: {  	_ =	shalt  }
0x58: {  	_ =	shalt  }
0x59: {  	_ =	shalt  }
0x5a: {  	_ =	shalt  }
0x5b: {  	_ =	shalt  }
0x5c: {  	_ =	shalt  }
0x5d: {  	_ =	shalt  }
0x5e: {  	_ =	shalt  }
0x5f: {  	_ =	shalt  }
0x60: {  	_ =	shalt  }
0x61: {  	_ =	shalt  }
0x62: {  	_ =	shalt  }
0x63: {  	_ =	shalt  }
0x64: {  	_ =	shalt  }
0x65: {  	_ =	shalt  }
0x66: {  	_ =	shalt  }
0x67: {  	_ =	shalt  }
0x68: {  	_ =	shalt  }
0x69: {  	_ =	shalt  }
0x6a: {  	_ =	shalt  }
0x6b: {  	_ =	shalt  }
0x6c: {  	_ =	shalt  }
0x6d: {  	_ =	shalt  }
0x6e: {  	_ =	shalt  }
0x6f: {  	_ =	shalt  }
0x70: {  	_ =	shalt  }
0x71: {  	_ =	shalt  }
0x72: {  	_ =	shalt  }
0x73: {  	_ =	shalt  }
0x74: {  	_ =	shalt  }
0x75: {  	_ =	shalt  }
0x76: {  	_ =	shalt  }
0x77: {  	_ =	shalt  }
0x78: {  	_ =	shalt  }
0x79: {  	_ =	shalt  }
0x7a: {  	_ =	shalt  }
0x7b: {  	_ =	shalt  }
0x7c: {  	_ =	shalt  }
0x7d: {  	_ =	shalt  }
0x7e: {  	_ =	shalt  }
0x7f: {  	_ =	shalt  }
0x80: {  	_ =	shalt  }
0x81: {  	_ =	shalt  }
0x82: {  	_ =	shalt  }
0x83: {  	_ =	shalt  }
0x84: {  	_ =	shalt  }
0x85: {  	_ =	shalt  }
0x86: {  	_ =	shalt  }
0x87: {  	_ =	shalt  }
.Lfunc_end0:
.L_simem_size_0:
called_computation.1_lowered:
.L_overlay_start_0:
0x88: {  	s2 =	sld [smem:$0x3FD9]  }
0x89: {  	s3 =	sld [smem:$0x3FFE];
	_ =	sdelay $0x1  }
0x8a: {  	s1 =	srdreg.scid  }
0x8b: {  	s0 =	sand.u32 $0x1, s1  }
0x8c: {  	s17 =	sshll.u32 s0, $0xA;
	s2 =	sadd.s32 s3, s2  }
0x8d: {  	s2 =	sadd.s32 s2, s17  }
0x8e: {  	[smem:$0x3FB1] =	sst s2  }
0x8f: {  	_ = 	snop  }
0x90: {  	(tm) =	ssettm $0x1  }
0x91: {  	s18 =	sld [smem:$0x3FFB];
	_ =	sdelay $0x3  }
0x92: {  	_ =	strace s18  }
0x93: {  	s2 =	sld [smem:$0x3FFC];
	_ =	sdelay $0x3  }
0x94: {  	_ =	strace s2  }
0x95: {  	s2 =	sld [smem:$0x3FFD];
	_ =	sdelay $0x3  }
0x96: {  	_ =	strace s2  }
0x97: {  	_ =	strace $0x8FFFFFFF  }
0x98: {  	s19 =	sld [smem:$0x3FDB];
	_ =	sdelay $0x1  }
0x99: {  	s20 =	simm.s32 $_scs_section_size  }
0x9a: {  	s4 =	simm.s32 $_size__tile_overlayer_lowered;
	s5 =	simm.s32 $_tile_overlayer_lowered  }
0x9b: {  	s6 =	simm.s32 $0x1BFF;
	s21 =	sshll.u32 s5, $0x1;
	s3 =	sadd.s32 s20, s19  }
0x9c: {  	s22 =	simm.s32 $0x0;
	s4 =	sshll.u32 s4, $0x1;
	s5 =	sadd.s32 s21, s3  }
0x9d: {  	[timem:s22], [sflag:s6] =	dma.local [hbm:s5], s4  }
0x9e: {  	_ =	swait.ge [sflag:s6], s4  }
0x9f: {  	s4 =	ssub.s32 $0x0, s4;
	[sflag:s6] =	ssyncset.done $0x0  }
0xa0: {  	[sflag:s6] =	ssyncadd.s32 s4;
	_ =	sdelay $0x1  }
0xa1: {  	s23 =	simm.s32 $0x1B8B  }
0xa2: {  	_ =	swait.ge [sflag:s23], $0x1  }
0xa3: {  	[sflag:s23] =	ssyncset.done $0x0  }
0xa4: {  	[sflag:s23] =	ssyncadd.s32 $0xFFFFFFFF  }
0xa5: {  	s4 =	sld [smem:$0x0]  }
0xa6: {  	s5 =	sand.u32 $0xFFFFFFFE, s1  }
0xa7: {  	p0 =	sne.s32 s1, s5  }
0xa8: {  	s5 =	sshll.u32 @p0 s5, $0xE  }
0xa9: {  	s5 =	sadd.s32 @p0 $0x11B8D, s5;
	s6 =	sshll.u32 @p0 s4, $0x11  }
0xaa: {  	s5 =	sor.u32 @p0 s6, s5  }
0xab: {  	[sflag:s5] =	ssyncadd.remote.s32 @p0 $0x1;
	_ =	sdelay $0x1  }
0xac: {  	s5 =	simm.s32 @p0 $0x1B8D  }
0xad: {  	_ =	swait.eq @p0 [sflag:s5], $0x1  }
0xae: {  	[sflag:s5] =	ssyncadd.s32 @p0 $0xFFFFFFFF  }
0xaf: {  	s6 =	sshll.u32 @!p0 s1, $0xE  }
0xb0: {  	s6 =	sor.u32 @!p0 $0x4000, s6;
	s5 =	simm.s32 @!p0 $0x1B8D  }
0xb1: {  	s4 =	sshll.u32 @!p0 s4, $0x11;
	s6 =	sadd.s32 @!p0 $0x11B8D, s6;
	_ =	swait.eq @!p0 [sflag:s5], $0x1  }
0xb2: {  	s4 =	sor.u32 @!p0 s4, s6;
	[sflag:s5] =	ssyncadd.s32 @!p0 $0xFFFFFFFF  }
0xb3: {  	s25 =	simm.s32 $0x1B8E;
	s24 =	sld [smem:$0x3FFE];
	[sflag:s4] =	ssyncadd.remote.s32 @!p0 $0x1  }
0xb4: {  	s26 =	simm.s32 $execute0_lowered;
	[smem:$0x3FD2] =	sst s25  }
0xb5: {  	s5 =	sshll.u32 s26, $0x1;
	_ =	strace $0x80000049;
	[dreg:$0x1] =	wrdreg $0xFFFFFFFF  }
0xb6: {  	s28 =	simm.s32 $_size_execute0_lowered;
	s3 =	sadd.s32 s3, s5;
	[dreg:$0x0] =	wrdreg $0x0  }
0xb7: {  	s5 =	sshll.u32 s28, $0x1;
	[dreg:$0x2] =	wrdreg s3  }
0xb8: {  	[dreg:$0x3] =	wrdreg s5  }
0xb9: {  	[dreg:$0x4] =	wrdreg $0xC0  }
0xba: {  	_ =	task [dreg:s22], $0x5FFFF  }
0xbb: {  	[dreg:$0x1] =	wrdreg $0xFFFFFFFF  }
0xbc: {  	[dreg:$0x0] =	wrdreg $0x60  }
0xbd: {  	[dreg:$0x2] =	wrdreg s24  }
0xbe: {  	[dreg:$0x3] =	wrdreg $0x9  }
0xbf: {  	_ =	task.clear_ibuf [dreg:s22], $0x4FFFF;
	_ =	strace $0x90000049  }
0xc0: {  	s29 =	simm.s32 $0x9;
	_ =	strace $0x8000004B  }
0xc1: {  	_ =	swait.ge [sflag:s29], $0x1  }
0xc2: {  	[sflag:s29] =	ssyncadd.s32 $0xFFFFFFFF  }
0xc3: {  	_ =	strace $0x9000004B  }
0xc4: {  	_ =	sfence  }
0xc5: {  	s30 =	sld [smem:$0x0];
	_ =	sdelay $0x2  }
0xc6: {  	s31 =	sshll.u32 s1, $0xD;
	s1 =	sshrl.u32 s1, $0x2  }
0xc7: {  	s4 =	sand.u32 $0x4000, s31;
	s1 =	sadd.s32 s1, s30  }
0xc8: {  	s0 =	sor.u32 s4, s0;
	s1 =	sshll.u32 s1, $0x11  }
0xc9: {  	s0 =	sor.u32 s1, s0  }
0xca: {  	s0 =	sadd.s32 $0x8F2B, s0  }
0xcb: {  	[sflag:s0] =	ssyncadd.remote.s32 $0x1  }
0xcc: {  	_ =	sfence.sel $0xFFFF  }
0xcd: {  	[dreg:$0x0] =	wrdreg $0xFFFFFFFF;
	(pc) =	sbr.abs _section_cstart, $3  }
0xce: {  	[dreg:$0x1] =	wrdreg $0xFFFFFFFF  }
0xcf: {  	_ =	task.clear_ibuf [dreg:s22], $0x2FFFF;
	_ =	strace $0x9FFFFFFF  }
0xd0: {  	(tm) =	ssettm $0x7FFFFFFF  }
0xd1: {  	_ =	shalt  }
tec
execute0_lowered:
.L_overlay_start_1:
0x0: {  	(tag) =	ssettag $0x1  }
0x1: {  	s0 =	rddreg [dreg:$0x0];
	s1 =	simm.s32 $0x0;
	s2 =	srdreg.scid  }
0x2: {  	s5 =	stileid.u32;
	s10 =	simm.s32 $0x2;
	s11 =	simm.s32 $0x80  }
0x3: {  	s12 =	simm.s32 $0x400;
	s13 =	simm.s32 $0xC00;
	s14 =	simm.s32 $0x100  }
0x4: {  	s15 =	simm.s32 $0x1400;
	s16 =	simm.s32 $0x180;
	s17 =	simm.s32 $0x1C00  }
0x5: {  	s18 =	simm.s32 $0x200;
	s19 =	simm.s32 $0x2400;
	s20 =	simm.s32 $0x280  }
0x6: {  	s21 =	simm.s32 $0x2C00;
	s22 =	simm.s32 $0x300;
	s23 =	simm.s32 $0x3400  }
0x7: {  	s24 =	simm.s32 $0x380;
	s25 =	simm.s32 $0x3C00;
	s26 =	simm.s32 $0x1  }
0x8: {  	s28 =	simm.s32 $0x4400;
	[smem:$0x7FF] =	sst s1;
	s2 =	sand.u32 $0x1, s2  }
0x9: {  	s3 =	sadd.s32 $0x342E00, s0;
	s4 =	sadd.s32 $0x21E400, s0;
	s6 =	ssub.s32 $0x2, s2  }
0xa: {  	s7 =	sshll.u32 s5, $0x1;
	s5 =	sadd.s32 $0x993C00, s0;
	s8 =	sshrl.u32 s6, $0x1  }
0xb: {  	_ =	strace $0x8000004A;
	s2 =	sor.u32 s2, s7;
	s9 =	ssub.s32 s6, s8  }
0xc: {  	s7 =	sadd.s32 $0x237400, s0;
	s6 =	smul.u32 $0xC8, s2;
	s31 =	smax.u32 s9, $0x1  }
0xd: {  	s8 =	sadd.s32 $0xB23C00, s0;
	s2 =	simm.s32 $0x0;
	[dreg:$0x2] =	wrdreg s31  }
.LBB2_1:
0xe: {  	[dreg:$0x3] =	wrdreg s2;
	s31 =	simm.s32 $0x0  }
.LBB2_2:
0xf: {  	s0 =	sshll.u32 s31, $0x3  }
0x10: {  	s30 =	sadd.s32 s6, s0  }
0x11: {  	s0 =	sshll.u32 s30, $0x4  }
0x12: {  	s2 =	simm.s32 $0x0;
	s0 =	sadd.s32 s4, s0  }
0x13: {  	[tilespmem:s2], [sflag:$0x2] =	stream.linear.gather [hbm4b:s0+s2], $0x400, $0x38;
	[tilespmem:$0x8400] =	vst v63  }
0x14: {  	_ =	swait.ge [sflag:s10], $0x400  }
0x15: {  	[sflag:s10] =	ssyncset.done $0x0  }
0x16: {  	[sflag:s10] =	ssyncadd.s32 $0xFFFFFC00  }
0x17: {  	[tilespmem:s12], [sflag:$0x1] =	stream.indirect.gather [hbm4b:s3+s11], $0x10, s2, s11, $0xb8;
	[tilespmem:$0x8400] =	vst v63  }
0x18: {  	_ = 	snop  }
0x19: {  	[tilespmem:s13], [sflag:$0x1] =	stream.indirect.gather [hbm4b:s3+s11], $0x10, s11, s11, $0xb8;
	[tilespmem:$0x8400] =	vst v63  }
0x1a: {  	_ = 	snop  }
0x1b: {  	[tilespmem:s15], [sflag:$0x1] =	stream.indirect.gather [hbm4b:s3+s11], $0x10, s14, s11, $0xb8;
	[tilespmem:$0x8400] =	vst v63  }
0x1c: {  	_ = 	snop  }
0x1d: {  	[tilespmem:s17], [sflag:$0x1] =	stream.indirect.gather [hbm4b:s3+s11], $0x10, s16, s11, $0xb8;
	[tilespmem:$0x8400] =	vst v63  }
0x1e: {  	_ = 	snop  }
0x1f: {  	[tilespmem:s19], [sflag:$0x1] =	stream.indirect.gather [hbm4b:s3+s11], $0x10, s18, s11, $0xb8;
	[tilespmem:$0x8400] =	vst v63  }
0x20: {  	_ = 	snop  }
0x21: {  	[tilespmem:s21], [sflag:$0x1] =	stream.indirect.gather [hbm4b:s3+s11], $0x10, s20, s11, $0xb8;
	[tilespmem:$0x8400] =	vst v63  }
0x22: {  	_ = 	snop  }
0x23: {  	[tilespmem:s23], [sflag:$0x1] =	stream.indirect.gather [hbm4b:s3+s11], $0x10, s22, s11, $0xb8;
	[tilespmem:$0x8400] =	vst v63  }
0x24: {  	_ = 	snop  }
0x25: {  	[tilespmem:s25], [sflag:$0x1] =	stream.indirect.gather [hbm4b:s3+s11], $0x10, s24, s11, $0xb8;
	[tilespmem:$0x8400] =	vst v63  }
0x26: {  	_ =	swait.ge [sflag:s26], $0x800  }
0x27: {  	[sflag:s26] =	ssyncset.done $0x0  }
0x28: {  	[sflag:s26] =	ssyncadd.s32 $0xFFFFF800  }
0x29: {  	_ =	swait.ge [sflag:s26], $0x800  }
0x2a: {  	[sflag:s26] =	ssyncset.done $0x0  }
0x2b: {  	[sflag:s26] =	ssyncadd.s32 $0xFFFFF800  }
0x2c: {  	_ =	swait.ge [sflag:s26], $0x800  }
0x2d: {  	[sflag:s26] =	ssyncset.done $0x0  }
0x2e: {  	[sflag:s26] =	ssyncadd.s32 $0xFFFFF800  }
0x2f: {  	_ =	swait.ge [sflag:s26], $0x800  }
0x30: {  	[sflag:s26] =	ssyncset.done $0x0  }
0x31: {  	[sflag:s26] =	ssyncadd.s32 $0xFFFFF800  }
0x32: {  	_ =	swait.ge [sflag:s26], $0x800  }
0x33: {  	[sflag:s26] =	ssyncset.done $0x0  }
0x34: {  	[sflag:s26] =	ssyncadd.s32 $0xFFFFF800  }
0x35: {  	_ =	swait.ge [sflag:s26], $0x800  }
0x36: {  	[sflag:s26] =	ssyncset.done $0x0  }
0x37: {  	[sflag:s26] =	ssyncadd.s32 $0xFFFFF800  }
0x38: {  	_ =	swait.ge [sflag:s26], $0x800  }
0x39: {  	[sflag:s26] =	ssyncset.done $0x0  }
0x3a: {  	[sflag:s26] =	ssyncadd.s32 $0xFFFFF800  }
0x3b: {  	_ =	swait.ge [sflag:s26], $0x800  }
0x3c: {  	[sflag:s26] =	ssyncset.done $0x0  }
0x3d: {  	s0 =	simm.s32 $0x0;
	[sflag:s26] =	ssyncadd.s32 $0xFFFFF800  }
0x3e: {  	v3 =	vld [tilespmem:s0+$0x470]  }
0x3f: {  	v4 =	vld [tilespmem:s0+$0x400]  }
0x40: {  	v5 =	vld [tilespmem:s0+$0x410]  }
0x41: {  	v2 =	vld [tilespmem:s0+$0x420]  }
0x42: {  	v0 =	vld [tilespmem:s0+$0x430]  }
0x43: {  	v1 =	vld [tilespmem:s0+$0x440];
	[tilespmem:s0+$0x4470] =	vst v3  }
0x44: {  	[tilespmem:s0+$0x4400] =	vst v4;
	v3 =	vld [tilespmem:s0+$0x450]  }
0x45: {  	s9 =	simm.s32 $0x400;
	s2 =	simm.s32 $0x80;
	[tilespmem:s0+$0x4410] =	vst v5;
	v4 =	vld [tilespmem:s0+$0x460]  }
.LBB2_3:
0x46: {  	p0 =	sne.s32 s9, $0xFE00;
	v5 =	vld [tilespmem:s2+$0x470];
	[tilespmem:s0+$0x4420] =	vst v2  }
0x47: {  	v6 =	vld [tilespmem:s2+$0x400];
	[tilespmem:s0+$0x4430] =	vst v0  }
0x48: {  	v7 =	vld [tilespmem:s2+$0x410];
	[tilespmem:s0+$0x4440] =	vst v1  }
.Ltmp0:
0x49: {  	v2 =	vld [tilespmem:s2+$0x420];
	[tilespmem:s0+$0x4450] =	vst v3;
	(pc) =	sbr.rel @p0 .LBB2_3-.Ltmp0, $4  }
0x4a: {  	v0 =	vld [tilespmem:s2+$0x430];
	[tilespmem:s0+$0x4460] =	vst v4;
	s0 =	smov.u32 s2  }
0x4b: {  	v1 =	vld [tilespmem:s0+$0x440];
	[tilespmem:s0+$0x4470] =	vst v5  }
0x4c: {  	[tilespmem:s0+$0x4400] =	vst v6;
	v3 =	vld [tilespmem:s0+$0x450]  }
0x4d: {  	s2 =	sshra.s32 s9, $0x2;
	s9 =	sadd.s32 $0x200, s9;
	[tilespmem:s0+$0x4410] =	vst v7;
	v4 =	vld [tilespmem:s0+$0x460]  }
0x4e: {  	v5 =	vld [tilespmem:s2+$0x470];
	[tilespmem:s0+$0x4420] =	vst v2  }
0x4f: {  	v2 =	vld [tilespmem:s2+$0x400];
	[tilespmem:s0+$0x4430] =	vst v0  }
0x50: {  	v0 =	vld [tilespmem:s2+$0x410];
	[tilespmem:s0+$0x4440] =	vst v1  }
0x51: {  	v1 =	vld [tilespmem:s2+$0x420];
	[tilespmem:s0+$0x4450] =	vst v3  }
0x52: {  	v3 =	vld [tilespmem:s2+$0x430];
	[tilespmem:s0+$0x4460] =	vst v4  }
0x53: {  	v4 =	vld [tilespmem:s2+$0x440];
	[tilespmem:s2+$0x4470] =	vst v5  }
0x54: {  	v62 =	vld [tilespmem:s2+$0x450];
	[tilespmem:s2+$0x4400] =	vst v2  }
0x55: {  	v63 =	vld [tilespmem:s2+$0x460];
	[tilespmem:s2+$0x4410] =	vst v0  }
0x56: {  	[tilespmem:s2+$0x4420] =	vst v1  }
0x57: {  	[tilespmem:s2+$0x4430] =	vst v3  }
0x58: {  	s31 =	sadd.s32 $0x1, s31;
	[tilespmem:s2+$0x4440] =	vst v4  }
0x59: {  	s29 =	sshll.u32 s30, $0x8;
	p0 =	sne.s32 s31, $0x19;
	[tilespmem:s2+$0x4450] =	vst v62  }
.Ltmp1:
0x5a: {  	s30 =	simm.s32 $0x0;
	s0 =	sadd.s32 s5, s29;
	[tilespmem:s2+$0x4460] =	vst v63;
	(pc) =	sbr.rel @p0 .LBB2_2-.Ltmp1, $4  }
0x5b: {  	[hbm4b:s0+s30] =	stream.linear.scatter [tilespmem:s28], [sflag:$0x2], $0x4000, $0x38;
	[tilespmem:$0x8400] =	vst v63  }
0x5c: {  	_ =	swait.ge [sflag:s10], $0x4000  }
0x5d: {  	[sflag:s10] =	ssyncset.done $0x0  }
0x5e: {  	[sflag:s10] =	ssyncadd.s32 $0xFFFFC000  }
0x5f: {  	s31 =	simm.s32 $0x0  }
.LBB2_6:
0x60: {  	s0 =	sshll.u32 s31, $0x3  }
0x61: {  	s0 =	sadd.s32 s6, s0  }
0x62: {  	s2 =	sshll.u32 s0, $0x4  }
0x63: {  	s2 =	sadd.s32 s2, s7  }
0x64: {  	[tilespmem:s30], [sflag:$0x2] =	stream.linear.gather [hbm4b:s2+s30], $0x400, $0x38;
	[tilespmem:$0x8400] =	vst v63  }
0x65: {  	_ =	swait.ge [sflag:s10], $0x400  }
0x66: {  	[sflag:s10] =	ssyncset.done $0x0  }
0x67: {  	[sflag:s10] =	ssyncadd.s32 $0xFFFFFC00  }
0x68: {  	[tilespmem:s12], [sflag:$0x1] =	stream.indirect.gather [hbm4b:s3+s11], $0x10, s30, s11, $0xb8;
	[tilespmem:$0x8400] =	vst v63  }
0x69: {  	_ = 	snop  }
0x6a: {  	[tilespmem:s13], [sflag:$0x1] =	stream.indirect.gather [hbm4b:s3+s11], $0x10, s11, s11, $0xb8;
	[tilespmem:$0x8400] =	vst v63  }
0x6b: {  	_ = 	snop  }
0x6c: {  	[tilespmem:s15], [sflag:$0x1] =	stream.indirect.gather [hbm4b:s3+s11], $0x10, s14, s11, $0xb8;
	[tilespmem:$0x8400] =	vst v63  }
0x6d: {  	_ = 	snop  }
0x6e: {  	[tilespmem:s17], [sflag:$0x1] =	stream.indirect.gather [hbm4b:s3+s11], $0x10, s16, s11, $0xb8;
	[tilespmem:$0x8400] =	vst v63  }
0x6f: {  	_ = 	snop  }
0x70: {  	[tilespmem:s19], [sflag:$0x1] =	stream.indirect.gather [hbm4b:s3+s11], $0x10, s18, s11, $0xb8;
	[tilespmem:$0x8400] =	vst v63  }
0x71: {  	_ = 	snop  }
0x72: {  	[tilespmem:s21], [sflag:$0x1] =	stream.indirect.gather [hbm4b:s3+s11], $0x10, s20, s11, $0xb8;
	[tilespmem:$0x8400] =	vst v63  }
0x73: {  	_ = 	snop  }
0x74: {  	[tilespmem:s23], [sflag:$0x1] =	stream.indirect.gather [hbm4b:s3+s11], $0x10, s22, s11, $0xb8;
	[tilespmem:$0x8400] =	vst v63  }
0x75: {  	_ = 	snop  }
0x76: {  	[tilespmem:s25], [sflag:$0x1] =	stream.indirect.gather [hbm4b:s3+s11], $0x10, s24, s11, $0xb8;
	[tilespmem:$0x8400] =	vst v63  }
0x77: {  	_ =	swait.ge [sflag:s26], $0x800  }
0x78: {  	[sflag:s26] =	ssyncset.done $0x0  }
0x79: {  	[sflag:s26] =	ssyncadd.s32 $0xFFFFF800  }
0x7a: {  	_ =	swait.ge [sflag:s26], $0x800  }
0x7b: {  	[sflag:s26] =	ssyncset.done $0x0  }
0x7c: {  	[sflag:s26] =	ssyncadd.s32 $0xFFFFF800  }
0x7d: {  	_ =	swait.ge [sflag:s26], $0x800  }
0x7e: {  	[sflag:s26] =	ssyncset.done $0x0  }
0x7f: {  	[sflag:s26] =	ssyncadd.s32 $0xFFFFF800  }
0x80: {  	_ =	swait.ge [sflag:s26], $0x800  }
0x81: {  	[sflag:s26] =	ssyncset.done $0x0  }
0x82: {  	[sflag:s26] =	ssyncadd.s32 $0xFFFFF800  }
0x83: {  	_ =	swait.ge [sflag:s26], $0x800  }
0x84: {  	[sflag:s26] =	ssyncset.done $0x0  }
0x85: {  	[sflag:s26] =	ssyncadd.s32 $0xFFFFF800  }
0x86: {  	_ =	swait.ge [sflag:s26], $0x800  }
0x87: {  	[sflag:s26] =	ssyncset.done $0x0  }
0x88: {  	[sflag:s26] =	ssyncadd.s32 $0xFFFFF800  }
0x89: {  	_ =	swait.ge [sflag:s26], $0x800  }
0x8a: {  	[sflag:s26] =	ssyncset.done $0x0  }
0x8b: {  	[sflag:s26] =	ssyncadd.s32 $0xFFFFF800  }
0x8c: {  	_ =	swait.ge [sflag:s26], $0x800  }
0x8d: {  	[sflag:s26] =	ssyncset.done $0x0  }
0x8e: {  	s2 =	simm.s32 $0x0;
	[sflag:s26] =	ssyncadd.s32 $0xFFFFF800  }
0x8f: {  	v3 =	vld [tilespmem:s2+$0x470]  }
0x90: {  	v4 =	vld [tilespmem:s2+$0x400]  }
0x91: {  	v5 =	vld [tilespmem:s2+$0x410]  }
0x92: {  	v2 =	vld [tilespmem:s2+$0x420]  }
0x93: {  	v0 =	vld [tilespmem:s2+$0x430]  }
0x94: {  	v1 =	vld [tilespmem:s2+$0x440];
	[tilespmem:s2+$0x4470] =	vst v3  }
0x95: {  	[tilespmem:s2+$0x4400] =	vst v4;
	v3 =	vld [tilespmem:s2+$0x450]  }
0x96: {  	s9 =	simm.s32 $0x80;
	s29 =	simm.s32 $0x400;
	[tilespmem:s2+$0x4410] =	vst v5;
	v4 =	vld [tilespmem:s2+$0x460]  }
.LBB2_7:
0x97: {  	p0 =	sne.s32 s29, $0xFE00;
	v5 =	vld [tilespmem:s9+$0x470];
	[tilespmem:s2+$0x4420] =	vst v2  }
0x98: {  	v6 =	vld [tilespmem:s9+$0x400];
	[tilespmem:s2+$0x4430] =	vst v0  }
0x99: {  	v7 =	vld [tilespmem:s9+$0x410];
	[tilespmem:s2+$0x4440] =	vst v1  }
.Ltmp2:
0x9a: {  	v2 =	vld [tilespmem:s9+$0x420];
	[tilespmem:s2+$0x4450] =	vst v3;
	(pc) =	sbr.rel @p0 .LBB2_7-.Ltmp2, $4  }
0x9b: {  	v0 =	vld [tilespmem:s9+$0x430];
	[tilespmem:s2+$0x4460] =	vst v4;
	s2 =	smov.u32 s9  }
0x9c: {  	v1 =	vld [tilespmem:s2+$0x440];
	[tilespmem:s2+$0x4470] =	vst v5  }
0x9d: {  	[tilespmem:s2+$0x4400] =	vst v6;
	v3 =	vld [tilespmem:s2+$0x450]  }
0x9e: {  	s9 =	sshra.s32 s29, $0x2;
	s29 =	sadd.s32 $0x200, s29;
	[tilespmem:s2+$0x4410] =	vst v7;
	v4 =	vld [tilespmem:s2+$0x460]  }
0x9f: {  	v5 =	vld [tilespmem:s9+$0x470];
	[tilespmem:s2+$0x4420] =	vst v2  }
0xa0: {  	v2 =	vld [tilespmem:s9+$0x400];
	[tilespmem:s2+$0x4430] =	vst v0  }
0xa1: {  	v0 =	vld [tilespmem:s9+$0x410];
	[tilespmem:s2+$0x4440] =	vst v1  }
0xa2: {  	v1 =	vld [tilespmem:s9+$0x420];
	[tilespmem:s2+$0x4450] =	vst v3  }
0xa3: {  	v3 =	vld [tilespmem:s9+$0x430];
	[tilespmem:s2+$0x4460] =	vst v4  }
0xa4: {  	v4 =	vld [tilespmem:s9+$0x440];
	[tilespmem:s9+$0x4470] =	vst v5  }
0xa5: {  	v62 =	vld [tilespmem:s9+$0x450];
	[tilespmem:s9+$0x4400] =	vst v2  }
0xa6: {  	v63 =	vld [tilespmem:s9+$0x460];
	[tilespmem:s9+$0x4410] =	vst v0  }
0xa7: {  	[tilespmem:s9+$0x4420] =	vst v1  }
0xa8: {  	[tilespmem:s9+$0x4430] =	vst v3  }
0xa9: {  	s31 =	sadd.s32 $0x1, s31;
	[tilespmem:s9+$0x4440] =	vst v4  }
0xaa: {  	s0 =	sshll.u32 s0, $0x8;
	p0 =	sne.s32 s31, $0x19;
	[tilespmem:s9+$0x4450] =	vst v62  }
.Ltmp3:
0xab: {  	s0 =	sadd.s32 s0, s8;
	[tilespmem:s9+$0x4460] =	vst v63;
	(pc) =	sbr.rel @p0 .LBB2_6-.Ltmp3, $4  }
0xac: {  	[hbm4b:s0+s1] =	stream.linear.scatter [tilespmem:s28], [sflag:$0x2], $0x4000, $0x38;
	[tilespmem:$0x8400] =	vst v63  }
0xad: {  	_ =	swait.ge [sflag:s10], $0x4000  }
0xae: {  	[sflag:s10] =	ssyncset.done $0x0  }
0xaf: {  	[sflag:s10] =	ssyncadd.s32 $0xFFFFC000  }
0xb0: {  	s2 =	rddreg [dreg:$0x3]  }
0xb1: {  	s0 =	rddreg [dreg:$0x2];
	s2 =	sadd.s32 $0x1, s2  }
0xb2: {  	p0 =	sne.s32 s2, s0  }
.Ltmp4:
0xb3: {  	_ = 	snop;
	(pc) =	sbr.rel @p0 .LBB2_1-.Ltmp4, $1  }
0xb4: {  	_ =	sdelay $0x3  }
0xb5: {  	_ =	sfence.sel $0x180000  }
0xb6: {  	[bflag:$0x0] =	sbarrier.arrive $0xFFFF  }
0xb7: {  	_ =	strace $0x9000004A  }
0xb8: {  	s0 =	stileid.u32;
	[bflag:$0x2] =	sbarrier.arrive $0xFFFF  }
0xb9: {  	p0 =	sne.s32 s0, $0x0;
	s0 =	rddreg [dreg:$0x1]  }
0xba: {  	s0 =	sadd.s32 @!p0 $0x100000, s0  }
0xbb: {  	[sflag:s0] =	ssyncadd.tile.s32 @!p0 $0x1;
	_ =	shalt  }
.Lfunc_end2:
_tile_overlayer_lowered:
.L_overlay_start_2:
0xbc: {  	(tag) =	ssettag $0x2  }
0xbd: {  	s0 =	rddreg [dreg:$0x0];
	s2 =	stileid.u32  }
0xbe: {  	s1 =	rddreg [dreg:$0x1];
	p0 =	sne.s32 s2, $0x0  }
0xbf: {  	s3 =	rddreg [dreg:$0x2];
	[bflag:$0x3] =	sbarrier.arrive $0xFFFF;
	s2 =	simm.s32 @!p0 $0x1C02  }
0xc0: {  	[timem:s3], [sflag:s2] =	dma.local @!p0 [hbm:s0], s1  }
0xc1: {  	s0 =	simm.s32 @!p0 $0x2  }
0xc2: {  	_ =	swait.ge @!p0 [sflag:s0], s1  }
0xc3: {  	s1 =	ssub.s32 @!p0 $0x0, s1;
	[sflag:s0] =	ssyncset.done @!p0 $0x0  }
0xc4: {  	[sflag:s0] =	ssyncadd.s32 @!p0 s1  }
0xc5: {  	[bflag:$0x3] =	sbarrier.arrive $0xFFFF  }
0xc6: {  	_ =	shalt  }

// kernel: kernel.15.cloned.1.call-start
scs
__scs_entry_jumppad:
0x0: {  	(pc) =	sbr.rel $0x88, $3  }
0x1: {  	(tag) =	ssettag $0x0;
	lr =	simm.s32 $0x1  }
0x2: {  	[smem:$0x3F8A] =	sst lr;
	_ =	strace $0xD0000000  }
0x3: {  	_ = 	snop  }
0x4: {  	_ = 	snop  }
0x5: {  	_ = 	snop  }
0x6: {  	_ = 	snop  }
0x7: {  	_ = 	snop  }
__scs_overlays_trampoline_lowered:
0x8: {  	[smem:$0x3F99] =	sst s0  }
0x9: {  	[smem:$0x3F9A] =	sst s1  }
0xa: {  	[smem:$0x3F9B] =	sst s2  }
0xb: {  	[smem:$0x3F9C] =	sst s3  }
0xc: {  	[smem:$0x3F9D] =	sst s4  }
0xd: {  	[smem:$0x3F9E] =	sst s5  }
0xe: {  	[smem:$0x3F9F] =	sst s6  }
0xf: {  	[smem:$0x3FA0] =	sst s7  }
0x10: {  	[smem:$0x3FA1] =	sst s8  }
0x11: {  	[smem:$0x3FA2] =	sst s9;
	s0 =	simm.s32 @!p0 $0x0  }
0x12: {  	s1 =	sld [smem:$0x3F88];
	s0 =	simm.s32 @p0 $0x1  }
0x13: {  	[smem:$0x3FA3] =	sst s0;
	s0 =	simm.s32 @!p1 $0x0  }
0x14: {  	s2 =	sld [smem:$0x3F87];
	s0 =	simm.s32 @p1 $0x1  }
0x15: {  	[smem:$0x3FA4] =	sst s0;
	s0 =	simm.s32 @!p2 $0x0  }
0x16: {  	s3 =	sld [smem:$0x3FDB];
	s0 =	simm.s32 @p2 $0x1  }
0x17: {  	s4 =	simm.s32 $0x1BF5;
	[smem:$0x3FA6] =	sst s0  }
0x18: {  	s0 =	sld [smem:$0x3F89];
	_ =	swait.ge [sflag:s4], $0x0  }
0x19: {  	s7 =	sld [smem:$0x3F8A]  }
0x1a: {  	s8 =	sadd.s32 $0xFFFFE003, lr  }
0x1b: {  	s9 =	sadd.s32 $0xFFFFFEF7, lr;
	s5 =	simm.s32 $0xFFFFFFFF;
	p2 =	slt.u32 s8, $0xFFFFF086  }
0x1c: {  	p1 =	slt.u32 s9, $0xF7A;
	s5 =	simm.s32 @!p2 $0x0  }
0x1d: {  	s5 =	simm.s32 @p1 $0x1;
	p0 =	seq.s32 s7, s2  }
0x1e: {  	s7 =	smul.u32 @!p0 $0xF7A, s2;
	p2 =	seq.s32 @!p0 s5, $0x0  }
0x1f: {  	s9 =	smul.u32 $0xF7A, s1;
	s8 =	simm.s32 @!p0 $0x1BF5;
	p2 =	por !p2, p0  }
0x20: {  	[sflag:s8] =	ssyncset.s32 @!p0 $0xFFFFF086;
	s6 =	sadd.s32 @!p0 s3, s7;
	s7 =	simm.s32 @!p0 $0x108  }
0x21: {  	s3 =	sadd.s32 s3, s9;
	s6 =	sadd.s32 @!p0 $0x88, s6;
	s7 =	simm.s32 @p2 $0x1082  }
0x22: {  	[simem:s7], [sflag:s8] =	dma.local @!p0 [hbm:s6], $0xF7A  }
0x23: {  	s9 =	sor.u32 $0xD0000000, s2;
	s6 =	simm.s32 $0x108;
	_ =	swait.ge @!p0 [sflag:s8], $0x0  }
0x24: {  	s3 =	sadd.s32 $0x88, s3;
	s6 =	simm.s32 @!p1 $0x1082;
	[sflag:s4] =	ssyncset.s32 $0xFFFFF086  }
0x25: {  	[simem:s6], [sflag:s4] =	dma.local [hbm:s3], $0xF7A  }
0x26: {  	[smem:$0x3F8A] =	sst s1;
	(tag) =	ssettag s2;
	_ =	strace s9  }
0x27: {  	s1 =	sld [smem:$0x3F9A]  }
0x28: {  	s2 =	sld [smem:$0x3F9B]  }
0x29: {  	s4 =	sld [smem:$0x3F9D]  }
0x2a: {  	p0 =	seq.s32 s5, $0x0;
	s5 =	sld [smem:$0x3F9E]  }
0x2b: {  	s6 =	sld [smem:$0x3F9F]  }
0x2c: {  	s7 =	sld [smem:$0x3FA0]  }
0x2d: {  	s3 =	simm.s32 $0x108;
	s8 =	sld [smem:$0x3FA1]  }
0x2e: {  	s3 =	simm.s32 @!p0 $0x1082;
	s9 =	sld [smem:$0x3FA2]  }
0x2f: {  	lr =	sadd.s32 s0, s3;
	s0 =	sld [smem:$0x3F99]  }
0x30: {  	s3 =	sld [smem:$0x3F9C]  }
0x31: {  	[smem:$0x3FA5] =	sst s10  }
0x32: {  	s10 =	sld [smem:$0x3FA3];
	_ =	sdelay $0x3  }
0x33: {  	p0 =	seq.s32 s10, $0x1;
	s10 =	sld [smem:$0x3FA5];
	_ =	sdelay $0x3  }
0x34: {  	[smem:$0x3FA5] =	sst s10  }
0x35: {  	s10 =	sld [smem:$0x3FA4];
	_ =	sdelay $0x3  }
0x36: {  	p1 =	seq.s32 s10, $0x1;
	s10 =	sld [smem:$0x3FA5];
	_ =	sdelay $0x3  }
0x37: {  	[smem:$0x3FA5] =	sst s10  }
0x38: {  	s10 =	sld [smem:$0x3FA6]  }
0x39: {  	_ = 	snop;
	(pc) =	sbr.ind lr, $3  }
0x3a: {  	_ = 	snop  }
0x3b: {  	_ = 	snop  }
0x3c: {  	p2 =	seq.s32 s10, $0x1;
	s10 =	sld [smem:$0x3FA5]  }
0x3d: {  	_ =	shalt  }
0x3e: {  	_ =	shalt  }
0x3f: {  	_ =	shalt  }
0x40: {  	_ =	shalt  }
0x41: {  	_ =	shalt  }
0x42: {  	_ =	shalt  }
0x43: {  	_ =	shalt  }
0x44: {  	_ =	shalt  }
0x45: {  	_ =	shalt  }
0x46: {  	_ =	shalt  }
0x47: {  	_ =	shalt  }
0x48: {  	_ =	shalt  }
0x49: {  	_ =	shalt  }
0x4a: {  	_ =	shalt  }
0x4b: {  	_ =	shalt  }
0x4c: {  	_ =	shalt  }
0x4d: {  	_ =	shalt  }
0x4e: {  	_ =	shalt  }
0x4f: {  	_ =	shalt  }
0x50: {  	_ =	shalt  }
0x51: {  	_ =	shalt  }
0x52: {  	_ =	shalt  }
0x53: {  	_ =	shalt  }
0x54: {  	_ =	shalt  }
0x55: {  	_ =	shalt  }
0x56: {  	_ =	shalt  }
0x57: {  	_ =	shalt  }
0x58: {  	_ =	shalt  }
0x59: {  	_ =	shalt  }
0x5a: {  	_ =	shalt  }
0x5b: {  	_ =	shalt  }
0x5c: {  	_ =	shalt  }
0x5d: {  	_ =	shalt  }
0x5e: {  	_ =	shalt  }
0x5f: {  	_ =	shalt  }
0x60: {  	_ =	shalt  }
0x61: {  	_ =	shalt  }
0x62: {  	_ =	shalt  }
0x63: {  	_ =	shalt  }
0x64: {  	_ =	shalt  }
0x65: {  	_ =	shalt  }
0x66: {  	_ =	shalt  }
0x67: {  	_ =	shalt  }
0x68: {  	_ =	shalt  }
0x69: {  	_ =	shalt  }
0x6a: {  	_ =	shalt  }
0x6b: {  	_ =	shalt  }
0x6c: {  	_ =	shalt  }
0x6d: {  	_ =	shalt  }
0x6e: {  	_ =	shalt  }
0x6f: {  	_ =	shalt  }
0x70: {  	_ =	shalt  }
0x71: {  	_ =	shalt  }
0x72: {  	_ =	shalt  }
0x73: {  	_ =	shalt  }
0x74: {  	_ =	shalt  }
0x75: {  	_ =	shalt  }
0x76: {  	_ =	shalt  }
0x77: {  	_ =	shalt  }
0x78: {  	_ =	shalt  }
0x79: {  	_ =	shalt  }
0x7a: {  	_ =	shalt  }
0x7b: {  	_ =	shalt  }
0x7c: {  	_ =	shalt  }
0x7d: {  	_ =	shalt  }
0x7e: {  	_ =	shalt  }
0x7f: {  	_ =	shalt  }
0x80: {  	_ =	shalt  }
0x81: {  	_ =	shalt  }
0x82: {  	_ =	shalt  }
0x83: {  	_ =	shalt  }
0x84: {  	_ =	shalt  }
0x85: {  	_ =	shalt  }
0x86: {  	_ =	shalt  }
0x87: {  	_ =	shalt  }
.Lfunc_end0:
.L_simem_size_0:
called_computation.2_lowered:
.L_overlay_start_0:
0x88: {  	s2 =	sld [smem:$0x3FD9]  }
0x89: {  	s3 =	sld [smem:$0x3FFE];
	_ =	sdelay $0x1  }
0x8a: {  	s1 =	srdreg.scid  }
0x8b: {  	s0 =	sand.u32 $0x1, s1  }
0x8c: {  	s17 =	sshll.u32 s0, $0xA;
	s2 =	sadd.s32 s3, s2  }
0x8d: {  	s2 =	sadd.s32 s2, s17  }
0x8e: {  	[smem:$0x3FB1] =	sst s2  }
0x8f: {  	_ = 	snop  }
0x90: {  	(tm) =	ssettm $0x1  }
0x91: {  	s18 =	sld [smem:$0x3FFB];
	_ =	sdelay $0x3  }
0x92: {  	_ =	strace s18  }
0x93: {  	s2 =	sld [smem:$0x3FFC];
	_ =	sdelay $0x3  }
0x94: {  	_ =	strace s2  }
0x95: {  	s2 =	sld [smem:$0x3FFD];
	_ =	sdelay $0x3  }
0x96: {  	_ =	strace s2  }
0x97: {  	_ =	strace $0x8FFFFFFF  }
0x98: {  	s19 =	sld [smem:$0x3FDB];
	_ =	sdelay $0x1  }
0x99: {  	s20 =	simm.s32 $_scs_section_size  }
0x9a: {  	s4 =	simm.s32 $_size__tile_overlayer_lowered;
	s5 =	simm.s32 $_tile_overlayer_lowered  }
0x9b: {  	s6 =	simm.s32 $0x1BFF;
	s21 =	sshll.u32 s5, $0x1;
	s3 =	sadd.s32 s20, s19  }
0x9c: {  	s22 =	simm.s32 $0x0;
	s4 =	sshll.u32 s4, $0x1;
	s5 =	sadd.s32 s21, s3  }
0x9d: {  	[timem:s22], [sflag:s6] =	dma.local [hbm:s5], s4  }
0x9e: {  	_ =	swait.ge [sflag:s6], s4  }
0x9f: {  	s4 =	ssub.s32 $0x0, s4;
	[sflag:s6] =	ssyncset.done $0x0  }
0xa0: {  	[sflag:s6] =	ssyncadd.s32 s4;
	_ =	sdelay $0x1  }
0xa1: {  	s23 =	simm.s32 $0x1B8B  }
0xa2: {  	_ =	swait.ge [sflag:s23], $0x1  }
0xa3: {  	[sflag:s23] =	ssyncset.done $0x0  }
0xa4: {  	[sflag:s23] =	ssyncadd.s32 $0xFFFFFFFF  }
0xa5: {  	s4 =	sld [smem:$0x0]  }
0xa6: {  	s5 =	sand.u32 $0xFFFFFFFE, s1  }
0xa7: {  	p0 =	sne.s32 s1, s5  }
0xa8: {  	s5 =	sshll.u32 @p0 s5, $0xE  }
0xa9: {  	s5 =	sadd.s32 @p0 $0x11B8D, s5;
	s6 =	sshll.u32 @p0 s4, $0x11  }
0xaa: {  	s5 =	sor.u32 @p0 s6, s5  }
0xab: {  	[sflag:s5] =	ssyncadd.remote.s32 @p0 $0x1;
	_ =	sdelay $0x1  }
0xac: {  	s5 =	simm.s32 @p0 $0x1B8D  }
0xad: {  	_ =	swait.eq @p0 [sflag:s5], $0x1  }
0xae: {  	[sflag:s5] =	ssyncadd.s32 @p0 $0xFFFFFFFF  }
0xaf: {  	s6 =	sshll.u32 @!p0 s1, $0xE  }
0xb0: {  	s6 =	sor.u32 @!p0 $0x4000, s6;
	s5 =	simm.s32 @!p0 $0x1B8D  }
0xb1: {  	s4 =	sshll.u32 @!p0 s4, $0x11;
	s6 =	sadd.s32 @!p0 $0x11B8D, s6;
	_ =	swait.eq @!p0 [sflag:s5], $0x1  }
0xb2: {  	s4 =	sor.u32 @!p0 s4, s6;
	[sflag:s5] =	ssyncadd.s32 @!p0 $0xFFFFFFFF  }
0xb3: {  	s25 =	simm.s32 $0x1B8E;
	s24 =	sld [smem:$0x3FFE];
	[sflag:s4] =	ssyncadd.remote.s32 @!p0 $0x1  }
0xb4: {  	s26 =	simm.s32 $execute0_lowered;
	[smem:$0x3FD2] =	sst s25  }
0xb5: {  	s5 =	sshll.u32 s26, $0x1;
	_ =	strace $0x8000004C;
	[dreg:$0x1] =	wrdreg $0xFFFFFFFF  }
0xb6: {  	s28 =	simm.s32 $_size_execute0_lowered;
	s3 =	sadd.s32 s3, s5;
	[dreg:$0x0] =	wrdreg $0x0  }
0xb7: {  	s5 =	sshll.u32 s28, $0x1;
	[dreg:$0x2] =	wrdreg s3  }
0xb8: {  	[dreg:$0x3] =	wrdreg s5  }
0xb9: {  	[dreg:$0x4] =	wrdreg $0xC0  }
0xba: {  	_ =	task [dreg:s22], $0x5FFFF  }
0xbb: {  	[dreg:$0x1] =	wrdreg $0xFFFFFFFF  }
0xbc: {  	[dreg:$0x0] =	wrdreg $0x60  }
0xbd: {  	[dreg:$0x2] =	wrdreg s24  }
0xbe: {  	[dreg:$0x3] =	wrdreg $0x42000  }
0xbf: {  	[dreg:$0x4] =	wrdreg $0xA  }
0xc0: {  	_ =	task.clear_ibuf [dreg:s22], $0x5FFFF;
	_ =	strace $0x9000004C  }
0xc1: {  	s29 =	simm.s32 $0xA;
	_ =	strace $0x8000004E  }
0xc2: {  	_ =	swait.ge [sflag:s29], $0x1  }
0xc3: {  	[sflag:s29] =	ssyncadd.s32 $0xFFFFFFFF  }
0xc4: {  	_ =	strace $0x9000004E  }
0xc5: {  	_ =	sfence  }
0xc6: {  	s30 =	sld [smem:$0x0];
	_ =	sdelay $0x2  }
0xc7: {  	s31 =	sshll.u32 s1, $0xD;
	s1 =	sshrl.u32 s1, $0x2  }
0xc8: {  	s4 =	sand.u32 $0x4000, s31;
	s1 =	sadd.s32 s1, s30  }
0xc9: {  	s0 =	sor.u32 s4, s0;
	s1 =	sshll.u32 s1, $0x11  }
0xca: {  	s0 =	sor.u32 s1, s0  }
0xcb: {  	s0 =	sadd.s32 $0x8F2B, s0  }
0xcc: {  	[sflag:s0] =	ssyncadd.remote.s32 $0x1  }
0xcd: {  	_ =	sfence.sel $0xFFFF  }
0xce: {  	[dreg:$0x0] =	wrdreg $0xFFFFFFFF;
	(pc) =	sbr.abs _section_cstart, $3  }
0xcf: {  	[dreg:$0x1] =	wrdreg $0xFFFFFFFF  }
0xd0: {  	_ =	task.clear_ibuf [dreg:s22], $0x2FFFF;
	_ =	strace $0x9FFFFFFF  }
0xd1: {  	(tm) =	ssettm $0x7FFFFFFF  }
tec
execute0_lowered:
.L_overlay_start_1:
0x0: {  	(tag) =	ssettag $0x1  }
0x1: {  	s7 =	rddreg [dreg:$0x0]  }
0x2: {  	s1 =	rddreg [dreg:$0x1]  }
0x3: {  	s0 =	rddreg [dreg:$0x2];
	s3 =	simm.s32 $0x0  }
0x4: {  	s2 =	srdreg.scid;
	s14 =	simm.s32 $0x80;
	s15 =	simm.s32 $0x200  }
0x5: {  	s16 =	simm.s32 $0xA00;
	s17 =	simm.s32 $0x100;
	s18 =	simm.s32 $0x1200  }
0x6: {  	s19 =	simm.s32 $0x180;
	s20 =	simm.s32 $0x1A00;
	s22 =	simm.s32 $0x0  }
0x7: {  	[smem:$0x7FF] =	sst s3;
	s8 =	sand.u32 $0x1, s2;
	s4 =	sadd.s32 $0xCB3C00, s7  }
0x8: {  	s2 =	stileid.u32;
	s6 =	sadd.s32 $0x1BC400, s7;
	s9 =	smul.u32 $0x186A00, s8  }
0x9: {  	s5 =	sadd.s32 $0x4A00, s7;
	_ =	strace $0x8000004D;
	s10 =	smul.u32 $0x186A0, s2  }
0xa: {  	s11 =	ssub.s32 $0x2, s8;
	s13 =	smul.u32 $0x61AC0, s2;
	s29 =	sshll.u32 s2, $0x1  }
0xb: {  	s31 =	sshll.u32 s2, $0x6;
	s12 =	sshrl.u32 s11, $0x1;
	s8 =	sor.u32 s8, s29  }
0xc: {  	s9 =	sadd.s32 s10, s9;
	s11 =	ssub.s32 s11, s12;
	s30 =	sshrl.u32 s13, $0x2  }
0xd: {  	s8 =	smul.u32 $0x188, s8;
	s21 =	sadd.s32 s10, s1;
	s12 =	simm.s32 $0x1  }
0xe: {  	s9 =	sshrl.u32 s9, $0x3;
	s13 =	sadd.s32 s30, s1;
	s10 =	smax.u32 s11, $0x1  }
0xf: {  	s21 =	sshrl.u32 s21, $0x3;
	s9 =	sadd.s32 s9, s7;
	s7 =	sor.u32 $0x1C01, s31  }
0x10: {  	s11 =	sshrl.u32 s13, $0x3;
	s13 =	simm.s32 $0x2200;
	s9 =	sadd.s32 $0x251200, s9  }
.LBB2_1:
0x11: {  	[spmem:s11], [sflag:s7] =	dma.local [hbm:s6], $0x30D6  }
0x12: {  	_ =	swait.ge [sflag:s12], $0x30D6  }
0x13: {  	[sflag:s12] =	ssyncset.done $0x0  }
0x14: {  	[sflag:s12] =	ssyncadd.s32 $0xFFFFCF2A  }
0x15: {  	s23 =	simm.s32 $0x0;
	[bflag:$0x0] =	sbarrier.arrive $0xFFFF  }
.LBB2_2:
0x16: {  	s24 =	sshll.u32 s23, $0x2  }
0x17: {  	s24 =	sadd.s32 s8, s24  }
0x18: {  	s25 =	sshll.u32 s24, $0x4  }
0x19: {  	s26 =	simm.s32 $0x0;
	s25 =	sadd.s32 s5, s25  }
0x1a: {  	[tilespmem:s26], [sflag:$0x1] =	stream.linear.gather [hbm4b:s25+s26], $0x200, $0x38;
	[tilespmem:$0x1C8B0] =	vst v63  }
0x1b: {  	_ =	swait.ge [sflag:s12], $0x200  }
0x1c: {  	s24 =	sshll.u32 s24, $0x8;
	[sflag:s12] =	ssyncset.done $0x0  }
0x1d: {  	s24 =	sadd.s32 s4, s24;
	[sflag:s12] =	ssyncadd.s32 $0xFFFFFE00  }
0x1e: {  	[tilespmem:s13], [sflag:$0x1] =	stream.linear.gather [hbm4b:s24+s26], $0x2000, $0x38;
	[tilespmem:$0x1C8B0] =	vst v63  }
0x1f: {  	_ =	swait.ge [sflag:s12], $0x2000  }
0x20: {  	[sflag:s12] =	ssyncset.done $0x0  }
0x21: {  	s24 =	simm.s32 $0x0;
	[sflag:s12] =	ssyncadd.s32 $0xFFFFE000  }
0x22: {  	v3 =	vld [tilespmem:s24+$0x2270]  }
0x23: {  	v4 =	vld [tilespmem:s24+$0x2200]  }
0x24: {  	v5 =	vld [tilespmem:s24+$0x2210]  }
0x25: {  	v2 =	vld [tilespmem:s24+$0x2220]  }
0x26: {  	v0 =	vld [tilespmem:s24+$0x2230]  }
0x27: {  	v1 =	vld [tilespmem:s24+$0x2240];
	[tilespmem:s24+$0x270] =	vst v3  }
0x28: {  	[tilespmem:s24+$0x200] =	vst v4;
	v3 =	vld [tilespmem:s24+$0x2250]  }
0x29: {  	s25 =	simm.s32 $0x80;
	s26 =	simm.s32 $0x400;
	[tilespmem:s24+$0x210] =	vst v5;
	v4 =	vld [tilespmem:s24+$0x2260]  }
.LBB2_3:
0x2a: {  	p0 =	sne.s32 s26, $0x7E00;
	v5 =	vld [tilespmem:s25+$0x2270];
	[tilespmem:s24+$0x220] =	vst v2  }
0x2b: {  	v6 =	vld [tilespmem:s25+$0x2200];
	[tilespmem:s24+$0x230] =	vst v0  }
0x2c: {  	v7 =	vld [tilespmem:s25+$0x2210];
	[tilespmem:s24+$0x240] =	vst v1  }
.Ltmp0:
0x2d: {  	v2 =	vld [tilespmem:s25+$0x2220];
	[tilespmem:s24+$0x250] =	vst v3;
	(pc) =	sbr.rel @p0 .LBB2_3-.Ltmp0, $4  }
0x2e: {  	v0 =	vld [tilespmem:s25+$0x2230];
	[tilespmem:s24+$0x260] =	vst v4;
	s24 =	smov.u32 s25  }
0x2f: {  	v1 =	vld [tilespmem:s24+$0x2240];
	[tilespmem:s24+$0x270] =	vst v5  }
0x30: {  	[tilespmem:s24+$0x200] =	vst v6;
	v3 =	vld [tilespmem:s24+$0x2250]  }
0x31: {  	s25 =	sshra.s32 s26, $0x2;
	s26 =	sadd.s32 $0x200, s26;
	[tilespmem:s24+$0x210] =	vst v7;
	v4 =	vld [tilespmem:s24+$0x2260]  }
0x32: {  	v5 =	vld [tilespmem:s25+$0x2270];
	[tilespmem:s24+$0x220] =	vst v2  }
0x33: {  	v2 =	vld [tilespmem:s25+$0x2200];
	[tilespmem:s24+$0x230] =	vst v0  }
0x34: {  	v0 =	vld [tilespmem:s25+$0x2210];
	[tilespmem:s24+$0x240] =	vst v1  }
0x35: {  	v1 =	vld [tilespmem:s25+$0x2220];
	[tilespmem:s24+$0x250] =	vst v3  }
0x36: {  	v3 =	vld [tilespmem:s25+$0x2230];
	[tilespmem:s24+$0x260] =	vst v4  }
0x37: {  	v4 =	vld [tilespmem:s25+$0x2240];
	[tilespmem:s25+$0x270] =	vst v5  }
0x38: {  	v62 =	vld [tilespmem:s25+$0x2250];
	[tilespmem:s25+$0x200] =	vst v2  }
0x39: {  	v63 =	vld [tilespmem:s25+$0x2260];
	[tilespmem:s25+$0x210] =	vst v0  }
0x3a: {  	[tilespmem:s25+$0x220] =	vst v1  }
0x3b: {  	[tilespmem:s25+$0x230] =	vst v3  }
0x3c: {  	[tilespmem:s25+$0x240] =	vst v4  }
0x3d: {  	[tilespmem:s25+$0x250] =	vst v62  }
0x3e: {  	[tilespmem:s25+$0x260] =	vst v63  }
0x3f: {  	[spmem:s1] =	stream.indirect.scatter.add.f32 [tilespmem:s15], [sflag:$0x1], $0x10, s3, s14, $0xb8;
	[tilespmem:$0x1C8B0] =	vst v63  }
0x40: {  	_ =	swait.ge [sflag:s12], $0x800  }
0x41: {  	[sflag:s12] =	ssyncset.done $0x0  }
0x42: {  	[sflag:s12] =	ssyncadd.s32 $0xFFFFF800  }
0x43: {  	[spmem:s1] =	stream.indirect.scatter.add.f32 [tilespmem:s16], [sflag:$0x1], $0x10, s14, s14, $0xb8;
	[tilespmem:$0x1C8B0] =	vst v63  }
0x44: {  	_ =	swait.ge [sflag:s12], $0x800  }
0x45: {  	[sflag:s12] =	ssyncset.done $0x0  }
0x46: {  	[sflag:s12] =	ssyncadd.s32 $0xFFFFF800  }
0x47: {  	[spmem:s1] =	stream.indirect.scatter.add.f32 [tilespmem:s18], [sflag:$0x1], $0x10, s17, s14, $0xb8;
	[tilespmem:$0x1C8B0] =	vst v63  }
0x48: {  	s23 =	sadd.s32 $0x1, s23;
	_ =	swait.ge [sflag:s12], $0x800  }
0x49: {  	p0 =	sne.s32 s23, $0x62;
	[sflag:s12] =	ssyncset.done $0x0  }
.Ltmp1:
0x4a: {  	[sflag:s12] =	ssyncadd.s32 $0xFFFFF800;
	(pc) =	sbr.rel @p0 .LBB2_2-.Ltmp1, $4  }
0x4b: {  	[spmem:s1] =	stream.indirect.scatter.add.f32 [tilespmem:s20], [sflag:$0x1], $0x10, s19, s14, $0xb8;
	[tilespmem:$0x1C8B0] =	vst v63  }
0x4c: {  	_ =	swait.ge [sflag:s12], $0x800  }
0x4d: {  	[sflag:s12] =	ssyncset.done $0x0  }
0x4e: {  	[sflag:s12] =	ssyncadd.s32 $0xFFFFF800  }
0x4f: {  	s22 =	sadd.s32 $0x1, s22  }
0x50: {  	p0 =	sne.s32 s22, s10  }
.Ltmp2:
0x51: {  	[bflag:$0x0] =	sbarrier.arrive $0xFFFF;
	(pc) =	sbr.rel @p0 .LBB2_1-.Ltmp2, $4  }
0x52: {  	[hbm:s9], [sflag:s7] =	dma.local [spmem:s21], $0x30D4  }
0x53: {  	_ =	swait.ge [sflag:s12], $0x30D4  }
0x54: {  	[sflag:s12] =	ssyncset.done $0x0  }
0x55: {  	[sflag:s12] =	ssyncadd.s32 $0xFFFFCF2C  }
0x56: {  	_ =	sfence.sel $0x180000  }
0x57: {  	[bflag:$0x0] =	sbarrier.arrive $0xFFFF  }
0x58: {  	p0 =	sne.s32 s2, $0x0;
	_ =	strace $0x9000004D  }
0x59: {  	s0 =	sadd.s32 @!p0 $0x100000, s0;
	[bflag:$0x2] =	sbarrier.arrive $0xFFFF  }
0x5a: {  	[sflag:s0] =	ssyncadd.tile.s32 @!p0 $0x1;
	_ =	shalt  }
.Lfunc_end2:
_tile_overlayer_lowered:
.L_overlay_start_2:
0x5b: {  	(tag) =	ssettag $0x2  }
0x5c: {  	s0 =	rddreg [dreg:$0x0];
	s2 =	stileid.u32  }
0x5d: {  	s1 =	rddreg [dreg:$0x1];
	p0 =	sne.s32 s2, $0x0  }
0x5e: {  	s3 =	rddreg [dreg:$0x2];
	[bflag:$0x3] =	sbarrier.arrive $0xFFFF;
	s2 =	simm.s32 @!p0 $0x1C01  }
0x5f: {  	[timem:s3], [sflag:s2] =	dma.local @!p0 [hbm:s0], s1  }
0x60: {  	s0 =	simm.s32 @!p0 $0x1  }
0x61: {  	_ =	swait.ge @!p0 [sflag:s0], s1  }
0x62: {  	s1 =	ssub.s32 @!p0 $0x0, s1;
	[sflag:s0] =	ssyncset.done @!p0 $0x0  }
0x63: {  	[sflag:s0] =	ssyncadd.s32 @!p0 s1  }
0x64: {  	[bflag:$0x3] =	sbarrier.arrive $0xFFFF  }
0x65: {  	_ =	shalt  }

// kernel: kernel.18.cloned.1.call-start
scs
__scs_entry_jumppad:
0x0: {  	(pc) =	sbr.rel $0x88, $3  }
0x1: {  	(tag) =	ssettag $0x0;
	lr =	simm.s32 $0x1  }
0x2: {  	[smem:$0x3F8A] =	sst lr;
	_ =	strace $0xD0000000  }
0x3: {  	_ = 	snop  }
0x4: {  	_ = 	snop  }
0x5: {  	_ = 	snop  }
0x6: {  	_ = 	snop  }
0x7: {  	_ = 	snop  }
__scs_overlays_trampoline_lowered:
0x8: {  	[smem:$0x3F99] =	sst s0  }
0x9: {  	[smem:$0x3F9A] =	sst s1  }
0xa: {  	[smem:$0x3F9B] =	sst s2  }
0xb: {  	[smem:$0x3F9C] =	sst s3  }
0xc: {  	[smem:$0x3F9D] =	sst s4  }
0xd: {  	[smem:$0x3F9E] =	sst s5  }
0xe: {  	[smem:$0x3F9F] =	sst s6  }
0xf: {  	[smem:$0x3FA0] =	sst s7  }
0x10: {  	[smem:$0x3FA1] =	sst s8  }
0x11: {  	[smem:$0x3FA2] =	sst s9;
	s0 =	simm.s32 @!p0 $0x0  }
0x12: {  	s1 =	sld [smem:$0x3F88];
	s0 =	simm.s32 @p0 $0x1  }
0x13: {  	[smem:$0x3FA3] =	sst s0;
	s0 =	simm.s32 @!p1 $0x0  }
0x14: {  	s2 =	sld [smem:$0x3F87];
	s0 =	simm.s32 @p1 $0x1  }
0x15: {  	[smem:$0x3FA4] =	sst s0;
	s0 =	simm.s32 @!p2 $0x0  }
0x16: {  	s3 =	sld [smem:$0x3FDB];
	s0 =	simm.s32 @p2 $0x1  }
0x17: {  	s4 =	simm.s32 $0x1BF5;
	[smem:$0x3FA6] =	sst s0  }
0x18: {  	s0 =	sld [smem:$0x3F89];
	_ =	swait.ge [sflag:s4], $0x0  }
0x19: {  	s7 =	sld [smem:$0x3F8A]  }
0x1a: {  	s8 =	sadd.s32 $0xFFFFE003, lr  }
0x1b: {  	s9 =	sadd.s32 $0xFFFFFEF7, lr;
	s5 =	simm.s32 $0xFFFFFFFF;
	p2 =	slt.u32 s8, $0xFFFFF086  }
0x1c: {  	p1 =	slt.u32 s9, $0xF7A;
	s5 =	simm.s32 @!p2 $0x0  }
0x1d: {  	s5 =	simm.s32 @p1 $0x1;
	p0 =	seq.s32 s7, s2  }
0x1e: {  	s7 =	smul.u32 @!p0 $0xF7A, s2;
	p2 =	seq.s32 @!p0 s5, $0x0  }
0x1f: {  	s9 =	smul.u32 $0xF7A, s1;
	s8 =	simm.s32 @!p0 $0x1BF5;
	p2 =	por !p2, p0  }
0x20: {  	[sflag:s8] =	ssyncset.s32 @!p0 $0xFFFFF086;
	s6 =	sadd.s32 @!p0 s3, s7;
	s7 =	simm.s32 @!p0 $0x108  }
0x21: {  	s3 =	sadd.s32 s3, s9;
	s6 =	sadd.s32 @!p0 $0x88, s6;
	s7 =	simm.s32 @p2 $0x1082  }
0x22: {  	[simem:s7], [sflag:s8] =	dma.local @!p0 [hbm:s6], $0xF7A  }
0x23: {  	s9 =	sor.u32 $0xD0000000, s2;
	s6 =	simm.s32 $0x108;
	_ =	swait.ge @!p0 [sflag:s8], $0x0  }
0x24: {  	s3 =	sadd.s32 $0x88, s3;
	s6 =	simm.s32 @!p1 $0x1082;
	[sflag:s4] =	ssyncset.s32 $0xFFFFF086  }
0x25: {  	[simem:s6], [sflag:s4] =	dma.local [hbm:s3], $0xF7A  }
0x26: {  	[smem:$0x3F8A] =	sst s1;
	(tag) =	ssettag s2;
	_ =	strace s9  }
0x27: {  	s1 =	sld [smem:$0x3F9A]  }
0x28: {  	s2 =	sld [smem:$0x3F9B]  }
0x29: {  	s4 =	sld [smem:$0x3F9D]  }
0x2a: {  	p0 =	seq.s32 s5, $0x0;
	s5 =	sld [smem:$0x3F9E]  }
0x2b: {  	s6 =	sld [smem:$0x3F9F]  }
0x2c: {  	s7 =	sld [smem:$0x3FA0]  }
0x2d: {  	s3 =	simm.s32 $0x108;
	s8 =	sld [smem:$0x3FA1]  }
0x2e: {  	s3 =	simm.s32 @!p0 $0x1082;
	s9 =	sld [smem:$0x3FA2]  }
0x2f: {  	lr =	sadd.s32 s0, s3;
	s0 =	sld [smem:$0x3F99]  }
0x30: {  	s3 =	sld [smem:$0x3F9C]  }
0x31: {  	[smem:$0x3FA5] =	sst s10  }
0x32: {  	s10 =	sld [smem:$0x3FA3];
	_ =	sdelay $0x3  }
0x33: {  	p0 =	seq.s32 s10, $0x1;
	s10 =	sld [smem:$0x3FA5];
	_ =	sdelay $0x3  }
0x34: {  	[smem:$0x3FA5] =	sst s10  }
0x35: {  	s10 =	sld [smem:$0x3FA4];
	_ =	sdelay $0x3  }
0x36: {  	p1 =	seq.s32 s10, $0x1;
	s10 =	sld [smem:$0x3FA5];
	_ =	sdelay $0x3  }
0x37: {  	[smem:$0x3FA5] =	sst s10  }
0x38: {  	s10 =	sld [smem:$0x3FA6]  }
0x39: {  	_ = 	snop;
	(pc) =	sbr.ind lr, $3  }
0x3a: {  	_ = 	snop  }
0x3b: {  	_ = 	snop  }
0x3c: {  	p2 =	seq.s32 s10, $0x1;
	s10 =	sld [smem:$0x3FA5]  }
0x3d: {  	_ =	shalt  }
0x3e: {  	_ =	shalt  }
0x3f: {  	_ =	shalt  }
0x40: {  	_ =	shalt  }
0x41: {  	_ =	shalt  }
0x42: {  	_ =	shalt  }
0x43: {  	_ =	shalt  }
0x44: {  	_ =	shalt  }
0x45: {  	_ =	shalt  }
0x46: {  	_ =	shalt  }
0x47: {  	_ =	shalt  }
0x48: {  	_ =	shalt  }
0x49: {  	_ =	shalt  }
0x4a: {  	_ =	shalt  }
0x4b: {  	_ =	shalt  }
0x4c: {  	_ =	shalt  }
0x4d: {  	_ =	shalt  }
0x4e: {  	_ =	shalt  }
0x4f: {  	_ =	shalt  }
0x50: {  	_ =	shalt  }
0x51: {  	_ =	shalt  }
0x52: {  	_ =	shalt  }
0x53: {  	_ =	shalt  }
0x54: {  	_ =	shalt  }
0x55: {  	_ =	shalt  }
0x56: {  	_ =	shalt  }
0x57: {  	_ =	shalt  }
0x58: {  	_ =	shalt  }
0x59: {  	_ =	shalt  }
0x5a: {  	_ =	shalt  }
0x5b: {  	_ =	shalt  }
0x5c: {  	_ =	shalt  }
0x5d: {  	_ =	shalt  }
0x5e: {  	_ =	shalt  }
0x5f: {  	_ =	shalt  }
0x60: {  	_ =	shalt  }
0x61: {  	_ =	shalt  }
0x62: {  	_ =	shalt  }
0x63: {  	_ =	shalt  }
0x64: {  	_ =	shalt  }
0x65: {  	_ =	shalt  }
0x66: {  	_ =	shalt  }
0x67: {  	_ =	shalt  }
0x68: {  	_ =	shalt  }
0x69: {  	_ =	shalt  }
0x6a: {  	_ =	shalt  }
0x6b: {  	_ =	shalt  }
0x6c: {  	_ =	shalt  }
0x6d: {  	_ =	shalt  }
0x6e: {  	_ =	shalt  }
0x6f: {  	_ =	shalt  }
0x70: {  	_ =	shalt  }
0x71: {  	_ =	shalt  }
0x72: {  	_ =	shalt  }
0x73: {  	_ =	shalt  }
0x74: {  	_ =	shalt  }
0x75: {  	_ =	shalt  }
0x76: {  	_ =	shalt  }
0x77: {  	_ =	shalt  }
0x78: {  	_ =	shalt  }
0x79: {  	_ =	shalt  }
0x7a: {  	_ =	shalt  }
0x7b: {  	_ =	shalt  }
0x7c: {  	_ =	shalt  }
0x7d: {  	_ =	shalt  }
0x7e: {  	_ =	shalt  }
0x7f: {  	_ =	shalt  }
0x80: {  	_ =	shalt  }
0x81: {  	_ =	shalt  }
0x82: {  	_ =	shalt  }
0x83: {  	_ =	shalt  }
0x84: {  	_ =	shalt  }
0x85: {  	_ =	shalt  }
0x86: {  	_ =	shalt  }
0x87: {  	_ =	shalt  }
.Lfunc_end0:
.L_simem_size_0:
called_computation.3_lowered:
.L_overlay_start_0:
0x88: {  	s2 =	sld [smem:$0x3FD9]  }
0x89: {  	s3 =	sld [smem:$0x3FFE];
	_ =	sdelay $0x1  }
0x8a: {  	s1 =	srdreg.scid  }
0x8b: {  	s0 =	sand.u32 $0x1, s1  }
0x8c: {  	s17 =	sshll.u32 s0, $0xA;
	s2 =	sadd.s32 s3, s2  }
0x8d: {  	s2 =	sadd.s32 s2, s17  }
0x8e: {  	[smem:$0x3FB1] =	sst s2  }
0x8f: {  	_ = 	snop  }
0x90: {  	s18 =	sld [smem:$0x3FD0];
	(tm) =	ssettm $0x1  }
0x91: {  	s19 =	sld [smem:$0x3FFB];
	_ =	sdelay $0x3  }
0x92: {  	_ =	strace s19  }
0x93: {  	s2 =	sld [smem:$0x3FFC];
	_ =	sdelay $0x3  }
0x94: {  	_ =	strace s2  }
0x95: {  	s2 =	sld [smem:$0x3FFD];
	_ =	sdelay $0x3  }
0x96: {  	_ =	strace s2  }
0x97: {  	_ =	strace $0x8FFFFFFF  }
0x98: {  	s20 =	sld [smem:$0x3FDB];
	_ =	sdelay $0x1  }
0x99: {  	s4 =	simm.s32 $_scs_section_size  }
0x9a: {  	s5 =	simm.s32 $_size__tile_overlayer_lowered;
	s6 =	simm.s32 $_tile_overlayer_lowered  }
0x9b: {  	s7 =	simm.s32 $0x1BFF;
	s21 =	sshll.u32 s6, $0x1;
	s4 =	sadd.s32 s4, s20  }
0x9c: {  	s22 =	simm.s32 $0x0;
	s5 =	sshll.u32 s5, $0x1;
	s6 =	sadd.s32 s21, s4  }
0x9d: {  	[timem:s22], [sflag:s7] =	dma.local [hbm:s6], s5  }
0x9e: {  	_ =	swait.ge [sflag:s7], s5  }
0x9f: {  	s5 =	ssub.s32 $0x0, s5;
	[sflag:s7] =	ssyncset.done $0x0  }
0xa0: {  	[sflag:s7] =	ssyncadd.s32 s5;
	_ =	sdelay $0x1  }
0xa1: {  	s23 =	simm.s32 $0x1B8B  }
0xa2: {  	_ =	swait.ge [sflag:s23], $0x1  }
0xa3: {  	[sflag:s23] =	ssyncset.done $0x0  }
0xa4: {  	[sflag:s23] =	ssyncadd.s32 $0xFFFFFFFF  }
0xa5: {  	s5 =	sld [smem:$0x0]  }
0xa6: {  	s6 =	sand.u32 $0xFFFFFFFE, s1  }
0xa7: {  	p0 =	sne.s32 s1, s6  }
0xa8: {  	s6 =	sshll.u32 @p0 s6, $0xE  }
0xa9: {  	s6 =	sadd.s32 @p0 $0x11B8D, s6;
	s7 =	sshll.u32 @p0 s5, $0x11  }
0xaa: {  	s6 =	sor.u32 @p0 s7, s6  }
0xab: {  	[sflag:s6] =	ssyncadd.remote.s32 @p0 $0x1;
	_ =	sdelay $0x1  }
0xac: {  	s6 =	simm.s32 @p0 $0x1B8D  }
0xad: {  	_ =	swait.eq @p0 [sflag:s6], $0x1  }
0xae: {  	[sflag:s6] =	ssyncadd.s32 @p0 $0xFFFFFFFF  }
0xaf: {  	s7 =	sshll.u32 @!p0 s1, $0xE  }
0xb0: {  	s7 =	sor.u32 @!p0 $0x4000, s7;
	s6 =	simm.s32 @!p0 $0x1B8D  }
0xb1: {  	s5 =	sshll.u32 @!p0 s5, $0x11;
	s7 =	sadd.s32 @!p0 $0x11B8D, s7;
	_ =	swait.eq @!p0 [sflag:s6], $0x1  }
0xb2: {  	s5 =	sor.u32 @!p0 s5, s7;
	[sflag:s6] =	ssyncadd.s32 @!p0 $0xFFFFFFFF  }
0xb3: {  	s25 =	simm.s32 $0x1B8E;
	s24 =	sld [smem:$0x3FFE];
	[sflag:s5] =	ssyncadd.remote.s32 @!p0 $0x1  }
0xb4: {  	s26 =	simm.s32 $execute0_lowered;
	[smem:$0x3FD2] =	sst s25  }
0xb5: {  	s6 =	sshll.u32 s26, $0x1;
	_ =	strace $0x8000004F;
	[dreg:$0x1] =	wrdreg $0xFFFFFFFF  }
0xb6: {  	s28 =	simm.s32 $_size_execute0_lowered;
	s4 =	sadd.s32 s4, s6;
	[dreg:$0x0] =	wrdreg $0x0  }
0xb7: {  	s6 =	sshll.u32 s28, $0x1;
	[dreg:$0x2] =	wrdreg s4  }
0xb8: {  	[dreg:$0x3] =	wrdreg s6  }
0xb9: {  	[dreg:$0x4] =	wrdreg $0xC0  }
0xba: {  	_ =	task [dreg:s22], $0x5FFFF  }
0xbb: {  	[dreg:$0x1] =	wrdreg $0xFFFFFFFF  }
0xbc: {  	[dreg:$0x0] =	wrdreg $0x60  }
0xbd: {  	[dreg:$0x2] =	wrdreg s24  }
0xbe: {  	[dreg:$0x3] =	wrdreg s18  }
0xbf: {  	[dreg:$0x4] =	wrdreg $0x42000  }
0xc0: {  	[dreg:$0x5] =	wrdreg $0x9  }
0xc1: {  	_ =	task.clear_ibuf [dreg:s22], $0x6FFFF;
	_ =	strace $0x9000004F  }
0xc2: {  	s29 =	simm.s32 $0x9;
	_ =	strace $0x80000051  }
0xc3: {  	_ =	swait.ge [sflag:s29], $0x1  }
0xc4: {  	[sflag:s29] =	ssyncadd.s32 $0xFFFFFFFF  }
0xc5: {  	_ =	strace $0x90000051  }
0xc6: {  	_ =	sfence  }
0xc7: {  	s30 =	sld [smem:$0x0];
	_ =	sdelay $0x2  }
0xc8: {  	s31 =	sshll.u32 s1, $0xD;
	s1 =	sshrl.u32 s1, $0x2  }
0xc9: {  	s4 =	sand.u32 $0x4000, s31;
	s1 =	sadd.s32 s1, s30  }
0xca: {  	s0 =	sor.u32 s4, s0;
	s1 =	sshll.u32 s1, $0x11  }
0xcb: {  	s0 =	sor.u32 s1, s0  }
0xcc: {  	s0 =	sadd.s32 $0x8F2B, s0  }
0xcd: {  	[sflag:s0] =	ssyncadd.remote.s32 $0x1  }
0xce: {  	_ =	sfence.sel $0xFFFF  }
0xcf: {  	[dreg:$0x0] =	wrdreg $0xFFFFFFFF;
	(pc) =	sbr.abs _section_cstart, $3  }
0xd0: {  	[dreg:$0x1] =	wrdreg $0xFFFFFFFF  }
0xd1: {  	_ =	task.clear_ibuf [dreg:s22], $0x2FFFF;
	_ =	strace $0x9FFFFFFF  }
0xd2: {  	(tm) =	ssettm $0x7FFFFFFF  }
0xd3: {  	_ =	shalt  }
tec
execute0_lowered:
.L_overlay_start_1:
0x0: {  	(tag) =	ssettag $0x1  }
0x1: {  	s7 =	rddreg [dreg:$0x0]  }
0x2: {  	s1 =	rddreg [dreg:$0x1]  }
0x3: {  	s2 =	rddreg [dreg:$0x2];
	s3 =	srdreg.scid  }
0x4: {  	s0 =	rddreg [dreg:$0x3];
	s4 =	simm.s32 $0x0;
	s14 =	simm.s32 $0x80  }
0x5: {  	s15 =	simm.s32 $0x200;
	s16 =	simm.s32 $0xA00;
	s17 =	simm.s32 $0x100  }
0x6: {  	s18 =	simm.s32 $0x1200;
	s19 =	simm.s32 $0x180;
	s20 =	simm.s32 $0x1A00  }
0x7: {  	s8 =	sand.u32 $0x1, s3;
	[smem:$0x7FF] =	sst s4;
	s5 =	sadd.s32 $0x2B2E00, s7  }
0x8: {  	s3 =	stileid.u32;
	s6 =	sadd.s32 $0x1BC400, s7;
	s9 =	smul.u32 $0x186A00, s8  }
0x9: {  	s22 =	simm.s32 $0x0;
	s10 =	smul.u32 $0x186A0, s3;
	_ =	strace $0x80000050  }
0xa: {  	s11 =	ssub.s32 $0x2, s8;
	s13 =	smul.u32 $0x61AC0, s3;
	s29 =	sshll.u32 s3, $0x1  }
0xb: {  	s31 =	sshll.u32 s3, $0x6;
	s12 =	sshrl.u32 s11, $0x1;
	s8 =	sor.u32 s8, s29  }
0xc: {  	s9 =	sadd.s32 s10, s9;
	s11 =	ssub.s32 s11, s12;
	s30 =	sshrl.u32 s13, $0x2  }
0xd: {  	s8 =	smul.u32 $0xC8, s8;
	s21 =	sadd.s32 s10, s2;
	s12 =	simm.s32 $0x1  }
0xe: {  	s9 =	sshrl.u32 s9, $0x3;
	s13 =	sadd.s32 s30, s2;
	s10 =	smax.u32 s11, $0x1  }
0xf: {  	s21 =	sshrl.u32 s21, $0x3;
	s9 =	sadd.s32 s9, s7;
	s7 =	sor.u32 $0x1C01, s31  }
0x10: {  	s11 =	sshrl.u32 s13, $0x3;
	s13 =	simm.s32 $0x2200;
	s9 =	sadd.s32 $0x1BF600, s9  }
.LBB2_1:
0x11: {  	[spmem:s11], [sflag:s7] =	dma.local [hbm:s6], $0x30D6  }
0x12: {  	_ =	swait.ge [sflag:s12], $0x30D6  }
0x13: {  	[sflag:s12] =	ssyncset.done $0x0  }
0x14: {  	[sflag:s12] =	ssyncadd.s32 $0xFFFFCF2A  }
0x15: {  	s23 =	simm.s32 $0x0;
	[bflag:$0x0] =	sbarrier.arrive $0xFFFF  }
.LBB2_2:
0x16: {  	s24 =	sshll.u32 s23, $0x2  }
0x17: {  	s24 =	sadd.s32 s8, s24  }
0x18: {  	s25 =	sshll.u32 s24, $0x4  }
0x19: {  	s26 =	simm.s32 $0x0;
	s25 =	sadd.s32 s1, s25  }
0x1a: {  	[tilespmem:s26], [sflag:$0x1] =	stream.linear.gather [hbm4b:s25+s26], $0x200, $0x38;
	[tilespmem:$0x1C8B0] =	vst v63  }
0x1b: {  	_ =	swait.ge [sflag:s12], $0x200  }
0x1c: {  	s24 =	sshll.u32 s24, $0x8;
	[sflag:s12] =	ssyncset.done $0x0  }
0x1d: {  	s24 =	sadd.s32 s5, s24;
	[sflag:s12] =	ssyncadd.s32 $0xFFFFFE00  }
0x1e: {  	[tilespmem:s13], [sflag:$0x1] =	stream.linear.gather [hbm4b:s24+s26], $0x2000, $0x38;
	[tilespmem:$0x1C8B0] =	vst v63  }
0x1f: {  	_ =	swait.ge [sflag:s12], $0x2000  }
0x20: {  	[sflag:s12] =	ssyncset.done $0x0  }
0x21: {  	s24 =	simm.s32 $0x0;
	[sflag:s12] =	ssyncadd.s32 $0xFFFFE000  }
0x22: {  	v3 =	vld [tilespmem:s24+$0x2270]  }
0x23: {  	v4 =	vld [tilespmem:s24+$0x2200]  }
0x24: {  	v5 =	vld [tilespmem:s24+$0x2210]  }
0x25: {  	v2 =	vld [tilespmem:s24+$0x2220]  }
0x26: {  	v0 =	vld [tilespmem:s24+$0x2230]  }
0x27: {  	v1 =	vld [tilespmem:s24+$0x2240];
	[tilespmem:s24+$0x270] =	vst v3  }
0x28: {  	[tilespmem:s24+$0x200] =	vst v4;
	v3 =	vld [tilespmem:s24+$0x2250]  }
0x29: {  	s25 =	simm.s32 $0x80;
	s26 =	simm.s32 $0x400;
	[tilespmem:s24+$0x210] =	vst v5;
	v4 =	vld [tilespmem:s24+$0x2260]  }
.LBB2_3:
0x2a: {  	p0 =	sne.s32 s26, $0x7E00;
	v5 =	vld [tilespmem:s25+$0x2270];
	[tilespmem:s24+$0x220] =	vst v2  }
0x2b: {  	v6 =	vld [tilespmem:s25+$0x2200];
	[tilespmem:s24+$0x230] =	vst v0  }
0x2c: {  	v7 =	vld [tilespmem:s25+$0x2210];
	[tilespmem:s24+$0x240] =	vst v1  }
.Ltmp0:
0x2d: {  	v2 =	vld [tilespmem:s25+$0x2220];
	[tilespmem:s24+$0x250] =	vst v3;
	(pc) =	sbr.rel @p0 .LBB2_3-.Ltmp0, $4  }
0x2e: {  	v0 =	vld [tilespmem:s25+$0x2230];
	[tilespmem:s24+$0x260] =	vst v4;
	s24 =	smov.u32 s25  }
0x2f: {  	v1 =	vld [tilespmem:s24+$0x2240];
	[tilespmem:s24+$0x270] =	vst v5  }
0x30: {  	[tilespmem:s24+$0x200] =	vst v6;
	v3 =	vld [tilespmem:s24+$0x2250]  }
0x31: {  	s25 =	sshra.s32 s26, $0x2;
	s26 =	sadd.s32 $0x200, s26;
	[tilespmem:s24+$0x210] =	vst v7;
	v4 =	vld [tilespmem:s24+$0x2260]  }
0x32: {  	v5 =	vld [tilespmem:s25+$0x2270];
	[tilespmem:s24+$0x220] =	vst v2  }
0x33: {  	v2 =	vld [tilespmem:s25+$0x2200];
	[tilespmem:s24+$0x230] =	vst v0  }
0x34: {  	v0 =	vld [tilespmem:s25+$0x2210];
	[tilespmem:s24+$0x240] =	vst v1  }
0x35: {  	v1 =	vld [tilespmem:s25+$0x2220];
	[tilespmem:s24+$0x250] =	vst v3  }
0x36: {  	v3 =	vld [tilespmem:s25+$0x2230];
	[tilespmem:s24+$0x260] =	vst v4  }
0x37: {  	v4 =	vld [tilespmem:s25+$0x2240];
	[tilespmem:s25+$0x270] =	vst v5  }
0x38: {  	v62 =	vld [tilespmem:s25+$0x2250];
	[tilespmem:s25+$0x200] =	vst v2  }
0x39: {  	v63 =	vld [tilespmem:s25+$0x2260];
	[tilespmem:s25+$0x210] =	vst v0  }
0x3a: {  	[tilespmem:s25+$0x220] =	vst v1  }
0x3b: {  	[tilespmem:s25+$0x230] =	vst v3  }
0x3c: {  	[tilespmem:s25+$0x240] =	vst v4  }
0x3d: {  	[tilespmem:s25+$0x250] =	vst v62  }
0x3e: {  	[tilespmem:s25+$0x260] =	vst v63  }
0x3f: {  	[spmem:s2] =	stream.indirect.scatter.add.f32 [tilespmem:s15], [sflag:$0x1], $0x10, s4, s14, $0xb8;
	[tilespmem:$0x1C8B0] =	vst v63  }
0x40: {  	_ =	swait.ge [sflag:s12], $0x800  }
0x41: {  	[sflag:s12] =	ssyncset.done $0x0  }
0x42: {  	[sflag:s12] =	ssyncadd.s32 $0xFFFFF800  }
0x43: {  	[spmem:s2] =	stream.indirect.scatter.add.f32 [tilespmem:s16], [sflag:$0x1], $0x10, s14, s14, $0xb8;
	[tilespmem:$0x1C8B0] =	vst v63  }
0x44: {  	_ =	swait.ge [sflag:s12], $0x800  }
0x45: {  	[sflag:s12] =	ssyncset.done $0x0  }
0x46: {  	[sflag:s12] =	ssyncadd.s32 $0xFFFFF800  }
0x47: {  	[spmem:s2] =	stream.indirect.scatter.add.f32 [tilespmem:s18], [sflag:$0x1], $0x10, s17, s14, $0xb8;
	[tilespmem:$0x1C8B0] =	vst v63  }
0x48: {  	s23 =	sadd.s32 $0x1, s23;
	_ =	swait.ge [sflag:s12], $0x800  }
0x49: {  	p0 =	sne.s32 s23, $0x32;
	[sflag:s12] =	ssyncset.done $0x0  }
.Ltmp1:
0x4a: {  	[sflag:s12] =	ssyncadd.s32 $0xFFFFF800;
	(pc) =	sbr.rel @p0 .LBB2_2-.Ltmp1, $4  }
0x4b: {  	[spmem:s2] =	stream.indirect.scatter.add.f32 [tilespmem:s20], [sflag:$0x1], $0x10, s19, s14, $0xb8;
	[tilespmem:$0x1C8B0] =	vst v63  }
0x4c: {  	_ =	swait.ge [sflag:s12], $0x800  }
0x4d: {  	[sflag:s12] =	ssyncset.done $0x0  }
0x4e: {  	[sflag:s12] =	ssyncadd.s32 $0xFFFFF800  }
0x4f: {  	s22 =	sadd.s32 $0x1, s22  }
0x50: {  	p0 =	sne.s32 s22, s10  }
.Ltmp2:
0x51: {  	[bflag:$0x0] =	sbarrier.arrive $0xFFFF;
	(pc) =	sbr.rel @p0 .LBB2_1-.Ltmp2, $4  }
0x52: {  	[hbm:s9], [sflag:s7] =	dma.local [spmem:s21], $0x30D4  }
0x53: {  	_ =	swait.ge [sflag:s12], $0x30D4  }
0x54: {  	[sflag:s12] =	ssyncset.done $0x0  }
0x55: {  	[sflag:s12] =	ssyncadd.s32 $0xFFFFCF2C  }
0x56: {  	_ =	sfence.sel $0x180000  }
0x57: {  	[bflag:$0x0] =	sbarrier.arrive $0xFFFF  }
0x58: {  	p0 =	sne.s32 s3, $0x0;
	_ =	strace $0x90000050  }
0x59: {  	s0 =	sadd.s32 @!p0 $0x100000, s0;
	[bflag:$0x2] =	sbarrier.arrive $0xFFFF  }
0x5a: {  	[sflag:s0] =	ssyncadd.tile.s32 @!p0 $0x1;
	_ =	shalt  }
.Lfunc_end2:
_tile_overlayer_lowered:
.L_overlay_start_2:
0x5b: {  	(tag) =	ssettag $0x2  }
0x5c: {  	s0 =	rddreg [dreg:$0x0];
	s2 =	stileid.u32  }
0x5d: {  	s1 =	rddreg [dreg:$0x1];
	p0 =	sne.s32 s2, $0x0  }
0x5e: {  	s3 =	rddreg [dreg:$0x2];
	[bflag:$0x3] =	sbarrier.arrive $0xFFFF;
	s2 =	simm.s32 @!p0 $0x1C01  }
0x5f: {  	[timem:s3], [sflag:s2] =	dma.local @!p0 [hbm:s0], s1  }
0x60: {  	s0 =	simm.s32 @!p0 $0x1  }
0x61: {  	_ =	swait.ge @!p0 [sflag:s0], s1  }
0x62: {  	s1 =	ssub.s32 @!p0 $0x0, s1;
	[sflag:s0] =	ssyncset.done @!p0 $0x0  }
0x63: {  	[sflag:s0] =	ssyncadd.s32 @!p0 s1  }
0x64: {  	[bflag:$0x3] =	sbarrier.arrive $0xFFFF  }
0x65: {  	_ =	shalt  }

// kernel: kernel.9.cloned.1.call-start
scs
__scs_entry_jumppad:
0x0: {  	(pc) =	sbr.rel $0x88, $3  }
0x1: {  	(tag) =	ssettag $0x0;
	lr =	simm.s32 $0x1  }
0x2: {  	[smem:$0x3F8A] =	sst lr;
	_ =	strace $0xD0000000  }
0x3: {  	_ = 	snop  }
0x4: {  	_ = 	snop  }
0x5: {  	_ = 	snop  }
0x6: {  	_ = 	snop  }
0x7: {  	_ = 	snop  }
__scs_overlays_trampoline_lowered:
0x8: {  	[smem:$0x3F99] =	sst s0  }
0x9: {  	[smem:$0x3F9A] =	sst s1  }
0xa: {  	[smem:$0x3F9B] =	sst s2  }
0xb: {  	[smem:$0x3F9C] =	sst s3  }
0xc: {  	[smem:$0x3F9D] =	sst s4  }
0xd: {  	[smem:$0x3F9E] =	sst s5  }
0xe: {  	[smem:$0x3F9F] =	sst s6  }
0xf: {  	[smem:$0x3FA0] =	sst s7  }
0x10: {  	[smem:$0x3FA1] =	sst s8  }
0x11: {  	[smem:$0x3FA2] =	sst s9;
	s0 =	simm.s32 @!p0 $0x0  }
0x12: {  	s1 =	sld [smem:$0x3F88];
	s0 =	simm.s32 @p0 $0x1  }
0x13: {  	[smem:$0x3FA3] =	sst s0;
	s0 =	simm.s32 @!p1 $0x0  }
0x14: {  	s2 =	sld [smem:$0x3F87];
	s0 =	simm.s32 @p1 $0x1  }
0x15: {  	[smem:$0x3FA4] =	sst s0;
	s0 =	simm.s32 @!p2 $0x0  }
0x16: {  	s3 =	sld [smem:$0x3FDB];
	s0 =	simm.s32 @p2 $0x1  }
0x17: {  	s4 =	simm.s32 $0x1BF5;
	[smem:$0x3FA6] =	sst s0  }
0x18: {  	s0 =	sld [smem:$0x3F89];
	_ =	swait.ge [sflag:s4], $0x0  }
0x19: {  	s7 =	sld [smem:$0x3F8A]  }
0x1a: {  	s8 =	sadd.s32 $0xFFFFE003, lr  }
0x1b: {  	s9 =	sadd.s32 $0xFFFFFEF7, lr;
	s5 =	simm.s32 $0xFFFFFFFF;
	p2 =	slt.u32 s8, $0xFFFFF086  }
0x1c: {  	p1 =	slt.u32 s9, $0xF7A;
	s5 =	simm.s32 @!p2 $0x0  }
0x1d: {  	s5 =	simm.s32 @p1 $0x1;
	p0 =	seq.s32 s7, s2  }
0x1e: {  	s7 =	smul.u32 @!p0 $0xF7A, s2;
	p2 =	seq.s32 @!p0 s5, $0x0  }
0x1f: {  	s9 =	smul.u32 $0xF7A, s1;
	s8 =	simm.s32 @!p0 $0x1BF5;
	p2 =	por !p2, p0  }
0x20: {  	[sflag:s8] =	ssyncset.s32 @!p0 $0xFFFFF086;
	s6 =	sadd.s32 @!p0 s3, s7;
	s7 =	simm.s32 @!p0 $0x108  }
0x21: {  	s3 =	sadd.s32 s3, s9;
	s6 =	sadd.s32 @!p0 $0x88, s6;
	s7 =	simm.s32 @p2 $0x1082  }
0x22: {  	[simem:s7], [sflag:s8] =	dma.local @!p0 [hbm:s6], $0xF7A  }
0x23: {  	s9 =	sor.u32 $0xD0000000, s2;
	s6 =	simm.s32 $0x108;
	_ =	swait.ge @!p0 [sflag:s8], $0x0  }
0x24: {  	s3 =	sadd.s32 $0x88, s3;
	s6 =	simm.s32 @!p1 $0x1082;
	[sflag:s4] =	ssyncset.s32 $0xFFFFF086  }
0x25: {  	[simem:s6], [sflag:s4] =	dma.local [hbm:s3], $0xF7A  }
0x26: {  	[smem:$0x3F8A] =	sst s1;
	(tag) =	ssettag s2;
	_ =	strace s9  }
0x27: {  	s1 =	sld [smem:$0x3F9A]  }
0x28: {  	s2 =	sld [smem:$0x3F9B]  }
0x29: {  	s4 =	sld [smem:$0x3F9D]  }
0x2a: {  	p0 =	seq.s32 s5, $0x0;
	s5 =	sld [smem:$0x3F9E]  }
0x2b: {  	s6 =	sld [smem:$0x3F9F]  }
0x2c: {  	s7 =	sld [smem:$0x3FA0]  }
0x2d: {  	s3 =	simm.s32 $0x108;
	s8 =	sld [smem:$0x3FA1]  }
0x2e: {  	s3 =	simm.s32 @!p0 $0x1082;
	s9 =	sld [smem:$0x3FA2]  }
0x2f: {  	lr =	sadd.s32 s0, s3;
	s0 =	sld [smem:$0x3F99]  }
0x30: {  	s3 =	sld [smem:$0x3F9C]  }
0x31: {  	[smem:$0x3FA5] =	sst s10  }
0x32: {  	s10 =	sld [smem:$0x3FA3];
	_ =	sdelay $0x3  }
0x33: {  	p0 =	seq.s32 s10, $0x1;
	s10 =	sld [smem:$0x3FA5];
	_ =	sdelay $0x3  }
0x34: {  	[smem:$0x3FA5] =	sst s10  }
0x35: {  	s10 =	sld [smem:$0x3FA4];
	_ =	sdelay $0x3  }
0x36: {  	p1 =	seq.s32 s10, $0x1;
	s10 =	sld [smem:$0x3FA5];
	_ =	sdelay $0x3  }
0x37: {  	[smem:$0x3FA5] =	sst s10  }
0x38: {  	s10 =	sld [smem:$0x3FA6]  }
0x39: {  	_ = 	snop;
	(pc) =	sbr.ind lr, $3  }
0x3a: {  	_ = 	snop  }
0x3b: {  	_ = 	snop  }
0x3c: {  	p2 =	seq.s32 s10, $0x1;
	s10 =	sld [smem:$0x3FA5]  }
0x3d: {  	_ =	shalt  }
0x3e: {  	_ =	shalt  }
0x3f: {  	_ =	shalt  }
0x40: {  	_ =	shalt  }
0x41: {  	_ =	shalt  }
0x42: {  	_ =	shalt  }
0x43: {  	_ =	shalt  }
0x44: {  	_ =	shalt  }
0x45: {  	_ =	shalt  }
0x46: {  	_ =	shalt  }
0x47: {  	_ =	shalt  }
0x48: {  	_ =	shalt  }
0x49: {  	_ =	shalt  }
0x4a: {  	_ =	shalt  }
0x4b: {  	_ =	shalt  }
0x4c: {  	_ =	shalt  }
0x4d: {  	_ =	shalt  }
0x4e: {  	_ =	shalt  }
0x4f: {  	_ =	shalt  }
0x50: {  	_ =	shalt  }
0x51: {  	_ =	shalt  }
0x52: {  	_ =	shalt  }
0x53: {  	_ =	shalt  }
0x54: {  	_ =	shalt  }
0x55: {  	_ =	shalt  }
0x56: {  	_ =	shalt  }
0x57: {  	_ =	shalt  }
0x58: {  	_ =	shalt  }
0x59: {  	_ =	shalt  }
0x5a: {  	_ =	shalt  }
0x5b: {  	_ =	shalt  }
0x5c: {  	_ =	shalt  }
0x5d: {  	_ =	shalt  }
0x5e: {  	_ =	shalt  }
0x5f: {  	_ =	shalt  }
0x60: {  	_ =	shalt  }
0x61: {  	_ =	shalt  }
0x62: {  	_ =	shalt  }
0x63: {  	_ =	shalt  }
0x64: {  	_ =	shalt  }
0x65: {  	_ =	shalt  }
0x66: {  	_ =	shalt  }
0x67: {  	_ =	shalt  }
0x68: {  	_ =	shalt  }
0x69: {  	_ =	shalt  }
0x6a: {  	_ =	shalt  }
0x6b: {  	_ =	shalt  }
0x6c: {  	_ =	shalt  }
0x6d: {  	_ =	shalt  }
0x6e: {  	_ =	shalt  }
0x6f: {  	_ =	shalt  }
0x70: {  	_ =	shalt  }
0x71: {  	_ =	shalt  }
0x72: {  	_ =	shalt  }
0x73: {  	_ =	shalt  }
0x74: {  	_ =	shalt  }
0x75: {  	_ =	shalt  }
0x76: {  	_ =	shalt  }
0x77: {  	_ =	shalt  }
0x78: {  	_ =	shalt  }
0x79: {  	_ =	shalt  }
0x7a: {  	_ =	shalt  }
0x7b: {  	_ =	shalt  }
0x7c: {  	_ =	shalt  }
0x7d: {  	_ =	shalt  }
0x7e: {  	_ =	shalt  }
0x7f: {  	_ =	shalt  }
0x80: {  	_ =	shalt  }
0x81: {  	_ =	shalt  }
0x82: {  	_ =	shalt  }
0x83: {  	_ =	shalt  }
0x84: {  	_ =	shalt  }
0x85: {  	_ =	shalt  }
0x86: {  	_ =	shalt  }
0x87: {  	_ =	shalt  }
.Lfunc_end0:
.L_simem_size_0:
called_computation_lowered:
.L_overlay_start_0:
0x88: {  	s2 =	sld [smem:$0x3FD9]  }
0x89: {  	s3 =	sld [smem:$0x3FFE];
	_ =	sdelay $0x1  }
0x8a: {  	s1 =	srdreg.scid  }
0x8b: {  	s0 =	sand.u32 $0x1, s1  }
0x8c: {  	s16 =	sshll.u32 s0, $0xA;
	s2 =	sadd.s32 s3, s2  }
0x8d: {  	s2 =	sadd.s32 s2, s16  }
0x8e: {  	[smem:$0x3FB1] =	sst s2  }
0x8f: {  	_ = 	snop  }
0x90: {  	(tm) =	ssettm $0x1  }
0x91: {  	s17 =	sld [smem:$0x3FFB];
	_ =	sdelay $0x3  }
0x92: {  	_ =	strace s17  }
0x93: {  	s2 =	sld [smem:$0x3FFC];
	_ =	sdelay $0x3  }
0x94: {  	_ =	strace s2  }
0x95: {  	s2 =	sld [smem:$0x3FFD];
	_ =	sdelay $0x3  }
0x96: {  	_ =	strace s2  }
0x97: {  	_ =	strace $0x8FFFFFFF  }
0x98: {  	s18 =	sld [smem:$0x3FDB];
	_ =	sdelay $0x1  }
0x99: {  	s19 =	simm.s32 $_scs_section_size  }
0x9a: {  	s4 =	simm.s32 $_size__tile_overlayer_lowered;
	s5 =	simm.s32 $_tile_overlayer_lowered  }
0x9b: {  	s22 =	simm.s32 $0x1BFF;
	s21 =	sshll.u32 s5, $0x1;
	s2 =	sadd.s32 s19, s18  }
0x9c: {  	s6 =	simm.s32 $0x0;
	s20 =	sshll.u32 s4, $0x1;
	s4 =	sadd.s32 s21, s2  }
0x9d: {  	[timem:s6], [sflag:s22] =	dma.local [hbm:s4], s20  }
0x9e: {  	_ =	swait.ge [sflag:s22], s20  }
0x9f: {  	s3 =	ssub.s32 $0x0, s20;
	[sflag:s22] =	ssyncset.done $0x0  }
0xa0: {  	[sflag:s22] =	ssyncadd.s32 s3;
	_ =	sdelay $0x1  }
0xa1: {  	s23 =	simm.s32 $0x1B8B  }
0xa2: {  	_ =	swait.ge [sflag:s23], $0x1  }
0xa3: {  	[sflag:s23] =	ssyncset.done $0x0  }
0xa4: {  	s25 =	simm.s32 $0x1B8E;
	s24 =	sld [smem:$0x3FFE];
	[sflag:s23] =	ssyncadd.s32 $0xFFFFFFFF  }
0xa5: {  	s26 =	simm.s32 $execute0_lowered;
	[smem:$0x3FD2] =	sst s25  }
0xa6: {  	s4 =	sshll.u32 s26, $0x1;
	_ =	strace $0x80000046;
	[dreg:$0x1] =	wrdreg $0xFFFFFFFF  }
0xa7: {  	s28 =	simm.s32 $_size_execute0_lowered;
	s2 =	sadd.s32 s2, s4;
	[dreg:$0x0] =	wrdreg $0x0  }
0xa8: {  	s4 =	sshll.u32 s28, $0x1;
	[dreg:$0x2] =	wrdreg s2  }
0xa9: {  	[dreg:$0x3] =	wrdreg s4  }
0xaa: {  	[dreg:$0x4] =	wrdreg $0xC0  }
0xab: {  	_ =	task [dreg:s6], $0x5FFFF  }
0xac: {  	[dreg:$0x1] =	wrdreg $0xFFFFFFFF  }
0xad: {  	[dreg:$0x0] =	wrdreg $0x60  }
0xae: {  	[dreg:$0x2] =	wrdreg s24  }
0xaf: {  	[dreg:$0x3] =	wrdreg $0xA  }
0xb0: {  	_ =	task.clear_ibuf [dreg:s6], $0x4FFFF;
	_ =	strace $0x90000046  }
0xb1: {  	s29 =	simm.s32 $0xA;
	_ =	strace $0x80000048  }
0xb2: {  	_ =	swait.ge [sflag:s29], $0x1  }
0xb3: {  	[sflag:s29] =	ssyncadd.s32 $0xFFFFFFFF  }
0xb4: {  	_ =	strace $0x90000048  }
0xb5: {  	_ =	sfence  }
0xb6: {  	s30 =	sld [smem:$0x0];
	_ =	sdelay $0x2  }
0xb7: {  	s31 =	sshll.u32 s1, $0xD;
	s1 =	sshrl.u32 s1, $0x2  }
0xb8: {  	s3 =	sand.u32 $0x4000, s31;
	s1 =	sadd.s32 s1, s30  }
0xb9: {  	s0 =	sor.u32 s3, s0;
	s1 =	sshll.u32 s1, $0x11  }
0xba: {  	s0 =	sor.u32 s1, s0  }
0xbb: {  	s0 =	sadd.s32 $0x8F2B, s0  }
0xbc: {  	[sflag:s0] =	ssyncadd.remote.s32 $0x1  }
0xbd: {  	_ =	sfence.sel $0xFFFF  }
0xbe: {  	[dreg:$0x0] =	wrdreg $0xFFFFFFFF;
	(pc) =	sbr.abs _section_cstart, $3  }
0xbf: {  	[dreg:$0x1] =	wrdreg $0xFFFFFFFF  }
0xc0: {  	_ =	task.clear_ibuf [dreg:s6], $0x2FFFF;
	_ =	strace $0x9FFFFFFF  }
0xc1: {  	(tm) =	ssettm $0x7FFFFFFF  }
tec
execute0_lowered:
.L_overlay_start_1:
0x0: {  	(tag) =	ssettag $0x1  }
0x1: {  	s0 =	rddreg [dreg:$0x0];
	s1 =	simm.s32 $0x0;
	s2 =	srdreg.scid  }
0x2: {  	s5 =	stileid.u32;
	s10 =	simm.s32 $0x2;
	s11 =	simm.s32 $0x80  }
0x3: {  	s12 =	simm.s32 $0x400;
	s13 =	simm.s32 $0xC00;
	s14 =	simm.s32 $0x100  }
0x4: {  	s15 =	simm.s32 $0x1400;
	s16 =	simm.s32 $0x180;
	s17 =	simm.s32 $0x1C00  }
0x5: {  	s18 =	simm.s32 $0x200;
	s19 =	simm.s32 $0x2400;
	s20 =	simm.s32 $0x280  }
0x6: {  	s21 =	simm.s32 $0x2C00;
	s22 =	simm.s32 $0x300;
	s23 =	simm.s32 $0x3400  }
0x7: {  	s24 =	simm.s32 $0x380;
	s25 =	simm.s32 $0x3C00;
	s26 =	simm.s32 $0x1  }
0x8: {  	s28 =	simm.s32 $0x4400;
	[smem:$0x7FF] =	sst s1;
	s2 =	sand.u32 $0x1, s2  }
0x9: {  	s3 =	sadd.s32 $0x342E00, s0;
	s4 =	sadd.s32 $0x1BC400, s0;
	s6 =	ssub.s32 $0x2, s2  }
0xa: {  	s7 =	sshll.u32 s5, $0x1;
	s5 =	sadd.s32 $0x373C00, s0;
	s8 =	sshrl.u32 s6, $0x1  }
0xb: {  	_ =	strace $0x80000047;
	s2 =	sor.u32 s2, s7;
	s9 =	ssub.s32 s6, s8  }
0xc: {  	s7 =	sadd.s32 $0x1ED400, s0;
	s6 =	smul.u32 $0x188, s2;
	s31 =	smax.u32 s9, $0x1  }
0xd: {  	s8 =	sadd.s32 $0x683C00, s0;
	s2 =	simm.s32 $0x0;
	[dreg:$0x2] =	wrdreg s31  }
.LBB2_1:
0xe: {  	[dreg:$0x3] =	wrdreg s2;
	s31 =	simm.s32 $0x0  }
.LBB2_2:
0xf: {  	s0 =	sshll.u32 s31, $0x3  }
0x10: {  	s30 =	sadd.s32 s6, s0  }
0x11: {  	s0 =	sshll.u32 s30, $0x4  }
0x12: {  	s2 =	simm.s32 $0x0;
	s0 =	sadd.s32 s4, s0  }
0x13: {  	[tilespmem:s2], [sflag:$0x2] =	stream.linear.gather [hbm4b:s0+s2], $0x400, $0x38;
	[tilespmem:$0x8400] =	vst v63  }
0x14: {  	_ =	swait.ge [sflag:s10], $0x400  }
0x15: {  	[sflag:s10] =	ssyncset.done $0x0  }
0x16: {  	[sflag:s10] =	ssyncadd.s32 $0xFFFFFC00  }
0x17: {  	[tilespmem:s12], [sflag:$0x1] =	stream.indirect.gather [hbm4b:s3+s11], $0x10, s2, s11, $0xb8;
	[tilespmem:$0x8400] =	vst v63  }
0x18: {  	_ = 	snop  }
0x19: {  	[tilespmem:s13], [sflag:$0x1] =	stream.indirect.gather [hbm4b:s3+s11], $0x10, s11, s11, $0xb8;
	[tilespmem:$0x8400] =	vst v63  }
0x1a: {  	_ = 	snop  }
0x1b: {  	[tilespmem:s15], [sflag:$0x1] =	stream.indirect.gather [hbm4b:s3+s11], $0x10, s14, s11, $0xb8;
	[tilespmem:$0x8400] =	vst v63  }
0x1c: {  	_ = 	snop  }
0x1d: {  	[tilespmem:s17], [sflag:$0x1] =	stream.indirect.gather [hbm4b:s3+s11], $0x10, s16, s11, $0xb8;
	[tilespmem:$0x8400] =	vst v63  }
0x1e: {  	_ = 	snop  }
0x1f: {  	[tilespmem:s19], [sflag:$0x1] =	stream.indirect.gather [hbm4b:s3+s11], $0x10, s18, s11, $0xb8;
	[tilespmem:$0x8400] =	vst v63  }
0x20: {  	_ = 	snop  }
0x21: {  	[tilespmem:s21], [sflag:$0x1] =	stream.indirect.gather [hbm4b:s3+s11], $0x10, s20, s11, $0xb8;
	[tilespmem:$0x8400] =	vst v63  }
0x22: {  	_ = 	snop  }
0x23: {  	[tilespmem:s23], [sflag:$0x1] =	stream.indirect.gather [hbm4b:s3+s11], $0x10, s22, s11, $0xb8;
	[tilespmem:$0x8400] =	vst v63  }
0x24: {  	_ = 	snop  }
0x25: {  	[tilespmem:s25], [sflag:$0x1] =	stream.indirect.gather [hbm4b:s3+s11], $0x10, s24, s11, $0xb8;
	[tilespmem:$0x8400] =	vst v63  }
0x26: {  	_ =	swait.ge [sflag:s26], $0x800  }
0x27: {  	[sflag:s26] =	ssyncset.done $0x0  }
0x28: {  	[sflag:s26] =	ssyncadd.s32 $0xFFFFF800  }
0x29: {  	_ =	swait.ge [sflag:s26], $0x800  }
0x2a: {  	[sflag:s26] =	ssyncset.done $0x0  }
0x2b: {  	[sflag:s26] =	ssyncadd.s32 $0xFFFFF800  }
0x2c: {  	_ =	swait.ge [sflag:s26], $0x800  }
0x2d: {  	[sflag:s26] =	ssyncset.done $0x0  }
0x2e: {  	[sflag:s26] =	ssyncadd.s32 $0xFFFFF800  }
0x2f: {  	_ =	swait.ge [sflag:s26], $0x800  }
0x30: {  	[sflag:s26] =	ssyncset.done $0x0  }
0x31: {  	[sflag:s26] =	ssyncadd.s32 $0xFFFFF800  }
0x32: {  	_ =	swait.ge [sflag:s26], $0x800  }
0x33: {  	[sflag:s26] =	ssyncset.done $0x0  }
0x34: {  	[sflag:s26] =	ssyncadd.s32 $0xFFFFF800  }
0x35: {  	_ =	swait.ge [sflag:s26], $0x800  }
0x36: {  	[sflag:s26] =	ssyncset.done $0x0  }
0x37: {  	[sflag:s26] =	ssyncadd.s32 $0xFFFFF800  }
0x38: {  	_ =	swait.ge [sflag:s26], $0x800  }
0x39: {  	[sflag:s26] =	ssyncset.done $0x0  }
0x3a: {  	[sflag:s26] =	ssyncadd.s32 $0xFFFFF800  }
0x3b: {  	_ =	swait.ge [sflag:s26], $0x800  }
0x3c: {  	[sflag:s26] =	ssyncset.done $0x0  }
0x3d: {  	s0 =	simm.s32 $0x0;
	[sflag:s26] =	ssyncadd.s32 $0xFFFFF800  }
0x3e: {  	v3 =	vld [tilespmem:s0+$0x470]  }
0x3f: {  	v4 =	vld [tilespmem:s0+$0x400]  }
0x40: {  	v5 =	vld [tilespmem:s0+$0x410]  }
0x41: {  	v2 =	vld [tilespmem:s0+$0x420]  }
0x42: {  	v0 =	vld [tilespmem:s0+$0x430]  }
0x43: {  	v1 =	vld [tilespmem:s0+$0x440];
	[tilespmem:s0+$0x4470] =	vst v3  }
0x44: {  	[tilespmem:s0+$0x4400] =	vst v4;
	v3 =	vld [tilespmem:s0+$0x450]  }
0x45: {  	s9 =	simm.s32 $0x400;
	s2 =	simm.s32 $0x80;
	[tilespmem:s0+$0x4410] =	vst v5;
	v4 =	vld [tilespmem:s0+$0x460]  }
.LBB2_3:
0x46: {  	p0 =	sne.s32 s9, $0xFE00;
	v5 =	vld [tilespmem:s2+$0x470];
	[tilespmem:s0+$0x4420] =	vst v2  }
0x47: {  	v6 =	vld [tilespmem:s2+$0x400];
	[tilespmem:s0+$0x4430] =	vst v0  }
0x48: {  	v7 =	vld [tilespmem:s2+$0x410];
	[tilespmem:s0+$0x4440] =	vst v1  }
.Ltmp0:
0x49: {  	v2 =	vld [tilespmem:s2+$0x420];
	[tilespmem:s0+$0x4450] =	vst v3;
	(pc) =	sbr.rel @p0 .LBB2_3-.Ltmp0, $4  }
0x4a: {  	v0 =	vld [tilespmem:s2+$0x430];
	[tilespmem:s0+$0x4460] =	vst v4;
	s0 =	smov.u32 s2  }
0x4b: {  	v1 =	vld [tilespmem:s0+$0x440];
	[tilespmem:s0+$0x4470] =	vst v5  }
0x4c: {  	[tilespmem:s0+$0x4400] =	vst v6;
	v3 =	vld [tilespmem:s0+$0x450]  }
0x4d: {  	s2 =	sshra.s32 s9, $0x2;
	s9 =	sadd.s32 $0x200, s9;
	[tilespmem:s0+$0x4410] =	vst v7;
	v4 =	vld [tilespmem:s0+$0x460]  }
0x4e: {  	v5 =	vld [tilespmem:s2+$0x470];
	[tilespmem:s0+$0x4420] =	vst v2  }
0x4f: {  	v2 =	vld [tilespmem:s2+$0x400];
	[tilespmem:s0+$0x4430] =	vst v0  }
0x50: {  	v0 =	vld [tilespmem:s2+$0x410];
	[tilespmem:s0+$0x4440] =	vst v1  }
0x51: {  	v1 =	vld [tilespmem:s2+$0x420];
	[tilespmem:s0+$0x4450] =	vst v3  }
0x52: {  	v3 =	vld [tilespmem:s2+$0x430];
	[tilespmem:s0+$0x4460] =	vst v4  }
0x53: {  	v4 =	vld [tilespmem:s2+$0x440];
	[tilespmem:s2+$0x4470] =	vst v5  }
0x54: {  	v62 =	vld [tilespmem:s2+$0x450];
	[tilespmem:s2+$0x4400] =	vst v2  }
0x55: {  	v63 =	vld [tilespmem:s2+$0x460];
	[tilespmem:s2+$0x4410] =	vst v0  }
0x56: {  	[tilespmem:s2+$0x4420] =	vst v1  }
0x57: {  	[tilespmem:s2+$0x4430] =	vst v3  }
0x58: {  	s31 =	sadd.s32 $0x1, s31;
	[tilespmem:s2+$0x4440] =	vst v4  }
0x59: {  	s29 =	sshll.u32 s30, $0x8;
	p0 =	sne.s32 s31, $0x31;
	[tilespmem:s2+$0x4450] =	vst v62  }
.Ltmp1:
0x5a: {  	s30 =	simm.s32 $0x0;
	s0 =	sadd.s32 s5, s29;
	[tilespmem:s2+$0x4460] =	vst v63;
	(pc) =	sbr.rel @p0 .LBB2_2-.Ltmp1, $4  }
0x5b: {  	[hbm4b:s0+s30] =	stream.linear.scatter [tilespmem:s28], [sflag:$0x2], $0x4000, $0x38;
	[tilespmem:$0x8400] =	vst v63  }
0x5c: {  	_ =	swait.ge [sflag:s10], $0x4000  }
0x5d: {  	[sflag:s10] =	ssyncset.done $0x0  }
0x5e: {  	[sflag:s10] =	ssyncadd.s32 $0xFFFFC000  }
0x5f: {  	s31 =	simm.s32 $0x0  }
.LBB2_6:
0x60: {  	s0 =	sshll.u32 s31, $0x3  }
0x61: {  	s0 =	sadd.s32 s6, s0  }
0x62: {  	s2 =	sshll.u32 s0, $0x4  }
0x63: {  	s2 =	sadd.s32 s2, s7  }
0x64: {  	[tilespmem:s30], [sflag:$0x2] =	stream.linear.gather [hbm4b:s2+s30], $0x400, $0x38;
	[tilespmem:$0x8400] =	vst v63  }
0x65: {  	_ =	swait.ge [sflag:s10], $0x400  }
0x66: {  	[sflag:s10] =	ssyncset.done $0x0  }
0x67: {  	[sflag:s10] =	ssyncadd.s32 $0xFFFFFC00  }
0x68: {  	[tilespmem:s12], [sflag:$0x1] =	stream.indirect.gather [hbm4b:s3+s11], $0x10, s30, s11, $0xb8;
	[tilespmem:$0x8400] =	vst v63  }
0x69: {  	_ = 	snop  }
0x6a: {  	[tilespmem:s13], [sflag:$0x1] =	stream.indirect.gather [hbm4b:s3+s11], $0x10, s11, s11, $0xb8;
	[tilespmem:$0x8400] =	vst v63  }
0x6b: {  	_ = 	snop  }
0x6c: {  	[tilespmem:s15], [sflag:$0x1] =	stream.indirect.gather [hbm4b:s3+s11], $0x10, s14, s11, $0xb8;
	[tilespmem:$0x8400] =	vst v63  }
0x6d: {  	_ = 	snop  }
0x6e: {  	[tilespmem:s17], [sflag:$0x1] =	stream.indirect.gather [hbm4b:s3+s11], $0x10, s16, s11, $0xb8;
	[tilespmem:$0x8400] =	vst v63  }
0x6f: {  	_ = 	snop  }
0x70: {  	[tilespmem:s19], [sflag:$0x1] =	stream.indirect.gather [hbm4b:s3+s11], $0x10, s18, s11, $0xb8;
	[tilespmem:$0x8400] =	vst v63  }
0x71: {  	_ = 	snop  }
0x72: {  	[tilespmem:s21], [sflag:$0x1] =	stream.indirect.gather [hbm4b:s3+s11], $0x10, s20, s11, $0xb8;
	[tilespmem:$0x8400] =	vst v63  }
0x73: {  	_ = 	snop  }
0x74: {  	[tilespmem:s23], [sflag:$0x1] =	stream.indirect.gather [hbm4b:s3+s11], $0x10, s22, s11, $0xb8;
	[tilespmem:$0x8400] =	vst v63  }
0x75: {  	_ = 	snop  }
0x76: {  	[tilespmem:s25], [sflag:$0x1] =	stream.indirect.gather [hbm4b:s3+s11], $0x10, s24, s11, $0xb8;
	[tilespmem:$0x8400] =	vst v63  }
0x77: {  	_ =	swait.ge [sflag:s26], $0x800  }
0x78: {  	[sflag:s26] =	ssyncset.done $0x0  }
0x79: {  	[sflag:s26] =	ssyncadd.s32 $0xFFFFF800  }
0x7a: {  	_ =	swait.ge [sflag:s26], $0x800  }
0x7b: {  	[sflag:s26] =	ssyncset.done $0x0  }
0x7c: {  	[sflag:s26] =	ssyncadd.s32 $0xFFFFF800  }
0x7d: {  	_ =	swait.ge [sflag:s26], $0x800  }
0x7e: {  	[sflag:s26] =	ssyncset.done $0x0  }
0x7f: {  	[sflag:s26] =	ssyncadd.s32 $0xFFFFF800  }
0x80: {  	_ =	swait.ge [sflag:s26], $0x800  }
0x81: {  	[sflag:s26] =	ssyncset.done $0x0  }
0x82: {  	[sflag:s26] =	ssyncadd.s32 $0xFFFFF800  }
0x83: {  	_ =	swait.ge [sflag:s26], $0x800  }
0x84: {  	[sflag:s26] =	ssyncset.done $0x0  }
0x85: {  	[sflag:s26] =	ssyncadd.s32 $0xFFFFF800  }
0x86: {  	_ =	swait.ge [sflag:s26], $0x800  }
0x87: {  	[sflag:s26] =	ssyncset.done $0x0  }
0x88: {  	[sflag:s26] =	ssyncadd.s32 $0xFFFFF800  }
0x89: {  	_ =	swait.ge [sflag:s26], $0x800  }
0x8a: {  	[sflag:s26] =	ssyncset.done $0x0  }
0x8b: {  	[sflag:s26] =	ssyncadd.s32 $0xFFFFF800  }
0x8c: {  	_ =	swait.ge [sflag:s26], $0x800  }
0x8d: {  	[sflag:s26] =	ssyncset.done $0x0  }
0x8e: {  	s2 =	simm.s32 $0x0;
	[sflag:s26] =	ssyncadd.s32 $0xFFFFF800  }
0x8f: {  	v3 =	vld [tilespmem:s2+$0x470]  }
0x90: {  	v4 =	vld [tilespmem:s2+$0x400]  }
0x91: {  	v5 =	vld [tilespmem:s2+$0x410]  }
0x92: {  	v2 =	vld [tilespmem:s2+$0x420]  }
0x93: {  	v0 =	vld [tilespmem:s2+$0x430]  }
0x94: {  	v1 =	vld [tilespmem:s2+$0x440];
	[tilespmem:s2+$0x4470] =	vst v3  }
0x95: {  	[tilespmem:s2+$0x4400] =	vst v4;
	v3 =	vld [tilespmem:s2+$0x450]  }
0x96: {  	s9 =	simm.s32 $0x80;
	s29 =	simm.s32 $0x400;
	[tilespmem:s2+$0x4410] =	vst v5;
	v4 =	vld [tilespmem:s2+$0x460]  }
.LBB2_7:
0x97: {  	p0 =	sne.s32 s29, $0xFE00;
	v5 =	vld [tilespmem:s9+$0x470];
	[tilespmem:s2+$0x4420] =	vst v2  }
0x98: {  	v6 =	vld [tilespmem:s9+$0x400];
	[tilespmem:s2+$0x4430] =	vst v0  }
0x99: {  	v7 =	vld [tilespmem:s9+$0x410];
	[tilespmem:s2+$0x4440] =	vst v1  }
.Ltmp2:
0x9a: {  	v2 =	vld [tilespmem:s9+$0x420];
	[tilespmem:s2+$0x4450] =	vst v3;
	(pc) =	sbr.rel @p0 .LBB2_7-.Ltmp2, $4  }
0x9b: {  	v0 =	vld [tilespmem:s9+$0x430];
	[tilespmem:s2+$0x4460] =	vst v4;
	s2 =	smov.u32 s9  }
0x9c: {  	v1 =	vld [tilespmem:s2+$0x440];
	[tilespmem:s2+$0x4470] =	vst v5  }
0x9d: {  	[tilespmem:s2+$0x4400] =	vst v6;
	v3 =	vld [tilespmem:s2+$0x450]  }
0x9e: {  	s9 =	sshra.s32 s29, $0x2;
	s29 =	sadd.s32 $0x200, s29;
	[tilespmem:s2+$0x4410] =	vst v7;
	v4 =	vld [tilespmem:s2+$0x460]  }
0x9f: {  	v5 =	vld [tilespmem:s9+$0x470];
	[tilespmem:s2+$0x4420] =	vst v2  }
0xa0: {  	v2 =	vld [tilespmem:s9+$0x400];
	[tilespmem:s2+$0x4430] =	vst v0  }
0xa1: {  	v0 =	vld [tilespmem:s9+$0x410];
	[tilespmem:s2+$0x4440] =	vst v1  }
0xa2: {  	v1 =	vld [tilespmem:s9+$0x420];
	[tilespmem:s2+$0x4450] =	vst v3  }
0xa3: {  	v3 =	vld [tilespmem:s9+$0x430];
	[tilespmem:s2+$0x4460] =	vst v4  }
0xa4: {  	v4 =	vld [tilespmem:s9+$0x440];
	[tilespmem:s9+$0x4470] =	vst v5  }
0xa5: {  	v62 =	vld [tilespmem:s9+$0x450];
	[tilespmem:s9+$0x4400] =	vst v2  }
0xa6: {  	v63 =	vld [tilespmem:s9+$0x460];
	[tilespmem:s9+$0x4410] =	vst v0  }
0xa7: {  	[tilespmem:s9+$0x4420] =	vst v1  }
0xa8: {  	[tilespmem:s9+$0x4430] =	vst v3  }
0xa9: {  	s31 =	sadd.s32 $0x1, s31;
	[tilespmem:s9+$0x4440] =	vst v4  }
0xaa: {  	s0 =	sshll.u32 s0, $0x8;
	p0 =	sne.s32 s31, $0x31;
	[tilespmem:s9+$0x4450] =	vst v62  }
.Ltmp3:
0xab: {  	s0 =	sadd.s32 s0, s8;
	[tilespmem:s9+$0x4460] =	vst v63;
	(pc) =	sbr.rel @p0 .LBB2_6-.Ltmp3, $4  }
0xac: {  	[hbm4b:s0+s1] =	stream.linear.scatter [tilespmem:s28], [sflag:$0x2], $0x4000, $0x38;
	[tilespmem:$0x8400] =	vst v63  }
0xad: {  	_ =	swait.ge [sflag:s10], $0x4000  }
0xae: {  	[sflag:s10] =	ssyncset.done $0x0  }
0xaf: {  	[sflag:s10] =	ssyncadd.s32 $0xFFFFC000  }
0xb0: {  	s2 =	rddreg [dreg:$0x3]  }
0xb1: {  	s0 =	rddreg [dreg:$0x2];
	s2 =	sadd.s32 $0x1, s2  }
0xb2: {  	p0 =	sne.s32 s2, s0  }
.Ltmp4:
0xb3: {  	_ = 	snop;
	(pc) =	sbr.rel @p0 .LBB2_1-.Ltmp4, $1  }
0xb4: {  	_ =	sdelay $0x3  }
0xb5: {  	_ =	sfence.sel $0x180000  }
0xb6: {  	[bflag:$0x0] =	sbarrier.arrive $0xFFFF  }
0xb7: {  	_ =	strace $0x90000047  }
0xb8: {  	s0 =	stileid.u32;
	[bflag:$0x2] =	sbarrier.arrive $0xFFFF  }
0xb9: {  	p0 =	sne.s32 s0, $0x0;
	s0 =	rddreg [dreg:$0x1]  }
0xba: {  	s0 =	sadd.s32 @!p0 $0x100000, s0  }
0xbb: {  	[sflag:s0] =	ssyncadd.tile.s32 @!p0 $0x1;
	_ =	shalt  }
.Lfunc_end2:
_tile_overlayer_lowered:
.L_overlay_start_2:
0xbc: {  	(tag) =	ssettag $0x2  }
0xbd: {  	s0 =	rddreg [dreg:$0x0];
	s2 =	stileid.u32  }
0xbe: {  	s1 =	rddreg [dreg:$0x1];
	p0 =	sne.s32 s2, $0x0  }
0xbf: {  	s3 =	rddreg [dreg:$0x2];
	[bflag:$0x3] =	sbarrier.arrive $0xFFFF;
	s2 =	simm.s32 @!p0 $0x1C02  }
0xc0: {  	[timem:s3], [sflag:s2] =	dma.local @!p0 [hbm:s0], s1  }
0xc1: {  	s0 =	simm.s32 @!p0 $0x2  }
0xc2: {  	_ =	swait.ge @!p0 [sflag:s0], s1  }
0xc3: {  	s1 =	ssub.s32 @!p0 $0x0, s1;
	[sflag:s0] =	ssyncset.done @!p0 $0x0  }
0xc4: {  	[sflag:s0] =	ssyncadd.s32 @!p0 s1  }
0xc5: {  	[bflag:$0x3] =	sbarrier.arrive $0xFFFF  }
0xc6: {  	_ =	shalt  }

</sc_bundles>
